<compile_context>
chip_gen: v7x
topology: tpu7x:2x2x1
jax: 0.10.2.dev20260603
libtpu: 0.0.44.dev20260713+nightly
codegen_flags: <defaults>
</compile_context>

<pallas_src>
import functools

import jax
import jax.numpy as jnp
from jax import lax
from jax.experimental import pallas as pl
from jax.experimental.pallas import tpu as pltpu
from jax.experimental.pallas import tpu_sc as plsc


def _sc_adjacency(edge_index, n):
    e_total = edge_index.shape[1]
    info = plsc.get_sparse_core_info()
    nc, ns, L = info.num_cores, info.num_subcores, info.num_lanes
    nw = nc * ns
    rows_w = n // nw
    wseg = rows_w * n
    wbuf = wseg + L
    mesh = plsc.VectorSubcoreMesh(core_axis_name="c", subcore_axis_name="s")

    @functools.partial(
        pl.kernel,
        mesh=mesh,
        out_type=jax.ShapeDtypeStruct((n * n,), jnp.float32),
        scratch_types=[
            pltpu.VMEM((e_total,), jnp.int32),
            pltpu.VMEM((e_total,), jnp.int32),
            pltpu.VMEM((wbuf,), jnp.float32),
        ],
        compiler_params=pltpu.CompilerParams(needs_layout_passes=False),
    )
    def adj(e_hbm, out_hbm, src_v, dst_v, aw_v):
        c = lax.axis_index("c")
        s = lax.axis_index("s")
        w = c * ns + s
        lo = w * rows_w
        zero16 = jnp.zeros((L,), jnp.float32)
        one16 = jnp.ones((L,), jnp.float32)

        zunroll = 8

        def zbody(i, _):
            for u in range(zunroll):
                aw_v[pl.ds((i * zunroll + u) * L, L)] = zero16
            return 0

        lax.fori_loop(0, wbuf // (L * zunroll), zbody, 0)
        pltpu.sync_copy(e_hbm.at[0], src_v)
        pltpu.sync_copy(e_hbm.at[1], dst_v)

        eunroll = 8

        def ebody(i, _):
            for u in range(eunroll):
                off = (i * eunroll + u) * L
                d16 = dst_v[pl.ds(off, L)]
                s16 = src_v[pl.ds(off, L)]
                inr = (d16 >= lo) & (d16 < lo + rows_w)
                lin = jnp.where(inr, (d16 - lo) * n + s16, wseg)
                plsc.addupdate_scatter(aw_v, [lin], one16)
            return 0

        lax.fori_loop(0, e_total // (L * eunroll), ebody, 0)
        pltpu.sync_copy(aw_v.at[pl.ds(0, wseg)],
                        out_hbm.at[pl.ds(w * wseg, wseg)])

    return adj(edge_index).reshape(n, n)


def _gin_body(e1_ref, e2_ref, w1a_ref, w2a_ref, w1b_ref, b1a_ref, b2a_ref,
              b1b_ref, a_ref, x_ref, w2b_ref, b2b_ref, out_ref):
    i = pl.program_id(0)
    n = a_ref.shape[0]
    d_in = x_ref.shape[0]
    d_h = w1a_ref.shape[1]
    d_out = w2b_ref.shape[1]
    mb = x_ref.shape[2]
    f32 = jnp.float32

    a = a_ref[...].astype(jnp.bfloat16)
    e1 = 1.0 + e1_ref[0, 0]
    e2 = 1.0 + e2_ref[0, 0]

    xs = [x_ref[d] for d in range(d_in)]
    xcat = jnp.concatenate(xs, axis=1)
    hcat = jnp.dot(a, xcat, preferred_element_type=f32)
    hs = [hcat[:, d * mb:(d + 1) * mb] + e1 * xs[d] for d in range(d_in)]

    t1 = [
        jax.nn.relu(
            sum(hs[d] * w1a_ref[d, f] for d in range(d_in)) + b1a_ref[0, f])
        for f in range(d_h)
    ]
    x1 = [
        jax.nn.relu(
            sum(t1[f] * w2a_ref[f, g] for f in range(d_h)) + b2a_ref[0, g])
        for g in range(d_h)
    ]

    x1cat = jnp.concatenate(x1, axis=1).astype(jnp.bfloat16)
    h2cat = jnp.dot(a, x1cat, preferred_element_type=f32)
    hs2 = [h2cat[:, g * mb:(g + 1) * mb] + e2 * x1[g] for g in range(d_h)]

    t2 = [
        jax.nn.relu(
            sum(hs2[g] * w1b_ref[g, f] for g in range(d_h)) + b1b_ref[0, f])
        for f in range(d_h)
    ]

    rs = [jnp.sum(t2[f], axis=1, keepdims=True) for f in range(d_h)]
    pe = sum(rs[f] * w2b_ref[f:f + 1, :] for f in range(d_h))

    @pl.when(i == 0)
    def _():
        out_ref[...] = float(n) * jnp.broadcast_to(b2b_ref[...], (n, d_out))

    out_ref[...] += pe


def kernel(W_list, edge_index, w1a, b1a, w2a, b2a, eps1, w1b, b1b, w2b, b2b,
           eps2):
    n_graphs, n_max, n_nodes_dim, d_in = (W_list.shape[0], W_list.shape[1],
                                          W_list.shape[2], W_list.shape[3])
    n = n_graphs * n_max
    m = n_nodes_dim
    d_h = w1a.shape[1]
    d_out = w2b.shape[1]
    e_total = edge_index.shape[1]

    x0p = W_list.reshape(n, m, d_in).astype(jnp.bfloat16).transpose(2, 0, 1)

    adj = _sc_adjacency(edge_index, n)

    mb = 256
    grid = m // mb
    smem = pltpu.SMEM
    full = lambda i: (0, 0)
    pe = pl.pallas_call(
        _gin_body,
        grid=(grid,),
        in_specs=[
            pl.BlockSpec(memory_space=smem),
            pl.BlockSpec(memory_space=smem),
            pl.BlockSpec(memory_space=smem),
            pl.BlockSpec(memory_space=smem),
            pl.BlockSpec(memory_space=smem),
            pl.BlockSpec(memory_space=smem),
            pl.BlockSpec(memory_space=smem),
            pl.BlockSpec(memory_space=smem),
            pl.BlockSpec((n, n), full),
            pl.BlockSpec((d_in, n, mb), lambda i: (0, 0, i)),
            pl.BlockSpec((d_h, d_out), full),
            pl.BlockSpec((1, d_out), full),
        ],
        out_specs=pl.BlockSpec((n, d_out), full),
        out_shape=jax.ShapeDtypeStruct((n, d_out), jnp.float32),
    )(
        eps1.reshape(1, 1), eps2.reshape(1, 1), w1a, w2a, w1b,
        b1a.reshape(1, d_h), b2a.reshape(1, d_h), b1b.reshape(1, d_h),
        adj, x0p, w2b, b2b.reshape(1, d_out),
    )
    return pe

# --- scband reference (transcript-rebuilt; emitter-appended) ---
"""Pipeline reference for scband-ginphi-20598663152203 (READ-ONLY COPY).

The authoritative reference and input builder live on the scoring server;
editing this copy changes nothing except your own understanding.
"""

import jax, jax.numpy as jnp
import numpy as np

N, D_IN, D_H, D_OUT, E = 512, 8, 16, 16, 8192

def setup_inputs(seed: int = 0) -> dict:
    key = jax.random.key(seed)
    ks = jax.random.split(key, 12)
    inp = {}
    inp["W_list"] = jax.random.normal(ks[0], (1, N, N, D_IN), dtype=jnp.float32)
    inp["edge_index"] = jax.random.randint(ks[1], (2, E), 0, N, dtype=jnp.int32)
    inp["w1a"] = jax.random.normal(ks[2], (D_IN, D_H), dtype=jnp.float32) * 0.1
    inp["b1a"] = jnp.zeros((D_H,), dtype=jnp.float32)
    inp["w2a"] = jax.random.normal(ks[3], (D_H, D_H), dtype=jnp.float32) * 0.1
    inp["b2a"] = jnp.zeros((D_H,), dtype=jnp.float32)
    inp["eps1"] = jnp.zeros((), dtype=jnp.float32)
    inp["w1b"] = jax.random.normal(ks[4], (D_H, D_H), dtype=jnp.float32) * 0.1
    inp["b1b"] = jnp.zeros((D_H,), dtype=jnp.float32)
    inp["w2b"] = jax.random.normal(ks[5], (D_H, D_OUT), dtype=jnp.float32) * 0.1
    inp["b2b"] = jnp.zeros((D_OUT,), dtype=jnp.float32)
    inp["eps2"] = jnp.zeros((), dtype=jnp.float32)
    return inp

def _gin_layer(x, src, dst, w1, b1, w2, b2, eps, n_nodes):
    # GIN aggregation: sum of neighbor features via gather + scatter-add
    agg = jax.ops.segment_sum(x[src], dst, num_segments=n_nodes)
    h = (1.0 + eps) * x + agg
    # 2-layer MLP applied per (node, eigen-channel) position
    h = jax.nn.relu(jnp.einsum('nmd,df->nmf', h, w1) + b1)
    h = jnp.einsum('nmf,fg->nmg', h, w2) + b2
    return h

def reference(W_list, edge_index, w1a, b1a, w2a, b2a, eps1, w1b, b1b, w2b, b2b, eps2):
    # W_list is a batch of 1 graph: padding is a no-op, mask is all-true
    n_max = W_list.shape[2]
    W = W_list.reshape(-1, n_max, W_list.shape[3])  # torch.cat(W_pad_list, dim=0)
    n_nodes = W.shape[0]
    mask = jnp.tile((jnp.arange(n_max) < W_list.shape[1])[None, :], (n_nodes, 1))
    src = edge_index[0]
    dst = edge_index[1]
    x = _gin_layer(W, src, dst, w1a, b1a, w2a, b2a, eps1, n_nodes)
    x = jax.nn.relu(x)
    x = _gin_layer(x, src, dst, w1b, b1b, w2b, b2b, eps2, n_nodes)
    PE = (x * mask[:, :, None].astype(x.dtype)).sum(axis=1)
    return PE

if __name__ == "__main__":
    import jax
    _d = setup_inputs()
    print(jax.jit(kernel)(*tuple(_d.values())))

</pallas_src>

<mosaic_0001>
#map = affine_map<(d0, d1) -> (0, 0)>
#map1 = affine_map<(d0, d1) -> (0)>
module attributes {stable_mosaic.version = 14 : i64} {
  func.func @adj(%arg0: i32, %arg1: i32, %arg2: memref<2x8192xi32, #tpu.memory_space<hbm>>, %arg3: memref<262144xf32, #tpu.memory_space<hbm>>, %arg4: memref<8192xi32, #tpu.memory_space<vmem>>, %arg5: memref<8192xi32, #tpu.memory_space<vmem>>, %arg6: memref<8208xf32, #tpu.memory_space<vmem>>) attributes {dimension_semantics = [#tpu.dimension_semantics<core_parallel>, #tpu.dimension_semantics<subcore_parallel>], iteration_bounds = array<i64: 2, 16>, scalar_prefetch = 0 : i64, scratch_operands = 3 : i64, tpu.core_type = #tpu.core_type<sc_vector_subcore>, window_params = [{transform_indices = #map}, {transform_indices = #map1}]} {
    %mul3A = arith.constant 16 : i32
    %mul3A_0 = arith.muli %arg0, %mul3A : i32
    %add3A = arith.addi %mul3A_0, %arg1 : i32
    %mul3A_1 = arith.constant 16 : i32
    %mul3A_2 = arith.muli %add3A, %mul3A_1 : i32
    %broadcast_in_dim3A = arith.constant 0.000000e+00 : f32
    %broadcast_in_dim3A_3 = vector.broadcast %broadcast_in_dim3A : f32 to vector<16xf32>
    %broadcast_in_dim3A_4 = arith.constant 1.000000e+00 : f32
    %broadcast_in_dim3A_5 = vector.broadcast %broadcast_in_dim3A_4 : f32 to vector<16xf32>
    %scan3A = arith.constant 0 : i32
    %scan3A_6 = arith.constant 0 : i32
    %scan3A_7 = arith.constant 64 : i32
    %scan3A_8 = arith.addi %scan3A_6, %scan3A_7 : i32
    %scan3A_9 = arith.constant 1 : i32
    %scan3A_10 = scf.for %scan3A_22 = %scan3A_6 to %scan3A_8 step %scan3A_9 iter_args(%scan3A_23 = %scan3A) -> (i32)  : i32 {
      %mul3A_24 = arith.constant 8 : i32
      %mul3A_25 = arith.muli %scan3A_22, %mul3A_24 : i32
      %add3A_26 = arith.constant 0 : i32
      %add3A_27 = arith.addi %mul3A_25, %add3A_26 : i32
      %mul3A_28 = arith.constant 16 : i32
      %mul3A_29 = arith.muli %add3A_27, %mul3A_28 : i32
      %swap3A = arith.index_cast %mul3A_29 : i32 to index
      %swap3A_30 = tpu.vector_load %arg6[%swap3A] {strides = array<i32>} : memref<8208xf32, #tpu.memory_space<vmem>>, vector<16xf32>,
      tpu.vector_store %arg6[%swap3A], %broadcast_in_dim3A_3 {strides = array<i32>} : memref<8208xf32, #tpu.memory_space<vmem>>, vector<16xf32>,
      %mul3A_31 = arith.constant 8 : i32
      %mul3A_32 = arith.muli %scan3A_22, %mul3A_31 : i32
      %add3A_33 = arith.constant 1 : i32
      %add3A_34 = arith.addi %mul3A_32, %add3A_33 : i32
      %mul3A_35 = arith.constant 16 : i32
      %mul3A_36 = arith.muli %add3A_34, %mul3A_35 : i32
      %swap3A_37 = arith.index_cast %mul3A_36 : i32 to index
      %swap3A_38 = tpu.vector_load %arg6[%swap3A_37] {strides = array<i32>} : memref<8208xf32, #tpu.memory_space<vmem>>, vector<16xf32>,
      tpu.vector_store %arg6[%swap3A_37], %broadcast_in_dim3A_3 {strides = array<i32>} : memref<8208xf32, #tpu.memory_space<vmem>>, vector<16xf32>,
      %mul3A_39 = arith.constant 8 : i32
      %mul3A_40 = arith.muli %scan3A_22, %mul3A_39 : i32
      %add3A_41 = arith.constant 2 : i32
      %add3A_42 = arith.addi %mul3A_40, %add3A_41 : i32
      %mul3A_43 = arith.constant 16 : i32
      %mul3A_44 = arith.muli %add3A_42, %mul3A_43 : i32
      %swap3A_45 = arith.index_cast %mul3A_44 : i32 to index
      %swap3A_46 = tpu.vector_load %arg6[%swap3A_45] {strides = array<i32>} : memref<8208xf32, #tpu.memory_space<vmem>>, vector<16xf32>,
      tpu.vector_store %arg6[%swap3A_45], %broadcast_in_dim3A_3 {strides = array<i32>} : memref<8208xf32, #tpu.memory_space<vmem>>, vector<16xf32>,
      %mul3A_47 = arith.constant 8 : i32
      %mul3A_48 = arith.muli %scan3A_22, %mul3A_47 : i32
      %add3A_49 = arith.constant 3 : i32
      %add3A_50 = arith.addi %mul3A_48, %add3A_49 : i32
      %mul3A_51 = arith.constant 16 : i32
      %mul3A_52 = arith.muli %add3A_50, %mul3A_51 : i32
      %swap3A_53 = arith.index_cast %mul3A_52 : i32 to index
      %swap3A_54 = tpu.vector_load %arg6[%swap3A_53] {strides = array<i32>} : memref<8208xf32, #tpu.memory_space<vmem>>, vector<16xf32>,
      tpu.vector_store %arg6[%swap3A_53], %broadcast_in_dim3A_3 {strides = array<i32>} : memref<8208xf32, #tpu.memory_space<vmem>>, vector<16xf32>,
      %mul3A_55 = arith.constant 8 : i32
      %mul3A_56 = arith.muli %scan3A_22, %mul3A_55 : i32
      %add3A_57 = arith.constant 4 : i32
      %add3A_58 = arith.addi %mul3A_56, %add3A_57 : i32
      %mul3A_59 = arith.constant 16 : i32
      %mul3A_60 = arith.muli %add3A_58, %mul3A_59 : i32
      %swap3A_61 = arith.index_cast %mul3A_60 : i32 to index
      %swap3A_62 = tpu.vector_load %arg6[%swap3A_61] {strides = array<i32>} : memref<8208xf32, #tpu.memory_space<vmem>>, vector<16xf32>,
      tpu.vector_store %arg6[%swap3A_61], %broadcast_in_dim3A_3 {strides = array<i32>} : memref<8208xf32, #tpu.memory_space<vmem>>, vector<16xf32>,
      %mul3A_63 = arith.constant 8 : i32
      %mul3A_64 = arith.muli %scan3A_22, %mul3A_63 : i32
      %add3A_65 = arith.constant 5 : i32
      %add3A_66 = arith.addi %mul3A_64, %add3A_65 : i32
      %mul3A_67 = arith.constant 16 : i32
      %mul3A_68 = arith.muli %add3A_66, %mul3A_67 : i32
      %swap3A_69 = arith.index_cast %mul3A_68 : i32 to index
      %swap3A_70 = tpu.vector_load %arg6[%swap3A_69] {strides = array<i32>} : memref<8208xf32, #tpu.memory_space<vmem>>, vector<16xf32>,
      tpu.vector_store %arg6[%swap3A_69], %broadcast_in_dim3A_3 {strides = array<i32>} : memref<8208xf32, #tpu.memory_space<vmem>>, vector<16xf32>,
      %mul3A_71 = arith.constant 8 : i32
      %mul3A_72 = arith.muli %scan3A_22, %mul3A_71 : i32
      %add3A_73 = arith.constant 6 : i32
      %add3A_74 = arith.addi %mul3A_72, %add3A_73 : i32
      %mul3A_75 = arith.constant 16 : i32
      %mul3A_76 = arith.muli %add3A_74, %mul3A_75 : i32
      %swap3A_77 = arith.index_cast %mul3A_76 : i32 to index
      %swap3A_78 = tpu.vector_load %arg6[%swap3A_77] {strides = array<i32>} : memref<8208xf32, #tpu.memory_space<vmem>>, vector<16xf32>,
      tpu.vector_store %arg6[%swap3A_77], %broadcast_in_dim3A_3 {strides = array<i32>} : memref<8208xf32, #tpu.memory_space<vmem>>, vector<16xf32>,
      %mul3A_79 = arith.constant 8 : i32
      %mul3A_80 = arith.muli %scan3A_22, %mul3A_79 : i32
      %add3A_81 = arith.constant 7 : i32
      %add3A_82 = arith.addi %mul3A_80, %add3A_81 : i32
      %mul3A_83 = arith.constant 16 : i32
      %mul3A_84 = arith.muli %add3A_82, %mul3A_83 : i32
      %swap3A_85 = arith.index_cast %mul3A_84 : i32 to index
      %swap3A_86 = tpu.vector_load %arg6[%swap3A_85] {strides = array<i32>} : memref<8208xf32, #tpu.memory_space<vmem>>, vector<16xf32>,
      tpu.vector_store %arg6[%swap3A_85], %broadcast_in_dim3A_3 {strides = array<i32>} : memref<8208xf32, #tpu.memory_space<vmem>>, vector<16xf32>,
      %scan3A_87 = arith.constant 0 : i32
      scf.yield %scan3A_87 : i32
    }
    %scan3A_11 = arith.constant 64 : i32
    %run_scoped3A = arith.constant 0 : i32
    "tpu.region"() ({
      %run_scoped3A_22 = tpu.sem_alloc : memref<!tpu.dma_semaphore, #tpu.memory_space<semaphore_mem>>
      %dma_start3A = arith.constant 0 : i32
      %dma_start3A_23 = tpu.memref_slice %arg2[%run_scoped3A, %dma_start3A] : memref<2x8192xi32, #tpu.memory_space<hbm>> -> memref<1x8192xi32, #tpu.memory_space<hbm>>
      %dma_start3A_24 = tpu.memref_squeeze %dma_start3A_23 : memref<1x8192xi32, #tpu.memory_space<hbm>> -> memref<8192xi32, #tpu.memory_space<hbm>>
      %dma_start3A_25 = arith.constant 0 : i32
      %dma_start3A_26 = tpu.memref_slice %arg2[%run_scoped3A, %dma_start3A_25] : memref<2x8192xi32, #tpu.memory_space<hbm>> -> memref<1x8192xi32, #tpu.memory_space<hbm>>
      %dma_start3A_27 = tpu.memref_squeeze %dma_start3A_26 : memref<1x8192xi32, #tpu.memory_space<hbm>> -> memref<8192xi32, #tpu.memory_space<hbm>>
      tpu.enqueue_dma source(%dma_start3A_27 : memref<8192xi32, #tpu.memory_space<hbm>>) target(%arg4 : memref<8192xi32, #tpu.memory_space<vmem>>) target_semaphore(%run_scoped3A_22 : memref<!tpu.dma_semaphore, #tpu.memory_space<semaphore_mem>>)
      %dma_wait3A = arith.constant 0 : i32
      %dma_wait3A_28 = tpu.memref_slice %arg2[%run_scoped3A, %dma_wait3A] : memref<2x8192xi32, #tpu.memory_space<hbm>> -> memref<1x8192xi32, #tpu.memory_space<hbm>>
      %dma_wait3A_29 = tpu.memref_squeeze %dma_wait3A_28 : memref<1x8192xi32, #tpu.memory_space<hbm>> -> memref<8192xi32, #tpu.memory_space<hbm>>
      %dma_wait3A_30 = arith.constant 0 : i32
      %dma_wait3A_31 = tpu.memref_slice %arg2[%run_scoped3A, %dma_wait3A_30] : memref<2x8192xi32, #tpu.memory_space<hbm>> -> memref<1x8192xi32, #tpu.memory_space<hbm>>
      %dma_wait3A_32 = tpu.memref_squeeze %dma_wait3A_31 : memref<1x8192xi32, #tpu.memory_space<hbm>> -> memref<8192xi32, #tpu.memory_space<hbm>>
      tpu.wait_dma2 semaphore(%run_scoped3A_22 : memref<!tpu.dma_semaphore, #tpu.memory_space<semaphore_mem>>) src(%dma_wait3A_32 : memref<8192xi32, #tpu.memory_space<hbm>>) dst(%arg4 : memref<8192xi32, #tpu.memory_space<vmem>>)
      tpu.yield
    }) : () -> ()
    %run_scoped3A_12 = arith.constant 1 : i32
    "tpu.region"() ({
      %run_scoped3A_22 = tpu.sem_alloc : memref<!tpu.dma_semaphore, #tpu.memory_space<semaphore_mem>>
      %dma_start3A = arith.constant 0 : i32
      %dma_start3A_23 = tpu.memref_slice %arg2[%run_scoped3A_12, %dma_start3A] : memref<2x8192xi32, #tpu.memory_space<hbm>> -> memref<1x8192xi32, #tpu.memory_space<hbm>>
      %dma_start3A_24 = tpu.memref_squeeze %dma_start3A_23 : memref<1x8192xi32, #tpu.memory_space<hbm>> -> memref<8192xi32, #tpu.memory_space<hbm>>
      %dma_start3A_25 = arith.constant 0 : i32
      %dma_start3A_26 = tpu.memref_slice %arg2[%run_scoped3A_12, %dma_start3A_25] : memref<2x8192xi32, #tpu.memory_space<hbm>> -> memref<1x8192xi32, #tpu.memory_space<hbm>>
      %dma_start3A_27 = tpu.memref_squeeze %dma_start3A_26 : memref<1x8192xi32, #tpu.memory_space<hbm>> -> memref<8192xi32, #tpu.memory_space<hbm>>
      tpu.enqueue_dma source(%dma_start3A_27 : memref<8192xi32, #tpu.memory_space<hbm>>) target(%arg5 : memref<8192xi32, #tpu.memory_space<vmem>>) target_semaphore(%run_scoped3A_22 : memref<!tpu.dma_semaphore, #tpu.memory_space<semaphore_mem>>)
      %dma_wait3A = arith.constant 0 : i32
      %dma_wait3A_28 = tpu.memref_slice %arg2[%run_scoped3A_12, %dma_wait3A] : memref<2x8192xi32, #tpu.memory_space<hbm>> -> memref<1x8192xi32, #tpu.memory_space<hbm>>
      %dma_wait3A_29 = tpu.memref_squeeze %dma_wait3A_28 : memref<1x8192xi32, #tpu.memory_space<hbm>> -> memref<8192xi32, #tpu.memory_space<hbm>>
      %dma_wait3A_30 = arith.constant 0 : i32
      %dma_wait3A_31 = tpu.memref_slice %arg2[%run_scoped3A_12, %dma_wait3A_30] : memref<2x8192xi32, #tpu.memory_space<hbm>> -> memref<1x8192xi32, #tpu.memory_space<hbm>>
      %dma_wait3A_32 = tpu.memref_squeeze %dma_wait3A_31 : memref<1x8192xi32, #tpu.memory_space<hbm>> -> memref<8192xi32, #tpu.memory_space<hbm>>
      tpu.wait_dma2 semaphore(%run_scoped3A_22 : memref<!tpu.dma_semaphore, #tpu.memory_space<semaphore_mem>>) src(%dma_wait3A_32 : memref<8192xi32, #tpu.memory_space<hbm>>) dst(%arg5 : memref<8192xi32, #tpu.memory_space<vmem>>)
      tpu.yield
    }) : () -> ()
    %scan3A_13 = arith.constant 0 : i32
    %scan3A_14 = arith.constant 0 : i32
    %scan3A_15 = arith.constant 64 : i32
    %scan3A_16 = arith.addi %scan3A_14, %scan3A_15 : i32
    %scan3A_17 = arith.constant 1 : i32
    %scan3A_18 = scf.for %scan3A_22 = %scan3A_14 to %scan3A_16 step %scan3A_17 iter_args(%scan3A_23 = %scan3A_13) -> (i32)  : i32 {
      %mul3A_24 = arith.constant 8 : i32
      %mul3A_25 = arith.muli %scan3A_22, %mul3A_24 : i32
      %add3A_26 = arith.constant 0 : i32
      %add3A_27 = arith.addi %mul3A_25, %add3A_26 : i32
      %mul3A_28 = arith.constant 16 : i32
      %mul3A_29 = arith.muli %add3A_27, %mul3A_28 : i32
      %get3A = arith.index_cast %mul3A_29 : i32 to index
      %get3A_30 = tpu.vector_load %arg5[%get3A] {strides = array<i32>} : memref<8192xi32, #tpu.memory_space<vmem>>, vector<16xi32>,
      %get3A_31 = arith.index_cast %mul3A_29 : i32 to index
      %get3A_32 = tpu.vector_load %arg4[%get3A_31] {strides = array<i32>} : memref<8192xi32, #tpu.memory_space<vmem>>, vector<16xi32>,
      %ge3A = vector.broadcast %mul3A_2 : i32 to vector<16xi32>
      %ge3A_33 = arith.cmpi sge, %get3A_30, %ge3A : vector<16xi32>
      %add3A_34 = arith.constant 16 : i32
      %add3A_35 = arith.addi %mul3A_2, %add3A_34 : i32
      %lt3A = vector.broadcast %add3A_35 : i32 to vector<16xi32>
      %lt3A_36 = arith.cmpi slt, %get3A_30, %lt3A : vector<16xi32>
      %and3A = arith.andi %ge3A_33, %lt3A_36 : vector<16xi1>
      %sub3A = vector.broadcast %mul3A_2 : i32 to vector<16xi32>
      %sub3A_37 = arith.subi %get3A_30, %sub3A : vector<16xi32>
      %mul3A_38 = arith.constant 512 : i32
      %mul3A_39 = vector.broadcast %mul3A_38 : i32 to vector<16xi32>
      %mul3A_40 = arith.muli %sub3A_37, %mul3A_39 : vector<16xi32>
      %add3A_41 = arith.addi %mul3A_40, %get3A_32 : vector<16xi32>
      %jit3A = arith.constant 8192 : i32
      %broadcast_in_dim3A_42 = vector.broadcast %jit3A : i32 to vector<16xi32>
      %select_n3A = arith.select %and3A, %add3A_41, %broadcast_in_dim3A_42 : vector<16xi1>, vector<16xi32>
      tpu.vector_store_idx %arg6[%select_n3A], %broadcast_in_dim3A_5 {add = true} : memref<8208xf32, #tpu.memory_space<vmem>>[vector<16xi32>], vector<16xf32>,
      %mul3A_43 = arith.constant 8 : i32
      %mul3A_44 = arith.muli %scan3A_22, %mul3A_43 : i32
      %add3A_45 = arith.constant 1 : i32
      %add3A_46 = arith.addi %mul3A_44, %add3A_45 : i32
      %mul3A_47 = arith.constant 16 : i32
      %mul3A_48 = arith.muli %add3A_46, %mul3A_47 : i32
      %get3A_49 = arith.index_cast %mul3A_48 : i32 to index
      %get3A_50 = tpu.vector_load %arg5[%get3A_49] {strides = array<i32>} : memref<8192xi32, #tpu.memory_space<vmem>>, vector<16xi32>,
      %get3A_51 = arith.index_cast %mul3A_48 : i32 to index
      %get3A_52 = tpu.vector_load %arg4[%get3A_51] {strides = array<i32>} : memref<8192xi32, #tpu.memory_space<vmem>>, vector<16xi32>,
      %ge3A_53 = vector.broadcast %mul3A_2 : i32 to vector<16xi32>
      %ge3A_54 = arith.cmpi sge, %get3A_50, %ge3A_53 : vector<16xi32>
      %add3A_55 = arith.constant 16 : i32
      %add3A_56 = arith.addi %mul3A_2, %add3A_55 : i32
      %lt3A_57 = vector.broadcast %add3A_56 : i32 to vector<16xi32>
      %lt3A_58 = arith.cmpi slt, %get3A_50, %lt3A_57 : vector<16xi32>
      %and3A_59 = arith.andi %ge3A_54, %lt3A_58 : vector<16xi1>
      %sub3A_60 = vector.broadcast %mul3A_2 : i32 to vector<16xi32>
      %sub3A_61 = arith.subi %get3A_50, %sub3A_60 : vector<16xi32>
      %mul3A_62 = arith.constant 512 : i32
      %mul3A_63 = vector.broadcast %mul3A_62 : i32 to vector<16xi32>
      %mul3A_64 = arith.muli %sub3A_61, %mul3A_63 : vector<16xi32>
      %add3A_65 = arith.addi %mul3A_64, %get3A_52 : vector<16xi32>
      %jit3A_66 = arith.constant 8192 : i32
      %broadcast_in_dim3A_67 = vector.broadcast %jit3A_66 : i32 to vector<16xi32>
      %select_n3A_68 = arith.select %and3A_59, %add3A_65, %broadcast_in_dim3A_67 : vector<16xi1>, vector<16xi32>
      tpu.vector_store_idx %arg6[%select_n3A_68], %broadcast_in_dim3A_5 {add = true} : memref<8208xf32, #tpu.memory_space<vmem>>[vector<16xi32>], vector<16xf32>,
      %mul3A_69 = arith.constant 8 : i32
      %mul3A_70 = arith.muli %scan3A_22, %mul3A_69 : i32
      %add3A_71 = arith.constant 2 : i32
      %add3A_72 = arith.addi %mul3A_70, %add3A_71 : i32
      %mul3A_73 = arith.constant 16 : i32
      %mul3A_74 = arith.muli %add3A_72, %mul3A_73 : i32
      %get3A_75 = arith.index_cast %mul3A_74 : i32 to index
      %get3A_76 = tpu.vector_load %arg5[%get3A_75] {strides = array<i32>} : memref<8192xi32, #tpu.memory_space<vmem>>, vector<16xi32>,
      %get3A_77 = arith.index_cast %mul3A_74 : i32 to index
      %get3A_78 = tpu.vector_load %arg4[%get3A_77] {strides = array<i32>} : memref<8192xi32, #tpu.memory_space<vmem>>, vector<16xi32>,
      %ge3A_79 = vector.broadcast %mul3A_2 : i32 to vector<16xi32>
      %ge3A_80 = arith.cmpi sge, %get3A_76, %ge3A_79 : vector<16xi32>
      %add3A_81 = arith.constant 16 : i32
      %add3A_82 = arith.addi %mul3A_2, %add3A_81 : i32
      %lt3A_83 = vector.broadcast %add3A_82 : i32 to vector<16xi32>
      %lt3A_84 = arith.cmpi slt, %get3A_76, %lt3A_83 : vector<16xi32>
      %and3A_85 = arith.andi %ge3A_80, %lt3A_84 : vector<16xi1>
      %sub3A_86 = vector.broadcast %mul3A_2 : i32 to vector<16xi32>
      %sub3A_87 = arith.subi %get3A_76, %sub3A_86 : vector<16xi32>
      %mul3A_88 = arith.constant 512 : i32
      %mul3A_89 = vector.broadcast %mul3A_88 : i32 to vector<16xi32>
      %mul3A_90 = arith.muli %sub3A_87, %mul3A_89 : vector<16xi32>
      %add3A_91 = arith.addi %mul3A_90, %get3A_78 : vector<16xi32>
      %jit3A_92 = arith.constant 8192 : i32
      %broadcast_in_dim3A_93 = vector.broadcast %jit3A_92 : i32 to vector<16xi32>
      %select_n3A_94 = arith.select %and3A_85, %add3A_91, %broadcast_in_dim3A_93 : vector<16xi1>, vector<16xi32>
      tpu.vector_store_idx %arg6[%select_n3A_94], %broadcast_in_dim3A_5 {add = true} : memref<8208xf32, #tpu.memory_space<vmem>>[vector<16xi32>], vector<16xf32>,
      %mul3A_95 = arith.constant 8 : i32
      %mul3A_96 = arith.muli %scan3A_22, %mul3A_95 : i32
      %add3A_97 = arith.constant 3 : i32
      %add3A_98 = arith.addi %mul3A_96, %add3A_97 : i32
      %mul3A_99 = arith.constant 16 : i32
      %mul3A_100 = arith.muli %add3A_98, %mul3A_99 : i32
      %get3A_101 = arith.index_cast %mul3A_100 : i32 to index
      %get3A_102 = tpu.vector_load %arg5[%get3A_101] {strides = array<i32>} : memref<8192xi32, #tpu.memory_space<vmem>>, vector<16xi32>,
      %get3A_103 = arith.index_cast %mul3A_100 : i32 to index
      %get3A_104 = tpu.vector_load %arg4[%get3A_103] {strides = array<i32>} : memref<8192xi32, #tpu.memory_space<vmem>>, vector<16xi32>,
      %ge3A_105 = vector.broadcast %mul3A_2 : i32 to vector<16xi32>
      %ge3A_106 = arith.cmpi sge, %get3A_102, %ge3A_105 : vector<16xi32>
      %add3A_107 = arith.constant 16 : i32
      %add3A_108 = arith.addi %mul3A_2, %add3A_107 : i32
      %lt3A_109 = vector.broadcast %add3A_108 : i32 to vector<16xi32>
      %lt3A_110 = arith.cmpi slt, %get3A_102, %lt3A_109 : vector<16xi32>
      %and3A_111 = arith.andi %ge3A_106, %lt3A_110 : vector<16xi1>
      %sub3A_112 = vector.broadcast %mul3A_2 : i32 to vector<16xi32>
      %sub3A_113 = arith.subi %get3A_102, %sub3A_112 : vector<16xi32>
      %mul3A_114 = arith.constant 512 : i32
      %mul3A_115 = vector.broadcast %mul3A_114 : i32 to vector<16xi32>
      %mul3A_116 = arith.muli %sub3A_113, %mul3A_115 : vector<16xi32>
      %add3A_117 = arith.addi %mul3A_116, %get3A_104 : vector<16xi32>
      %jit3A_118 = arith.constant 8192 : i32
      %broadcast_in_dim3A_119 = vector.broadcast %jit3A_118 : i32 to vector<16xi32>
      %select_n3A_120 = arith.select %and3A_111, %add3A_117, %broadcast_in_dim3A_119 : vector<16xi1>, vector<16xi32>
      tpu.vector_store_idx %arg6[%select_n3A_120], %broadcast_in_dim3A_5 {add = true} : memref<8208xf32, #tpu.memory_space<vmem>>[vector<16xi32>], vector<16xf32>,
      %mul3A_121 = arith.constant 8 : i32
      %mul3A_122 = arith.muli %scan3A_22, %mul3A_121 : i32
      %add3A_123 = arith.constant 4 : i32
      %add3A_124 = arith.addi %mul3A_122, %add3A_123 : i32
      %mul3A_125 = arith.constant 16 : i32
      %mul3A_126 = arith.muli %add3A_124, %mul3A_125 : i32
      %get3A_127 = arith.index_cast %mul3A_126 : i32 to index
      %get3A_128 = tpu.vector_load %arg5[%get3A_127] {strides = array<i32>} : memref<8192xi32, #tpu.memory_space<vmem>>, vector<16xi32>,
      %get3A_129 = arith.index_cast %mul3A_126 : i32 to index
      %get3A_130 = tpu.vector_load %arg4[%get3A_129] {strides = array<i32>} : memref<8192xi32, #tpu.memory_space<vmem>>, vector<16xi32>,
      %ge3A_131 = vector.broadcast %mul3A_2 : i32 to vector<16xi32>
      %ge3A_132 = arith.cmpi sge, %get3A_128, %ge3A_131 : vector<16xi32>
      %add3A_133 = arith.constant 16 : i32
      %add3A_134 = arith.addi %mul3A_2, %add3A_133 : i32
      %lt3A_135 = vector.broadcast %add3A_134 : i32 to vector<16xi32>
      %lt3A_136 = arith.cmpi slt, %get3A_128, %lt3A_135 : vector<16xi32>
      %and3A_137 = arith.andi %ge3A_132, %lt3A_136 : vector<16xi1>
      %sub3A_138 = vector.broadcast %mul3A_2 : i32 to vector<16xi32>
      %sub3A_139 = arith.subi %get3A_128, %sub3A_138 : vector<16xi32>
      %mul3A_140 = arith.constant 512 : i32
      %mul3A_141 = vector.broadcast %mul3A_140 : i32 to vector<16xi32>
      %mul3A_142 = arith.muli %sub3A_139, %mul3A_141 : vector<16xi32>
      %add3A_143 = arith.addi %mul3A_142, %get3A_130 : vector<16xi32>
      %jit3A_144 = arith.constant 8192 : i32
      %broadcast_in_dim3A_145 = vector.broadcast %jit3A_144 : i32 to vector<16xi32>
      %select_n3A_146 = arith.select %and3A_137, %add3A_143, %broadcast_in_dim3A_145 : vector<16xi1>, vector<16xi32>
      tpu.vector_store_idx %arg6[%select_n3A_146], %broadcast_in_dim3A_5 {add = true} : memref<8208xf32, #tpu.memory_space<vmem>>[vector<16xi32>], vector<16xf32>,
      %mul3A_147 = arith.constant 8 : i32
      %mul3A_148 = arith.muli %scan3A_22, %mul3A_147 : i32
      %add3A_149 = arith.constant 5 : i32
      %add3A_150 = arith.addi %mul3A_148, %add3A_149 : i32
      %mul3A_151 = arith.constant 16 : i32
      %mul3A_152 = arith.muli %add3A_150, %mul3A_151 : i32
      %get3A_153 = arith.index_cast %mul3A_152 : i32 to index
      %get3A_154 = tpu.vector_load %arg5[%get3A_153] {strides = array<i32>} : memref<8192xi32, #tpu.memory_space<vmem>>, vector<16xi32>,
      %get3A_155 = arith.index_cast %mul3A_152 : i32 to index
      %get3A_156 = tpu.vector_load %arg4[%get3A_155] {strides = array<i32>} : memref<8192xi32, #tpu.memory_space<vmem>>, vector<16xi32>,
      %ge3A_157 = vector.broadcast %mul3A_2 : i32 to vector<16xi32>
      %ge3A_158 = arith.cmpi sge, %get3A_154, %ge3A_157 : vector<16xi32>
      %add3A_159 = arith.constant 16 : i32
      %add3A_160 = arith.addi %mul3A_2, %add3A_159 : i32
      %lt3A_161 = vector.broadcast %add3A_160 : i32 to vector<16xi32>
      %lt3A_162 = arith.cmpi slt, %get3A_154, %lt3A_161 : vector<16xi32>
      %and3A_163 = arith.andi %ge3A_158, %lt3A_162 : vector<16xi1>
      %sub3A_164 = vector.broadcast %mul3A_2 : i32 to vector<16xi32>
      %sub3A_165 = arith.subi %get3A_154, %sub3A_164 : vector<16xi32>
      %mul3A_166 = arith.constant 512 : i32
      %mul3A_167 = vector.broadcast %mul3A_166 : i32 to vector<16xi32>
      %mul3A_168 = arith.muli %sub3A_165, %mul3A_167 : vector<16xi32>
      %add3A_169 = arith.addi %mul3A_168, %get3A_156 : vector<16xi32>
      %jit3A_170 = arith.constant 8192 : i32
      %broadcast_in_dim3A_171 = vector.broadcast %jit3A_170 : i32 to vector<16xi32>
      %select_n3A_172 = arith.select %and3A_163, %add3A_169, %broadcast_in_dim3A_171 : vector<16xi1>, vector<16xi32>
      tpu.vector_store_idx %arg6[%select_n3A_172], %broadcast_in_dim3A_5 {add = true} : memref<8208xf32, #tpu.memory_space<vmem>>[vector<16xi32>], vector<16xf32>,
      %mul3A_173 = arith.constant 8 : i32
      %mul3A_174 = arith.muli %scan3A_22, %mul3A_173 : i32
      %add3A_175 = arith.constant 6 : i32
      %add3A_176 = arith.addi %mul3A_174, %add3A_175 : i32
      %mul3A_177 = arith.constant 16 : i32
      %mul3A_178 = arith.muli %add3A_176, %mul3A_177 : i32
      %get3A_179 = arith.index_cast %mul3A_178 : i32 to index
      %get3A_180 = tpu.vector_load %arg5[%get3A_179] {strides = array<i32>} : memref<8192xi32, #tpu.memory_space<vmem>>, vector<16xi32>,
      %get3A_181 = arith.index_cast %mul3A_178 : i32 to index
      %get3A_182 = tpu.vector_load %arg4[%get3A_181] {strides = array<i32>} : memref<8192xi32, #tpu.memory_space<vmem>>, vector<16xi32>,
      %ge3A_183 = vector.broadcast %mul3A_2 : i32 to vector<16xi32>
      %ge3A_184 = arith.cmpi sge, %get3A_180, %ge3A_183 : vector<16xi32>
      %add3A_185 = arith.constant 16 : i32
      %add3A_186 = arith.addi %mul3A_2, %add3A_185 : i32
      %lt3A_187 = vector.broadcast %add3A_186 : i32 to vector<16xi32>
      %lt3A_188 = arith.cmpi slt, %get3A_180, %lt3A_187 : vector<16xi32>
      %and3A_189 = arith.andi %ge3A_184, %lt3A_188 : vector<16xi1>
      %sub3A_190 = vector.broadcast %mul3A_2 : i32 to vector<16xi32>
      %sub3A_191 = arith.subi %get3A_180, %sub3A_190 : vector<16xi32>
      %mul3A_192 = arith.constant 512 : i32
      %mul3A_193 = vector.broadcast %mul3A_192 : i32 to vector<16xi32>
      %mul3A_194 = arith.muli %sub3A_191, %mul3A_193 : vector<16xi32>
      %add3A_195 = arith.addi %mul3A_194, %get3A_182 : vector<16xi32>
      %jit3A_196 = arith.constant 8192 : i32
      %broadcast_in_dim3A_197 = vector.broadcast %jit3A_196 : i32 to vector<16xi32>
      %select_n3A_198 = arith.select %and3A_189, %add3A_195, %broadcast_in_dim3A_197 : vector<16xi1>, vector<16xi32>
      tpu.vector_store_idx %arg6[%select_n3A_198], %broadcast_in_dim3A_5 {add = true} : memref<8208xf32, #tpu.memory_space<vmem>>[vector<16xi32>], vector<16xf32>,
      %mul3A_199 = arith.constant 8 : i32
      %mul3A_200 = arith.muli %scan3A_22, %mul3A_199 : i32
      %add3A_201 = arith.constant 7 : i32
      %add3A_202 = arith.addi %mul3A_200, %add3A_201 : i32
      %mul3A_203 = arith.constant 16 : i32
      %mul3A_204 = arith.muli %add3A_202, %mul3A_203 : i32
      %get3A_205 = arith.index_cast %mul3A_204 : i32 to index
      %get3A_206 = tpu.vector_load %arg5[%get3A_205] {strides = array<i32>} : memref<8192xi32, #tpu.memory_space<vmem>>, vector<16xi32>,
      %get3A_207 = arith.index_cast %mul3A_204 : i32 to index
      %get3A_208 = tpu.vector_load %arg4[%get3A_207] {strides = array<i32>} : memref<8192xi32, #tpu.memory_space<vmem>>, vector<16xi32>,
      %ge3A_209 = vector.broadcast %mul3A_2 : i32 to vector<16xi32>
      %ge3A_210 = arith.cmpi sge, %get3A_206, %ge3A_209 : vector<16xi32>
      %add3A_211 = arith.constant 16 : i32
      %add3A_212 = arith.addi %mul3A_2, %add3A_211 : i32
      %lt3A_213 = vector.broadcast %add3A_212 : i32 to vector<16xi32>
      %lt3A_214 = arith.cmpi slt, %get3A_206, %lt3A_213 : vector<16xi32>
      %and3A_215 = arith.andi %ge3A_210, %lt3A_214 : vector<16xi1>
      %sub3A_216 = vector.broadcast %mul3A_2 : i32 to vector<16xi32>
      %sub3A_217 = arith.subi %get3A_206, %sub3A_216 : vector<16xi32>
      %mul3A_218 = arith.constant 512 : i32
      %mul3A_219 = vector.broadcast %mul3A_218 : i32 to vector<16xi32>
      %mul3A_220 = arith.muli %sub3A_217, %mul3A_219 : vector<16xi32>
      %add3A_221 = arith.addi %mul3A_220, %get3A_208 : vector<16xi32>
      %jit3A_222 = arith.constant 8192 : i32
      %broadcast_in_dim3A_223 = vector.broadcast %jit3A_222 : i32 to vector<16xi32>
      %select_n3A_224 = arith.select %and3A_215, %add3A_221, %broadcast_in_dim3A_223 : vector<16xi1>, vector<16xi32>
      tpu.vector_store_idx %arg6[%select_n3A_224], %broadcast_in_dim3A_5 {add = true} : memref<8208xf32, #tpu.memory_space<vmem>>[vector<16xi32>], vector<16xf32>,
      %scan3A_225 = arith.constant 0 : i32
      scf.yield %scan3A_225 : i32
    }
    %scan3A_19 = arith.constant 64 : i32
    %mul3A_20 = arith.constant 8192 : i32
    %mul3A_21 = arith.muli %add3A, %mul3A_20 : i32
    "tpu.region"() ({
      %run_scoped3A_22 = tpu.sem_alloc : memref<!tpu.dma_semaphore, #tpu.memory_space<semaphore_mem>>
      %dma_start3A = arith.constant 0 : i32
      %dma_start3A_23 = tpu.memref_slice %arg6[%dma_start3A] : memref<8208xf32, #tpu.memory_space<vmem>> -> memref<8192xf32, #tpu.memory_space<vmem>>
      %dma_start3A_24 = tpu.memref_slice %arg3[%mul3A_21] : memref<262144xf32, #tpu.memory_space<hbm>> -> memref<8192xf32, #tpu.memory_space<hbm>>
      %dma_start3A_25 = tpu.memref_slice %arg3[%mul3A_21] : memref<262144xf32, #tpu.memory_space<hbm>> -> memref<8192xf32, #tpu.memory_space<hbm>>
      %dma_start3A_26 = arith.constant 0 : i32
      %dma_start3A_27 = tpu.memref_slice %arg6[%dma_start3A_26] : memref<8208xf32, #tpu.memory_space<vmem>> -> memref<8192xf32, #tpu.memory_space<vmem>>
      tpu.enqueue_dma source(%dma_start3A_27 : memref<8192xf32, #tpu.memory_space<vmem>>) target(%dma_start3A_25 : memref<8192xf32, #tpu.memory_space<hbm>>) target_semaphore(%run_scoped3A_22 : memref<!tpu.dma_semaphore, #tpu.memory_space<semaphore_mem>>)
      %dma_wait3A = arith.constant 0 : i32
      %dma_wait3A_28 = tpu.memref_slice %arg6[%dma_wait3A] : memref<8208xf32, #tpu.memory_space<vmem>> -> memref<8192xf32, #tpu.memory_space<vmem>>
      %dma_wait3A_29 = tpu.memref_slice %arg3[%mul3A_21] : memref<262144xf32, #tpu.memory_space<hbm>> -> memref<8192xf32, #tpu.memory_space<hbm>>
      %dma_wait3A_30 = tpu.memref_slice %arg3[%mul3A_21] : memref<262144xf32, #tpu.memory_space<hbm>> -> memref<8192xf32, #tpu.memory_space<hbm>>
      %dma_wait3A_31 = arith.constant 0 : i32
      %dma_wait3A_32 = tpu.memref_slice %arg6[%dma_wait3A_31] : memref<8208xf32, #tpu.memory_space<vmem>> -> memref<8192xf32, #tpu.memory_space<vmem>>
      tpu.wait_dma2 semaphore(%run_scoped3A_22 : memref<!tpu.dma_semaphore, #tpu.memory_space<semaphore_mem>>) src(%dma_wait3A_32 : memref<8192xf32, #tpu.memory_space<vmem>>) dst(%dma_wait3A_30 : memref<8192xf32, #tpu.memory_space<hbm>>)
      tpu.yield
    }) : () -> ()
    return
  }
}

module attributes {stable_mosaic.version = 14 : i64} {
  func.func @_gin_body(%arg0: i32, %arg1: memref<1x1xf32, #tpu.memory_space<smem>>, %arg2: memref<1x1xf32, #tpu.memory_space<smem>>, %arg3: memref<8x16xf32, #tpu.memory_space<smem>>, %arg4: memref<16x16xf32, #tpu.memory_space<smem>>, %arg5: memref<16x16xf32, #tpu.memory_space<smem>>, %arg6: memref<1x16xf32, #tpu.memory_space<smem>>, %arg7: memref<1x16xf32, #tpu.memory_space<smem>>, %arg8: memref<1x16xf32, #tpu.memory_space<smem>>, %arg9: memref<512x512xf32, #tpu.memory_space<vmem>>, %arg10: memref<8x512x256xbf16, #tpu.memory_space<vmem>>, %arg11: memref<16x16xf32, #tpu.memory_space<vmem>>, %arg12: memref<1x16xf32, #tpu.memory_space<vmem>>, %arg13: memref<512x16xf32, #tpu.memory_space<vmem>>) attributes {dimension_semantics = [#tpu.dimension_semantics<arbitrary>], iteration_bounds = array<i64: 2>, scalar_prefetch = 0 : i64, scratch_operands = 0 : i64, tpu.core_type = #tpu.core_type<tc>, window_params = [{transform_indices = @transform_0, window_bounds = array<i64: 1, 1>}, {transform_indices = @transform_1, window_bounds = array<i64: 1, 1>}, {transform_indices = @transform_2, window_bounds = array<i64: 8, 16>}, {transform_indices = @transform_3, window_bounds = array<i64: 16, 16>}, {transform_indices = @transform_4, window_bounds = array<i64: 16, 16>}, {transform_indices = @transform_5, window_bounds = array<i64: 1, 16>}, {transform_indices = @transform_6, window_bounds = array<i64: 1, 16>}, {transform_indices = @transform_7, window_bounds = array<i64: 1, 16>}, {pipeline_mode = #tpu.pipeline_mode<synchronous>, transform_indices = @transform_8, window_bounds = array<i64: 512, 512>}, {transform_indices = @transform_9, window_bounds = array<i64: 8, 512, 256>}, {pipeline_mode = #tpu.pipeline_mode<synchronous>, transform_indices = @transform_10, window_bounds = array<i64: 16, 16>}, {pipeline_mode = #tpu.pipeline_mode<synchronous>, transform_indices = @transform_11, window_bounds = array<i64: 1, 16>}, {pipeline_mode = #tpu.pipeline_mode<synchronous>, transform_indices = @transform_12, window_bounds = array<i64: 512, 16>}]} {
    %get3A = arith.constant 0 : index
    %get3A_0 = arith.constant 0 : index
    %get3A_1 = vector.load %arg9[%get3A, %get3A_0] : memref<512x512xf32, #tpu.memory_space<vmem>>, vector<512x512xf32>
    %convert_element_type3A = arith.truncf %get3A_1 : vector<512x512xf32> to vector<512x512xbf16>
    %get3A_2 = arith.constant 0 : index
    %get3A_3 = arith.constant 0 : index
    %get3A_4 = memref.load %arg1[%get3A_2, %get3A_3] : memref<1x1xf32, #tpu.memory_space<smem>>
    %add3A = arith.constant 1.000000e+00 : f32
    %add3A_5 = arith.addf %add3A, %get3A_4 : f32
    %get3A_6 = arith.constant 0 : index
    %get3A_7 = arith.constant 0 : index
    %get3A_8 = memref.load %arg2[%get3A_6, %get3A_7] : memref<1x1xf32, #tpu.memory_space<smem>>
    %add3A_9 = arith.constant 1.000000e+00 : f32
    %add3A_10 = arith.addf %add3A_9, %get3A_8 : f32
    %get3A_11 = arith.constant 0 : index
    %get3A_12 = arith.constant 0 : index
    %get3A_13 = arith.constant 0 : index
    %get3A_14 = vector.load %arg10[%get3A_11, %get3A_12, %get3A_13] : memref<8x512x256xbf16, #tpu.memory_space<vmem>>, vector<1x512x256xbf16>
    %get3A_15 = vector.shape_cast %get3A_14 : vector<1x512x256xbf16> to vector<512x256xbf16>
    %get3A_16 = arith.constant 1 : index
    %get3A_17 = arith.constant 0 : index
    %get3A_18 = arith.constant 0 : index
    %get3A_19 = vector.load %arg10[%get3A_16, %get3A_17, %get3A_18] : memref<8x512x256xbf16, #tpu.memory_space<vmem>>, vector<1x512x256xbf16>
    %get3A_20 = vector.shape_cast %get3A_19 : vector<1x512x256xbf16> to vector<512x256xbf16>
    %get3A_21 = arith.constant 2 : index
    %get3A_22 = arith.constant 0 : index
    %get3A_23 = arith.constant 0 : index
    %get3A_24 = vector.load %arg10[%get3A_21, %get3A_22, %get3A_23] : memref<8x512x256xbf16, #tpu.memory_space<vmem>>, vector<1x512x256xbf16>
    %get3A_25 = vector.shape_cast %get3A_24 : vector<1x512x256xbf16> to vector<512x256xbf16>
    %get3A_26 = arith.constant 3 : index
    %get3A_27 = arith.constant 0 : index
    %get3A_28 = arith.constant 0 : index
    %get3A_29 = vector.load %arg10[%get3A_26, %get3A_27, %get3A_28] : memref<8x512x256xbf16, #tpu.memory_space<vmem>>, vector<1x512x256xbf16>
    %get3A_30 = vector.shape_cast %get3A_29 : vector<1x512x256xbf16> to vector<512x256xbf16>
    %get3A_31 = arith.constant 4 : index
    %get3A_32 = arith.constant 0 : index
    %get3A_33 = arith.constant 0 : index
    %get3A_34 = vector.load %arg10[%get3A_31, %get3A_32, %get3A_33] : memref<8x512x256xbf16, #tpu.memory_space<vmem>>, vector<1x512x256xbf16>
    %get3A_35 = vector.shape_cast %get3A_34 : vector<1x512x256xbf16> to vector<512x256xbf16>
    %get3A_36 = arith.constant 5 : index
    %get3A_37 = arith.constant 0 : index
    %get3A_38 = arith.constant 0 : index
    %get3A_39 = vector.load %arg10[%get3A_36, %get3A_37, %get3A_38] : memref<8x512x256xbf16, #tpu.memory_space<vmem>>, vector<1x512x256xbf16>
    %get3A_40 = vector.shape_cast %get3A_39 : vector<1x512x256xbf16> to vector<512x256xbf16>
    %get3A_41 = arith.constant 6 : index
    %get3A_42 = arith.constant 0 : index
    %get3A_43 = arith.constant 0 : index
    %get3A_44 = vector.load %arg10[%get3A_41, %get3A_42, %get3A_43] : memref<8x512x256xbf16, #tpu.memory_space<vmem>>, vector<1x512x256xbf16>
    %get3A_45 = vector.shape_cast %get3A_44 : vector<1x512x256xbf16> to vector<512x256xbf16>
    %get3A_46 = arith.constant 7 : index
    %get3A_47 = arith.constant 0 : index
    %get3A_48 = arith.constant 0 : index
    %get3A_49 = vector.load %arg10[%get3A_46, %get3A_47, %get3A_48] : memref<8x512x256xbf16, #tpu.memory_space<vmem>>, vector<1x512x256xbf16>
    %get3A_50 = vector.shape_cast %get3A_49 : vector<1x512x256xbf16> to vector<512x256xbf16>
    %concatenate3A = tpu.concatenate %get3A_15, %get3A_20, %get3A_25, %get3A_30, %get3A_35, %get3A_40, %get3A_45, %get3A_50 in 1 : vector<512x256xbf16>, vector<512x256xbf16>, vector<512x256xbf16>, vector<512x256xbf16>, vector<512x256xbf16>, vector<512x256xbf16>, vector<512x256xbf16>, vector<512x256xbf16> -> vector<512x2048xbf16>
    %dot_general3A = arith.constant dense<0.000000e+00> : vector<512x2048xf32>
    %dot_general3A_51 = tpu.matmul %convert_element_type3A, %concatenate3A, %dot_general3A {dimension_numbers = #tpu.dot_dimension_numbers<[1], [0], [0], [1], [0, 0, 1, 1], [], []>, transpose_lhs_hint = false} : vector<512x512xbf16>, vector<512x2048xbf16>, vector<512x2048xf32> -> vector<512x2048xf32>
    %slice3A = vector.extract_strided_slice %dot_general3A_51 {offsets = [0, 0], sizes = [512, 256], strides = [1, 1]} : vector<512x2048xf32> to vector<512x256xf32>
    %convert_element_type3A_52 = arith.extf %get3A_15 : vector<512x256xbf16> to vector<512x256xf32>
    %mul3A = vector.broadcast %add3A_5 : f32 to vector<512x256xf32>
    %mul3A_53 = arith.mulf %mul3A, %convert_element_type3A_52 : vector<512x256xf32>
    %add3A_54 = arith.addf %slice3A, %mul3A_53 : vector<512x256xf32>
    %slice3A_55 = vector.extract_strided_slice %dot_general3A_51 {offsets = [0, 256], sizes = [512, 256], strides = [1, 1]} : vector<512x2048xf32> to vector<512x256xf32>
    %convert_element_type3A_56 = arith.extf %get3A_20 : vector<512x256xbf16> to vector<512x256xf32>
    %mul3A_57 = vector.broadcast %add3A_5 : f32 to vector<512x256xf32>
    %mul3A_58 = arith.mulf %mul3A_57, %convert_element_type3A_56 : vector<512x256xf32>
    %add3A_59 = arith.addf %slice3A_55, %mul3A_58 : vector<512x256xf32>
    %slice3A_60 = vector.extract_strided_slice %dot_general3A_51 {offsets = [0, 512], sizes = [512, 256], strides = [1, 1]} : vector<512x2048xf32> to vector<512x256xf32>
    %convert_element_type3A_61 = arith.extf %get3A_25 : vector<512x256xbf16> to vector<512x256xf32>
    %mul3A_62 = vector.broadcast %add3A_5 : f32 to vector<512x256xf32>
    %mul3A_63 = arith.mulf %mul3A_62, %convert_element_type3A_61 : vector<512x256xf32>
    %add3A_64 = arith.addf %slice3A_60, %mul3A_63 : vector<512x256xf32>
    %slice3A_65 = vector.extract_strided_slice %dot_general3A_51 {offsets = [0, 768], sizes = [512, 256], strides = [1, 1]} : vector<512x2048xf32> to vector<512x256xf32>
    %convert_element_type3A_66 = arith.extf %get3A_30 : vector<512x256xbf16> to vector<512x256xf32>
    %mul3A_67 = vector.broadcast %add3A_5 : f32 to vector<512x256xf32>
    %mul3A_68 = arith.mulf %mul3A_67, %convert_element_type3A_66 : vector<512x256xf32>
    %add3A_69 = arith.addf %slice3A_65, %mul3A_68 : vector<512x256xf32>
    %slice3A_70 = vector.extract_strided_slice %dot_general3A_51 {offsets = [0, 1024], sizes = [512, 256], strides = [1, 1]} : vector<512x2048xf32> to vector<512x256xf32>
    %convert_element_type3A_71 = arith.extf %get3A_35 : vector<512x256xbf16> to vector<512x256xf32>
    %mul3A_72 = vector.broadcast %add3A_5 : f32 to vector<512x256xf32>
    %mul3A_73 = arith.mulf %mul3A_72, %convert_element_type3A_71 : vector<512x256xf32>
    %add3A_74 = arith.addf %slice3A_70, %mul3A_73 : vector<512x256xf32>
    %slice3A_75 = vector.extract_strided_slice %dot_general3A_51 {offsets = [0, 1280], sizes = [512, 256], strides = [1, 1]} : vector<512x2048xf32> to vector<512x256xf32>
    %convert_element_type3A_76 = arith.extf %get3A_40 : vector<512x256xbf16> to vector<512x256xf32>
    %mul3A_77 = vector.broadcast %add3A_5 : f32 to vector<512x256xf32>
    %mul3A_78 = arith.mulf %mul3A_77, %convert_element_type3A_76 : vector<512x256xf32>
    %add3A_79 = arith.addf %slice3A_75, %mul3A_78 : vector<512x256xf32>
    %slice3A_80 = vector.extract_strided_slice %dot_general3A_51 {offsets = [0, 1536], sizes = [512, 256], strides = [1, 1]} : vector<512x2048xf32> to vector<512x256xf32>
    %convert_element_type3A_81 = arith.extf %get3A_45 : vector<512x256xbf16> to vector<512x256xf32>
    %mul3A_82 = vector.broadcast %add3A_5 : f32 to vector<512x256xf32>
    %mul3A_83 = arith.mulf %mul3A_82, %convert_element_type3A_81 : vector<512x256xf32>
    %add3A_84 = arith.addf %slice3A_80, %mul3A_83 : vector<512x256xf32>
    %slice3A_85 = vector.extract_strided_slice %dot_general3A_51 {offsets = [0, 1792], sizes = [512, 256], strides = [1, 1]} : vector<512x2048xf32> to vector<512x256xf32>
    %convert_element_type3A_86 = arith.extf %get3A_50 : vector<512x256xbf16> to vector<512x256xf32>
    %mul3A_87 = vector.broadcast %add3A_5 : f32 to vector<512x256xf32>
    %mul3A_88 = arith.mulf %mul3A_87, %convert_element_type3A_86 : vector<512x256xf32>
    %add3A_89 = arith.addf %slice3A_85, %mul3A_88 : vector<512x256xf32>
    %get3A_90 = arith.constant 0 : index
    %get3A_91 = arith.constant 0 : index
    %get3A_92 = memref.load %arg3[%get3A_90, %get3A_91] : memref<8x16xf32, #tpu.memory_space<smem>>
    %mul3A_93 = vector.broadcast %get3A_92 : f32 to vector<512x256xf32>
    %mul3A_94 = arith.mulf %add3A_54, %mul3A_93 : vector<512x256xf32>
    %add3A_95 = arith.constant 0.000000e+00 : f32
    %add3A_96 = vector.broadcast %add3A_95 : f32 to vector<512x256xf32>
    %add3A_97 = arith.addf %add3A_96, %mul3A_94 : vector<512x256xf32>
    %get3A_98 = arith.constant 1 : index
    %get3A_99 = arith.constant 0 : index
    %get3A_100 = memref.load %arg3[%get3A_98, %get3A_99] : memref<8x16xf32, #tpu.memory_space<smem>>
    %mul3A_101 = vector.broadcast %get3A_100 : f32 to vector<512x256xf32>
    %mul3A_102 = arith.mulf %add3A_59, %mul3A_101 : vector<512x256xf32>
    %add3A_103 = arith.addf %add3A_97, %mul3A_102 : vector<512x256xf32>
    %get3A_104 = arith.constant 2 : index
    %get3A_105 = arith.constant 0 : index
    %get3A_106 = memref.load %arg3[%get3A_104, %get3A_105] : memref<8x16xf32, #tpu.memory_space<smem>>
    %mul3A_107 = vector.broadcast %get3A_106 : f32 to vector<512x256xf32>
    %mul3A_108 = arith.mulf %add3A_64, %mul3A_107 : vector<512x256xf32>
    %add3A_109 = arith.addf %add3A_103, %mul3A_108 : vector<512x256xf32>
    %get3A_110 = arith.constant 3 : index
    %get3A_111 = arith.constant 0 : index
    %get3A_112 = memref.load %arg3[%get3A_110, %get3A_111] : memref<8x16xf32, #tpu.memory_space<smem>>
    %mul3A_113 = vector.broadcast %get3A_112 : f32 to vector<512x256xf32>
    %mul3A_114 = arith.mulf %add3A_69, %mul3A_113 : vector<512x256xf32>
    %add3A_115 = arith.addf %add3A_109, %mul3A_114 : vector<512x256xf32>
    %get3A_116 = arith.constant 4 : index
    %get3A_117 = arith.constant 0 : index
    %get3A_118 = memref.load %arg3[%get3A_116, %get3A_117] : memref<8x16xf32, #tpu.memory_space<smem>>
    %mul3A_119 = vector.broadcast %get3A_118 : f32 to vector<512x256xf32>
    %mul3A_120 = arith.mulf %add3A_74, %mul3A_119 : vector<512x256xf32>
    %add3A_121 = arith.addf %add3A_115, %mul3A_120 : vector<512x256xf32>
    %get3A_122 = arith.constant 5 : index
    %get3A_123 = arith.constant 0 : index
    %get3A_124 = memref.load %arg3[%get3A_122, %get3A_123] : memref<8x16xf32, #tpu.memory_space<smem>>
    %mul3A_125 = vector.broadcast %get3A_124 : f32 to vector<512x256xf32>
    %mul3A_126 = arith.mulf %add3A_79, %mul3A_125 : vector<512x256xf32>
    %add3A_127 = arith.addf %add3A_121, %mul3A_126 : vector<512x256xf32>
    %get3A_128 = arith.constant 6 : index
    %get3A_129 = arith.constant 0 : index
    %get3A_130 = memref.load %arg3[%get3A_128, %get3A_129] : memref<8x16xf32, #tpu.memory_space<smem>>
    %mul3A_131 = vector.broadcast %get3A_130 : f32 to vector<512x256xf32>
    %mul3A_132 = arith.mulf %add3A_84, %mul3A_131 : vector<512x256xf32>
    %add3A_133 = arith.addf %add3A_127, %mul3A_132 : vector<512x256xf32>
    %get3A_134 = arith.constant 7 : index
    %get3A_135 = arith.constant 0 : index
    %get3A_136 = memref.load %arg3[%get3A_134, %get3A_135] : memref<8x16xf32, #tpu.memory_space<smem>>
    %mul3A_137 = vector.broadcast %get3A_136 : f32 to vector<512x256xf32>
    %mul3A_138 = arith.mulf %add3A_89, %mul3A_137 : vector<512x256xf32>
    %add3A_139 = arith.addf %add3A_133, %mul3A_138 : vector<512x256xf32>
    %get3A_140 = arith.constant 0 : index
    %get3A_141 = arith.constant 0 : index
    %get3A_142 = memref.load %arg6[%get3A_140, %get3A_141] : memref<1x16xf32, #tpu.memory_space<smem>>
    %add3A_143 = vector.broadcast %get3A_142 : f32 to vector<512x256xf32>
    %add3A_144 = arith.addf %add3A_139, %add3A_143 : vector<512x256xf32>
    %max3A = arith.constant 0.000000e+00 : f32
    %max3A_145 = vector.broadcast %max3A : f32 to vector<512x256xf32>
    %max3A_146 = arith.maximumf %add3A_144, %max3A_145 : vector<512x256xf32>
    %get3A_147 = arith.constant 0 : index
    %get3A_148 = arith.constant 1 : index
    %get3A_149 = memref.load %arg3[%get3A_147, %get3A_148] : memref<8x16xf32, #tpu.memory_space<smem>>
    %mul3A_150 = vector.broadcast %get3A_149 : f32 to vector<512x256xf32>
    %mul3A_151 = arith.mulf %add3A_54, %mul3A_150 : vector<512x256xf32>
    %add3A_152 = arith.constant 0.000000e+00 : f32
    %add3A_153 = vector.broadcast %add3A_152 : f32 to vector<512x256xf32>
    %add3A_154 = arith.addf %add3A_153, %mul3A_151 : vector<512x256xf32>
    %get3A_155 = arith.constant 1 : index
    %get3A_156 = arith.constant 1 : index
    %get3A_157 = memref.load %arg3[%get3A_155, %get3A_156] : memref<8x16xf32, #tpu.memory_space<smem>>
    %mul3A_158 = vector.broadcast %get3A_157 : f32 to vector<512x256xf32>
    %mul3A_159 = arith.mulf %add3A_59, %mul3A_158 : vector<512x256xf32>
    %add3A_160 = arith.addf %add3A_154, %mul3A_159 : vector<512x256xf32>
    %get3A_161 = arith.constant 2 : index
    %get3A_162 = arith.constant 1 : index
    %get3A_163 = memref.load %arg3[%get3A_161, %get3A_162] : memref<8x16xf32, #tpu.memory_space<smem>>
    %mul3A_164 = vector.broadcast %get3A_163 : f32 to vector<512x256xf32>
    %mul3A_165 = arith.mulf %add3A_64, %mul3A_164 : vector<512x256xf32>
    %add3A_166 = arith.addf %add3A_160, %mul3A_165 : vector<512x256xf32>
    %get3A_167 = arith.constant 3 : index
    %get3A_168 = arith.constant 1 : index
    %get3A_169 = memref.load %arg3[%get3A_167, %get3A_168] : memref<8x16xf32, #tpu.memory_space<smem>>
    %mul3A_170 = vector.broadcast %get3A_169 : f32 to vector<512x256xf32>
    %mul3A_171 = arith.mulf %add3A_69, %mul3A_170 : vector<512x256xf32>
    %add3A_172 = arith.addf %add3A_166, %mul3A_171 : vector<512x256xf32>
    %get3A_173 = arith.constant 4 : index
    %get3A_174 = arith.constant 1 : index
    %get3A_175 = memref.load %arg3[%get3A_173, %get3A_174] : memref<8x16xf32, #tpu.memory_space<smem>>
    %mul3A_176 = vector.broadcast %get3A_175 : f32 to vector<512x256xf32>
    %mul3A_177 = arith.mulf %add3A_74, %mul3A_176 : vector<512x256xf32>
    %add3A_178 = arith.addf %add3A_172, %mul3A_177 : vector<512x256xf32>
    %get3A_179 = arith.constant 5 : index
    %get3A_180 = arith.constant 1 : index
    %get3A_181 = memref.load %arg3[%get3A_179, %get3A_180] : memref<8x16xf32, #tpu.memory_space<smem>>
    %mul3A_182 = vector.broadcast %get3A_181 : f32 to vector<512x256xf32>
    %mul3A_183 = arith.mulf %add3A_79, %mul3A_182 : vector<512x256xf32>
    %add3A_184 = arith.addf %add3A_178, %mul3A_183 : vector<512x256xf32>
    %get3A_185 = arith.constant 6 : index
    %get3A_186 = arith.constant 1 : index
    %get3A_187 = memref.load %arg3[%get3A_185, %get3A_186] : memref<8x16xf32, #tpu.memory_space<smem>>
    %mul3A_188 = vector.broadcast %get3A_187 : f32 to vector<512x256xf32>
    %mul3A_189 = arith.mulf %add3A_84, %mul3A_188 : vector<512x256xf32>
    %add3A_190 = arith.addf %add3A_184, %mul3A_189 : vector<512x256xf32>
    %get3A_191 = arith.constant 7 : index
    %get3A_192 = arith.constant 1 : index
    %get3A_193 = memref.load %arg3[%get3A_191, %get3A_192] : memref<8x16xf32, #tpu.memory_space<smem>>
    %mul3A_194 = vector.broadcast %get3A_193 : f32 to vector<512x256xf32>
    %mul3A_195 = arith.mulf %add3A_89, %mul3A_194 : vector<512x256xf32>
    %add3A_196 = arith.addf %add3A_190, %mul3A_195 : vector<512x256xf32>
    %get3A_197 = arith.constant 0 : index
    %get3A_198 = arith.constant 1 : index
    %get3A_199 = memref.load %arg6[%get3A_197, %get3A_198] : memref<1x16xf32, #tpu.memory_space<smem>>
    %add3A_200 = vector.broadcast %get3A_199 : f32 to vector<512x256xf32>
    %add3A_201 = arith.addf %add3A_196, %add3A_200 : vector<512x256xf32>
    %max3A_202 = arith.constant 0.000000e+00 : f32
    %max3A_203 = vector.broadcast %max3A_202 : f32 to vector<512x256xf32>
    %max3A_204 = arith.maximumf %add3A_201, %max3A_203 : vector<512x256xf32>
    %get3A_205 = arith.constant 0 : index
    %get3A_206 = arith.constant 2 : index
    %get3A_207 = memref.load %arg3[%get3A_205, %get3A_206] : memref<8x16xf32, #tpu.memory_space<smem>>
    %mul3A_208 = vector.broadcast %get3A_207 : f32 to vector<512x256xf32>
    %mul3A_209 = arith.mulf %add3A_54, %mul3A_208 : vector<512x256xf32>
    %add3A_210 = arith.constant 0.000000e+00 : f32
    %add3A_211 = vector.broadcast %add3A_210 : f32 to vector<512x256xf32>
    %add3A_212 = arith.addf %add3A_211, %mul3A_209 : vector<512x256xf32>
    %get3A_213 = arith.constant 1 : index
    %get3A_214 = arith.constant 2 : index
    %get3A_215 = memref.load %arg3[%get3A_213, %get3A_214] : memref<8x16xf32, #tpu.memory_space<smem>>
    %mul3A_216 = vector.broadcast %get3A_215 : f32 to vector<512x256xf32>
    %mul3A_217 = arith.mulf %add3A_59, %mul3A_216 : vector<512x256xf32>
    %add3A_218 = arith.addf %add3A_212, %mul3A_217 : vector<512x256xf32>
    %get3A_219 = arith.constant 2 : index
    %get3A_220 = arith.constant 2 : index
    %get3A_221 = memref.load %arg3[%get3A_219, %get3A_220] : memref<8x16xf32, #tpu.memory_space<smem>>
    %mul3A_222 = vector.broadcast %get3A_221 : f32 to vector<512x256xf32>
    %mul3A_223 = arith.mulf %add3A_64, %mul3A_222 : vector<512x256xf32>
    %add3A_224 = arith.addf %add3A_218, %mul3A_223 : vector<512x256xf32>
    %get3A_225 = arith.constant 3 : index
    %get3A_226 = arith.constant 2 : index
    %get3A_227 = memref.load %arg3[%get3A_225, %get3A_226] : memref<8x16xf32, #tpu.memory_space<smem>>
    %mul3A_228 = vector.broadcast %get3A_227 : f32 to vector<512x256xf32>
    %mul3A_229 = arith.mulf %add3A_69, %mul3A_228 : vector<512x256xf32>
    %add3A_230 = arith.addf %add3A_224, %mul3A_229 : vector<512x256xf32>
    %get3A_231 = arith.constant 4 : index
    %get3A_232 = arith.constant 2 : index
    %get3A_233 = memref.load %arg3[%get3A_231, %get3A_232] : memref<8x16xf32, #tpu.memory_space<smem>>
    %mul3A_234 = vector.broadcast %get3A_233 : f32 to vector<512x256xf32>
    %mul3A_235 = arith.mulf %add3A_74, %mul3A_234 : vector<512x256xf32>
    %add3A_236 = arith.addf %add3A_230, %mul3A_235 : vector<512x256xf32>
    %get3A_237 = arith.constant 5 : index
    %get3A_238 = arith.constant 2 : index
    %get3A_239 = memref.load %arg3[%get3A_237, %get3A_238] : memref<8x16xf32, #tpu.memory_space<smem>>
    %mul3A_240 = vector.broadcast %get3A_239 : f32 to vector<512x256xf32>
    %mul3A_241 = arith.mulf %add3A_79, %mul3A_240 : vector<512x256xf32>
    %add3A_242 = arith.addf %add3A_236, %mul3A_241 : vector<512x256xf32>
    %get3A_243 = arith.constant 6 : index
    %get3A_244 = arith.constant 2 : index
    %get3A_245 = memref.load %arg3[%get3A_243, %get3A_244] : memref<8x16xf32, #tpu.memory_space<smem>>
    %mul3A_246 = vector.broadcast %get3A_245 : f32 to vector<512x256xf32>
    %mul3A_247 = arith.mulf %add3A_84, %mul3A_246 : vector<512x256xf32>
    %add3A_248 = arith.addf %add3A_242, %mul3A_247 : vector<512x256xf32>
    %get3A_249 = arith.constant 7 : index
    %get3A_250 = arith.constant 2 : index
    %get3A_251 = memref.load %arg3[%get3A_249, %get3A_250] : memref<8x16xf32, #tpu.memory_space<smem>>
    %mul3A_252 = vector.broadcast %get3A_251 : f32 to vector<512x256xf32>
    %mul3A_253 = arith.mulf %add3A_89, %mul3A_252 : vector<512x256xf32>
    %add3A_254 = arith.addf %add3A_248, %mul3A_253 : vector<512x256xf32>
    %get3A_255 = arith.constant 0 : index
    %get3A_256 = arith.constant 2 : index
    %get3A_257 = memref.load %arg6[%get3A_255, %get3A_256] : memref<1x16xf32, #tpu.memory_space<smem>>
    %add3A_258 = vector.broadcast %get3A_257 : f32 to vector<512x256xf32>
    %add3A_259 = arith.addf %add3A_254, %add3A_258 : vector<512x256xf32>
    %max3A_260 = arith.constant 0.000000e+00 : f32
    %max3A_261 = vector.broadcast %max3A_260 : f32 to vector<512x256xf32>
    %max3A_262 = arith.maximumf %add3A_259, %max3A_261 : vector<512x256xf32>
    %get3A_263 = arith.constant 0 : index
    %get3A_264 = arith.constant 3 : index
    %get3A_265 = memref.load %arg3[%get3A_263, %get3A_264] : memref<8x16xf32, #tpu.memory_space<smem>>
    %mul3A_266 = vector.broadcast %get3A_265 : f32 to vector<512x256xf32>
    %mul3A_267 = arith.mulf %add3A_54, %mul3A_266 : vector<512x256xf32>
    %add3A_268 = arith.constant 0.000000e+00 : f32
    %add3A_269 = vector.broadcast %add3A_268 : f32 to vector<512x256xf32>
    %add3A_270 = arith.addf %add3A_269, %mul3A_267 : vector<512x256xf32>
    %get3A_271 = arith.constant 1 : index
    %get3A_272 = arith.constant 3 : index
    %get3A_273 = memref.load %arg3[%get3A_271, %get3A_272] : memref<8x16xf32, #tpu.memory_space<smem>>
    %mul3A_274 = vector.broadcast %get3A_273 : f32 to vector<512x256xf32>
    %mul3A_275 = arith.mulf %add3A_59, %mul3A_274 : vector<512x256xf32>
    %add3A_276 = arith.addf %add3A_270, %mul3A_275 : vector<512x256xf32>
    %get3A_277 = arith.constant 2 : index
    %get3A_278 = arith.constant 3 : index
    %get3A_279 = memref.load %arg3[%get3A_277, %get3A_278] : memref<8x16xf32, #tpu.memory_space<smem>>
    %mul3A_280 = vector.broadcast %get3A_279 : f32 to vector<512x256xf32>
    %mul3A_281 = arith.mulf %add3A_64, %mul3A_280 : vector<512x256xf32>
    %add3A_282 = arith.addf %add3A_276, %mul3A_281 : vector<512x256xf32>
    %get3A_283 = arith.constant 3 : index
    %get3A_284 = arith.constant 3 : index
    %get3A_285 = memref.load %arg3[%get3A_283, %get3A_284] : memref<8x16xf32, #tpu.memory_space<smem>>
    %mul3A_286 = vector.broadcast %get3A_285 : f32 to vector<512x256xf32>
    %mul3A_287 = arith.mulf %add3A_69, %mul3A_286 : vector<512x256xf32>
    %add3A_288 = arith.addf %add3A_282, %mul3A_287 : vector<512x256xf32>
    %get3A_289 = arith.constant 4 : index
    %get3A_290 = arith.constant 3 : index
    %get3A_291 = memref.load %arg3[%get3A_289, %get3A_290] : memref<8x16xf32, #tpu.memory_space<smem>>
    %mul3A_292 = vector.broadcast %get3A_291 : f32 to vector<512x256xf32>
    %mul3A_293 = arith.mulf %add3A_74, %mul3A_292 : vector<512x256xf32>
    %add3A_294 = arith.addf %add3A_288, %mul3A_293 : vector<512x256xf32>
    %get3A_295 = arith.constant 5 : index
    %get3A_296 = arith.constant 3 : index
    %get3A_297 = memref.load %arg3[%get3A_295, %get3A_296] : memref<8x16xf32, #tpu.memory_space<smem>>
    %mul3A_298 = vector.broadcast %get3A_297 : f32 to vector<512x256xf32>
    %mul3A_299 = arith.mulf %add3A_79, %mul3A_298 : vector<512x256xf32>
    %add3A_300 = arith.addf %add3A_294, %mul3A_299 : vector<512x256xf32>
    %get3A_301 = arith.constant 6 : index
    %get3A_302 = arith.constant 3 : index
    %get3A_303 = memref.load %arg3[%get3A_301, %get3A_302] : memref<8x16xf32, #tpu.memory_space<smem>>
    %mul3A_304 = vector.broadcast %get3A_303 : f32 to vector<512x256xf32>
    %mul3A_305 = arith.mulf %add3A_84, %mul3A_304 : vector<512x256xf32>
    %add3A_306 = arith.addf %add3A_300, %mul3A_305 : vector<512x256xf32>
    %get3A_307 = arith.constant 7 : index
    %get3A_308 = arith.constant 3 : index
    %get3A_309 = memref.load %arg3[%get3A_307, %get3A_308] : memref<8x16xf32, #tpu.memory_space<smem>>
    %mul3A_310 = vector.broadcast %get3A_309 : f32 to vector<512x256xf32>
    %mul3A_311 = arith.mulf %add3A_89, %mul3A_310 : vector<512x256xf32>
    %add3A_312 = arith.addf %add3A_306, %mul3A_311 : vector<512x256xf32>
    %get3A_313 = arith.constant 0 : index
    %get3A_314 = arith.constant 3 : index
    %get3A_315 = memref.load %arg6[%get3A_313, %get3A_314] : memref<1x16xf32, #tpu.memory_space<smem>>
    %add3A_316 = vector.broadcast %get3A_315 : f32 to vector<512x256xf32>
    %add3A_317 = arith.addf %add3A_312, %add3A_316 : vector<512x256xf32>
    %max3A_318 = arith.constant 0.000000e+00 : f32
    %max3A_319 = vector.broadcast %max3A_318 : f32 to vector<512x256xf32>
    %max3A_320 = arith.maximumf %add3A_317, %max3A_319 : vector<512x256xf32>
    %get3A_321 = arith.constant 0 : index
    %get3A_322 = arith.constant 4 : index
    %get3A_323 = memref.load %arg3[%get3A_321, %get3A_322] : memref<8x16xf32, #tpu.memory_space<smem>>
    %mul3A_324 = vector.broadcast %get3A_323 : f32 to vector<512x256xf32>
    %mul3A_325 = arith.mulf %add3A_54, %mul3A_324 : vector<512x256xf32>
    %add3A_326 = arith.constant 0.000000e+00 : f32
    %add3A_327 = vector.broadcast %add3A_326 : f32 to vector<512x256xf32>
    %add3A_328 = arith.addf %add3A_327, %mul3A_325 : vector<512x256xf32>
    %get3A_329 = arith.constant 1 : index
    %get3A_330 = arith.constant 4 : index
    %get3A_331 = memref.load %arg3[%get3A_329, %get3A_330] : memref<8x16xf32, #tpu.memory_space<smem>>
    %mul3A_332 = vector.broadcast %get3A_331 : f32 to vector<512x256xf32>
    %mul3A_333 = arith.mulf %add3A_59, %mul3A_332 : vector<512x256xf32>
    %add3A_334 = arith.addf %add3A_328, %mul3A_333 : vector<512x256xf32>
    %get3A_335 = arith.constant 2 : index
    %get3A_336 = arith.constant 4 : index
    %get3A_337 = memref.load %arg3[%get3A_335, %get3A_336] : memref<8x16xf32, #tpu.memory_space<smem>>
    %mul3A_338 = vector.broadcast %get3A_337 : f32 to vector<512x256xf32>
    %mul3A_339 = arith.mulf %add3A_64, %mul3A_338 : vector<512x256xf32>
    %add3A_340 = arith.addf %add3A_334, %mul3A_339 : vector<512x256xf32>
    %get3A_341 = arith.constant 3 : index
    %get3A_342 = arith.constant 4 : index
    %get3A_343 = memref.load %arg3[%get3A_341, %get3A_342] : memref<8x16xf32, #tpu.memory_space<smem>>
    %mul3A_344 = vector.broadcast %get3A_343 : f32 to vector<512x256xf32>
    %mul3A_345 = arith.mulf %add3A_69, %mul3A_344 : vector<512x256xf32>
    %add3A_346 = arith.addf %add3A_340, %mul3A_345 : vector<512x256xf32>
    %get3A_347 = arith.constant 4 : index
    %get3A_348 = arith.constant 4 : index
    %get3A_349 = memref.load %arg3[%get3A_347, %get3A_348] : memref<8x16xf32, #tpu.memory_space<smem>>
    %mul3A_350 = vector.broadcast %get3A_349 : f32 to vector<512x256xf32>
    %mul3A_351 = arith.mulf %add3A_74, %mul3A_350 : vector<512x256xf32>
    %add3A_352 = arith.addf %add3A_346, %mul3A_351 : vector<512x256xf32>
    %get3A_353 = arith.constant 5 : index
    %get3A_354 = arith.constant 4 : index
    %get3A_355 = memref.load %arg3[%get3A_353, %get3A_354] : memref<8x16xf32, #tpu.memory_space<smem>>
    %mul3A_356 = vector.broadcast %get3A_355 : f32 to vector<512x256xf32>
    %mul3A_357 = arith.mulf %add3A_79, %mul3A_356 : vector<512x256xf32>
    %add3A_358 = arith.addf %add3A_352, %mul3A_357 : vector<512x256xf32>
    %get3A_359 = arith.constant 6 : index
    %get3A_360 = arith.constant 4 : index
    %get3A_361 = memref.load %arg3[%get3A_359, %get3A_360] : memref<8x16xf32, #tpu.memory_space<smem>>
    %mul3A_362 = vector.broadcast %get3A_361 : f32 to vector<512x256xf32>
    %mul3A_363 = arith.mulf %add3A_84, %mul3A_362 : vector<512x256xf32>
    %add3A_364 = arith.addf %add3A_358, %mul3A_363 : vector<512x256xf32>
    %get3A_365 = arith.constant 7 : index
    %get3A_366 = arith.constant 4 : index
    %get3A_367 = memref.load %arg3[%get3A_365, %get3A_366] : memref<8x16xf32, #tpu.memory_space<smem>>
    %mul3A_368 = vector.broadcast %get3A_367 : f32 to vector<512x256xf32>
    %mul3A_369 = arith.mulf %add3A_89, %mul3A_368 : vector<512x256xf32>
    %add3A_370 = arith.addf %add3A_364, %mul3A_369 : vector<512x256xf32>
    %get3A_371 = arith.constant 0 : index
    %get3A_372 = arith.constant 4 : index
    %get3A_373 = memref.load %arg6[%get3A_371, %get3A_372] : memref<1x16xf32, #tpu.memory_space<smem>>
    %add3A_374 = vector.broadcast %get3A_373 : f32 to vector<512x256xf32>
    %add3A_375 = arith.addf %add3A_370, %add3A_374 : vector<512x256xf32>
    %max3A_376 = arith.constant 0.000000e+00 : f32
    %max3A_377 = vector.broadcast %max3A_376 : f32 to vector<512x256xf32>
    %max3A_378 = arith.maximumf %add3A_375, %max3A_377 : vector<512x256xf32>
    %get3A_379 = arith.constant 0 : index
    %get3A_380 = arith.constant 5 : index
    %get3A_381 = memref.load %arg3[%get3A_379, %get3A_380] : memref<8x16xf32, #tpu.memory_space<smem>>
    %mul3A_382 = vector.broadcast %get3A_381 : f32 to vector<512x256xf32>
    %mul3A_383 = arith.mulf %add3A_54, %mul3A_382 : vector<512x256xf32>
    %add3A_384 = arith.constant 0.000000e+00 : f32
    %add3A_385 = vector.broadcast %add3A_384 : f32 to vector<512x256xf32>
    %add3A_386 = arith.addf %add3A_385, %mul3A_383 : vector<512x256xf32>
    %get3A_387 = arith.constant 1 : index
    %get3A_388 = arith.constant 5 : index
    %get3A_389 = memref.load %arg3[%get3A_387, %get3A_388] : memref<8x16xf32, #tpu.memory_space<smem>>
    %mul3A_390 = vector.broadcast %get3A_389 : f32 to vector<512x256xf32>
    %mul3A_391 = arith.mulf %add3A_59, %mul3A_390 : vector<512x256xf32>
    %add3A_392 = arith.addf %add3A_386, %mul3A_391 : vector<512x256xf32>
    %get3A_393 = arith.constant 2 : index
    %get3A_394 = arith.constant 5 : index
    %get3A_395 = memref.load %arg3[%get3A_393, %get3A_394] : memref<8x16xf32, #tpu.memory_space<smem>>
    %mul3A_396 = vector.broadcast %get3A_395 : f32 to vector<512x256xf32>
    %mul3A_397 = arith.mulf %add3A_64, %mul3A_396 : vector<512x256xf32>
    %add3A_398 = arith.addf %add3A_392, %mul3A_397 : vector<512x256xf32>
    %get3A_399 = arith.constant 3 : index
    %get3A_400 = arith.constant 5 : index
    %get3A_401 = memref.load %arg3[%get3A_399, %get3A_400] : memref<8x16xf32, #tpu.memory_space<smem>>
    %mul3A_402 = vector.broadcast %get3A_401 : f32 to vector<512x256xf32>
    %mul3A_403 = arith.mulf %add3A_69, %mul3A_402 : vector<512x256xf32>
    %add3A_404 = arith.addf %add3A_398, %mul3A_403 : vector<512x256xf32>
    %get3A_405 = arith.constant 4 : index
    %get3A_406 = arith.constant 5 : index
    %get3A_407 = memref.load %arg3[%get3A_405, %get3A_406] : memref<8x16xf32, #tpu.memory_space<smem>>
    %mul3A_408 = vector.broadcast %get3A_407 : f32 to vector<512x256xf32>
    %mul3A_409 = arith.mulf %add3A_74, %mul3A_408 : vector<512x256xf32>
    %add3A_410 = arith.addf %add3A_404, %mul3A_409 : vector<512x256xf32>
    %get3A_411 = arith.constant 5 : index
    %get3A_412 = arith.constant 5 : index
    %get3A_413 = memref.load %arg3[%get3A_411, %get3A_412] : memref<8x16xf32, #tpu.memory_space<smem>>
    %mul3A_414 = vector.broadcast %get3A_413 : f32 to vector<512x256xf32>
    %mul3A_415 = arith.mulf %add3A_79, %mul3A_414 : vector<512x256xf32>
    %add3A_416 = arith.addf %add3A_410, %mul3A_415 : vector<512x256xf32>
    %get3A_417 = arith.constant 6 : index
    %get3A_418 = arith.constant 5 : index
    %get3A_419 = memref.load %arg3[%get3A_417, %get3A_418] : memref<8x16xf32, #tpu.memory_space<smem>>
    %mul3A_420 = vector.broadcast %get3A_419 : f32 to vector<512x256xf32>
    %mul3A_421 = arith.mulf %add3A_84, %mul3A_420 : vector<512x256xf32>
    %add3A_422 = arith.addf %add3A_416, %mul3A_421 : vector<512x256xf32>
    %get3A_423 = arith.constant 7 : index
    %get3A_424 = arith.constant 5 : index
    %get3A_425 = memref.load %arg3[%get3A_423, %get3A_424] : memref<8x16xf32, #tpu.memory_space<smem>>
    %mul3A_426 = vector.broadcast %get3A_425 : f32 to vector<512x256xf32>
    %mul3A_427 = arith.mulf %add3A_89, %mul3A_426 : vector<512x256xf32>
    %add3A_428 = arith.addf %add3A_422, %mul3A_427 : vector<512x256xf32>
    %get3A_429 = arith.constant 0 : index
    %get3A_430 = arith.constant 5 : index
    %get3A_431 = memref.load %arg6[%get3A_429, %get3A_430] : memref<1x16xf32, #tpu.memory_space<smem>>
    %add3A_432 = vector.broadcast %get3A_431 : f32 to vector<512x256xf32>
    %add3A_433 = arith.addf %add3A_428, %add3A_432 : vector<512x256xf32>
    %max3A_434 = arith.constant 0.000000e+00 : f32
    %max3A_435 = vector.broadcast %max3A_434 : f32 to vector<512x256xf32>
    %max3A_436 = arith.maximumf %add3A_433, %max3A_435 : vector<512x256xf32>
    %get3A_437 = arith.constant 0 : index
    %get3A_438 = arith.constant 6 : index
    %get3A_439 = memref.load %arg3[%get3A_437, %get3A_438] : memref<8x16xf32, #tpu.memory_space<smem>>
    %mul3A_440 = vector.broadcast %get3A_439 : f32 to vector<512x256xf32>
    %mul3A_441 = arith.mulf %add3A_54, %mul3A_440 : vector<512x256xf32>
    %add3A_442 = arith.constant 0.000000e+00 : f32
    %add3A_443 = vector.broadcast %add3A_442 : f32 to vector<512x256xf32>
    %add3A_444 = arith.addf %add3A_443, %mul3A_441 : vector<512x256xf32>
    %get3A_445 = arith.constant 1 : index
    %get3A_446 = arith.constant 6 : index
    %get3A_447 = memref.load %arg3[%get3A_445, %get3A_446] : memref<8x16xf32, #tpu.memory_space<smem>>
    %mul3A_448 = vector.broadcast %get3A_447 : f32 to vector<512x256xf32>
    %mul3A_449 = arith.mulf %add3A_59, %mul3A_448 : vector<512x256xf32>
    %add3A_450 = arith.addf %add3A_444, %mul3A_449 : vector<512x256xf32>
    %get3A_451 = arith.constant 2 : index
    %get3A_452 = arith.constant 6 : index
    %get3A_453 = memref.load %arg3[%get3A_451, %get3A_452] : memref<8x16xf32, #tpu.memory_space<smem>>
    %mul3A_454 = vector.broadcast %get3A_453 : f32 to vector<512x256xf32>
    %mul3A_455 = arith.mulf %add3A_64, %mul3A_454 : vector<512x256xf32>
    %add3A_456 = arith.addf %add3A_450, %mul3A_455 : vector<512x256xf32>
    %get3A_457 = arith.constant 3 : index
    %get3A_458 = arith.constant 6 : index
    %get3A_459 = memref.load %arg3[%get3A_457, %get3A_458] : memref<8x16xf32, #tpu.memory_space<smem>>
    %mul3A_460 = vector.broadcast %get3A_459 : f32 to vector<512x256xf32>
    %mul3A_461 = arith.mulf %add3A_69, %mul3A_460 : vector<512x256xf32>
    %add3A_462 = arith.addf %add3A_456, %mul3A_461 : vector<512x256xf32>
    %get3A_463 = arith.constant 4 : index
    %get3A_464 = arith.constant 6 : index
    %get3A_465 = memref.load %arg3[%get3A_463, %get3A_464] : memref<8x16xf32, #tpu.memory_space<smem>>
    %mul3A_466 = vector.broadcast %get3A_465 : f32 to vector<512x256xf32>
    %mul3A_467 = arith.mulf %add3A_74, %mul3A_466 : vector<512x256xf32>
    %add3A_468 = arith.addf %add3A_462, %mul3A_467 : vector<512x256xf32>
    %get3A_469 = arith.constant 5 : index
    %get3A_470 = arith.constant 6 : index
    %get3A_471 = memref.load %arg3[%get3A_469, %get3A_470] : memref<8x16xf32, #tpu.memory_space<smem>>
    %mul3A_472 = vector.broadcast %get3A_471 : f32 to vector<512x256xf32>
    %mul3A_473 = arith.mulf %add3A_79, %mul3A_472 : vector<512x256xf32>
    %add3A_474 = arith.addf %add3A_468, %mul3A_473 : vector<512x256xf32>
    %get3A_475 = arith.constant 6 : index
    %get3A_476 = arith.constant 6 : index
    %get3A_477 = memref.load %arg3[%get3A_475, %get3A_476] : memref<8x16xf32, #tpu.memory_space<smem>>
    %mul3A_478 = vector.broadcast %get3A_477 : f32 to vector<512x256xf32>
    %mul3A_479 = arith.mulf %add3A_84, %mul3A_478 : vector<512x256xf32>
    %add3A_480 = arith.addf %add3A_474, %mul3A_479 : vector<512x256xf32>
    %get3A_481 = arith.constant 7 : index
    %get3A_482 = arith.constant 6 : index
    %get3A_483 = memref.load %arg3[%get3A_481, %get3A_482] : memref<8x16xf32, #tpu.memory_space<smem>>
    %mul3A_484 = vector.broadcast %get3A_483 : f32 to vector<512x256xf32>
    %mul3A_485 = arith.mulf %add3A_89, %mul3A_484 : vector<512x256xf32>
    %add3A_486 = arith.addf %add3A_480, %mul3A_485 : vector<512x256xf32>
    %get3A_487 = arith.constant 0 : index
    %get3A_488 = arith.constant 6 : index
    %get3A_489 = memref.load %arg6[%get3A_487, %get3A_488] : memref<1x16xf32, #tpu.memory_space<smem>>
    %add3A_490 = vector.broadcast %get3A_489 : f32 to vector<512x256xf32>
    %add3A_491 = arith.addf %add3A_486, %add3A_490 : vector<512x256xf32>
    %max3A_492 = arith.constant 0.000000e+00 : f32
    %max3A_493 = vector.broadcast %max3A_492 : f32 to vector<512x256xf32>
    %max3A_494 = arith.maximumf %add3A_491, %max3A_493 : vector<512x256xf32>
    %get3A_495 = arith.constant 0 : index
    %get3A_496 = arith.constant 7 : index
    %get3A_497 = memref.load %arg3[%get3A_495, %get3A_496] : memref<8x16xf32, #tpu.memory_space<smem>>
    %mul3A_498 = vector.broadcast %get3A_497 : f32 to vector<512x256xf32>
    %mul3A_499 = arith.mulf %add3A_54, %mul3A_498 : vector<512x256xf32>
    %add3A_500 = arith.constant 0.000000e+00 : f32
    %add3A_501 = vector.broadcast %add3A_500 : f32 to vector<512x256xf32>
    %add3A_502 = arith.addf %add3A_501, %mul3A_499 : vector<512x256xf32>
    %get3A_503 = arith.constant 1 : index
    %get3A_504 = arith.constant 7 : index
    %get3A_505 = memref.load %arg3[%get3A_503, %get3A_504] : memref<8x16xf32, #tpu.memory_space<smem>>
    %mul3A_506 = vector.broadcast %get3A_505 : f32 to vector<512x256xf32>
    %mul3A_507 = arith.mulf %add3A_59, %mul3A_506 : vector<512x256xf32>
    %add3A_508 = arith.addf %add3A_502, %mul3A_507 : vector<512x256xf32>
    %get3A_509 = arith.constant 2 : index
    %get3A_510 = arith.constant 7 : index
    %get3A_511 = memref.load %arg3[%get3A_509, %get3A_510] : memref<8x16xf32, #tpu.memory_space<smem>>
    %mul3A_512 = vector.broadcast %get3A_511 : f32 to vector<512x256xf32>
    %mul3A_513 = arith.mulf %add3A_64, %mul3A_512 : vector<512x256xf32>
    %add3A_514 = arith.addf %add3A_508, %mul3A_513 : vector<512x256xf32>
    %get3A_515 = arith.constant 3 : index
    %get3A_516 = arith.constant 7 : index
    %get3A_517 = memref.load %arg3[%get3A_515, %get3A_516] : memref<8x16xf32, #tpu.memory_space<smem>>
    %mul3A_518 = vector.broadcast %get3A_517 : f32 to vector<512x256xf32>
    %mul3A_519 = arith.mulf %add3A_69, %mul3A_518 : vector<512x256xf32>
    %add3A_520 = arith.addf %add3A_514, %mul3A_519 : vector<512x256xf32>
    %get3A_521 = arith.constant 4 : index
    %get3A_522 = arith.constant 7 : index
    %get3A_523 = memref.load %arg3[%get3A_521, %get3A_522] : memref<8x16xf32, #tpu.memory_space<smem>>
    %mul3A_524 = vector.broadcast %get3A_523 : f32 to vector<512x256xf32>
    %mul3A_525 = arith.mulf %add3A_74, %mul3A_524 : vector<512x256xf32>
    %add3A_526 = arith.addf %add3A_520, %mul3A_525 : vector<512x256xf32>
    %get3A_527 = arith.constant 5 : index
    %get3A_528 = arith.constant 7 : index
    %get3A_529 = memref.load %arg3[%get3A_527, %get3A_528] : memref<8x16xf32, #tpu.memory_space<smem>>
    %mul3A_530 = vector.broadcast %get3A_529 : f32 to vector<512x256xf32>
    %mul3A_531 = arith.mulf %add3A_79, %mul3A_530 : vector<512x256xf32>
    %add3A_532 = arith.addf %add3A_526, %mul3A_531 : vector<512x256xf32>
    %get3A_533 = arith.constant 6 : index
    %get3A_534 = arith.constant 7 : index
    %get3A_535 = memref.load %arg3[%get3A_533, %get3A_534] : memref<8x16xf32, #tpu.memory_space<smem>>
    %mul3A_536 = vector.broadcast %get3A_535 : f32 to vector<512x256xf32>
    %mul3A_537 = arith.mulf %add3A_84, %mul3A_536 : vector<512x256xf32>
    %add3A_538 = arith.addf %add3A_532, %mul3A_537 : vector<512x256xf32>
    %get3A_539 = arith.constant 7 : index
    %get3A_540 = arith.constant 7 : index
    %get3A_541 = memref.load %arg3[%get3A_539, %get3A_540] : memref<8x16xf32, #tpu.memory_space<smem>>
    %mul3A_542 = vector.broadcast %get3A_541 : f32 to vector<512x256xf32>
    %mul3A_543 = arith.mulf %add3A_89, %mul3A_542 : vector<512x256xf32>
    %add3A_544 = arith.addf %add3A_538, %mul3A_543 : vector<512x256xf32>
    %get3A_545 = arith.constant 0 : index
    %get3A_546 = arith.constant 7 : index
    %get3A_547 = memref.load %arg6[%get3A_545, %get3A_546] : memref<1x16xf32, #tpu.memory_space<smem>>
    %add3A_548 = vector.broadcast %get3A_547 : f32 to vector<512x256xf32>
    %add3A_549 = arith.addf %add3A_544, %add3A_548 : vector<512x256xf32>
    %max3A_550 = arith.constant 0.000000e+00 : f32
    %max3A_551 = vector.broadcast %max3A_550 : f32 to vector<512x256xf32>
    %max3A_552 = arith.maximumf %add3A_549, %max3A_551 : vector<512x256xf32>
    %get3A_553 = arith.constant 0 : index
    %get3A_554 = arith.constant 8 : index
    %get3A_555 = memref.load %arg3[%get3A_553, %get3A_554] : memref<8x16xf32, #tpu.memory_space<smem>>
    %mul3A_556 = vector.broadcast %get3A_555 : f32 to vector<512x256xf32>
    %mul3A_557 = arith.mulf %add3A_54, %mul3A_556 : vector<512x256xf32>
    %add3A_558 = arith.constant 0.000000e+00 : f32
    %add3A_559 = vector.broadcast %add3A_558 : f32 to vector<512x256xf32>
    %add3A_560 = arith.addf %add3A_559, %mul3A_557 : vector<512x256xf32>
    %get3A_561 = arith.constant 1 : index
    %get3A_562 = arith.constant 8 : index
    %get3A_563 = memref.load %arg3[%get3A_561, %get3A_562] : memref<8x16xf32, #tpu.memory_space<smem>>
    %mul3A_564 = vector.broadcast %get3A_563 : f32 to vector<512x256xf32>
    %mul3A_565 = arith.mulf %add3A_59, %mul3A_564 : vector<512x256xf32>
    %add3A_566 = arith.addf %add3A_560, %mul3A_565 : vector<512x256xf32>
    %get3A_567 = arith.constant 2 : index
    %get3A_568 = arith.constant 8 : index
    %get3A_569 = memref.load %arg3[%get3A_567, %get3A_568] : memref<8x16xf32, #tpu.memory_space<smem>>
    %mul3A_570 = vector.broadcast %get3A_569 : f32 to vector<512x256xf32>
    %mul3A_571 = arith.mulf %add3A_64, %mul3A_570 : vector<512x256xf32>
    %add3A_572 = arith.addf %add3A_566, %mul3A_571 : vector<512x256xf32>
    %get3A_573 = arith.constant 3 : index
    %get3A_574 = arith.constant 8 : index
    %get3A_575 = memref.load %arg3[%get3A_573, %get3A_574] : memref<8x16xf32, #tpu.memory_space<smem>>
    %mul3A_576 = vector.broadcast %get3A_575 : f32 to vector<512x256xf32>
    %mul3A_577 = arith.mulf %add3A_69, %mul3A_576 : vector<512x256xf32>
    %add3A_578 = arith.addf %add3A_572, %mul3A_577 : vector<512x256xf32>
    %get3A_579 = arith.constant 4 : index
    %get3A_580 = arith.constant 8 : index
    %get3A_581 = memref.load %arg3[%get3A_579, %get3A_580] : memref<8x16xf32, #tpu.memory_space<smem>>
    %mul3A_582 = vector.broadcast %get3A_581 : f32 to vector<512x256xf32>
    %mul3A_583 = arith.mulf %add3A_74, %mul3A_582 : vector<512x256xf32>
    %add3A_584 = arith.addf %add3A_578, %mul3A_583 : vector<512x256xf32>
    %get3A_585 = arith.constant 5 : index
    %get3A_586 = arith.constant 8 : index
    %get3A_587 = memref.load %arg3[%get3A_585, %get3A_586] : memref<8x16xf32, #tpu.memory_space<smem>>
    %mul3A_588 = vector.broadcast %get3A_587 : f32 to vector<512x256xf32>
    %mul3A_589 = arith.mulf %add3A_79, %mul3A_588 : vector<512x256xf32>
    %add3A_590 = arith.addf %add3A_584, %mul3A_589 : vector<512x256xf32>
    %get3A_591 = arith.constant 6 : index
    %get3A_592 = arith.constant 8 : index
    %get3A_593 = memref.load %arg3[%get3A_591, %get3A_592] : memref<8x16xf32, #tpu.memory_space<smem>>
    %mul3A_594 = vector.broadcast %get3A_593 : f32 to vector<512x256xf32>
    %mul3A_595 = arith.mulf %add3A_84, %mul3A_594 : vector<512x256xf32>
    %add3A_596 = arith.addf %add3A_590, %mul3A_595 : vector<512x256xf32>
    %get3A_597 = arith.constant 7 : index
    %get3A_598 = arith.constant 8 : index
    %get3A_599 = memref.load %arg3[%get3A_597, %get3A_598] : memref<8x16xf32, #tpu.memory_space<smem>>
    %mul3A_600 = vector.broadcast %get3A_599 : f32 to vector<512x256xf32>
    %mul3A_601 = arith.mulf %add3A_89, %mul3A_600 : vector<512x256xf32>
    %add3A_602 = arith.addf %add3A_596, %mul3A_601 : vector<512x256xf32>
    %get3A_603 = arith.constant 0 : index
    %get3A_604 = arith.constant 8 : index
    %get3A_605 = memref.load %arg6[%get3A_603, %get3A_604] : memref<1x16xf32, #tpu.memory_space<smem>>
    %add3A_606 = vector.broadcast %get3A_605 : f32 to vector<512x256xf32>
    %add3A_607 = arith.addf %add3A_602, %add3A_606 : vector<512x256xf32>
    %max3A_608 = arith.constant 0.000000e+00 : f32
    %max3A_609 = vector.broadcast %max3A_608 : f32 to vector<512x256xf32>
    %max3A_610 = arith.maximumf %add3A_607, %max3A_609 : vector<512x256xf32>
    %get3A_611 = arith.constant 0 : index
    %get3A_612 = arith.constant 9 : index
    %get3A_613 = memref.load %arg3[%get3A_611, %get3A_612] : memref<8x16xf32, #tpu.memory_space<smem>>
    %mul3A_614 = vector.broadcast %get3A_613 : f32 to vector<512x256xf32>
    %mul3A_615 = arith.mulf %add3A_54, %mul3A_614 : vector<512x256xf32>
    %add3A_616 = arith.constant 0.000000e+00 : f32
    %add3A_617 = vector.broadcast %add3A_616 : f32 to vector<512x256xf32>
    %add3A_618 = arith.addf %add3A_617, %mul3A_615 : vector<512x256xf32>
    %get3A_619 = arith.constant 1 : index
    %get3A_620 = arith.constant 9 : index
    %get3A_621 = memref.load %arg3[%get3A_619, %get3A_620] : memref<8x16xf32, #tpu.memory_space<smem>>
    %mul3A_622 = vector.broadcast %get3A_621 : f32 to vector<512x256xf32>
    %mul3A_623 = arith.mulf %add3A_59, %mul3A_622 : vector<512x256xf32>
    %add3A_624 = arith.addf %add3A_618, %mul3A_623 : vector<512x256xf32>
    %get3A_625 = arith.constant 2 : index
    %get3A_626 = arith.constant 9 : index
    %get3A_627 = memref.load %arg3[%get3A_625, %get3A_626] : memref<8x16xf32, #tpu.memory_space<smem>>
    %mul3A_628 = vector.broadcast %get3A_627 : f32 to vector<512x256xf32>
    %mul3A_629 = arith.mulf %add3A_64, %mul3A_628 : vector<512x256xf32>
    %add3A_630 = arith.addf %add3A_624, %mul3A_629 : vector<512x256xf32>
    %get3A_631 = arith.constant 3 : index
    %get3A_632 = arith.constant 9 : index
    %get3A_633 = memref.load %arg3[%get3A_631, %get3A_632] : memref<8x16xf32, #tpu.memory_space<smem>>
    %mul3A_634 = vector.broadcast %get3A_633 : f32 to vector<512x256xf32>
    %mul3A_635 = arith.mulf %add3A_69, %mul3A_634 : vector<512x256xf32>
    %add3A_636 = arith.addf %add3A_630, %mul3A_635 : vector<512x256xf32>
    %get3A_637 = arith.constant 4 : index
    %get3A_638 = arith.constant 9 : index
    %get3A_639 = memref.load %arg3[%get3A_637, %get3A_638] : memref<8x16xf32, #tpu.memory_space<smem>>
    %mul3A_640 = vector.broadcast %get3A_639 : f32 to vector<512x256xf32>
    %mul3A_641 = arith.mulf %add3A_74, %mul3A_640 : vector<512x256xf32>
    %add3A_642 = arith.addf %add3A_636, %mul3A_641 : vector<512x256xf32>
    %get3A_643 = arith.constant 5 : index
    %get3A_644 = arith.constant 9 : index
    %get3A_645 = memref.load %arg3[%get3A_643, %get3A_644] : memref<8x16xf32, #tpu.memory_space<smem>>
    %mul3A_646 = vector.broadcast %get3A_645 : f32 to vector<512x256xf32>
    %mul3A_647 = arith.mulf %add3A_79, %mul3A_646 : vector<512x256xf32>
    %add3A_648 = arith.addf %add3A_642, %mul3A_647 : vector<512x256xf32>
    %get3A_649 = arith.constant 6 : index
    %get3A_650 = arith.constant 9 : index
    %get3A_651 = memref.load %arg3[%get3A_649, %get3A_650] : memref<8x16xf32, #tpu.memory_space<smem>>
    %mul3A_652 = vector.broadcast %get3A_651 : f32 to vector<512x256xf32>
    %mul3A_653 = arith.mulf %add3A_84, %mul3A_652 : vector<512x256xf32>
    %add3A_654 = arith.addf %add3A_648, %mul3A_653 : vector<512x256xf32>
    %get3A_655 = arith.constant 7 : index
    %get3A_656 = arith.constant 9 : index
    %get3A_657 = memref.load %arg3[%get3A_655, %get3A_656] : memref<8x16xf32, #tpu.memory_space<smem>>
    %mul3A_658 = vector.broadcast %get3A_657 : f32 to vector<512x256xf32>
    %mul3A_659 = arith.mulf %add3A_89, %mul3A_658 : vector<512x256xf32>
    %add3A_660 = arith.addf %add3A_654, %mul3A_659 : vector<512x256xf32>
    %get3A_661 = arith.constant 0 : index
    %get3A_662 = arith.constant 9 : index
    %get3A_663 = memref.load %arg6[%get3A_661, %get3A_662] : memref<1x16xf32, #tpu.memory_space<smem>>
    %add3A_664 = vector.broadcast %get3A_663 : f32 to vector<512x256xf32>
    %add3A_665 = arith.addf %add3A_660, %add3A_664 : vector<512x256xf32>
    %max3A_666 = arith.constant 0.000000e+00 : f32
    %max3A_667 = vector.broadcast %max3A_666 : f32 to vector<512x256xf32>
    %max3A_668 = arith.maximumf %add3A_665, %max3A_667 : vector<512x256xf32>
    %get3A_669 = arith.constant 0 : index
    %get3A_670 = arith.constant 10 : index
    %get3A_671 = memref.load %arg3[%get3A_669, %get3A_670] : memref<8x16xf32, #tpu.memory_space<smem>>
    %mul3A_672 = vector.broadcast %get3A_671 : f32 to vector<512x256xf32>
    %mul3A_673 = arith.mulf %add3A_54, %mul3A_672 : vector<512x256xf32>
    %add3A_674 = arith.constant 0.000000e+00 : f32
    %add3A_675 = vector.broadcast %add3A_674 : f32 to vector<512x256xf32>
    %add3A_676 = arith.addf %add3A_675, %mul3A_673 : vector<512x256xf32>
    %get3A_677 = arith.constant 1 : index
    %get3A_678 = arith.constant 10 : index
    %get3A_679 = memref.load %arg3[%get3A_677, %get3A_678] : memref<8x16xf32, #tpu.memory_space<smem>>
    %mul3A_680 = vector.broadcast %get3A_679 : f32 to vector<512x256xf32>
    %mul3A_681 = arith.mulf %add3A_59, %mul3A_680 : vector<512x256xf32>
    %add3A_682 = arith.addf %add3A_676, %mul3A_681 : vector<512x256xf32>
    %get3A_683 = arith.constant 2 : index
    %get3A_684 = arith.constant 10 : index
    %get3A_685 = memref.load %arg3[%get3A_683, %get3A_684] : memref<8x16xf32, #tpu.memory_space<smem>>
    %mul3A_686 = vector.broadcast %get3A_685 : f32 to vector<512x256xf32>
    %mul3A_687 = arith.mulf %add3A_64, %mul3A_686 : vector<512x256xf32>
    %add3A_688 = arith.addf %add3A_682, %mul3A_687 : vector<512x256xf32>
    %get3A_689 = arith.constant 3 : index
    %get3A_690 = arith.constant 10 : index
    %get3A_691 = memref.load %arg3[%get3A_689, %get3A_690] : memref<8x16xf32, #tpu.memory_space<smem>>
    %mul3A_692 = vector.broadcast %get3A_691 : f32 to vector<512x256xf32>
    %mul3A_693 = arith.mulf %add3A_69, %mul3A_692 : vector<512x256xf32>
    %add3A_694 = arith.addf %add3A_688, %mul3A_693 : vector<512x256xf32>
    %get3A_695 = arith.constant 4 : index
    %get3A_696 = arith.constant 10 : index
    %get3A_697 = memref.load %arg3[%get3A_695, %get3A_696] : memref<8x16xf32, #tpu.memory_space<smem>>
    %mul3A_698 = vector.broadcast %get3A_697 : f32 to vector<512x256xf32>
    %mul3A_699 = arith.mulf %add3A_74, %mul3A_698 : vector<512x256xf32>
    %add3A_700 = arith.addf %add3A_694, %mul3A_699 : vector<512x256xf32>
    %get3A_701 = arith.constant 5 : index
    %get3A_702 = arith.constant 10 : index
    %get3A_703 = memref.load %arg3[%get3A_701, %get3A_702] : memref<8x16xf32, #tpu.memory_space<smem>>
    %mul3A_704 = vector.broadcast %get3A_703 : f32 to vector<512x256xf32>
    %mul3A_705 = arith.mulf %add3A_79, %mul3A_704 : vector<512x256xf32>
    %add3A_706 = arith.addf %add3A_700, %mul3A_705 : vector<512x256xf32>
    %get3A_707 = arith.constant 6 : index
    %get3A_708 = arith.constant 10 : index
    %get3A_709 = memref.load %arg3[%get3A_707, %get3A_708] : memref<8x16xf32, #tpu.memory_space<smem>>
    %mul3A_710 = vector.broadcast %get3A_709 : f32 to vector<512x256xf32>
    %mul3A_711 = arith.mulf %add3A_84, %mul3A_710 : vector<512x256xf32>
    %add3A_712 = arith.addf %add3A_706, %mul3A_711 : vector<512x256xf32>
    %get3A_713 = arith.constant 7 : index
    %get3A_714 = arith.constant 10 : index
    %get3A_715 = memref.load %arg3[%get3A_713, %get3A_714] : memref<8x16xf32, #tpu.memory_space<smem>>
    %mul3A_716 = vector.broadcast %get3A_715 : f32 to vector<512x256xf32>
    %mul3A_717 = arith.mulf %add3A_89, %mul3A_716 : vector<512x256xf32>
    %add3A_718 = arith.addf %add3A_712, %mul3A_717 : vector<512x256xf32>
    %get3A_719 = arith.constant 0 : index
    %get3A_720 = arith.constant 10 : index
    %get3A_721 = memref.load %arg6[%get3A_719, %get3A_720] : memref<1x16xf32, #tpu.memory_space<smem>>
    %add3A_722 = vector.broadcast %get3A_721 : f32 to vector<512x256xf32>
    %add3A_723 = arith.addf %add3A_718, %add3A_722 : vector<512x256xf32>
    %max3A_724 = arith.constant 0.000000e+00 : f32
    %max3A_725 = vector.broadcast %max3A_724 : f32 to vector<512x256xf32>
    %max3A_726 = arith.maximumf %add3A_723, %max3A_725 : vector<512x256xf32>
    %get3A_727 = arith.constant 0 : index
    %get3A_728 = arith.constant 11 : index
    %get3A_729 = memref.load %arg3[%get3A_727, %get3A_728] : memref<8x16xf32, #tpu.memory_space<smem>>
    %mul3A_730 = vector.broadcast %get3A_729 : f32 to vector<512x256xf32>
    %mul3A_731 = arith.mulf %add3A_54, %mul3A_730 : vector<512x256xf32>
    %add3A_732 = arith.constant 0.000000e+00 : f32
    %add3A_733 = vector.broadcast %add3A_732 : f32 to vector<512x256xf32>
    %add3A_734 = arith.addf %add3A_733, %mul3A_731 : vector<512x256xf32>
    %get3A_735 = arith.constant 1 : index
    %get3A_736 = arith.constant 11 : index
    %get3A_737 = memref.load %arg3[%get3A_735, %get3A_736] : memref<8x16xf32, #tpu.memory_space<smem>>
    %mul3A_738 = vector.broadcast %get3A_737 : f32 to vector<512x256xf32>
    %mul3A_739 = arith.mulf %add3A_59, %mul3A_738 : vector<512x256xf32>
    %add3A_740 = arith.addf %add3A_734, %mul3A_739 : vector<512x256xf32>
    %get3A_741 = arith.constant 2 : index
    %get3A_742 = arith.constant 11 : index
    %get3A_743 = memref.load %arg3[%get3A_741, %get3A_742] : memref<8x16xf32, #tpu.memory_space<smem>>
    %mul3A_744 = vector.broadcast %get3A_743 : f32 to vector<512x256xf32>
    %mul3A_745 = arith.mulf %add3A_64, %mul3A_744 : vector<512x256xf32>
    %add3A_746 = arith.addf %add3A_740, %mul3A_745 : vector<512x256xf32>
    %get3A_747 = arith.constant 3 : index
    %get3A_748 = arith.constant 11 : index
    %get3A_749 = memref.load %arg3[%get3A_747, %get3A_748] : memref<8x16xf32, #tpu.memory_space<smem>>
    %mul3A_750 = vector.broadcast %get3A_749 : f32 to vector<512x256xf32>
    %mul3A_751 = arith.mulf %add3A_69, %mul3A_750 : vector<512x256xf32>
    %add3A_752 = arith.addf %add3A_746, %mul3A_751 : vector<512x256xf32>
    %get3A_753 = arith.constant 4 : index
    %get3A_754 = arith.constant 11 : index
    %get3A_755 = memref.load %arg3[%get3A_753, %get3A_754] : memref<8x16xf32, #tpu.memory_space<smem>>
    %mul3A_756 = vector.broadcast %get3A_755 : f32 to vector<512x256xf32>
    %mul3A_757 = arith.mulf %add3A_74, %mul3A_756 : vector<512x256xf32>
    %add3A_758 = arith.addf %add3A_752, %mul3A_757 : vector<512x256xf32>
    %get3A_759 = arith.constant 5 : index
    %get3A_760 = arith.constant 11 : index
    %get3A_761 = memref.load %arg3[%get3A_759, %get3A_760] : memref<8x16xf32, #tpu.memory_space<smem>>
    %mul3A_762 = vector.broadcast %get3A_761 : f32 to vector<512x256xf32>
    %mul3A_763 = arith.mulf %add3A_79, %mul3A_762 : vector<512x256xf32>
    %add3A_764 = arith.addf %add3A_758, %mul3A_763 : vector<512x256xf32>
    %get3A_765 = arith.constant 6 : index
    %get3A_766 = arith.constant 11 : index
    %get3A_767 = memref.load %arg3[%get3A_765, %get3A_766] : memref<8x16xf32, #tpu.memory_space<smem>>
    %mul3A_768 = vector.broadcast %get3A_767 : f32 to vector<512x256xf32>
    %mul3A_769 = arith.mulf %add3A_84, %mul3A_768 : vector<512x256xf32>
    %add3A_770 = arith.addf %add3A_764, %mul3A_769 : vector<512x256xf32>
    %get3A_771 = arith.constant 7 : index
    %get3A_772 = arith.constant 11 : index
    %get3A_773 = memref.load %arg3[%get3A_771, %get3A_772] : memref<8x16xf32, #tpu.memory_space<smem>>
    %mul3A_774 = vector.broadcast %get3A_773 : f32 to vector<512x256xf32>
    %mul3A_775 = arith.mulf %add3A_89, %mul3A_774 : vector<512x256xf32>
    %add3A_776 = arith.addf %add3A_770, %mul3A_775 : vector<512x256xf32>
    %get3A_777 = arith.constant 0 : index
    %get3A_778 = arith.constant 11 : index
    %get3A_779 = memref.load %arg6[%get3A_777, %get3A_778] : memref<1x16xf32, #tpu.memory_space<smem>>
    %add3A_780 = vector.broadcast %get3A_779 : f32 to vector<512x256xf32>
    %add3A_781 = arith.addf %add3A_776, %add3A_780 : vector<512x256xf32>
    %max3A_782 = arith.constant 0.000000e+00 : f32
    %max3A_783 = vector.broadcast %max3A_782 : f32 to vector<512x256xf32>
    %max3A_784 = arith.maximumf %add3A_781, %max3A_783 : vector<512x256xf32>
    %get3A_785 = arith.constant 0 : index
    %get3A_786 = arith.constant 12 : index
    %get3A_787 = memref.load %arg3[%get3A_785, %get3A_786] : memref<8x16xf32, #tpu.memory_space<smem>>
    %mul3A_788 = vector.broadcast %get3A_787 : f32 to vector<512x256xf32>
    %mul3A_789 = arith.mulf %add3A_54, %mul3A_788 : vector<512x256xf32>
    %add3A_790 = arith.constant 0.000000e+00 : f32
    %add3A_791 = vector.broadcast %add3A_790 : f32 to vector<512x256xf32>
    %add3A_792 = arith.addf %add3A_791, %mul3A_789 : vector<512x256xf32>
    %get3A_793 = arith.constant 1 : index
    %get3A_794 = arith.constant 12 : index
    %get3A_795 = memref.load %arg3[%get3A_793, %get3A_794] : memref<8x16xf32, #tpu.memory_space<smem>>
    %mul3A_796 = vector.broadcast %get3A_795 : f32 to vector<512x256xf32>
    %mul3A_797 = arith.mulf %add3A_59, %mul3A_796 : vector<512x256xf32>
    %add3A_798 = arith.addf %add3A_792, %mul3A_797 : vector<512x256xf32>
    %get3A_799 = arith.constant 2 : index
    %get3A_800 = arith.constant 12 : index
    %get3A_801 = memref.load %arg3[%get3A_799, %get3A_800] : memref<8x16xf32, #tpu.memory_space<smem>>
    %mul3A_802 = vector.broadcast %get3A_801 : f32 to vector<512x256xf32>
    %mul3A_803 = arith.mulf %add3A_64, %mul3A_802 : vector<512x256xf32>
    %add3A_804 = arith.addf %add3A_798, %mul3A_803 : vector<512x256xf32>
    %get3A_805 = arith.constant 3 : index
    %get3A_806 = arith.constant 12 : index
    %get3A_807 = memref.load %arg3[%get3A_805, %get3A_806] : memref<8x16xf32, #tpu.memory_space<smem>>
    %mul3A_808 = vector.broadcast %get3A_807 : f32 to vector<512x256xf32>
    %mul3A_809 = arith.mulf %add3A_69, %mul3A_808 : vector<512x256xf32>
    %add3A_810 = arith.addf %add3A_804, %mul3A_809 : vector<512x256xf32>
    %get3A_811 = arith.constant 4 : index
    %get3A_812 = arith.constant 12 : index
    %get3A_813 = memref.load %arg3[%get3A_811, %get3A_812] : memref<8x16xf32, #tpu.memory_space<smem>>
    %mul3A_814 = vector.broadcast %get3A_813 : f32 to vector<512x256xf32>
    %mul3A_815 = arith.mulf %add3A_74, %mul3A_814 : vector<512x256xf32>
    %add3A_816 = arith.addf %add3A_810, %mul3A_815 : vector<512x256xf32>
    %get3A_817 = arith.constant 5 : index
    %get3A_818 = arith.constant 12 : index
    %get3A_819 = memref.load %arg3[%get3A_817, %get3A_818] : memref<8x16xf32, #tpu.memory_space<smem>>
    %mul3A_820 = vector.broadcast %get3A_819 : f32 to vector<512x256xf32>
    %mul3A_821 = arith.mulf %add3A_79, %mul3A_820 : vector<512x256xf32>
    %add3A_822 = arith.addf %add3A_816, %mul3A_821 : vector<512x256xf32>
    %get3A_823 = arith.constant 6 : index
    %get3A_824 = arith.constant 12 : index
    %get3A_825 = memref.load %arg3[%get3A_823, %get3A_824] : memref<8x16xf32, #tpu.memory_space<smem>>
    %mul3A_826 = vector.broadcast %get3A_825 : f32 to vector<512x256xf32>
    %mul3A_827 = arith.mulf %add3A_84, %mul3A_826 : vector<512x256xf32>
    %add3A_828 = arith.addf %add3A_822, %mul3A_827 : vector<512x256xf32>
    %get3A_829 = arith.constant 7 : index
    %get3A_830 = arith.constant 12 : index
    %get3A_831 = memref.load %arg3[%get3A_829, %get3A_830] : memref<8x16xf32, #tpu.memory_space<smem>>
    %mul3A_832 = vector.broadcast %get3A_831 : f32 to vector<512x256xf32>
    %mul3A_833 = arith.mulf %add3A_89, %mul3A_832 : vector<512x256xf32>
    %add3A_834 = arith.addf %add3A_828, %mul3A_833 : vector<512x256xf32>
    %get3A_835 = arith.constant 0 : index
    %get3A_836 = arith.constant 12 : index
    %get3A_837 = memref.load %arg6[%get3A_835, %get3A_836] : memref<1x16xf32, #tpu.memory_space<smem>>
    %add3A_838 = vector.broadcast %get3A_837 : f32 to vector<512x256xf32>
    %add3A_839 = arith.addf %add3A_834, %add3A_838 : vector<512x256xf32>
    %max3A_840 = arith.constant 0.000000e+00 : f32
    %max3A_841 = vector.broadcast %max3A_840 : f32 to vector<512x256xf32>
    %max3A_842 = arith.maximumf %add3A_839, %max3A_841 : vector<512x256xf32>
    %get3A_843 = arith.constant 0 : index
    %get3A_844 = arith.constant 13 : index
    %get3A_845 = memref.load %arg3[%get3A_843, %get3A_844] : memref<8x16xf32, #tpu.memory_space<smem>>
    %mul3A_846 = vector.broadcast %get3A_845 : f32 to vector<512x256xf32>
    %mul3A_847 = arith.mulf %add3A_54, %mul3A_846 : vector<512x256xf32>
    %add3A_848 = arith.constant 0.000000e+00 : f32
    %add3A_849 = vector.broadcast %add3A_848 : f32 to vector<512x256xf32>
    %add3A_850 = arith.addf %add3A_849, %mul3A_847 : vector<512x256xf32>
    %get3A_851 = arith.constant 1 : index
    %get3A_852 = arith.constant 13 : index
    %get3A_853 = memref.load %arg3[%get3A_851, %get3A_852] : memref<8x16xf32, #tpu.memory_space<smem>>
    %mul3A_854 = vector.broadcast %get3A_853 : f32 to vector<512x256xf32>
    %mul3A_855 = arith.mulf %add3A_59, %mul3A_854 : vector<512x256xf32>
    %add3A_856 = arith.addf %add3A_850, %mul3A_855 : vector<512x256xf32>
    %get3A_857 = arith.constant 2 : index
    %get3A_858 = arith.constant 13 : index
    %get3A_859 = memref.load %arg3[%get3A_857, %get3A_858] : memref<8x16xf32, #tpu.memory_space<smem>>
    %mul3A_860 = vector.broadcast %get3A_859 : f32 to vector<512x256xf32>
    %mul3A_861 = arith.mulf %add3A_64, %mul3A_860 : vector<512x256xf32>
    %add3A_862 = arith.addf %add3A_856, %mul3A_861 : vector<512x256xf32>
    %get3A_863 = arith.constant 3 : index
    %get3A_864 = arith.constant 13 : index
    %get3A_865 = memref.load %arg3[%get3A_863, %get3A_864] : memref<8x16xf32, #tpu.memory_space<smem>>
    %mul3A_866 = vector.broadcast %get3A_865 : f32 to vector<512x256xf32>
    %mul3A_867 = arith.mulf %add3A_69, %mul3A_866 : vector<512x256xf32>
    %add3A_868 = arith.addf %add3A_862, %mul3A_867 : vector<512x256xf32>
    %get3A_869 = arith.constant 4 : index
    %get3A_870 = arith.constant 13 : index
    %get3A_871 = memref.load %arg3[%get3A_869, %get3A_870] : memref<8x16xf32, #tpu.memory_space<smem>>
    %mul3A_872 = vector.broadcast %get3A_871 : f32 to vector<512x256xf32>
    %mul3A_873 = arith.mulf %add3A_74, %mul3A_872 : vector<512x256xf32>
    %add3A_874 = arith.addf %add3A_868, %mul3A_873 : vector<512x256xf32>
    %get3A_875 = arith.constant 5 : index
    %get3A_876 = arith.constant 13 : index
    %get3A_877 = memref.load %arg3[%get3A_875, %get3A_876] : memref<8x16xf32, #tpu.memory_space<smem>>
    %mul3A_878 = vector.broadcast %get3A_877 : f32 to vector<512x256xf32>
    %mul3A_879 = arith.mulf %add3A_79, %mul3A_878 : vector<512x256xf32>
    %add3A_880 = arith.addf %add3A_874, %mul3A_879 : vector<512x256xf32>
    %get3A_881 = arith.constant 6 : index
    %get3A_882 = arith.constant 13 : index
    %get3A_883 = memref.load %arg3[%get3A_881, %get3A_882] : memref<8x16xf32, #tpu.memory_space<smem>>
    %mul3A_884 = vector.broadcast %get3A_883 : f32 to vector<512x256xf32>
    %mul3A_885 = arith.mulf %add3A_84, %mul3A_884 : vector<512x256xf32>
    %add3A_886 = arith.addf %add3A_880, %mul3A_885 : vector<512x256xf32>
    %get3A_887 = arith.constant 7 : index
    %get3A_888 = arith.constant 13 : index
    %get3A_889 = memref.load %arg3[%get3A_887, %get3A_888] : memref<8x16xf32, #tpu.memory_space<smem>>
    %mul3A_890 = vector.broadcast %get3A_889 : f32 to vector<512x256xf32>
    %mul3A_891 = arith.mulf %add3A_89, %mul3A_890 : vector<512x256xf32>
    %add3A_892 = arith.addf %add3A_886, %mul3A_891 : vector<512x256xf32>
    %get3A_893 = arith.constant 0 : index
    %get3A_894 = arith.constant 13 : index
    %get3A_895 = memref.load %arg6[%get3A_893, %get3A_894] : memref<1x16xf32, #tpu.memory_space<smem>>
    %add3A_896 = vector.broadcast %get3A_895 : f32 to vector<512x256xf32>
    %add3A_897 = arith.addf %add3A_892, %add3A_896 : vector<512x256xf32>
    %max3A_898 = arith.constant 0.000000e+00 : f32
    %max3A_899 = vector.broadcast %max3A_898 : f32 to vector<512x256xf32>
    %max3A_900 = arith.maximumf %add3A_897, %max3A_899 : vector<512x256xf32>
    %get3A_901 = arith.constant 0 : index
    %get3A_902 = arith.constant 14 : index
    %get3A_903 = memref.load %arg3[%get3A_901, %get3A_902] : memref<8x16xf32, #tpu.memory_space<smem>>
    %mul3A_904 = vector.broadcast %get3A_903 : f32 to vector<512x256xf32>
    %mul3A_905 = arith.mulf %add3A_54, %mul3A_904 : vector<512x256xf32>
    %add3A_906 = arith.constant 0.000000e+00 : f32
    %add3A_907 = vector.broadcast %add3A_906 : f32 to vector<512x256xf32>
    %add3A_908 = arith.addf %add3A_907, %mul3A_905 : vector<512x256xf32>
    %get3A_909 = arith.constant 1 : index
    %get3A_910 = arith.constant 14 : index
    %get3A_911 = memref.load %arg3[%get3A_909, %get3A_910] : memref<8x16xf32, #tpu.memory_space<smem>>
    %mul3A_912 = vector.broadcast %get3A_911 : f32 to vector<512x256xf32>
    %mul3A_913 = arith.mulf %add3A_59, %mul3A_912 : vector<512x256xf32>
    %add3A_914 = arith.addf %add3A_908, %mul3A_913 : vector<512x256xf32>
    %get3A_915 = arith.constant 2 : index
    %get3A_916 = arith.constant 14 : index
    %get3A_917 = memref.load %arg3[%get3A_915, %get3A_916] : memref<8x16xf32, #tpu.memory_space<smem>>
    %mul3A_918 = vector.broadcast %get3A_917 : f32 to vector<512x256xf32>
    %mul3A_919 = arith.mulf %add3A_64, %mul3A_918 : vector<512x256xf32>
    %add3A_920 = arith.addf %add3A_914, %mul3A_919 : vector<512x256xf32>
    %get3A_921 = arith.constant 3 : index
    %get3A_922 = arith.constant 14 : index
    %get3A_923 = memref.load %arg3[%get3A_921, %get3A_922] : memref<8x16xf32, #tpu.memory_space<smem>>
    %mul3A_924 = vector.broadcast %get3A_923 : f32 to vector<512x256xf32>
    %mul3A_925 = arith.mulf %add3A_69, %mul3A_924 : vector<512x256xf32>
    %add3A_926 = arith.addf %add3A_920, %mul3A_925 : vector<512x256xf32>
    %get3A_927 = arith.constant 4 : index
    %get3A_928 = arith.constant 14 : index
    %get3A_929 = memref.load %arg3[%get3A_927, %get3A_928] : memref<8x16xf32, #tpu.memory_space<smem>>
    %mul3A_930 = vector.broadcast %get3A_929 : f32 to vector<512x256xf32>
    %mul3A_931 = arith.mulf %add3A_74, %mul3A_930 : vector<512x256xf32>
    %add3A_932 = arith.addf %add3A_926, %mul3A_931 : vector<512x256xf32>
    %get3A_933 = arith.constant 5 : index
    %get3A_934 = arith.constant 14 : index
    %get3A_935 = memref.load %arg3[%get3A_933, %get3A_934] : memref<8x16xf32, #tpu.memory_space<smem>>
    %mul3A_936 = vector.broadcast %get3A_935 : f32 to vector<512x256xf32>
    %mul3A_937 = arith.mulf %add3A_79, %mul3A_936 : vector<512x256xf32>
    %add3A_938 = arith.addf %add3A_932, %mul3A_937 : vector<512x256xf32>
    %get3A_939 = arith.constant 6 : index
    %get3A_940 = arith.constant 14 : index
    %get3A_941 = memref.load %arg3[%get3A_939, %get3A_940] : memref<8x16xf32, #tpu.memory_space<smem>>
    %mul3A_942 = vector.broadcast %get3A_941 : f32 to vector<512x256xf32>
    %mul3A_943 = arith.mulf %add3A_84, %mul3A_942 : vector<512x256xf32>
    %add3A_944 = arith.addf %add3A_938, %mul3A_943 : vector<512x256xf32>
    %get3A_945 = arith.constant 7 : index
    %get3A_946 = arith.constant 14 : index
    %get3A_947 = memref.load %arg3[%get3A_945, %get3A_946] : memref<8x16xf32, #tpu.memory_space<smem>>
    %mul3A_948 = vector.broadcast %get3A_947 : f32 to vector<512x256xf32>
    %mul3A_949 = arith.mulf %add3A_89, %mul3A_948 : vector<512x256xf32>
    %add3A_950 = arith.addf %add3A_944, %mul3A_949 : vector<512x256xf32>
    %get3A_951 = arith.constant 0 : index
    %get3A_952 = arith.constant 14 : index
    %get3A_953 = memref.load %arg6[%get3A_951, %get3A_952] : memref<1x16xf32, #tpu.memory_space<smem>>
    %add3A_954 = vector.broadcast %get3A_953 : f32 to vector<512x256xf32>
    %add3A_955 = arith.addf %add3A_950, %add3A_954 : vector<512x256xf32>
    %max3A_956 = arith.constant 0.000000e+00 : f32
    %max3A_957 = vector.broadcast %max3A_956 : f32 to vector<512x256xf32>
    %max3A_958 = arith.maximumf %add3A_955, %max3A_957 : vector<512x256xf32>
    %get3A_959 = arith.constant 0 : index
    %get3A_960 = arith.constant 15 : index
    %get3A_961 = memref.load %arg3[%get3A_959, %get3A_960] : memref<8x16xf32, #tpu.memory_space<smem>>
    %mul3A_962 = vector.broadcast %get3A_961 : f32 to vector<512x256xf32>
    %mul3A_963 = arith.mulf %add3A_54, %mul3A_962 : vector<512x256xf32>
    %add3A_964 = arith.constant 0.000000e+00 : f32
    %add3A_965 = vector.broadcast %add3A_964 : f32 to vector<512x256xf32>
    %add3A_966 = arith.addf %add3A_965, %mul3A_963 : vector<512x256xf32>
    %get3A_967 = arith.constant 1 : index
    %get3A_968 = arith.constant 15 : index
    %get3A_969 = memref.load %arg3[%get3A_967, %get3A_968] : memref<8x16xf32, #tpu.memory_space<smem>>
    %mul3A_970 = vector.broadcast %get3A_969 : f32 to vector<512x256xf32>
    %mul3A_971 = arith.mulf %add3A_59, %mul3A_970 : vector<512x256xf32>
    %add3A_972 = arith.addf %add3A_966, %mul3A_971 : vector<512x256xf32>
    %get3A_973 = arith.constant 2 : index
    %get3A_974 = arith.constant 15 : index
    %get3A_975 = memref.load %arg3[%get3A_973, %get3A_974] : memref<8x16xf32, #tpu.memory_space<smem>>
    %mul3A_976 = vector.broadcast %get3A_975 : f32 to vector<512x256xf32>
    %mul3A_977 = arith.mulf %add3A_64, %mul3A_976 : vector<512x256xf32>
    %add3A_978 = arith.addf %add3A_972, %mul3A_977 : vector<512x256xf32>
    %get3A_979 = arith.constant 3 : index
    %get3A_980 = arith.constant 15 : index
    %get3A_981 = memref.load %arg3[%get3A_979, %get3A_980] : memref<8x16xf32, #tpu.memory_space<smem>>
    %mul3A_982 = vector.broadcast %get3A_981 : f32 to vector<512x256xf32>
    %mul3A_983 = arith.mulf %add3A_69, %mul3A_982 : vector<512x256xf32>
    %add3A_984 = arith.addf %add3A_978, %mul3A_983 : vector<512x256xf32>
    %get3A_985 = arith.constant 4 : index
    %get3A_986 = arith.constant 15 : index
    %get3A_987 = memref.load %arg3[%get3A_985, %get3A_986] : memref<8x16xf32, #tpu.memory_space<smem>>
    %mul3A_988 = vector.broadcast %get3A_987 : f32 to vector<512x256xf32>
    %mul3A_989 = arith.mulf %add3A_74, %mul3A_988 : vector<512x256xf32>
    %add3A_990 = arith.addf %add3A_984, %mul3A_989 : vector<512x256xf32>
    %get3A_991 = arith.constant 5 : index
    %get3A_992 = arith.constant 15 : index
    %get3A_993 = memref.load %arg3[%get3A_991, %get3A_992] : memref<8x16xf32, #tpu.memory_space<smem>>
    %mul3A_994 = vector.broadcast %get3A_993 : f32 to vector<512x256xf32>
    %mul3A_995 = arith.mulf %add3A_79, %mul3A_994 : vector<512x256xf32>
    %add3A_996 = arith.addf %add3A_990, %mul3A_995 : vector<512x256xf32>
    %get3A_997 = arith.constant 6 : index
    %get3A_998 = arith.constant 15 : index
    %get3A_999 = memref.load %arg3[%get3A_997, %get3A_998] : memref<8x16xf32, #tpu.memory_space<smem>>
    %mul3A_1000 = vector.broadcast %get3A_999 : f32 to vector<512x256xf32>
    %mul3A_1001 = arith.mulf %add3A_84, %mul3A_1000 : vector<512x256xf32>
    %add3A_1002 = arith.addf %add3A_996, %mul3A_1001 : vector<512x256xf32>
    %get3A_1003 = arith.constant 7 : index
    %get3A_1004 = arith.constant 15 : index
    %get3A_1005 = memref.load %arg3[%get3A_1003, %get3A_1004] : memref<8x16xf32, #tpu.memory_space<smem>>
    %mul3A_1006 = vector.broadcast %get3A_1005 : f32 to vector<512x256xf32>
    %mul3A_1007 = arith.mulf %add3A_89, %mul3A_1006 : vector<512x256xf32>
    %add3A_1008 = arith.addf %add3A_1002, %mul3A_1007 : vector<512x256xf32>
    %get3A_1009 = arith.constant 0 : index
    %get3A_1010 = arith.constant 15 : index
    %get3A_1011 = memref.load %arg6[%get3A_1009, %get3A_1010] : memref<1x16xf32, #tpu.memory_space<smem>>
    %add3A_1012 = vector.broadcast %get3A_1011 : f32 to vector<512x256xf32>
    %add3A_1013 = arith.addf %add3A_1008, %add3A_1012 : vector<512x256xf32>
    %max3A_1014 = arith.constant 0.000000e+00 : f32
    %max3A_1015 = vector.broadcast %max3A_1014 : f32 to vector<512x256xf32>
    %max3A_1016 = arith.maximumf %add3A_1013, %max3A_1015 : vector<512x256xf32>
    %get3A_1017 = arith.constant 0 : index
    %get3A_1018 = arith.constant 0 : index
    %get3A_1019 = memref.load %arg4[%get3A_1017, %get3A_1018] : memref<16x16xf32, #tpu.memory_space<smem>>
    %mul3A_1020 = vector.broadcast %get3A_1019 : f32 to vector<512x256xf32>
    %mul3A_1021 = arith.mulf %max3A_146, %mul3A_1020 : vector<512x256xf32>
    %add3A_1022 = arith.constant 0.000000e+00 : f32
    %add3A_1023 = vector.broadcast %add3A_1022 : f32 to vector<512x256xf32>
    %add3A_1024 = arith.addf %add3A_1023, %mul3A_1021 : vector<512x256xf32>
    %get3A_1025 = arith.constant 1 : index
    %get3A_1026 = arith.constant 0 : index
    %get3A_1027 = memref.load %arg4[%get3A_1025, %get3A_1026] : memref<16x16xf32, #tpu.memory_space<smem>>
    %mul3A_1028 = vector.broadcast %get3A_1027 : f32 to vector<512x256xf32>
    %mul3A_1029 = arith.mulf %max3A_204, %mul3A_1028 : vector<512x256xf32>
    %add3A_1030 = arith.addf %add3A_1024, %mul3A_1029 : vector<512x256xf32>
    %get3A_1031 = arith.constant 2 : index
    %get3A_1032 = arith.constant 0 : index
    %get3A_1033 = memref.load %arg4[%get3A_1031, %get3A_1032] : memref<16x16xf32, #tpu.memory_space<smem>>
    %mul3A_1034 = vector.broadcast %get3A_1033 : f32 to vector<512x256xf32>
    %mul3A_1035 = arith.mulf %max3A_262, %mul3A_1034 : vector<512x256xf32>
    %add3A_1036 = arith.addf %add3A_1030, %mul3A_1035 : vector<512x256xf32>
    %get3A_1037 = arith.constant 3 : index
    %get3A_1038 = arith.constant 0 : index
    %get3A_1039 = memref.load %arg4[%get3A_1037, %get3A_1038] : memref<16x16xf32, #tpu.memory_space<smem>>
    %mul3A_1040 = vector.broadcast %get3A_1039 : f32 to vector<512x256xf32>
    %mul3A_1041 = arith.mulf %max3A_320, %mul3A_1040 : vector<512x256xf32>
    %add3A_1042 = arith.addf %add3A_1036, %mul3A_1041 : vector<512x256xf32>
    %get3A_1043 = arith.constant 4 : index
    %get3A_1044 = arith.constant 0 : index
    %get3A_1045 = memref.load %arg4[%get3A_1043, %get3A_1044] : memref<16x16xf32, #tpu.memory_space<smem>>
    %mul3A_1046 = vector.broadcast %get3A_1045 : f32 to vector<512x256xf32>
    %mul3A_1047 = arith.mulf %max3A_378, %mul3A_1046 : vector<512x256xf32>
    %add3A_1048 = arith.addf %add3A_1042, %mul3A_1047 : vector<512x256xf32>
    %get3A_1049 = arith.constant 5 : index
    %get3A_1050 = arith.constant 0 : index
    %get3A_1051 = memref.load %arg4[%get3A_1049, %get3A_1050] : memref<16x16xf32, #tpu.memory_space<smem>>
    %mul3A_1052 = vector.broadcast %get3A_1051 : f32 to vector<512x256xf32>
    %mul3A_1053 = arith.mulf %max3A_436, %mul3A_1052 : vector<512x256xf32>
    %add3A_1054 = arith.addf %add3A_1048, %mul3A_1053 : vector<512x256xf32>
    %get3A_1055 = arith.constant 6 : index
    %get3A_1056 = arith.constant 0 : index
    %get3A_1057 = memref.load %arg4[%get3A_1055, %get3A_1056] : memref<16x16xf32, #tpu.memory_space<smem>>
    %mul3A_1058 = vector.broadcast %get3A_1057 : f32 to vector<512x256xf32>
    %mul3A_1059 = arith.mulf %max3A_494, %mul3A_1058 : vector<512x256xf32>
    %add3A_1060 = arith.addf %add3A_1054, %mul3A_1059 : vector<512x256xf32>
    %get3A_1061 = arith.constant 7 : index
    %get3A_1062 = arith.constant 0 : index
    %get3A_1063 = memref.load %arg4[%get3A_1061, %get3A_1062] : memref<16x16xf32, #tpu.memory_space<smem>>
    %mul3A_1064 = vector.broadcast %get3A_1063 : f32 to vector<512x256xf32>
    %mul3A_1065 = arith.mulf %max3A_552, %mul3A_1064 : vector<512x256xf32>
    %add3A_1066 = arith.addf %add3A_1060, %mul3A_1065 : vector<512x256xf32>
    %get3A_1067 = arith.constant 8 : index
    %get3A_1068 = arith.constant 0 : index
    %get3A_1069 = memref.load %arg4[%get3A_1067, %get3A_1068] : memref<16x16xf32, #tpu.memory_space<smem>>
    %mul3A_1070 = vector.broadcast %get3A_1069 : f32 to vector<512x256xf32>
    %mul3A_1071 = arith.mulf %max3A_610, %mul3A_1070 : vector<512x256xf32>
    %add3A_1072 = arith.addf %add3A_1066, %mul3A_1071 : vector<512x256xf32>
    %get3A_1073 = arith.constant 9 : index
    %get3A_1074 = arith.constant 0 : index
    %get3A_1075 = memref.load %arg4[%get3A_1073, %get3A_1074] : memref<16x16xf32, #tpu.memory_space<smem>>
    %mul3A_1076 = vector.broadcast %get3A_1075 : f32 to vector<512x256xf32>
    %mul3A_1077 = arith.mulf %max3A_668, %mul3A_1076 : vector<512x256xf32>
    %add3A_1078 = arith.addf %add3A_1072, %mul3A_1077 : vector<512x256xf32>
    %get3A_1079 = arith.constant 10 : index
    %get3A_1080 = arith.constant 0 : index
    %get3A_1081 = memref.load %arg4[%get3A_1079, %get3A_1080] : memref<16x16xf32, #tpu.memory_space<smem>>
    %mul3A_1082 = vector.broadcast %get3A_1081 : f32 to vector<512x256xf32>
    %mul3A_1083 = arith.mulf %max3A_726, %mul3A_1082 : vector<512x256xf32>
    %add3A_1084 = arith.addf %add3A_1078, %mul3A_1083 : vector<512x256xf32>
    %get3A_1085 = arith.constant 11 : index
    %get3A_1086 = arith.constant 0 : index
    %get3A_1087 = memref.load %arg4[%get3A_1085, %get3A_1086] : memref<16x16xf32, #tpu.memory_space<smem>>
    %mul3A_1088 = vector.broadcast %get3A_1087 : f32 to vector<512x256xf32>
    %mul3A_1089 = arith.mulf %max3A_784, %mul3A_1088 : vector<512x256xf32>
    %add3A_1090 = arith.addf %add3A_1084, %mul3A_1089 : vector<512x256xf32>
    %get3A_1091 = arith.constant 12 : index
    %get3A_1092 = arith.constant 0 : index
    %get3A_1093 = memref.load %arg4[%get3A_1091, %get3A_1092] : memref<16x16xf32, #tpu.memory_space<smem>>
    %mul3A_1094 = vector.broadcast %get3A_1093 : f32 to vector<512x256xf32>
    %mul3A_1095 = arith.mulf %max3A_842, %mul3A_1094 : vector<512x256xf32>
    %add3A_1096 = arith.addf %add3A_1090, %mul3A_1095 : vector<512x256xf32>
    %get3A_1097 = arith.constant 13 : index
    %get3A_1098 = arith.constant 0 : index
    %get3A_1099 = memref.load %arg4[%get3A_1097, %get3A_1098] : memref<16x16xf32, #tpu.memory_space<smem>>
    %mul3A_1100 = vector.broadcast %get3A_1099 : f32 to vector<512x256xf32>
    %mul3A_1101 = arith.mulf %max3A_900, %mul3A_1100 : vector<512x256xf32>
    %add3A_1102 = arith.addf %add3A_1096, %mul3A_1101 : vector<512x256xf32>
    %get3A_1103 = arith.constant 14 : index
    %get3A_1104 = arith.constant 0 : index
    %get3A_1105 = memref.load %arg4[%get3A_1103, %get3A_1104] : memref<16x16xf32, #tpu.memory_space<smem>>
    %mul3A_1106 = vector.broadcast %get3A_1105 : f32 to vector<512x256xf32>
    %mul3A_1107 = arith.mulf %max3A_958, %mul3A_1106 : vector<512x256xf32>
    %add3A_1108 = arith.addf %add3A_1102, %mul3A_1107 : vector<512x256xf32>
    %get3A_1109 = arith.constant 15 : index
    %get3A_1110 = arith.constant 0 : index
    %get3A_1111 = memref.load %arg4[%get3A_1109, %get3A_1110] : memref<16x16xf32, #tpu.memory_space<smem>>
    %mul3A_1112 = vector.broadcast %get3A_1111 : f32 to vector<512x256xf32>
    %mul3A_1113 = arith.mulf %max3A_1016, %mul3A_1112 : vector<512x256xf32>
    %add3A_1114 = arith.addf %add3A_1108, %mul3A_1113 : vector<512x256xf32>
    %get3A_1115 = arith.constant 0 : index
    %get3A_1116 = arith.constant 0 : index
    %get3A_1117 = memref.load %arg7[%get3A_1115, %get3A_1116] : memref<1x16xf32, #tpu.memory_space<smem>>
    %add3A_1118 = vector.broadcast %get3A_1117 : f32 to vector<512x256xf32>
    %add3A_1119 = arith.addf %add3A_1114, %add3A_1118 : vector<512x256xf32>
    %max3A_1120 = arith.constant 0.000000e+00 : f32
    %max3A_1121 = vector.broadcast %max3A_1120 : f32 to vector<512x256xf32>
    %max3A_1122 = arith.maximumf %add3A_1119, %max3A_1121 : vector<512x256xf32>
    %get3A_1123 = arith.constant 0 : index
    %get3A_1124 = arith.constant 1 : index
    %get3A_1125 = memref.load %arg4[%get3A_1123, %get3A_1124] : memref<16x16xf32, #tpu.memory_space<smem>>
    %mul3A_1126 = vector.broadcast %get3A_1125 : f32 to vector<512x256xf32>
    %mul3A_1127 = arith.mulf %max3A_146, %mul3A_1126 : vector<512x256xf32>
    %add3A_1128 = arith.constant 0.000000e+00 : f32
    %add3A_1129 = vector.broadcast %add3A_1128 : f32 to vector<512x256xf32>
    %add3A_1130 = arith.addf %add3A_1129, %mul3A_1127 : vector<512x256xf32>
    %get3A_1131 = arith.constant 1 : index
    %get3A_1132 = arith.constant 1 : index
    %get3A_1133 = memref.load %arg4[%get3A_1131, %get3A_1132] : memref<16x16xf32, #tpu.memory_space<smem>>
    %mul3A_1134 = vector.broadcast %get3A_1133 : f32 to vector<512x256xf32>
    %mul3A_1135 = arith.mulf %max3A_204, %mul3A_1134 : vector<512x256xf32>
    %add3A_1136 = arith.addf %add3A_1130, %mul3A_1135 : vector<512x256xf32>
    %get3A_1137 = arith.constant 2 : index
    %get3A_1138 = arith.constant 1 : index
    %get3A_1139 = memref.load %arg4[%get3A_1137, %get3A_1138] : memref<16x16xf32, #tpu.memory_space<smem>>
    %mul3A_1140 = vector.broadcast %get3A_1139 : f32 to vector<512x256xf32>
    %mul3A_1141 = arith.mulf %max3A_262, %mul3A_1140 : vector<512x256xf32>
    %add3A_1142 = arith.addf %add3A_1136, %mul3A_1141 : vector<512x256xf32>
    %get3A_1143 = arith.constant 3 : index
    %get3A_1144 = arith.constant 1 : index
    %get3A_1145 = memref.load %arg4[%get3A_1143, %get3A_1144] : memref<16x16xf32, #tpu.memory_space<smem>>
    %mul3A_1146 = vector.broadcast %get3A_1145 : f32 to vector<512x256xf32>
    %mul3A_1147 = arith.mulf %max3A_320, %mul3A_1146 : vector<512x256xf32>
    %add3A_1148 = arith.addf %add3A_1142, %mul3A_1147 : vector<512x256xf32>
    %get3A_1149 = arith.constant 4 : index
    %get3A_1150 = arith.constant 1 : index
    %get3A_1151 = memref.load %arg4[%get3A_1149, %get3A_1150] : memref<16x16xf32, #tpu.memory_space<smem>>
    %mul3A_1152 = vector.broadcast %get3A_1151 : f32 to vector<512x256xf32>
    %mul3A_1153 = arith.mulf %max3A_378, %mul3A_1152 : vector<512x256xf32>
    %add3A_1154 = arith.addf %add3A_1148, %mul3A_1153 : vector<512x256xf32>
    %get3A_1155 = arith.constant 5 : index
    %get3A_1156 = arith.constant 1 : index
    %get3A_1157 = memref.load %arg4[%get3A_1155, %get3A_1156] : memref<16x16xf32, #tpu.memory_space<smem>>
    %mul3A_1158 = vector.broadcast %get3A_1157 : f32 to vector<512x256xf32>
    %mul3A_1159 = arith.mulf %max3A_436, %mul3A_1158 : vector<512x256xf32>
    %add3A_1160 = arith.addf %add3A_1154, %mul3A_1159 : vector<512x256xf32>
    %get3A_1161 = arith.constant 6 : index
    %get3A_1162 = arith.constant 1 : index
    %get3A_1163 = memref.load %arg4[%get3A_1161, %get3A_1162] : memref<16x16xf32, #tpu.memory_space<smem>>
    %mul3A_1164 = vector.broadcast %get3A_1163 : f32 to vector<512x256xf32>
    %mul3A_1165 = arith.mulf %max3A_494, %mul3A_1164 : vector<512x256xf32>
    %add3A_1166 = arith.addf %add3A_1160, %mul3A_1165 : vector<512x256xf32>
    %get3A_1167 = arith.constant 7 : index
    %get3A_1168 = arith.constant 1 : index
    %get3A_1169 = memref.load %arg4[%get3A_1167, %get3A_1168] : memref<16x16xf32, #tpu.memory_space<smem>>
    %mul3A_1170 = vector.broadcast %get3A_1169 : f32 to vector<512x256xf32>
    %mul3A_1171 = arith.mulf %max3A_552, %mul3A_1170 : vector<512x256xf32>
    %add3A_1172 = arith.addf %add3A_1166, %mul3A_1171 : vector<512x256xf32>
    %get3A_1173 = arith.constant 8 : index
    %get3A_1174 = arith.constant 1 : index
    %get3A_1175 = memref.load %arg4[%get3A_1173, %get3A_1174] : memref<16x16xf32, #tpu.memory_space<smem>>
    %mul3A_1176 = vector.broadcast %get3A_1175 : f32 to vector<512x256xf32>
    %mul3A_1177 = arith.mulf %max3A_610, %mul3A_1176 : vector<512x256xf32>
    %add3A_1178 = arith.addf %add3A_1172, %mul3A_1177 : vector<512x256xf32>
    %get3A_1179 = arith.constant 9 : index
    %get3A_1180 = arith.constant 1 : index
    %get3A_1181 = memref.load %arg4[%get3A_1179, %get3A_1180] : memref<16x16xf32, #tpu.memory_space<smem>>
    %mul3A_1182 = vector.broadcast %get3A_1181 : f32 to vector<512x256xf32>
    %mul3A_1183 = arith.mulf %max3A_668, %mul3A_1182 : vector<512x256xf32>
    %add3A_1184 = arith.addf %add3A_1178, %mul3A_1183 : vector<512x256xf32>
    %get3A_1185 = arith.constant 10 : index
    %get3A_1186 = arith.constant 1 : index
    %get3A_1187 = memref.load %arg4[%get3A_1185, %get3A_1186] : memref<16x16xf32, #tpu.memory_space<smem>>
    %mul3A_1188 = vector.broadcast %get3A_1187 : f32 to vector<512x256xf32>
    %mul3A_1189 = arith.mulf %max3A_726, %mul3A_1188 : vector<512x256xf32>
    %add3A_1190 = arith.addf %add3A_1184, %mul3A_1189 : vector<512x256xf32>
    %get3A_1191 = arith.constant 11 : index
    %get3A_1192 = arith.constant 1 : index
    %get3A_1193 = memref.load %arg4[%get3A_1191, %get3A_1192] : memref<16x16xf32, #tpu.memory_space<smem>>
    %mul3A_1194 = vector.broadcast %get3A_1193 : f32 to vector<512x256xf32>
    %mul3A_1195 = arith.mulf %max3A_784, %mul3A_1194 : vector<512x256xf32>
    %add3A_1196 = arith.addf %add3A_1190, %mul3A_1195 : vector<512x256xf32>
    %get3A_1197 = arith.constant 12 : index
    %get3A_1198 = arith.constant 1 : index
    %get3A_1199 = memref.load %arg4[%get3A_1197, %get3A_1198] : memref<16x16xf32, #tpu.memory_space<smem>>
    %mul3A_1200 = vector.broadcast %get3A_1199 : f32 to vector<512x256xf32>
    %mul3A_1201 = arith.mulf %max3A_842, %mul3A_1200 : vector<512x256xf32>
    %add3A_1202 = arith.addf %add3A_1196, %mul3A_1201 : vector<512x256xf32>
    %get3A_1203 = arith.constant 13 : index
    %get3A_1204 = arith.constant 1 : index
    %get3A_1205 = memref.load %arg4[%get3A_1203, %get3A_1204] : memref<16x16xf32, #tpu.memory_space<smem>>
    %mul3A_1206 = vector.broadcast %get3A_1205 : f32 to vector<512x256xf32>
    %mul3A_1207 = arith.mulf %max3A_900, %mul3A_1206 : vector<512x256xf32>
    %add3A_1208 = arith.addf %add3A_1202, %mul3A_1207 : vector<512x256xf32>
    %get3A_1209 = arith.constant 14 : index
    %get3A_1210 = arith.constant 1 : index
    %get3A_1211 = memref.load %arg4[%get3A_1209, %get3A_1210] : memref<16x16xf32, #tpu.memory_space<smem>>
    %mul3A_1212 = vector.broadcast %get3A_1211 : f32 to vector<512x256xf32>
    %mul3A_1213 = arith.mulf %max3A_958, %mul3A_1212 : vector<512x256xf32>
    %add3A_1214 = arith.addf %add3A_1208, %mul3A_1213 : vector<512x256xf32>
    %get3A_1215 = arith.constant 15 : index
    %get3A_1216 = arith.constant 1 : index
    %get3A_1217 = memref.load %arg4[%get3A_1215, %get3A_1216] : memref<16x16xf32, #tpu.memory_space<smem>>
    %mul3A_1218 = vector.broadcast %get3A_1217 : f32 to vector<512x256xf32>
    %mul3A_1219 = arith.mulf %max3A_1016, %mul3A_1218 : vector<512x256xf32>
    %add3A_1220 = arith.addf %add3A_1214, %mul3A_1219 : vector<512x256xf32>
    %get3A_1221 = arith.constant 0 : index
    %get3A_1222 = arith.constant 1 : index
    %get3A_1223 = memref.load %arg7[%get3A_1221, %get3A_1222] : memref<1x16xf32, #tpu.memory_space<smem>>
    %add3A_1224 = vector.broadcast %get3A_1223 : f32 to vector<512x256xf32>
    %add3A_1225 = arith.addf %add3A_1220, %add3A_1224 : vector<512x256xf32>
    %max3A_1226 = arith.constant 0.000000e+00 : f32
    %max3A_1227 = vector.broadcast %max3A_1226 : f32 to vector<512x256xf32>
    %max3A_1228 = arith.maximumf %add3A_1225, %max3A_1227 : vector<512x256xf32>
    %get3A_1229 = arith.constant 0 : index
    %get3A_1230 = arith.constant 2 : index
    %get3A_1231 = memref.load %arg4[%get3A_1229, %get3A_1230] : memref<16x16xf32, #tpu.memory_space<smem>>
    %mul3A_1232 = vector.broadcast %get3A_1231 : f32 to vector<512x256xf32>
    %mul3A_1233 = arith.mulf %max3A_146, %mul3A_1232 : vector<512x256xf32>
    %add3A_1234 = arith.constant 0.000000e+00 : f32
    %add3A_1235 = vector.broadcast %add3A_1234 : f32 to vector<512x256xf32>
    %add3A_1236 = arith.addf %add3A_1235, %mul3A_1233 : vector<512x256xf32>
    %get3A_1237 = arith.constant 1 : index
    %get3A_1238 = arith.constant 2 : index
    %get3A_1239 = memref.load %arg4[%get3A_1237, %get3A_1238] : memref<16x16xf32, #tpu.memory_space<smem>>
    %mul3A_1240 = vector.broadcast %get3A_1239 : f32 to vector<512x256xf32>
    %mul3A_1241 = arith.mulf %max3A_204, %mul3A_1240 : vector<512x256xf32>
    %add3A_1242 = arith.addf %add3A_1236, %mul3A_1241 : vector<512x256xf32>
    %get3A_1243 = arith.constant 2 : index
    %get3A_1244 = arith.constant 2 : index
    %get3A_1245 = memref.load %arg4[%get3A_1243, %get3A_1244] : memref<16x16xf32, #tpu.memory_space<smem>>
    %mul3A_1246 = vector.broadcast %get3A_1245 : f32 to vector<512x256xf32>
    %mul3A_1247 = arith.mulf %max3A_262, %mul3A_1246 : vector<512x256xf32>
    %add3A_1248 = arith.addf %add3A_1242, %mul3A_1247 : vector<512x256xf32>
    %get3A_1249 = arith.constant 3 : index
    %get3A_1250 = arith.constant 2 : index
    %get3A_1251 = memref.load %arg4[%get3A_1249, %get3A_1250] : memref<16x16xf32, #tpu.memory_space<smem>>
    %mul3A_1252 = vector.broadcast %get3A_1251 : f32 to vector<512x256xf32>
    %mul3A_1253 = arith.mulf %max3A_320, %mul3A_1252 : vector<512x256xf32>
    %add3A_1254 = arith.addf %add3A_1248, %mul3A_1253 : vector<512x256xf32>
    %get3A_1255 = arith.constant 4 : index
    %get3A_1256 = arith.constant 2 : index
    %get3A_1257 = memref.load %arg4[%get3A_1255, %get3A_1256] : memref<16x16xf32, #tpu.memory_space<smem>>
    %mul3A_1258 = vector.broadcast %get3A_1257 : f32 to vector<512x256xf32>
    %mul3A_1259 = arith.mulf %max3A_378, %mul3A_1258 : vector<512x256xf32>
    %add3A_1260 = arith.addf %add3A_1254, %mul3A_1259 : vector<512x256xf32>
    %get3A_1261 = arith.constant 5 : index
    %get3A_1262 = arith.constant 2 : index
    %get3A_1263 = memref.load %arg4[%get3A_1261, %get3A_1262] : memref<16x16xf32, #tpu.memory_space<smem>>
    %mul3A_1264 = vector.broadcast %get3A_1263 : f32 to vector<512x256xf32>
    %mul3A_1265 = arith.mulf %max3A_436, %mul3A_1264 : vector<512x256xf32>
    %add3A_1266 = arith.addf %add3A_1260, %mul3A_1265 : vector<512x256xf32>
    %get3A_1267 = arith.constant 6 : index
    %get3A_1268 = arith.constant 2 : index
    %get3A_1269 = memref.load %arg4[%get3A_1267, %get3A_1268] : memref<16x16xf32, #tpu.memory_space<smem>>
    %mul3A_1270 = vector.broadcast %get3A_1269 : f32 to vector<512x256xf32>
    %mul3A_1271 = arith.mulf %max3A_494, %mul3A_1270 : vector<512x256xf32>
    %add3A_1272 = arith.addf %add3A_1266, %mul3A_1271 : vector<512x256xf32>
    %get3A_1273 = arith.constant 7 : index
    %get3A_1274 = arith.constant 2 : index
    %get3A_1275 = memref.load %arg4[%get3A_1273, %get3A_1274] : memref<16x16xf32, #tpu.memory_space<smem>>
    %mul3A_1276 = vector.broadcast %get3A_1275 : f32 to vector<512x256xf32>
    %mul3A_1277 = arith.mulf %max3A_552, %mul3A_1276 : vector<512x256xf32>
    %add3A_1278 = arith.addf %add3A_1272, %mul3A_1277 : vector<512x256xf32>
    %get3A_1279 = arith.constant 8 : index
    %get3A_1280 = arith.constant 2 : index
    %get3A_1281 = memref.load %arg4[%get3A_1279, %get3A_1280] : memref<16x16xf32, #tpu.memory_space<smem>>
    %mul3A_1282 = vector.broadcast %get3A_1281 : f32 to vector<512x256xf32>
    %mul3A_1283 = arith.mulf %max3A_610, %mul3A_1282 : vector<512x256xf32>
    %add3A_1284 = arith.addf %add3A_1278, %mul3A_1283 : vector<512x256xf32>
    %get3A_1285 = arith.constant 9 : index
    %get3A_1286 = arith.constant 2 : index
    %get3A_1287 = memref.load %arg4[%get3A_1285, %get3A_1286] : memref<16x16xf32, #tpu.memory_space<smem>>
    %mul3A_1288 = vector.broadcast %get3A_1287 : f32 to vector<512x256xf32>
    %mul3A_1289 = arith.mulf %max3A_668, %mul3A_1288 : vector<512x256xf32>
    %add3A_1290 = arith.addf %add3A_1284, %mul3A_1289 : vector<512x256xf32>
    %get3A_1291 = arith.constant 10 : index
    %get3A_1292 = arith.constant 2 : index
    %get3A_1293 = memref.load %arg4[%get3A_1291, %get3A_1292] : memref<16x16xf32, #tpu.memory_space<smem>>
    %mul3A_1294 = vector.broadcast %get3A_1293 : f32 to vector<512x256xf32>
    %mul3A_1295 = arith.mulf %max3A_726, %mul3A_1294 : vector<512x256xf32>
    %add3A_1296 = arith.addf %add3A_1290, %mul3A_1295 : vector<512x256xf32>
    %get3A_1297 = arith.constant 11 : index
    %get3A_1298 = arith.constant 2 : index
    %get3A_1299 = memref.load %arg4[%get3A_1297, %get3A_1298] : memref<16x16xf32, #tpu.memory_space<smem>>
    %mul3A_1300 = vector.broadcast %get3A_1299 : f32 to vector<512x256xf32>
    %mul3A_1301 = arith.mulf %max3A_784, %mul3A_1300 : vector<512x256xf32>
    %add3A_1302 = arith.addf %add3A_1296, %mul3A_1301 : vector<512x256xf32>
    %get3A_1303 = arith.constant 12 : index
    %get3A_1304 = arith.constant 2 : index
    %get3A_1305 = memref.load %arg4[%get3A_1303, %get3A_1304] : memref<16x16xf32, #tpu.memory_space<smem>>
    %mul3A_1306 = vector.broadcast %get3A_1305 : f32 to vector<512x256xf32>
    %mul3A_1307 = arith.mulf %max3A_842, %mul3A_1306 : vector<512x256xf32>
    %add3A_1308 = arith.addf %add3A_1302, %mul3A_1307 : vector<512x256xf32>
    %get3A_1309 = arith.constant 13 : index
    %get3A_1310 = arith.constant 2 : index
    %get3A_1311 = memref.load %arg4[%get3A_1309, %get3A_1310] : memref<16x16xf32, #tpu.memory_space<smem>>
    %mul3A_1312 = vector.broadcast %get3A_1311 : f32 to vector<512x256xf32>
    %mul3A_1313 = arith.mulf %max3A_900, %mul3A_1312 : vector<512x256xf32>
    %add3A_1314 = arith.addf %add3A_1308, %mul3A_1313 : vector<512x256xf32>
    %get3A_1315 = arith.constant 14 : index
    %get3A_1316 = arith.constant 2 : index
    %get3A_1317 = memref.load %arg4[%get3A_1315, %get3A_1316] : memref<16x16xf32, #tpu.memory_space<smem>>
    %mul3A_1318 = vector.broadcast %get3A_1317 : f32 to vector<512x256xf32>
    %mul3A_1319 = arith.mulf %max3A_958, %mul3A_1318 : vector<512x256xf32>
    %add3A_1320 = arith.addf %add3A_1314, %mul3A_1319 : vector<512x256xf32>
    %get3A_1321 = arith.constant 15 : index
    %get3A_1322 = arith.constant 2 : index
    %get3A_1323 = memref.load %arg4[%get3A_1321, %get3A_1322] : memref<16x16xf32, #tpu.memory_space<smem>>
    %mul3A_1324 = vector.broadcast %get3A_1323 : f32 to vector<512x256xf32>
    %mul3A_1325 = arith.mulf %max3A_1016, %mul3A_1324 : vector<512x256xf32>
    %add3A_1326 = arith.addf %add3A_1320, %mul3A_1325 : vector<512x256xf32>
    %get3A_1327 = arith.constant 0 : index
    %get3A_1328 = arith.constant 2 : index
    %get3A_1329 = memref.load %arg7[%get3A_1327, %get3A_1328] : memref<1x16xf32, #tpu.memory_space<smem>>
    %add3A_1330 = vector.broadcast %get3A_1329 : f32 to vector<512x256xf32>
    %add3A_1331 = arith.addf %add3A_1326, %add3A_1330 : vector<512x256xf32>
    %max3A_1332 = arith.constant 0.000000e+00 : f32
    %max3A_1333 = vector.broadcast %max3A_1332 : f32 to vector<512x256xf32>
    %max3A_1334 = arith.maximumf %add3A_1331, %max3A_1333 : vector<512x256xf32>
    %get3A_1335 = arith.constant 0 : index
    %get3A_1336 = arith.constant 3 : index
    %get3A_1337 = memref.load %arg4[%get3A_1335, %get3A_1336] : memref<16x16xf32, #tpu.memory_space<smem>>
    %mul3A_1338 = vector.broadcast %get3A_1337 : f32 to vector<512x256xf32>
    %mul3A_1339 = arith.mulf %max3A_146, %mul3A_1338 : vector<512x256xf32>
    %add3A_1340 = arith.constant 0.000000e+00 : f32
    %add3A_1341 = vector.broadcast %add3A_1340 : f32 to vector<512x256xf32>
    %add3A_1342 = arith.addf %add3A_1341, %mul3A_1339 : vector<512x256xf32>
    %get3A_1343 = arith.constant 1 : index
    %get3A_1344 = arith.constant 3 : index
    %get3A_1345 = memref.load %arg4[%get3A_1343, %get3A_1344] : memref<16x16xf32, #tpu.memory_space<smem>>
    %mul3A_1346 = vector.broadcast %get3A_1345 : f32 to vector<512x256xf32>
    %mul3A_1347 = arith.mulf %max3A_204, %mul3A_1346 : vector<512x256xf32>
    %add3A_1348 = arith.addf %add3A_1342, %mul3A_1347 : vector<512x256xf32>
    %get3A_1349 = arith.constant 2 : index
    %get3A_1350 = arith.constant 3 : index
    %get3A_1351 = memref.load %arg4[%get3A_1349, %get3A_1350] : memref<16x16xf32, #tpu.memory_space<smem>>
    %mul3A_1352 = vector.broadcast %get3A_1351 : f32 to vector<512x256xf32>
    %mul3A_1353 = arith.mulf %max3A_262, %mul3A_1352 : vector<512x256xf32>
    %add3A_1354 = arith.addf %add3A_1348, %mul3A_1353 : vector<512x256xf32>
    %get3A_1355 = arith.constant 3 : index
    %get3A_1356 = arith.constant 3 : index
    %get3A_1357 = memref.load %arg4[%get3A_1355, %get3A_1356] : memref<16x16xf32, #tpu.memory_space<smem>>
    %mul3A_1358 = vector.broadcast %get3A_1357 : f32 to vector<512x256xf32>
    %mul3A_1359 = arith.mulf %max3A_320, %mul3A_1358 : vector<512x256xf32>
    %add3A_1360 = arith.addf %add3A_1354, %mul3A_1359 : vector<512x256xf32>
    %get3A_1361 = arith.constant 4 : index
    %get3A_1362 = arith.constant 3 : index
    %get3A_1363 = memref.load %arg4[%get3A_1361, %get3A_1362] : memref<16x16xf32, #tpu.memory_space<smem>>
    %mul3A_1364 = vector.broadcast %get3A_1363 : f32 to vector<512x256xf32>
    %mul3A_1365 = arith.mulf %max3A_378, %mul3A_1364 : vector<512x256xf32>
    %add3A_1366 = arith.addf %add3A_1360, %mul3A_1365 : vector<512x256xf32>
    %get3A_1367 = arith.constant 5 : index
    %get3A_1368 = arith.constant 3 : index
    %get3A_1369 = memref.load %arg4[%get3A_1367, %get3A_1368] : memref<16x16xf32, #tpu.memory_space<smem>>
    %mul3A_1370 = vector.broadcast %get3A_1369 : f32 to vector<512x256xf32>
    %mul3A_1371 = arith.mulf %max3A_436, %mul3A_1370 : vector<512x256xf32>
    %add3A_1372 = arith.addf %add3A_1366, %mul3A_1371 : vector<512x256xf32>
    %get3A_1373 = arith.constant 6 : index
    %get3A_1374 = arith.constant 3 : index
    %get3A_1375 = memref.load %arg4[%get3A_1373, %get3A_1374] : memref<16x16xf32, #tpu.memory_space<smem>>
    %mul3A_1376 = vector.broadcast %get3A_1375 : f32 to vector<512x256xf32>
    %mul3A_1377 = arith.mulf %max3A_494, %mul3A_1376 : vector<512x256xf32>
    %add3A_1378 = arith.addf %add3A_1372, %mul3A_1377 : vector<512x256xf32>
    %get3A_1379 = arith.constant 7 : index
    %get3A_1380 = arith.constant 3 : index
    %get3A_1381 = memref.load %arg4[%get3A_1379, %get3A_1380] : memref<16x16xf32, #tpu.memory_space<smem>>
    %mul3A_1382 = vector.broadcast %get3A_1381 : f32 to vector<512x256xf32>
    %mul3A_1383 = arith.mulf %max3A_552, %mul3A_1382 : vector<512x256xf32>
    %add3A_1384 = arith.addf %add3A_1378, %mul3A_1383 : vector<512x256xf32>
    %get3A_1385 = arith.constant 8 : index
    %get3A_1386 = arith.constant 3 : index
    %get3A_1387 = memref.load %arg4[%get3A_1385, %get3A_1386] : memref<16x16xf32, #tpu.memory_space<smem>>
    %mul3A_1388 = vector.broadcast %get3A_1387 : f32 to vector<512x256xf32>
    %mul3A_1389 = arith.mulf %max3A_610, %mul3A_1388 : vector<512x256xf32>
    %add3A_1390 = arith.addf %add3A_1384, %mul3A_1389 : vector<512x256xf32>
    %get3A_1391 = arith.constant 9 : index
    %get3A_1392 = arith.constant 3 : index
    %get3A_1393 = memref.load %arg4[%get3A_1391, %get3A_1392] : memref<16x16xf32, #tpu.memory_space<smem>>
    %mul3A_1394 = vector.broadcast %get3A_1393 : f32 to vector<512x256xf32>
    %mul3A_1395 = arith.mulf %max3A_668, %mul3A_1394 : vector<512x256xf32>
    %add3A_1396 = arith.addf %add3A_1390, %mul3A_1395 : vector<512x256xf32>
    %get3A_1397 = arith.constant 10 : index
    %get3A_1398 = arith.constant 3 : index
    %get3A_1399 = memref.load %arg4[%get3A_1397, %get3A_1398] : memref<16x16xf32, #tpu.memory_space<smem>>
    %mul3A_1400 = vector.broadcast %get3A_1399 : f32 to vector<512x256xf32>
    %mul3A_1401 = arith.mulf %max3A_726, %mul3A_1400 : vector<512x256xf32>
    %add3A_1402 = arith.addf %add3A_1396, %mul3A_1401 : vector<512x256xf32>
    %get3A_1403 = arith.constant 11 : index
    %get3A_1404 = arith.constant 3 : index
    %get3A_1405 = memref.load %arg4[%get3A_1403, %get3A_1404] : memref<16x16xf32, #tpu.memory_space<smem>>
    %mul3A_1406 = vector.broadcast %get3A_1405 : f32 to vector<512x256xf32>
    %mul3A_1407 = arith.mulf %max3A_784, %mul3A_1406 : vector<512x256xf32>
    %add3A_1408 = arith.addf %add3A_1402, %mul3A_1407 : vector<512x256xf32>
    %get3A_1409 = arith.constant 12 : index
    %get3A_1410 = arith.constant 3 : index
    %get3A_1411 = memref.load %arg4[%get3A_1409, %get3A_1410] : memref<16x16xf32, #tpu.memory_space<smem>>
    %mul3A_1412 = vector.broadcast %get3A_1411 : f32 to vector<512x256xf32>
    %mul3A_1413 = arith.mulf %max3A_842, %mul3A_1412 : vector<512x256xf32>
    %add3A_1414 = arith.addf %add3A_1408, %mul3A_1413 : vector<512x256xf32>
    %get3A_1415 = arith.constant 13 : index
    %get3A_1416 = arith.constant 3 : index
    %get3A_1417 = memref.load %arg4[%get3A_1415, %get3A_1416] : memref<16x16xf32, #tpu.memory_space<smem>>
    %mul3A_1418 = vector.broadcast %get3A_1417 : f32 to vector<512x256xf32>
    %mul3A_1419 = arith.mulf %max3A_900, %mul3A_1418 : vector<512x256xf32>
    %add3A_1420 = arith.addf %add3A_1414, %mul3A_1419 : vector<512x256xf32>
    %get3A_1421 = arith.constant 14 : index
    %get3A_1422 = arith.constant 3 : index
    %get3A_1423 = memref.load %arg4[%get3A_1421, %get3A_1422] : memref<16x16xf32, #tpu.memory_space<smem>>
    %mul3A_1424 = vector.broadcast %get3A_1423 : f32 to vector<512x256xf32>
    %mul3A_1425 = arith.mulf %max3A_958, %mul3A_1424 : vector<512x256xf32>
    %add3A_1426 = arith.addf %add3A_1420, %mul3A_1425 : vector<512x256xf32>
    %get3A_1427 = arith.constant 15 : index
    %get3A_1428 = arith.constant 3 : index
    %get3A_1429 = memref.load %arg4[%get3A_1427, %get3A_1428] : memref<16x16xf32, #tpu.memory_space<smem>>
    %mul3A_1430 = vector.broadcast %get3A_1429 : f32 to vector<512x256xf32>
    %mul3A_1431 = arith.mulf %max3A_1016, %mul3A_1430 : vector<512x256xf32>
    %add3A_1432 = arith.addf %add3A_1426, %mul3A_1431 : vector<512x256xf32>
    %get3A_1433 = arith.constant 0 : index
    %get3A_1434 = arith.constant 3 : index
    %get3A_1435 = memref.load %arg7[%get3A_1433, %get3A_1434] : memref<1x16xf32, #tpu.memory_space<smem>>
    %add3A_1436 = vector.broadcast %get3A_1435 : f32 to vector<512x256xf32>
    %add3A_1437 = arith.addf %add3A_1432, %add3A_1436 : vector<512x256xf32>
    %max3A_1438 = arith.constant 0.000000e+00 : f32
    %max3A_1439 = vector.broadcast %max3A_1438 : f32 to vector<512x256xf32>
    %max3A_1440 = arith.maximumf %add3A_1437, %max3A_1439 : vector<512x256xf32>
    %get3A_1441 = arith.constant 0 : index
    %get3A_1442 = arith.constant 4 : index
    %get3A_1443 = memref.load %arg4[%get3A_1441, %get3A_1442] : memref<16x16xf32, #tpu.memory_space<smem>>
    %mul3A_1444 = vector.broadcast %get3A_1443 : f32 to vector<512x256xf32>
    %mul3A_1445 = arith.mulf %max3A_146, %mul3A_1444 : vector<512x256xf32>
    %add3A_1446 = arith.constant 0.000000e+00 : f32
    %add3A_1447 = vector.broadcast %add3A_1446 : f32 to vector<512x256xf32>
    %add3A_1448 = arith.addf %add3A_1447, %mul3A_1445 : vector<512x256xf32>
    %get3A_1449 = arith.constant 1 : index
    %get3A_1450 = arith.constant 4 : index
    %get3A_1451 = memref.load %arg4[%get3A_1449, %get3A_1450] : memref<16x16xf32, #tpu.memory_space<smem>>
    %mul3A_1452 = vector.broadcast %get3A_1451 : f32 to vector<512x256xf32>
    %mul3A_1453 = arith.mulf %max3A_204, %mul3A_1452 : vector<512x256xf32>
    %add3A_1454 = arith.addf %add3A_1448, %mul3A_1453 : vector<512x256xf32>
    %get3A_1455 = arith.constant 2 : index
    %get3A_1456 = arith.constant 4 : index
    %get3A_1457 = memref.load %arg4[%get3A_1455, %get3A_1456] : memref<16x16xf32, #tpu.memory_space<smem>>
    %mul3A_1458 = vector.broadcast %get3A_1457 : f32 to vector<512x256xf32>
    %mul3A_1459 = arith.mulf %max3A_262, %mul3A_1458 : vector<512x256xf32>
    %add3A_1460 = arith.addf %add3A_1454, %mul3A_1459 : vector<512x256xf32>
    %get3A_1461 = arith.constant 3 : index
    %get3A_1462 = arith.constant 4 : index
    %get3A_1463 = memref.load %arg4[%get3A_1461, %get3A_1462] : memref<16x16xf32, #tpu.memory_space<smem>>
    %mul3A_1464 = vector.broadcast %get3A_1463 : f32 to vector<512x256xf32>
    %mul3A_1465 = arith.mulf %max3A_320, %mul3A_1464 : vector<512x256xf32>
    %add3A_1466 = arith.addf %add3A_1460, %mul3A_1465 : vector<512x256xf32>
    %get3A_1467 = arith.constant 4 : index
    %get3A_1468 = arith.constant 4 : index
    %get3A_1469 = memref.load %arg4[%get3A_1467, %get3A_1468] : memref<16x16xf32, #tpu.memory_space<smem>>
    %mul3A_1470 = vector.broadcast %get3A_1469 : f32 to vector<512x256xf32>
    %mul3A_1471 = arith.mulf %max3A_378, %mul3A_1470 : vector<512x256xf32>
    %add3A_1472 = arith.addf %add3A_1466, %mul3A_1471 : vector<512x256xf32>
    %get3A_1473 = arith.constant 5 : index
    %get3A_1474 = arith.constant 4 : index
    %get3A_1475 = memref.load %arg4[%get3A_1473, %get3A_1474] : memref<16x16xf32, #tpu.memory_space<smem>>
    %mul3A_1476 = vector.broadcast %get3A_1475 : f32 to vector<512x256xf32>
    %mul3A_1477 = arith.mulf %max3A_436, %mul3A_1476 : vector<512x256xf32>
    %add3A_1478 = arith.addf %add3A_1472, %mul3A_1477 : vector<512x256xf32>
    %get3A_1479 = arith.constant 6 : index
    %get3A_1480 = arith.constant 4 : index
    %get3A_1481 = memref.load %arg4[%get3A_1479, %get3A_1480] : memref<16x16xf32, #tpu.memory_space<smem>>
    %mul3A_1482 = vector.broadcast %get3A_1481 : f32 to vector<512x256xf32>
    %mul3A_1483 = arith.mulf %max3A_494, %mul3A_1482 : vector<512x256xf32>
    %add3A_1484 = arith.addf %add3A_1478, %mul3A_1483 : vector<512x256xf32>
    %get3A_1485 = arith.constant 7 : index
    %get3A_1486 = arith.constant 4 : index
    %get3A_1487 = memref.load %arg4[%get3A_1485, %get3A_1486] : memref<16x16xf32, #tpu.memory_space<smem>>
    %mul3A_1488 = vector.broadcast %get3A_1487 : f32 to vector<512x256xf32>
    %mul3A_1489 = arith.mulf %max3A_552, %mul3A_1488 : vector<512x256xf32>
    %add3A_1490 = arith.addf %add3A_1484, %mul3A_1489 : vector<512x256xf32>
    %get3A_1491 = arith.constant 8 : index
    %get3A_1492 = arith.constant 4 : index
    %get3A_1493 = memref.load %arg4[%get3A_1491, %get3A_1492] : memref<16x16xf32, #tpu.memory_space<smem>>
    %mul3A_1494 = vector.broadcast %get3A_1493 : f32 to vector<512x256xf32>
    %mul3A_1495 = arith.mulf %max3A_610, %mul3A_1494 : vector<512x256xf32>
    %add3A_1496 = arith.addf %add3A_1490, %mul3A_1495 : vector<512x256xf32>
    %get3A_1497 = arith.constant 9 : index
    %get3A_1498 = arith.constant 4 : index
    %get3A_1499 = memref.load %arg4[%get3A_1497, %get3A_1498] : memref<16x16xf32, #tpu.memory_space<smem>>
    %mul3A_1500 = vector.broadcast %get3A_1499 : f32 to vector<512x256xf32>
    %mul3A_1501 = arith.mulf %max3A_668, %mul3A_1500 : vector<512x256xf32>
    %add3A_1502 = arith.addf %add3A_1496, %mul3A_1501 : vector<512x256xf32>
    %get3A_1503 = arith.constant 10 : index
    %get3A_1504 = arith.constant 4 : index
    %get3A_1505 = memref.load %arg4[%get3A_1503, %get3A_1504] : memref<16x16xf32, #tpu.memory_space<smem>>
    %mul3A_1506 = vector.broadcast %get3A_1505 : f32 to vector<512x256xf32>
    %mul3A_1507 = arith.mulf %max3A_726, %mul3A_1506 : vector<512x256xf32>
    %add3A_1508 = arith.addf %add3A_1502, %mul3A_1507 : vector<512x256xf32>
    %get3A_1509 = arith.constant 11 : index
    %get3A_1510 = arith.constant 4 : index
    %get3A_1511 = memref.load %arg4[%get3A_1509, %get3A_1510] : memref<16x16xf32, #tpu.memory_space<smem>>
    %mul3A_1512 = vector.broadcast %get3A_1511 : f32 to vector<512x256xf32>
    %mul3A_1513 = arith.mulf %max3A_784, %mul3A_1512 : vector<512x256xf32>
    %add3A_1514 = arith.addf %add3A_1508, %mul3A_1513 : vector<512x256xf32>
    %get3A_1515 = arith.constant 12 : index
    %get3A_1516 = arith.constant 4 : index
    %get3A_1517 = memref.load %arg4[%get3A_1515, %get3A_1516] : memref<16x16xf32, #tpu.memory_space<smem>>
    %mul3A_1518 = vector.broadcast %get3A_1517 : f32 to vector<512x256xf32>
    %mul3A_1519 = arith.mulf %max3A_842, %mul3A_1518 : vector<512x256xf32>
    %add3A_1520 = arith.addf %add3A_1514, %mul3A_1519 : vector<512x256xf32>
    %get3A_1521 = arith.constant 13 : index
    %get3A_1522 = arith.constant 4 : index
    %get3A_1523 = memref.load %arg4[%get3A_1521, %get3A_1522] : memref<16x16xf32, #tpu.memory_space<smem>>
    %mul3A_1524 = vector.broadcast %get3A_1523 : f32 to vector<512x256xf32>
    %mul3A_1525 = arith.mulf %max3A_900, %mul3A_1524 : vector<512x256xf32>
    %add3A_1526 = arith.addf %add3A_1520, %mul3A_1525 : vector<512x256xf32>
    %get3A_1527 = arith.constant 14 : index
    %get3A_1528 = arith.constant 4 : index
    %get3A_1529 = memref.load %arg4[%get3A_1527, %get3A_1528] : memref<16x16xf32, #tpu.memory_space<smem>>
    %mul3A_1530 = vector.broadcast %get3A_1529 : f32 to vector<512x256xf32>
    %mul3A_1531 = arith.mulf %max3A_958, %mul3A_1530 : vector<512x256xf32>
    %add3A_1532 = arith.addf %add3A_1526, %mul3A_1531 : vector<512x256xf32>
    %get3A_1533 = arith.constant 15 : index
    %get3A_1534 = arith.constant 4 : index
    %get3A_1535 = memref.load %arg4[%get3A_1533, %get3A_1534] : memref<16x16xf32, #tpu.memory_space<smem>>
    %mul3A_1536 = vector.broadcast %get3A_1535 : f32 to vector<512x256xf32>
    %mul3A_1537 = arith.mulf %max3A_1016, %mul3A_1536 : vector<512x256xf32>
    %add3A_1538 = arith.addf %add3A_1532, %mul3A_1537 : vector<512x256xf32>
    %get3A_1539 = arith.constant 0 : index
    %get3A_1540 = arith.constant 4 : index
    %get3A_1541 = memref.load %arg7[%get3A_1539, %get3A_1540] : memref<1x16xf32, #tpu.memory_space<smem>>
    %add3A_1542 = vector.broadcast %get3A_1541 : f32 to vector<512x256xf32>
    %add3A_1543 = arith.addf %add3A_1538, %add3A_1542 : vector<512x256xf32>
    %max3A_1544 = arith.constant 0.000000e+00 : f32
    %max3A_1545 = vector.broadcast %max3A_1544 : f32 to vector<512x256xf32>
    %max3A_1546 = arith.maximumf %add3A_1543, %max3A_1545 : vector<512x256xf32>
    %get3A_1547 = arith.constant 0 : index
    %get3A_1548 = arith.constant 5 : index
    %get3A_1549 = memref.load %arg4[%get3A_1547, %get3A_1548] : memref<16x16xf32, #tpu.memory_space<smem>>
    %mul3A_1550 = vector.broadcast %get3A_1549 : f32 to vector<512x256xf32>
    %mul3A_1551 = arith.mulf %max3A_146, %mul3A_1550 : vector<512x256xf32>
    %add3A_1552 = arith.constant 0.000000e+00 : f32
    %add3A_1553 = vector.broadcast %add3A_1552 : f32 to vector<512x256xf32>
    %add3A_1554 = arith.addf %add3A_1553, %mul3A_1551 : vector<512x256xf32>
    %get3A_1555 = arith.constant 1 : index
    %get3A_1556 = arith.constant 5 : index
    %get3A_1557 = memref.load %arg4[%get3A_1555, %get3A_1556] : memref<16x16xf32, #tpu.memory_space<smem>>
    %mul3A_1558 = vector.broadcast %get3A_1557 : f32 to vector<512x256xf32>
    %mul3A_1559 = arith.mulf %max3A_204, %mul3A_1558 : vector<512x256xf32>
    %add3A_1560 = arith.addf %add3A_1554, %mul3A_1559 : vector<512x256xf32>
    %get3A_1561 = arith.constant 2 : index
    %get3A_1562 = arith.constant 5 : index
    %get3A_1563 = memref.load %arg4[%get3A_1561, %get3A_1562] : memref<16x16xf32, #tpu.memory_space<smem>>
    %mul3A_1564 = vector.broadcast %get3A_1563 : f32 to vector<512x256xf32>
    %mul3A_1565 = arith.mulf %max3A_262, %mul3A_1564 : vector<512x256xf32>
    %add3A_1566 = arith.addf %add3A_1560, %mul3A_1565 : vector<512x256xf32>
    %get3A_1567 = arith.constant 3 : index
    %get3A_1568 = arith.constant 5 : index
    %get3A_1569 = memref.load %arg4[%get3A_1567, %get3A_1568] : memref<16x16xf32, #tpu.memory_space<smem>>
    %mul3A_1570 = vector.broadcast %get3A_1569 : f32 to vector<512x256xf32>
    %mul3A_1571 = arith.mulf %max3A_320, %mul3A_1570 : vector<512x256xf32>
    %add3A_1572 = arith.addf %add3A_1566, %mul3A_1571 : vector<512x256xf32>
    %get3A_1573 = arith.constant 4 : index
    %get3A_1574 = arith.constant 5 : index
    %get3A_1575 = memref.load %arg4[%get3A_1573, %get3A_1574] : memref<16x16xf32, #tpu.memory_space<smem>>
    %mul3A_1576 = vector.broadcast %get3A_1575 : f32 to vector<512x256xf32>
    %mul3A_1577 = arith.mulf %max3A_378, %mul3A_1576 : vector<512x256xf32>
    %add3A_1578 = arith.addf %add3A_1572, %mul3A_1577 : vector<512x256xf32>
    %get3A_1579 = arith.constant 5 : index
    %get3A_1580 = arith.constant 5 : index
    %get3A_1581 = memref.load %arg4[%get3A_1579, %get3A_1580] : memref<16x16xf32, #tpu.memory_space<smem>>
    %mul3A_1582 = vector.broadcast %get3A_1581 : f32 to vector<512x256xf32>
    %mul3A_1583 = arith.mulf %max3A_436, %mul3A_1582 : vector<512x256xf32>
    %add3A_1584 = arith.addf %add3A_1578, %mul3A_1583 : vector<512x256xf32>
    %get3A_1585 = arith.constant 6 : index
    %get3A_1586 = arith.constant 5 : index
    %get3A_1587 = memref.load %arg4[%get3A_1585, %get3A_1586] : memref<16x16xf32, #tpu.memory_space<smem>>
    %mul3A_1588 = vector.broadcast %get3A_1587 : f32 to vector<512x256xf32>
    %mul3A_1589 = arith.mulf %max3A_494, %mul3A_1588 : vector<512x256xf32>
    %add3A_1590 = arith.addf %add3A_1584, %mul3A_1589 : vector<512x256xf32>
    %get3A_1591 = arith.constant 7 : index
    %get3A_1592 = arith.constant 5 : index
    %get3A_1593 = memref.load %arg4[%get3A_1591, %get3A_1592] : memref<16x16xf32, #tpu.memory_space<smem>>
    %mul3A_1594 = vector.broadcast %get3A_1593 : f32 to vector<512x256xf32>
    %mul3A_1595 = arith.mulf %max3A_552, %mul3A_1594 : vector<512x256xf32>
    %add3A_1596 = arith.addf %add3A_1590, %mul3A_1595 : vector<512x256xf32>
    %get3A_1597 = arith.constant 8 : index
    %get3A_1598 = arith.constant 5 : index
    %get3A_1599 = memref.load %arg4[%get3A_1597, %get3A_1598] : memref<16x16xf32, #tpu.memory_space<smem>>
    %mul3A_1600 = vector.broadcast %get3A_1599 : f32 to vector<512x256xf32>
    %mul3A_1601 = arith.mulf %max3A_610, %mul3A_1600 : vector<512x256xf32>
    %add3A_1602 = arith.addf %add3A_1596, %mul3A_1601 : vector<512x256xf32>
    %get3A_1603 = arith.constant 9 : index
    %get3A_1604 = arith.constant 5 : index
    %get3A_1605 = memref.load %arg4[%get3A_1603, %get3A_1604] : memref<16x16xf32, #tpu.memory_space<smem>>
    %mul3A_1606 = vector.broadcast %get3A_1605 : f32 to vector<512x256xf32>
    %mul3A_1607 = arith.mulf %max3A_668, %mul3A_1606 : vector<512x256xf32>
    %add3A_1608 = arith.addf %add3A_1602, %mul3A_1607 : vector<512x256xf32>
    %get3A_1609 = arith.constant 10 : index
    %get3A_1610 = arith.constant 5 : index
    %get3A_1611 = memref.load %arg4[%get3A_1609, %get3A_1610] : memref<16x16xf32, #tpu.memory_space<smem>>
    %mul3A_1612 = vector.broadcast %get3A_1611 : f32 to vector<512x256xf32>
    %mul3A_1613 = arith.mulf %max3A_726, %mul3A_1612 : vector<512x256xf32>
    %add3A_1614 = arith.addf %add3A_1608, %mul3A_1613 : vector<512x256xf32>
    %get3A_1615 = arith.constant 11 : index
    %get3A_1616 = arith.constant 5 : index
    %get3A_1617 = memref.load %arg4[%get3A_1615, %get3A_1616] : memref<16x16xf32, #tpu.memory_space<smem>>
    %mul3A_1618 = vector.broadcast %get3A_1617 : f32 to vector<512x256xf32>
    %mul3A_1619 = arith.mulf %max3A_784, %mul3A_1618 : vector<512x256xf32>
    %add3A_1620 = arith.addf %add3A_1614, %mul3A_1619 : vector<512x256xf32>
    %get3A_1621 = arith.constant 12 : index
    %get3A_1622 = arith.constant 5 : index
    %get3A_1623 = memref.load %arg4[%get3A_1621, %get3A_1622] : memref<16x16xf32, #tpu.memory_space<smem>>
    %mul3A_1624 = vector.broadcast %get3A_1623 : f32 to vector<512x256xf32>
    %mul3A_1625 = arith.mulf %max3A_842, %mul3A_1624 : vector<512x256xf32>
    %add3A_1626 = arith.addf %add3A_1620, %mul3A_1625 : vector<512x256xf32>
    %get3A_1627 = arith.constant 13 : index
    %get3A_1628 = arith.constant 5 : index
    %get3A_1629 = memref.load %arg4[%get3A_1627, %get3A_1628] : memref<16x16xf32, #tpu.memory_space<smem>>
    %mul3A_1630 = vector.broadcast %get3A_1629 : f32 to vector<512x256xf32>
    %mul3A_1631 = arith.mulf %max3A_900, %mul3A_1630 : vector<512x256xf32>
    %add3A_1632 = arith.addf %add3A_1626, %mul3A_1631 : vector<512x256xf32>
    %get3A_1633 = arith.constant 14 : index
    %get3A_1634 = arith.constant 5 : index
    %get3A_1635 = memref.load %arg4[%get3A_1633, %get3A_1634] : memref<16x16xf32, #tpu.memory_space<smem>>
    %mul3A_1636 = vector.broadcast %get3A_1635 : f32 to vector<512x256xf32>
    %mul3A_1637 = arith.mulf %max3A_958, %mul3A_1636 : vector<512x256xf32>
    %add3A_1638 = arith.addf %add3A_1632, %mul3A_1637 : vector<512x256xf32>
    %get3A_1639 = arith.constant 15 : index
    %get3A_1640 = arith.constant 5 : index
    %get3A_1641 = memref.load %arg4[%get3A_1639, %get3A_1640] : memref<16x16xf32, #tpu.memory_space<smem>>
    %mul3A_1642 = vector.broadcast %get3A_1641 : f32 to vector<512x256xf32>
    %mul3A_1643 = arith.mulf %max3A_1016, %mul3A_1642 : vector<512x256xf32>
    %add3A_1644 = arith.addf %add3A_1638, %mul3A_1643 : vector<512x256xf32>
    %get3A_1645 = arith.constant 0 : index
    %get3A_1646 = arith.constant 5 : index
    %get3A_1647 = memref.load %arg7[%get3A_1645, %get3A_1646] : memref<1x16xf32, #tpu.memory_space<smem>>
    %add3A_1648 = vector.broadcast %get3A_1647 : f32 to vector<512x256xf32>
    %add3A_1649 = arith.addf %add3A_1644, %add3A_1648 : vector<512x256xf32>
    %max3A_1650 = arith.constant 0.000000e+00 : f32
    %max3A_1651 = vector.broadcast %max3A_1650 : f32 to vector<512x256xf32>
    %max3A_1652 = arith.maximumf %add3A_1649, %max3A_1651 : vector<512x256xf32>
    %get3A_1653 = arith.constant 0 : index
    %get3A_1654 = arith.constant 6 : index
    %get3A_1655 = memref.load %arg4[%get3A_1653, %get3A_1654] : memref<16x16xf32, #tpu.memory_space<smem>>
    %mul3A_1656 = vector.broadcast %get3A_1655 : f32 to vector<512x256xf32>
    %mul3A_1657 = arith.mulf %max3A_146, %mul3A_1656 : vector<512x256xf32>
    %add3A_1658 = arith.constant 0.000000e+00 : f32
    %add3A_1659 = vector.broadcast %add3A_1658 : f32 to vector<512x256xf32>
    %add3A_1660 = arith.addf %add3A_1659, %mul3A_1657 : vector<512x256xf32>
    %get3A_1661 = arith.constant 1 : index
    %get3A_1662 = arith.constant 6 : index
    %get3A_1663 = memref.load %arg4[%get3A_1661, %get3A_1662] : memref<16x16xf32, #tpu.memory_space<smem>>
    %mul3A_1664 = vector.broadcast %get3A_1663 : f32 to vector<512x256xf32>
    %mul3A_1665 = arith.mulf %max3A_204, %mul3A_1664 : vector<512x256xf32>
    %add3A_1666 = arith.addf %add3A_1660, %mul3A_1665 : vector<512x256xf32>
    %get3A_1667 = arith.constant 2 : index
    %get3A_1668 = arith.constant 6 : index
    %get3A_1669 = memref.load %arg4[%get3A_1667, %get3A_1668] : memref<16x16xf32, #tpu.memory_space<smem>>
    %mul3A_1670 = vector.broadcast %get3A_1669 : f32 to vector<512x256xf32>
    %mul3A_1671 = arith.mulf %max3A_262, %mul3A_1670 : vector<512x256xf32>
    %add3A_1672 = arith.addf %add3A_1666, %mul3A_1671 : vector<512x256xf32>
    %get3A_1673 = arith.constant 3 : index
    %get3A_1674 = arith.constant 6 : index
    %get3A_1675 = memref.load %arg4[%get3A_1673, %get3A_1674] : memref<16x16xf32, #tpu.memory_space<smem>>
    %mul3A_1676 = vector.broadcast %get3A_1675 : f32 to vector<512x256xf32>
    %mul3A_1677 = arith.mulf %max3A_320, %mul3A_1676 : vector<512x256xf32>
    %add3A_1678 = arith.addf %add3A_1672, %mul3A_1677 : vector<512x256xf32>
    %get3A_1679 = arith.constant 4 : index
    %get3A_1680 = arith.constant 6 : index
    %get3A_1681 = memref.load %arg4[%get3A_1679, %get3A_1680] : memref<16x16xf32, #tpu.memory_space<smem>>
    %mul3A_1682 = vector.broadcast %get3A_1681 : f32 to vector<512x256xf32>
    %mul3A_1683 = arith.mulf %max3A_378, %mul3A_1682 : vector<512x256xf32>
    %add3A_1684 = arith.addf %add3A_1678, %mul3A_1683 : vector<512x256xf32>
    %get3A_1685 = arith.constant 5 : index
    %get3A_1686 = arith.constant 6 : index
    %get3A_1687 = memref.load %arg4[%get3A_1685, %get3A_1686] : memref<16x16xf32, #tpu.memory_space<smem>>
    %mul3A_1688 = vector.broadcast %get3A_1687 : f32 to vector<512x256xf32>
    %mul3A_1689 = arith.mulf %max3A_436, %mul3A_1688 : vector<512x256xf32>
    %add3A_1690 = arith.addf %add3A_1684, %mul3A_1689 : vector<512x256xf32>
    %get3A_1691 = arith.constant 6 : index
    %get3A_1692 = arith.constant 6 : index
    %get3A_1693 = memref.load %arg4[%get3A_1691, %get3A_1692] : memref<16x16xf32, #tpu.memory_space<smem>>
    %mul3A_1694 = vector.broadcast %get3A_1693 : f32 to vector<512x256xf32>
    %mul3A_1695 = arith.mulf %max3A_494, %mul3A_1694 : vector<512x256xf32>
    %add3A_1696 = arith.addf %add3A_1690, %mul3A_1695 : vector<512x256xf32>
    %get3A_1697 = arith.constant 7 : index
    %get3A_1698 = arith.constant 6 : index
    %get3A_1699 = memref.load %arg4[%get3A_1697, %get3A_1698] : memref<16x16xf32, #tpu.memory_space<smem>>
    %mul3A_1700 = vector.broadcast %get3A_1699 : f32 to vector<512x256xf32>
    %mul3A_1701 = arith.mulf %max3A_552, %mul3A_1700 : vector<512x256xf32>
    %add3A_1702 = arith.addf %add3A_1696, %mul3A_1701 : vector<512x256xf32>
    %get3A_1703 = arith.constant 8 : index
    %get3A_1704 = arith.constant 6 : index
    %get3A_1705 = memref.load %arg4[%get3A_1703, %get3A_1704] : memref<16x16xf32, #tpu.memory_space<smem>>
    %mul3A_1706 = vector.broadcast %get3A_1705 : f32 to vector<512x256xf32>
    %mul3A_1707 = arith.mulf %max3A_610, %mul3A_1706 : vector<512x256xf32>
    %add3A_1708 = arith.addf %add3A_1702, %mul3A_1707 : vector<512x256xf32>
    %get3A_1709 = arith.constant 9 : index
    %get3A_1710 = arith.constant 6 : index
    %get3A_1711 = memref.load %arg4[%get3A_1709, %get3A_1710] : memref<16x16xf32, #tpu.memory_space<smem>>
    %mul3A_1712 = vector.broadcast %get3A_1711 : f32 to vector<512x256xf32>
    %mul3A_1713 = arith.mulf %max3A_668, %mul3A_1712 : vector<512x256xf32>
    %add3A_1714 = arith.addf %add3A_1708, %mul3A_1713 : vector<512x256xf32>
    %get3A_1715 = arith.constant 10 : index
    %get3A_1716 = arith.constant 6 : index
    %get3A_1717 = memref.load %arg4[%get3A_1715, %get3A_1716] : memref<16x16xf32, #tpu.memory_space<smem>>
    %mul3A_1718 = vector.broadcast %get3A_1717 : f32 to vector<512x256xf32>
    %mul3A_1719 = arith.mulf %max3A_726, %mul3A_1718 : vector<512x256xf32>
    %add3A_1720 = arith.addf %add3A_1714, %mul3A_1719 : vector<512x256xf32>
    %get3A_1721 = arith.constant 11 : index
    %get3A_1722 = arith.constant 6 : index
    %get3A_1723 = memref.load %arg4[%get3A_1721, %get3A_1722] : memref<16x16xf32, #tpu.memory_space<smem>>
    %mul3A_1724 = vector.broadcast %get3A_1723 : f32 to vector<512x256xf32>
    %mul3A_1725 = arith.mulf %max3A_784, %mul3A_1724 : vector<512x256xf32>
    %add3A_1726 = arith.addf %add3A_1720, %mul3A_1725 : vector<512x256xf32>
    %get3A_1727 = arith.constant 12 : index
    %get3A_1728 = arith.constant 6 : index
    %get3A_1729 = memref.load %arg4[%get3A_1727, %get3A_1728] : memref<16x16xf32, #tpu.memory_space<smem>>
    %mul3A_1730 = vector.broadcast %get3A_1729 : f32 to vector<512x256xf32>
    %mul3A_1731 = arith.mulf %max3A_842, %mul3A_1730 : vector<512x256xf32>
    %add3A_1732 = arith.addf %add3A_1726, %mul3A_1731 : vector<512x256xf32>
    %get3A_1733 = arith.constant 13 : index
    %get3A_1734 = arith.constant 6 : index
    %get3A_1735 = memref.load %arg4[%get3A_1733, %get3A_1734] : memref<16x16xf32, #tpu.memory_space<smem>>
    %mul3A_1736 = vector.broadcast %get3A_1735 : f32 to vector<512x256xf32>
    %mul3A_1737 = arith.mulf %max3A_900, %mul3A_1736 : vector<512x256xf32>
    %add3A_1738 = arith.addf %add3A_1732, %mul3A_1737 : vector<512x256xf32>
    %get3A_1739 = arith.constant 14 : index
    %get3A_1740 = arith.constant 6 : index
    %get3A_1741 = memref.load %arg4[%get3A_1739, %get3A_1740] : memref<16x16xf32, #tpu.memory_space<smem>>
    %mul3A_1742 = vector.broadcast %get3A_1741 : f32 to vector<512x256xf32>
    %mul3A_1743 = arith.mulf %max3A_958, %mul3A_1742 : vector<512x256xf32>
    %add3A_1744 = arith.addf %add3A_1738, %mul3A_1743 : vector<512x256xf32>
    %get3A_1745 = arith.constant 15 : index
    %get3A_1746 = arith.constant 6 : index
    %get3A_1747 = memref.load %arg4[%get3A_1745, %get3A_1746] : memref<16x16xf32, #tpu.memory_space<smem>>
    %mul3A_1748 = vector.broadcast %get3A_1747 : f32 to vector<512x256xf32>
    %mul3A_1749 = arith.mulf %max3A_1016, %mul3A_1748 : vector<512x256xf32>
    %add3A_1750 = arith.addf %add3A_1744, %mul3A_1749 : vector<512x256xf32>
    %get3A_1751 = arith.constant 0 : index
    %get3A_1752 = arith.constant 6 : index
    %get3A_1753 = memref.load %arg7[%get3A_1751, %get3A_1752] : memref<1x16xf32, #tpu.memory_space<smem>>
    %add3A_1754 = vector.broadcast %get3A_1753 : f32 to vector<512x256xf32>
    %add3A_1755 = arith.addf %add3A_1750, %add3A_1754 : vector<512x256xf32>
    %max3A_1756 = arith.constant 0.000000e+00 : f32
    %max3A_1757 = vector.broadcast %max3A_1756 : f32 to vector<512x256xf32>
    %max3A_1758 = arith.maximumf %add3A_1755, %max3A_1757 : vector<512x256xf32>
    %get3A_1759 = arith.constant 0 : index
    %get3A_1760 = arith.constant 7 : index
    %get3A_1761 = memref.load %arg4[%get3A_1759, %get3A_1760] : memref<16x16xf32, #tpu.memory_space<smem>>
    %mul3A_1762 = vector.broadcast %get3A_1761 : f32 to vector<512x256xf32>
    %mul3A_1763 = arith.mulf %max3A_146, %mul3A_1762 : vector<512x256xf32>
    %add3A_1764 = arith.constant 0.000000e+00 : f32
    %add3A_1765 = vector.broadcast %add3A_1764 : f32 to vector<512x256xf32>
    %add3A_1766 = arith.addf %add3A_1765, %mul3A_1763 : vector<512x256xf32>
    %get3A_1767 = arith.constant 1 : index
    %get3A_1768 = arith.constant 7 : index
    %get3A_1769 = memref.load %arg4[%get3A_1767, %get3A_1768] : memref<16x16xf32, #tpu.memory_space<smem>>
    %mul3A_1770 = vector.broadcast %get3A_1769 : f32 to vector<512x256xf32>
    %mul3A_1771 = arith.mulf %max3A_204, %mul3A_1770 : vector<512x256xf32>
    %add3A_1772 = arith.addf %add3A_1766, %mul3A_1771 : vector<512x256xf32>
    %get3A_1773 = arith.constant 2 : index
    %get3A_1774 = arith.constant 7 : index
    %get3A_1775 = memref.load %arg4[%get3A_1773, %get3A_1774] : memref<16x16xf32, #tpu.memory_space<smem>>
    %mul3A_1776 = vector.broadcast %get3A_1775 : f32 to vector<512x256xf32>
    %mul3A_1777 = arith.mulf %max3A_262, %mul3A_1776 : vector<512x256xf32>
    %add3A_1778 = arith.addf %add3A_1772, %mul3A_1777 : vector<512x256xf32>
    %get3A_1779 = arith.constant 3 : index
    %get3A_1780 = arith.constant 7 : index
    %get3A_1781 = memref.load %arg4[%get3A_1779, %get3A_1780] : memref<16x16xf32, #tpu.memory_space<smem>>
    %mul3A_1782 = vector.broadcast %get3A_1781 : f32 to vector<512x256xf32>
    %mul3A_1783 = arith.mulf %max3A_320, %mul3A_1782 : vector<512x256xf32>
    %add3A_1784 = arith.addf %add3A_1778, %mul3A_1783 : vector<512x256xf32>
    %get3A_1785 = arith.constant 4 : index
    %get3A_1786 = arith.constant 7 : index
    %get3A_1787 = memref.load %arg4[%get3A_1785, %get3A_1786] : memref<16x16xf32, #tpu.memory_space<smem>>
    %mul3A_1788 = vector.broadcast %get3A_1787 : f32 to vector<512x256xf32>
    %mul3A_1789 = arith.mulf %max3A_378, %mul3A_1788 : vector<512x256xf32>
    %add3A_1790 = arith.addf %add3A_1784, %mul3A_1789 : vector<512x256xf32>
    %get3A_1791 = arith.constant 5 : index
    %get3A_1792 = arith.constant 7 : index
    %get3A_1793 = memref.load %arg4[%get3A_1791, %get3A_1792] : memref<16x16xf32, #tpu.memory_space<smem>>
    %mul3A_1794 = vector.broadcast %get3A_1793 : f32 to vector<512x256xf32>
    %mul3A_1795 = arith.mulf %max3A_436, %mul3A_1794 : vector<512x256xf32>
    %add3A_1796 = arith.addf %add3A_1790, %mul3A_1795 : vector<512x256xf32>
    %get3A_1797 = arith.constant 6 : index
    %get3A_1798 = arith.constant 7 : index
    %get3A_1799 = memref.load %arg4[%get3A_1797, %get3A_1798] : memref<16x16xf32, #tpu.memory_space<smem>>
    %mul3A_1800 = vector.broadcast %get3A_1799 : f32 to vector<512x256xf32>
    %mul3A_1801 = arith.mulf %max3A_494, %mul3A_1800 : vector<512x256xf32>
    %add3A_1802 = arith.addf %add3A_1796, %mul3A_1801 : vector<512x256xf32>
    %get3A_1803 = arith.constant 7 : index
    %get3A_1804 = arith.constant 7 : index
    %get3A_1805 = memref.load %arg4[%get3A_1803, %get3A_1804] : memref<16x16xf32, #tpu.memory_space<smem>>
    %mul3A_1806 = vector.broadcast %get3A_1805 : f32 to vector<512x256xf32>
    %mul3A_1807 = arith.mulf %max3A_552, %mul3A_1806 : vector<512x256xf32>
    %add3A_1808 = arith.addf %add3A_1802, %mul3A_1807 : vector<512x256xf32>
    %get3A_1809 = arith.constant 8 : index
    %get3A_1810 = arith.constant 7 : index
    %get3A_1811 = memref.load %arg4[%get3A_1809, %get3A_1810] : memref<16x16xf32, #tpu.memory_space<smem>>
    %mul3A_1812 = vector.broadcast %get3A_1811 : f32 to vector<512x256xf32>
    %mul3A_1813 = arith.mulf %max3A_610, %mul3A_1812 : vector<512x256xf32>
    %add3A_1814 = arith.addf %add3A_1808, %mul3A_1813 : vector<512x256xf32>
    %get3A_1815 = arith.constant 9 : index
    %get3A_1816 = arith.constant 7 : index
    %get3A_1817 = memref.load %arg4[%get3A_1815, %get3A_1816] : memref<16x16xf32, #tpu.memory_space<smem>>
    %mul3A_1818 = vector.broadcast %get3A_1817 : f32 to vector<512x256xf32>
    %mul3A_1819 = arith.mulf %max3A_668, %mul3A_1818 : vector<512x256xf32>
    %add3A_1820 = arith.addf %add3A_1814, %mul3A_1819 : vector<512x256xf32>
    %get3A_1821 = arith.constant 10 : index
    %get3A_1822 = arith.constant 7 : index
    %get3A_1823 = memref.load %arg4[%get3A_1821, %get3A_1822] : memref<16x16xf32, #tpu.memory_space<smem>>
    %mul3A_1824 = vector.broadcast %get3A_1823 : f32 to vector<512x256xf32>
    %mul3A_1825 = arith.mulf %max3A_726, %mul3A_1824 : vector<512x256xf32>
    %add3A_1826 = arith.addf %add3A_1820, %mul3A_1825 : vector<512x256xf32>
    %get3A_1827 = arith.constant 11 : index
    %get3A_1828 = arith.constant 7 : index
    %get3A_1829 = memref.load %arg4[%get3A_1827, %get3A_1828] : memref<16x16xf32, #tpu.memory_space<smem>>
    %mul3A_1830 = vector.broadcast %get3A_1829 : f32 to vector<512x256xf32>
    %mul3A_1831 = arith.mulf %max3A_784, %mul3A_1830 : vector<512x256xf32>
    %add3A_1832 = arith.addf %add3A_1826, %mul3A_1831 : vector<512x256xf32>
    %get3A_1833 = arith.constant 12 : index
    %get3A_1834 = arith.constant 7 : index
    %get3A_1835 = memref.load %arg4[%get3A_1833, %get3A_1834] : memref<16x16xf32, #tpu.memory_space<smem>>
    %mul3A_1836 = vector.broadcast %get3A_1835 : f32 to vector<512x256xf32>
    %mul3A_1837 = arith.mulf %max3A_842, %mul3A_1836 : vector<512x256xf32>
    %add3A_1838 = arith.addf %add3A_1832, %mul3A_1837 : vector<512x256xf32>
    %get3A_1839 = arith.constant 13 : index
    %get3A_1840 = arith.constant 7 : index
    %get3A_1841 = memref.load %arg4[%get3A_1839, %get3A_1840] : memref<16x16xf32, #tpu.memory_space<smem>>
    %mul3A_1842 = vector.broadcast %get3A_1841 : f32 to vector<512x256xf32>
    %mul3A_1843 = arith.mulf %max3A_900, %mul3A_1842 : vector<512x256xf32>
    %add3A_1844 = arith.addf %add3A_1838, %mul3A_1843 : vector<512x256xf32>
    %get3A_1845 = arith.constant 14 : index
    %get3A_1846 = arith.constant 7 : index
    %get3A_1847 = memref.load %arg4[%get3A_1845, %get3A_1846] : memref<16x16xf32, #tpu.memory_space<smem>>
    %mul3A_1848 = vector.broadcast %get3A_1847 : f32 to vector<512x256xf32>
    %mul3A_1849 = arith.mulf %max3A_958, %mul3A_1848 : vector<512x256xf32>
    %add3A_1850 = arith.addf %add3A_1844, %mul3A_1849 : vector<512x256xf32>
    %get3A_1851 = arith.constant 15 : index
    %get3A_1852 = arith.constant 7 : index
    %get3A_1853 = memref.load %arg4[%get3A_1851, %get3A_1852] : memref<16x16xf32, #tpu.memory_space<smem>>
    %mul3A_1854 = vector.broadcast %get3A_1853 : f32 to vector<512x256xf32>
    %mul3A_1855 = arith.mulf %max3A_1016, %mul3A_1854 : vector<512x256xf32>
    %add3A_1856 = arith.addf %add3A_1850, %mul3A_1855 : vector<512x256xf32>
    %get3A_1857 = arith.constant 0 : index
    %get3A_1858 = arith.constant 7 : index
    %get3A_1859 = memref.load %arg7[%get3A_1857, %get3A_1858] : memref<1x16xf32, #tpu.memory_space<smem>>
    %add3A_1860 = vector.broadcast %get3A_1859 : f32 to vector<512x256xf32>
    %add3A_1861 = arith.addf %add3A_1856, %add3A_1860 : vector<512x256xf32>
    %max3A_1862 = arith.constant 0.000000e+00 : f32
    %max3A_1863 = vector.broadcast %max3A_1862 : f32 to vector<512x256xf32>
    %max3A_1864 = arith.maximumf %add3A_1861, %max3A_1863 : vector<512x256xf32>
    %get3A_1865 = arith.constant 0 : index
    %get3A_1866 = arith.constant 8 : index
    %get3A_1867 = memref.load %arg4[%get3A_1865, %get3A_1866] : memref<16x16xf32, #tpu.memory_space<smem>>
    %mul3A_1868 = vector.broadcast %get3A_1867 : f32 to vector<512x256xf32>
    %mul3A_1869 = arith.mulf %max3A_146, %mul3A_1868 : vector<512x256xf32>
    %add3A_1870 = arith.constant 0.000000e+00 : f32
    %add3A_1871 = vector.broadcast %add3A_1870 : f32 to vector<512x256xf32>
    %add3A_1872 = arith.addf %add3A_1871, %mul3A_1869 : vector<512x256xf32>
    %get3A_1873 = arith.constant 1 : index
    %get3A_1874 = arith.constant 8 : index
    %get3A_1875 = memref.load %arg4[%get3A_1873, %get3A_1874] : memref<16x16xf32, #tpu.memory_space<smem>>
    %mul3A_1876 = vector.broadcast %get3A_1875 : f32 to vector<512x256xf32>
    %mul3A_1877 = arith.mulf %max3A_204, %mul3A_1876 : vector<512x256xf32>
    %add3A_1878 = arith.addf %add3A_1872, %mul3A_1877 : vector<512x256xf32>
    %get3A_1879 = arith.constant 2 : index
    %get3A_1880 = arith.constant 8 : index
    %get3A_1881 = memref.load %arg4[%get3A_1879, %get3A_1880] : memref<16x16xf32, #tpu.memory_space<smem>>
    %mul3A_1882 = vector.broadcast %get3A_1881 : f32 to vector<512x256xf32>
    %mul3A_1883 = arith.mulf %max3A_262, %mul3A_1882 : vector<512x256xf32>
    %add3A_1884 = arith.addf %add3A_1878, %mul3A_1883 : vector<512x256xf32>
    %get3A_1885 = arith.constant 3 : index
    %get3A_1886 = arith.constant 8 : index
    %get3A_1887 = memref.load %arg4[%get3A_1885, %get3A_1886] : memref<16x16xf32, #tpu.memory_space<smem>>
    %mul3A_1888 = vector.broadcast %get3A_1887 : f32 to vector<512x256xf32>
    %mul3A_1889 = arith.mulf %max3A_320, %mul3A_1888 : vector<512x256xf32>
    %add3A_1890 = arith.addf %add3A_1884, %mul3A_1889 : vector<512x256xf32>
    %get3A_1891 = arith.constant 4 : index
    %get3A_1892 = arith.constant 8 : index
    %get3A_1893 = memref.load %arg4[%get3A_1891, %get3A_1892] : memref<16x16xf32, #tpu.memory_space<smem>>
    %mul3A_1894 = vector.broadcast %get3A_1893 : f32 to vector<512x256xf32>
    %mul3A_1895 = arith.mulf %max3A_378, %mul3A_1894 : vector<512x256xf32>
    %add3A_1896 = arith.addf %add3A_1890, %mul3A_1895 : vector<512x256xf32>
    %get3A_1897 = arith.constant 5 : index
    %get3A_1898 = arith.constant 8 : index
    %get3A_1899 = memref.load %arg4[%get3A_1897, %get3A_1898] : memref<16x16xf32, #tpu.memory_space<smem>>
    %mul3A_1900 = vector.broadcast %get3A_1899 : f32 to vector<512x256xf32>
    %mul3A_1901 = arith.mulf %max3A_436, %mul3A_1900 : vector<512x256xf32>
    %add3A_1902 = arith.addf %add3A_1896, %mul3A_1901 : vector<512x256xf32>
    %get3A_1903 = arith.constant 6 : index
    %get3A_1904 = arith.constant 8 : index
    %get3A_1905 = memref.load %arg4[%get3A_1903, %get3A_1904] : memref<16x16xf32, #tpu.memory_space<smem>>
    %mul3A_1906 = vector.broadcast %get3A_1905 : f32 to vector<512x256xf32>
    %mul3A_1907 = arith.mulf %max3A_494, %mul3A_1906 : vector<512x256xf32>
    %add3A_1908 = arith.addf %add3A_1902, %mul3A_1907 : vector<512x256xf32>
    %get3A_1909 = arith.constant 7 : index
    %get3A_1910 = arith.constant 8 : index
    %get3A_1911 = memref.load %arg4[%get3A_1909, %get3A_1910] : memref<16x16xf32, #tpu.memory_space<smem>>
    %mul3A_1912 = vector.broadcast %get3A_1911 : f32 to vector<512x256xf32>
    %mul3A_1913 = arith.mulf %max3A_552, %mul3A_1912 : vector<512x256xf32>
    %add3A_1914 = arith.addf %add3A_1908, %mul3A_1913 : vector<512x256xf32>
    %get3A_1915 = arith.constant 8 : index
    %get3A_1916 = arith.constant 8 : index
    %get3A_1917 = memref.load %arg4[%get3A_1915, %get3A_1916] : memref<16x16xf32, #tpu.memory_space<smem>>
    %mul3A_1918 = vector.broadcast %get3A_1917 : f32 to vector<512x256xf32>
    %mul3A_1919 = arith.mulf %max3A_610, %mul3A_1918 : vector<512x256xf32>
    %add3A_1920 = arith.addf %add3A_1914, %mul3A_1919 : vector<512x256xf32>
    %get3A_1921 = arith.constant 9 : index
    %get3A_1922 = arith.constant 8 : index
    %get3A_1923 = memref.load %arg4[%get3A_1921, %get3A_1922] : memref<16x16xf32, #tpu.memory_space<smem>>
    %mul3A_1924 = vector.broadcast %get3A_1923 : f32 to vector<512x256xf32>
    %mul3A_1925 = arith.mulf %max3A_668, %mul3A_1924 : vector<512x256xf32>
    %add3A_1926 = arith.addf %add3A_1920, %mul3A_1925 : vector<512x256xf32>
    %get3A_1927 = arith.constant 10 : index
    %get3A_1928 = arith.constant 8 : index
    %get3A_1929 = memref.load %arg4[%get3A_1927, %get3A_1928] : memref<16x16xf32, #tpu.memory_space<smem>>
    %mul3A_1930 = vector.broadcast %get3A_1929 : f32 to vector<512x256xf32>
    %mul3A_1931 = arith.mulf %max3A_726, %mul3A_1930 : vector<512x256xf32>
    %add3A_1932 = arith.addf %add3A_1926, %mul3A_1931 : vector<512x256xf32>
    %get3A_1933 = arith.constant 11 : index
    %get3A_1934 = arith.constant 8 : index
    %get3A_1935 = memref.load %arg4[%get3A_1933, %get3A_1934] : memref<16x16xf32, #tpu.memory_space<smem>>
    %mul3A_1936 = vector.broadcast %get3A_1935 : f32 to vector<512x256xf32>
    %mul3A_1937 = arith.mulf %max3A_784, %mul3A_1936 : vector<512x256xf32>
    %add3A_1938 = arith.addf %add3A_1932, %mul3A_1937 : vector<512x256xf32>
    %get3A_1939 = arith.constant 12 : index
    %get3A_1940 = arith.constant 8 : index
    %get3A_1941 = memref.load %arg4[%get3A_1939, %get3A_1940] : memref<16x16xf32, #tpu.memory_space<smem>>
    %mul3A_1942 = vector.broadcast %get3A_1941 : f32 to vector<512x256xf32>
    %mul3A_1943 = arith.mulf %max3A_842, %mul3A_1942 : vector<512x256xf32>
    %add3A_1944 = arith.addf %add3A_1938, %mul3A_1943 : vector<512x256xf32>
    %get3A_1945 = arith.constant 13 : index
    %get3A_1946 = arith.constant 8 : index
    %get3A_1947 = memref.load %arg4[%get3A_1945, %get3A_1946] : memref<16x16xf32, #tpu.memory_space<smem>>
    %mul3A_1948 = vector.broadcast %get3A_1947 : f32 to vector<512x256xf32>
    %mul3A_1949 = arith.mulf %max3A_900, %mul3A_1948 : vector<512x256xf32>
    %add3A_1950 = arith.addf %add3A_1944, %mul3A_1949 : vector<512x256xf32>
    %get3A_1951 = arith.constant 14 : index
    %get3A_1952 = arith.constant 8 : index
    %get3A_1953 = memref.load %arg4[%get3A_1951, %get3A_1952] : memref<16x16xf32, #tpu.memory_space<smem>>
    %mul3A_1954 = vector.broadcast %get3A_1953 : f32 to vector<512x256xf32>
    %mul3A_1955 = arith.mulf %max3A_958, %mul3A_1954 : vector<512x256xf32>
    %add3A_1956 = arith.addf %add3A_1950, %mul3A_1955 : vector<512x256xf32>
    %get3A_1957 = arith.constant 15 : index
    %get3A_1958 = arith.constant 8 : index
    %get3A_1959 = memref.load %arg4[%get3A_1957, %get3A_1958] : memref<16x16xf32, #tpu.memory_space<smem>>
    %mul3A_1960 = vector.broadcast %get3A_1959 : f32 to vector<512x256xf32>
    %mul3A_1961 = arith.mulf %max3A_1016, %mul3A_1960 : vector<512x256xf32>
    %add3A_1962 = arith.addf %add3A_1956, %mul3A_1961 : vector<512x256xf32>
    %get3A_1963 = arith.constant 0 : index
    %get3A_1964 = arith.constant 8 : index
    %get3A_1965 = memref.load %arg7[%get3A_1963, %get3A_1964] : memref<1x16xf32, #tpu.memory_space<smem>>
    %add3A_1966 = vector.broadcast %get3A_1965 : f32 to vector<512x256xf32>
    %add3A_1967 = arith.addf %add3A_1962, %add3A_1966 : vector<512x256xf32>
    %max3A_1968 = arith.constant 0.000000e+00 : f32
    %max3A_1969 = vector.broadcast %max3A_1968 : f32 to vector<512x256xf32>
    %max3A_1970 = arith.maximumf %add3A_1967, %max3A_1969 : vector<512x256xf32>
    %get3A_1971 = arith.constant 0 : index
    %get3A_1972 = arith.constant 9 : index
    %get3A_1973 = memref.load %arg4[%get3A_1971, %get3A_1972] : memref<16x16xf32, #tpu.memory_space<smem>>
    %mul3A_1974 = vector.broadcast %get3A_1973 : f32 to vector<512x256xf32>
    %mul3A_1975 = arith.mulf %max3A_146, %mul3A_1974 : vector<512x256xf32>
    %add3A_1976 = arith.constant 0.000000e+00 : f32
    %add3A_1977 = vector.broadcast %add3A_1976 : f32 to vector<512x256xf32>
    %add3A_1978 = arith.addf %add3A_1977, %mul3A_1975 : vector<512x256xf32>
    %get3A_1979 = arith.constant 1 : index
    %get3A_1980 = arith.constant 9 : index
    %get3A_1981 = memref.load %arg4[%get3A_1979, %get3A_1980] : memref<16x16xf32, #tpu.memory_space<smem>>
    %mul3A_1982 = vector.broadcast %get3A_1981 : f32 to vector<512x256xf32>
    %mul3A_1983 = arith.mulf %max3A_204, %mul3A_1982 : vector<512x256xf32>
    %add3A_1984 = arith.addf %add3A_1978, %mul3A_1983 : vector<512x256xf32>
    %get3A_1985 = arith.constant 2 : index
    %get3A_1986 = arith.constant 9 : index
    %get3A_1987 = memref.load %arg4[%get3A_1985, %get3A_1986] : memref<16x16xf32, #tpu.memory_space<smem>>
    %mul3A_1988 = vector.broadcast %get3A_1987 : f32 to vector<512x256xf32>
    %mul3A_1989 = arith.mulf %max3A_262, %mul3A_1988 : vector<512x256xf32>
    %add3A_1990 = arith.addf %add3A_1984, %mul3A_1989 : vector<512x256xf32>
    %get3A_1991 = arith.constant 3 : index
    %get3A_1992 = arith.constant 9 : index
    %get3A_1993 = memref.load %arg4[%get3A_1991, %get3A_1992] : memref<16x16xf32, #tpu.memory_space<smem>>
    %mul3A_1994 = vector.broadcast %get3A_1993 : f32 to vector<512x256xf32>
    %mul3A_1995 = arith.mulf %max3A_320, %mul3A_1994 : vector<512x256xf32>
    %add3A_1996 = arith.addf %add3A_1990, %mul3A_1995 : vector<512x256xf32>
    %get3A_1997 = arith.constant 4 : index
    %get3A_1998 = arith.constant 9 : index
    %get3A_1999 = memref.load %arg4[%get3A_1997, %get3A_1998] : memref<16x16xf32, #tpu.memory_space<smem>>
    %mul3A_2000 = vector.broadcast %get3A_1999 : f32 to vector<512x256xf32>
    %mul3A_2001 = arith.mulf %max3A_378, %mul3A_2000 : vector<512x256xf32>
    %add3A_2002 = arith.addf %add3A_1996, %mul3A_2001 : vector<512x256xf32>
    %get3A_2003 = arith.constant 5 : index
    %get3A_2004 = arith.constant 9 : index
    %get3A_2005 = memref.load %arg4[%get3A_2003, %get3A_2004] : memref<16x16xf32, #tpu.memory_space<smem>>
    %mul3A_2006 = vector.broadcast %get3A_2005 : f32 to vector<512x256xf32>
    %mul3A_2007 = arith.mulf %max3A_436, %mul3A_2006 : vector<512x256xf32>
    %add3A_2008 = arith.addf %add3A_2002, %mul3A_2007 : vector<512x256xf32>
    %get3A_2009 = arith.constant 6 : index
    %get3A_2010 = arith.constant 9 : index
    %get3A_2011 = memref.load %arg4[%get3A_2009, %get3A_2010] : memref<16x16xf32, #tpu.memory_space<smem>>
    %mul3A_2012 = vector.broadcast %get3A_2011 : f32 to vector<512x256xf32>
    %mul3A_2013 = arith.mulf %max3A_494, %mul3A_2012 : vector<512x256xf32>
    %add3A_2014 = arith.addf %add3A_2008, %mul3A_2013 : vector<512x256xf32>
    %get3A_2015 = arith.constant 7 : index
    %get3A_2016 = arith.constant 9 : index
    %get3A_2017 = memref.load %arg4[%get3A_2015, %get3A_2016] : memref<16x16xf32, #tpu.memory_space<smem>>
    %mul3A_2018 = vector.broadcast %get3A_2017 : f32 to vector<512x256xf32>
    %mul3A_2019 = arith.mulf %max3A_552, %mul3A_2018 : vector<512x256xf32>
    %add3A_2020 = arith.addf %add3A_2014, %mul3A_2019 : vector<512x256xf32>
    %get3A_2021 = arith.constant 8 : index
    %get3A_2022 = arith.constant 9 : index
    %get3A_2023 = memref.load %arg4[%get3A_2021, %get3A_2022] : memref<16x16xf32, #tpu.memory_space<smem>>
    %mul3A_2024 = vector.broadcast %get3A_2023 : f32 to vector<512x256xf32>
    %mul3A_2025 = arith.mulf %max3A_610, %mul3A_2024 : vector<512x256xf32>
    %add3A_2026 = arith.addf %add3A_2020, %mul3A_2025 : vector<512x256xf32>
    %get3A_2027 = arith.constant 9 : index
    %get3A_2028 = arith.constant 9 : index
    %get3A_2029 = memref.load %arg4[%get3A_2027, %get3A_2028] : memref<16x16xf32, #tpu.memory_space<smem>>
    %mul3A_2030 = vector.broadcast %get3A_2029 : f32 to vector<512x256xf32>
    %mul3A_2031 = arith.mulf %max3A_668, %mul3A_2030 : vector<512x256xf32>
    %add3A_2032 = arith.addf %add3A_2026, %mul3A_2031 : vector<512x256xf32>
    %get3A_2033 = arith.constant 10 : index
    %get3A_2034 = arith.constant 9 : index
    %get3A_2035 = memref.load %arg4[%get3A_2033, %get3A_2034] : memref<16x16xf32, #tpu.memory_space<smem>>
    %mul3A_2036 = vector.broadcast %get3A_2035 : f32 to vector<512x256xf32>
    %mul3A_2037 = arith.mulf %max3A_726, %mul3A_2036 : vector<512x256xf32>
    %add3A_2038 = arith.addf %add3A_2032, %mul3A_2037 : vector<512x256xf32>
    %get3A_2039 = arith.constant 11 : index
    %get3A_2040 = arith.constant 9 : index
    %get3A_2041 = memref.load %arg4[%get3A_2039, %get3A_2040] : memref<16x16xf32, #tpu.memory_space<smem>>
    %mul3A_2042 = vector.broadcast %get3A_2041 : f32 to vector<512x256xf32>
    %mul3A_2043 = arith.mulf %max3A_784, %mul3A_2042 : vector<512x256xf32>
    %add3A_2044 = arith.addf %add3A_2038, %mul3A_2043 : vector<512x256xf32>
    %get3A_2045 = arith.constant 12 : index
    %get3A_2046 = arith.constant 9 : index
    %get3A_2047 = memref.load %arg4[%get3A_2045, %get3A_2046] : memref<16x16xf32, #tpu.memory_space<smem>>
    %mul3A_2048 = vector.broadcast %get3A_2047 : f32 to vector<512x256xf32>
    %mul3A_2049 = arith.mulf %max3A_842, %mul3A_2048 : vector<512x256xf32>
    %add3A_2050 = arith.addf %add3A_2044, %mul3A_2049 : vector<512x256xf32>
    %get3A_2051 = arith.constant 13 : index
    %get3A_2052 = arith.constant 9 : index
    %get3A_2053 = memref.load %arg4[%get3A_2051, %get3A_2052] : memref<16x16xf32, #tpu.memory_space<smem>>
    %mul3A_2054 = vector.broadcast %get3A_2053 : f32 to vector<512x256xf32>
    %mul3A_2055 = arith.mulf %max3A_900, %mul3A_2054 : vector<512x256xf32>
    %add3A_2056 = arith.addf %add3A_2050, %mul3A_2055 : vector<512x256xf32>
    %get3A_2057 = arith.constant 14 : index
    %get3A_2058 = arith.constant 9 : index
    %get3A_2059 = memref.load %arg4[%get3A_2057, %get3A_2058] : memref<16x16xf32, #tpu.memory_space<smem>>
    %mul3A_2060 = vector.broadcast %get3A_2059 : f32 to vector<512x256xf32>
    %mul3A_2061 = arith.mulf %max3A_958, %mul3A_2060 : vector<512x256xf32>
    %add3A_2062 = arith.addf %add3A_2056, %mul3A_2061 : vector<512x256xf32>
    %get3A_2063 = arith.constant 15 : index
    %get3A_2064 = arith.constant 9 : index
    %get3A_2065 = memref.load %arg4[%get3A_2063, %get3A_2064] : memref<16x16xf32, #tpu.memory_space<smem>>
    %mul3A_2066 = vector.broadcast %get3A_2065 : f32 to vector<512x256xf32>
    %mul3A_2067 = arith.mulf %max3A_1016, %mul3A_2066 : vector<512x256xf32>
    %add3A_2068 = arith.addf %add3A_2062, %mul3A_2067 : vector<512x256xf32>
    %get3A_2069 = arith.constant 0 : index
    %get3A_2070 = arith.constant 9 : index
    %get3A_2071 = memref.load %arg7[%get3A_2069, %get3A_2070] : memref<1x16xf32, #tpu.memory_space<smem>>
    %add3A_2072 = vector.broadcast %get3A_2071 : f32 to vector<512x256xf32>
    %add3A_2073 = arith.addf %add3A_2068, %add3A_2072 : vector<512x256xf32>
    %max3A_2074 = arith.constant 0.000000e+00 : f32
    %max3A_2075 = vector.broadcast %max3A_2074 : f32 to vector<512x256xf32>
    %max3A_2076 = arith.maximumf %add3A_2073, %max3A_2075 : vector<512x256xf32>
    %get3A_2077 = arith.constant 0 : index
    %get3A_2078 = arith.constant 10 : index
    %get3A_2079 = memref.load %arg4[%get3A_2077, %get3A_2078] : memref<16x16xf32, #tpu.memory_space<smem>>
    %mul3A_2080 = vector.broadcast %get3A_2079 : f32 to vector<512x256xf32>
    %mul3A_2081 = arith.mulf %max3A_146, %mul3A_2080 : vector<512x256xf32>
    %add3A_2082 = arith.constant 0.000000e+00 : f32
    %add3A_2083 = vector.broadcast %add3A_2082 : f32 to vector<512x256xf32>
    %add3A_2084 = arith.addf %add3A_2083, %mul3A_2081 : vector<512x256xf32>
    %get3A_2085 = arith.constant 1 : index
    %get3A_2086 = arith.constant 10 : index
    %get3A_2087 = memref.load %arg4[%get3A_2085, %get3A_2086] : memref<16x16xf32, #tpu.memory_space<smem>>
    %mul3A_2088 = vector.broadcast %get3A_2087 : f32 to vector<512x256xf32>
    %mul3A_2089 = arith.mulf %max3A_204, %mul3A_2088 : vector<512x256xf32>
    %add3A_2090 = arith.addf %add3A_2084, %mul3A_2089 : vector<512x256xf32>
    %get3A_2091 = arith.constant 2 : index
    %get3A_2092 = arith.constant 10 : index
    %get3A_2093 = memref.load %arg4[%get3A_2091, %get3A_2092] : memref<16x16xf32, #tpu.memory_space<smem>>
    %mul3A_2094 = vector.broadcast %get3A_2093 : f32 to vector<512x256xf32>
    %mul3A_2095 = arith.mulf %max3A_262, %mul3A_2094 : vector<512x256xf32>
    %add3A_2096 = arith.addf %add3A_2090, %mul3A_2095 : vector<512x256xf32>
    %get3A_2097 = arith.constant 3 : index
    %get3A_2098 = arith.constant 10 : index
    %get3A_2099 = memref.load %arg4[%get3A_2097, %get3A_2098] : memref<16x16xf32, #tpu.memory_space<smem>>
    %mul3A_2100 = vector.broadcast %get3A_2099 : f32 to vector<512x256xf32>
    %mul3A_2101 = arith.mulf %max3A_320, %mul3A_2100 : vector<512x256xf32>
    %add3A_2102 = arith.addf %add3A_2096, %mul3A_2101 : vector<512x256xf32>
    %get3A_2103 = arith.constant 4 : index
    %get3A_2104 = arith.constant 10 : index
    %get3A_2105 = memref.load %arg4[%get3A_2103, %get3A_2104] : memref<16x16xf32, #tpu.memory_space<smem>>
    %mul3A_2106 = vector.broadcast %get3A_2105 : f32 to vector<512x256xf32>
    %mul3A_2107 = arith.mulf %max3A_378, %mul3A_2106 : vector<512x256xf32>
    %add3A_2108 = arith.addf %add3A_2102, %mul3A_2107 : vector<512x256xf32>
    %get3A_2109 = arith.constant 5 : index
    %get3A_2110 = arith.constant 10 : index
    %get3A_2111 = memref.load %arg4[%get3A_2109, %get3A_2110] : memref<16x16xf32, #tpu.memory_space<smem>>
    %mul3A_2112 = vector.broadcast %get3A_2111 : f32 to vector<512x256xf32>
    %mul3A_2113 = arith.mulf %max3A_436, %mul3A_2112 : vector<512x256xf32>
    %add3A_2114 = arith.addf %add3A_2108, %mul3A_2113 : vector<512x256xf32>
    %get3A_2115 = arith.constant 6 : index
    %get3A_2116 = arith.constant 10 : index
    %get3A_2117 = memref.load %arg4[%get3A_2115, %get3A_2116] : memref<16x16xf32, #tpu.memory_space<smem>>
    %mul3A_2118 = vector.broadcast %get3A_2117 : f32 to vector<512x256xf32>
    %mul3A_2119 = arith.mulf %max3A_494, %mul3A_2118 : vector<512x256xf32>
    %add3A_2120 = arith.addf %add3A_2114, %mul3A_2119 : vector<512x256xf32>
    %get3A_2121 = arith.constant 7 : index
    %get3A_2122 = arith.constant 10 : index
    %get3A_2123 = memref.load %arg4[%get3A_2121, %get3A_2122] : memref<16x16xf32, #tpu.memory_space<smem>>
    %mul3A_2124 = vector.broadcast %get3A_2123 : f32 to vector<512x256xf32>
    %mul3A_2125 = arith.mulf %max3A_552, %mul3A_2124 : vector<512x256xf32>
    %add3A_2126 = arith.addf %add3A_2120, %mul3A_2125 : vector<512x256xf32>
    %get3A_2127 = arith.constant 8 : index
    %get3A_2128 = arith.constant 10 : index
    %get3A_2129 = memref.load %arg4[%get3A_2127, %get3A_2128] : memref<16x16xf32, #tpu.memory_space<smem>>
    %mul3A_2130 = vector.broadcast %get3A_2129 : f32 to vector<512x256xf32>
    %mul3A_2131 = arith.mulf %max3A_610, %mul3A_2130 : vector<512x256xf32>
    %add3A_2132 = arith.addf %add3A_2126, %mul3A_2131 : vector<512x256xf32>
    %get3A_2133 = arith.constant 9 : index
    %get3A_2134 = arith.constant 10 : index
    %get3A_2135 = memref.load %arg4[%get3A_2133, %get3A_2134] : memref<16x16xf32, #tpu.memory_space<smem>>
    %mul3A_2136 = vector.broadcast %get3A_2135 : f32 to vector<512x256xf32>
    %mul3A_2137 = arith.mulf %max3A_668, %mul3A_2136 : vector<512x256xf32>
    %add3A_2138 = arith.addf %add3A_2132, %mul3A_2137 : vector<512x256xf32>
    %get3A_2139 = arith.constant 10 : index
    %get3A_2140 = arith.constant 10 : index
    %get3A_2141 = memref.load %arg4[%get3A_2139, %get3A_2140] : memref<16x16xf32, #tpu.memory_space<smem>>
    %mul3A_2142 = vector.broadcast %get3A_2141 : f32 to vector<512x256xf32>
    %mul3A_2143 = arith.mulf %max3A_726, %mul3A_2142 : vector<512x256xf32>
    %add3A_2144 = arith.addf %add3A_2138, %mul3A_2143 : vector<512x256xf32>
    %get3A_2145 = arith.constant 11 : index
    %get3A_2146 = arith.constant 10 : index
    %get3A_2147 = memref.load %arg4[%get3A_2145, %get3A_2146] : memref<16x16xf32, #tpu.memory_space<smem>>
    %mul3A_2148 = vector.broadcast %get3A_2147 : f32 to vector<512x256xf32>
    %mul3A_2149 = arith.mulf %max3A_784, %mul3A_2148 : vector<512x256xf32>
    %add3A_2150 = arith.addf %add3A_2144, %mul3A_2149 : vector<512x256xf32>
    %get3A_2151 = arith.constant 12 : index
    %get3A_2152 = arith.constant 10 : index
    %get3A_2153 = memref.load %arg4[%get3A_2151, %get3A_2152] : memref<16x16xf32, #tpu.memory_space<smem>>
    %mul3A_2154 = vector.broadcast %get3A_2153 : f32 to vector<512x256xf32>
    %mul3A_2155 = arith.mulf %max3A_842, %mul3A_2154 : vector<512x256xf32>
    %add3A_2156 = arith.addf %add3A_2150, %mul3A_2155 : vector<512x256xf32>
    %get3A_2157 = arith.constant 13 : index
    %get3A_2158 = arith.constant 10 : index
    %get3A_2159 = memref.load %arg4[%get3A_2157, %get3A_2158] : memref<16x16xf32, #tpu.memory_space<smem>>
    %mul3A_2160 = vector.broadcast %get3A_2159 : f32 to vector<512x256xf32>
    %mul3A_2161 = arith.mulf %max3A_900, %mul3A_2160 : vector<512x256xf32>
    %add3A_2162 = arith.addf %add3A_2156, %mul3A_2161 : vector<512x256xf32>
    %get3A_2163 = arith.constant 14 : index
    %get3A_2164 = arith.constant 10 : index
    %get3A_2165 = memref.load %arg4[%get3A_2163, %get3A_2164] : memref<16x16xf32, #tpu.memory_space<smem>>
    %mul3A_2166 = vector.broadcast %get3A_2165 : f32 to vector<512x256xf32>
    %mul3A_2167 = arith.mulf %max3A_958, %mul3A_2166 : vector<512x256xf32>
    %add3A_2168 = arith.addf %add3A_2162, %mul3A_2167 : vector<512x256xf32>
    %get3A_2169 = arith.constant 15 : index
    %get3A_2170 = arith.constant 10 : index
    %get3A_2171 = memref.load %arg4[%get3A_2169, %get3A_2170] : memref<16x16xf32, #tpu.memory_space<smem>>
    %mul3A_2172 = vector.broadcast %get3A_2171 : f32 to vector<512x256xf32>
    %mul3A_2173 = arith.mulf %max3A_1016, %mul3A_2172 : vector<512x256xf32>
    %add3A_2174 = arith.addf %add3A_2168, %mul3A_2173 : vector<512x256xf32>
    %get3A_2175 = arith.constant 0 : index
    %get3A_2176 = arith.constant 10 : index
    %get3A_2177 = memref.load %arg7[%get3A_2175, %get3A_2176] : memref<1x16xf32, #tpu.memory_space<smem>>
    %add3A_2178 = vector.broadcast %get3A_2177 : f32 to vector<512x256xf32>
    %add3A_2179 = arith.addf %add3A_2174, %add3A_2178 : vector<512x256xf32>
    %max3A_2180 = arith.constant 0.000000e+00 : f32
    %max3A_2181 = vector.broadcast %max3A_2180 : f32 to vector<512x256xf32>
    %max3A_2182 = arith.maximumf %add3A_2179, %max3A_2181 : vector<512x256xf32>
    %get3A_2183 = arith.constant 0 : index
    %get3A_2184 = arith.constant 11 : index
    %get3A_2185 = memref.load %arg4[%get3A_2183, %get3A_2184] : memref<16x16xf32, #tpu.memory_space<smem>>
    %mul3A_2186 = vector.broadcast %get3A_2185 : f32 to vector<512x256xf32>
    %mul3A_2187 = arith.mulf %max3A_146, %mul3A_2186 : vector<512x256xf32>
    %add3A_2188 = arith.constant 0.000000e+00 : f32
    %add3A_2189 = vector.broadcast %add3A_2188 : f32 to vector<512x256xf32>
    %add3A_2190 = arith.addf %add3A_2189, %mul3A_2187 : vector<512x256xf32>
    %get3A_2191 = arith.constant 1 : index
    %get3A_2192 = arith.constant 11 : index
    %get3A_2193 = memref.load %arg4[%get3A_2191, %get3A_2192] : memref<16x16xf32, #tpu.memory_space<smem>>
    %mul3A_2194 = vector.broadcast %get3A_2193 : f32 to vector<512x256xf32>
    %mul3A_2195 = arith.mulf %max3A_204, %mul3A_2194 : vector<512x256xf32>
    %add3A_2196 = arith.addf %add3A_2190, %mul3A_2195 : vector<512x256xf32>
    %get3A_2197 = arith.constant 2 : index
    %get3A_2198 = arith.constant 11 : index
    %get3A_2199 = memref.load %arg4[%get3A_2197, %get3A_2198] : memref<16x16xf32, #tpu.memory_space<smem>>
    %mul3A_2200 = vector.broadcast %get3A_2199 : f32 to vector<512x256xf32>
    %mul3A_2201 = arith.mulf %max3A_262, %mul3A_2200 : vector<512x256xf32>
    %add3A_2202 = arith.addf %add3A_2196, %mul3A_2201 : vector<512x256xf32>
    %get3A_2203 = arith.constant 3 : index
    %get3A_2204 = arith.constant 11 : index
    %get3A_2205 = memref.load %arg4[%get3A_2203, %get3A_2204] : memref<16x16xf32, #tpu.memory_space<smem>>
    %mul3A_2206 = vector.broadcast %get3A_2205 : f32 to vector<512x256xf32>
    %mul3A_2207 = arith.mulf %max3A_320, %mul3A_2206 : vector<512x256xf32>
    %add3A_2208 = arith.addf %add3A_2202, %mul3A_2207 : vector<512x256xf32>
    %get3A_2209 = arith.constant 4 : index
    %get3A_2210 = arith.constant 11 : index
    %get3A_2211 = memref.load %arg4[%get3A_2209, %get3A_2210] : memref<16x16xf32, #tpu.memory_space<smem>>
    %mul3A_2212 = vector.broadcast %get3A_2211 : f32 to vector<512x256xf32>
    %mul3A_2213 = arith.mulf %max3A_378, %mul3A_2212 : vector<512x256xf32>
    %add3A_2214 = arith.addf %add3A_2208, %mul3A_2213 : vector<512x256xf32>
    %get3A_2215 = arith.constant 5 : index
    %get3A_2216 = arith.constant 11 : index
    %get3A_2217 = memref.load %arg4[%get3A_2215, %get3A_2216] : memref<16x16xf32, #tpu.memory_space<smem>>
    %mul3A_2218 = vector.broadcast %get3A_2217 : f32 to vector<512x256xf32>
    %mul3A_2219 = arith.mulf %max3A_436, %mul3A_2218 : vector<512x256xf32>
    %add3A_2220 = arith.addf %add3A_2214, %mul3A_2219 : vector<512x256xf32>
    %get3A_2221 = arith.constant 6 : index
    %get3A_2222 = arith.constant 11 : index
    %get3A_2223 = memref.load %arg4[%get3A_2221, %get3A_2222] : memref<16x16xf32, #tpu.memory_space<smem>>
    %mul3A_2224 = vector.broadcast %get3A_2223 : f32 to vector<512x256xf32>
    %mul3A_2225 = arith.mulf %max3A_494, %mul3A_2224 : vector<512x256xf32>
    %add3A_2226 = arith.addf %add3A_2220, %mul3A_2225 : vector<512x256xf32>
    %get3A_2227 = arith.constant 7 : index
    %get3A_2228 = arith.constant 11 : index
    %get3A_2229 = memref.load %arg4[%get3A_2227, %get3A_2228] : memref<16x16xf32, #tpu.memory_space<smem>>
    %mul3A_2230 = vector.broadcast %get3A_2229 : f32 to vector<512x256xf32>
    %mul3A_2231 = arith.mulf %max3A_552, %mul3A_2230 : vector<512x256xf32>
    %add3A_2232 = arith.addf %add3A_2226, %mul3A_2231 : vector<512x256xf32>
    %get3A_2233 = arith.constant 8 : index
    %get3A_2234 = arith.constant 11 : index
    %get3A_2235 = memref.load %arg4[%get3A_2233, %get3A_2234] : memref<16x16xf32, #tpu.memory_space<smem>>
    %mul3A_2236 = vector.broadcast %get3A_2235 : f32 to vector<512x256xf32>
    %mul3A_2237 = arith.mulf %max3A_610, %mul3A_2236 : vector<512x256xf32>
    %add3A_2238 = arith.addf %add3A_2232, %mul3A_2237 : vector<512x256xf32>
    %get3A_2239 = arith.constant 9 : index
    %get3A_2240 = arith.constant 11 : index
    %get3A_2241 = memref.load %arg4[%get3A_2239, %get3A_2240] : memref<16x16xf32, #tpu.memory_space<smem>>
    %mul3A_2242 = vector.broadcast %get3A_2241 : f32 to vector<512x256xf32>
    %mul3A_2243 = arith.mulf %max3A_668, %mul3A_2242 : vector<512x256xf32>
    %add3A_2244 = arith.addf %add3A_2238, %mul3A_2243 : vector<512x256xf32>
    %get3A_2245 = arith.constant 10 : index
    %get3A_2246 = arith.constant 11 : index
    %get3A_2247 = memref.load %arg4[%get3A_2245, %get3A_2246] : memref<16x16xf32, #tpu.memory_space<smem>>
    %mul3A_2248 = vector.broadcast %get3A_2247 : f32 to vector<512x256xf32>
    %mul3A_2249 = arith.mulf %max3A_726, %mul3A_2248 : vector<512x256xf32>
    %add3A_2250 = arith.addf %add3A_2244, %mul3A_2249 : vector<512x256xf32>
    %get3A_2251 = arith.constant 11 : index
    %get3A_2252 = arith.constant 11 : index
    %get3A_2253 = memref.load %arg4[%get3A_2251, %get3A_2252] : memref<16x16xf32, #tpu.memory_space<smem>>
    %mul3A_2254 = vector.broadcast %get3A_2253 : f32 to vector<512x256xf32>
    %mul3A_2255 = arith.mulf %max3A_784, %mul3A_2254 : vector<512x256xf32>
    %add3A_2256 = arith.addf %add3A_2250, %mul3A_2255 : vector<512x256xf32>
    %get3A_2257 = arith.constant 12 : index
    %get3A_2258 = arith.constant 11 : index
    %get3A_2259 = memref.load %arg4[%get3A_2257, %get3A_2258] : memref<16x16xf32, #tpu.memory_space<smem>>
    %mul3A_2260 = vector.broadcast %get3A_2259 : f32 to vector<512x256xf32>
    %mul3A_2261 = arith.mulf %max3A_842, %mul3A_2260 : vector<512x256xf32>
    %add3A_2262 = arith.addf %add3A_2256, %mul3A_2261 : vector<512x256xf32>
    %get3A_2263 = arith.constant 13 : index
    %get3A_2264 = arith.constant 11 : index
    %get3A_2265 = memref.load %arg4[%get3A_2263, %get3A_2264] : memref<16x16xf32, #tpu.memory_space<smem>>
    %mul3A_2266 = vector.broadcast %get3A_2265 : f32 to vector<512x256xf32>
    %mul3A_2267 = arith.mulf %max3A_900, %mul3A_2266 : vector<512x256xf32>
    %add3A_2268 = arith.addf %add3A_2262, %mul3A_2267 : vector<512x256xf32>
    %get3A_2269 = arith.constant 14 : index
    %get3A_2270 = arith.constant 11 : index
    %get3A_2271 = memref.load %arg4[%get3A_2269, %get3A_2270] : memref<16x16xf32, #tpu.memory_space<smem>>
    %mul3A_2272 = vector.broadcast %get3A_2271 : f32 to vector<512x256xf32>
    %mul3A_2273 = arith.mulf %max3A_958, %mul3A_2272 : vector<512x256xf32>
    %add3A_2274 = arith.addf %add3A_2268, %mul3A_2273 : vector<512x256xf32>
    %get3A_2275 = arith.constant 15 : index
    %get3A_2276 = arith.constant 11 : index
    %get3A_2277 = memref.load %arg4[%get3A_2275, %get3A_2276] : memref<16x16xf32, #tpu.memory_space<smem>>
    %mul3A_2278 = vector.broadcast %get3A_2277 : f32 to vector<512x256xf32>
    %mul3A_2279 = arith.mulf %max3A_1016, %mul3A_2278 : vector<512x256xf32>
    %add3A_2280 = arith.addf %add3A_2274, %mul3A_2279 : vector<512x256xf32>
    %get3A_2281 = arith.constant 0 : index
    %get3A_2282 = arith.constant 11 : index
    %get3A_2283 = memref.load %arg7[%get3A_2281, %get3A_2282] : memref<1x16xf32, #tpu.memory_space<smem>>
    %add3A_2284 = vector.broadcast %get3A_2283 : f32 to vector<512x256xf32>
    %add3A_2285 = arith.addf %add3A_2280, %add3A_2284 : vector<512x256xf32>
    %max3A_2286 = arith.constant 0.000000e+00 : f32
    %max3A_2287 = vector.broadcast %max3A_2286 : f32 to vector<512x256xf32>
    %max3A_2288 = arith.maximumf %add3A_2285, %max3A_2287 : vector<512x256xf32>
    %get3A_2289 = arith.constant 0 : index
    %get3A_2290 = arith.constant 12 : index
    %get3A_2291 = memref.load %arg4[%get3A_2289, %get3A_2290] : memref<16x16xf32, #tpu.memory_space<smem>>
    %mul3A_2292 = vector.broadcast %get3A_2291 : f32 to vector<512x256xf32>
    %mul3A_2293 = arith.mulf %max3A_146, %mul3A_2292 : vector<512x256xf32>
    %add3A_2294 = arith.constant 0.000000e+00 : f32
    %add3A_2295 = vector.broadcast %add3A_2294 : f32 to vector<512x256xf32>
    %add3A_2296 = arith.addf %add3A_2295, %mul3A_2293 : vector<512x256xf32>
    %get3A_2297 = arith.constant 1 : index
    %get3A_2298 = arith.constant 12 : index
    %get3A_2299 = memref.load %arg4[%get3A_2297, %get3A_2298] : memref<16x16xf32, #tpu.memory_space<smem>>
    %mul3A_2300 = vector.broadcast %get3A_2299 : f32 to vector<512x256xf32>
    %mul3A_2301 = arith.mulf %max3A_204, %mul3A_2300 : vector<512x256xf32>
    %add3A_2302 = arith.addf %add3A_2296, %mul3A_2301 : vector<512x256xf32>
    %get3A_2303 = arith.constant 2 : index
    %get3A_2304 = arith.constant 12 : index
    %get3A_2305 = memref.load %arg4[%get3A_2303, %get3A_2304] : memref<16x16xf32, #tpu.memory_space<smem>>
    %mul3A_2306 = vector.broadcast %get3A_2305 : f32 to vector<512x256xf32>
    %mul3A_2307 = arith.mulf %max3A_262, %mul3A_2306 : vector<512x256xf32>
    %add3A_2308 = arith.addf %add3A_2302, %mul3A_2307 : vector<512x256xf32>
    %get3A_2309 = arith.constant 3 : index
    %get3A_2310 = arith.constant 12 : index
    %get3A_2311 = memref.load %arg4[%get3A_2309, %get3A_2310] : memref<16x16xf32, #tpu.memory_space<smem>>
    %mul3A_2312 = vector.broadcast %get3A_2311 : f32 to vector<512x256xf32>
    %mul3A_2313 = arith.mulf %max3A_320, %mul3A_2312 : vector<512x256xf32>
    %add3A_2314 = arith.addf %add3A_2308, %mul3A_2313 : vector<512x256xf32>
    %get3A_2315 = arith.constant 4 : index
    %get3A_2316 = arith.constant 12 : index
    %get3A_2317 = memref.load %arg4[%get3A_2315, %get3A_2316] : memref<16x16xf32, #tpu.memory_space<smem>>
    %mul3A_2318 = vector.broadcast %get3A_2317 : f32 to vector<512x256xf32>
    %mul3A_2319 = arith.mulf %max3A_378, %mul3A_2318 : vector<512x256xf32>
    %add3A_2320 = arith.addf %add3A_2314, %mul3A_2319 : vector<512x256xf32>
    %get3A_2321 = arith.constant 5 : index
    %get3A_2322 = arith.constant 12 : index
    %get3A_2323 = memref.load %arg4[%get3A_2321, %get3A_2322] : memref<16x16xf32, #tpu.memory_space<smem>>
    %mul3A_2324 = vector.broadcast %get3A_2323 : f32 to vector<512x256xf32>
    %mul3A_2325 = arith.mulf %max3A_436, %mul3A_2324 : vector<512x256xf32>
    %add3A_2326 = arith.addf %add3A_2320, %mul3A_2325 : vector<512x256xf32>
    %get3A_2327 = arith.constant 6 : index
    %get3A_2328 = arith.constant 12 : index
    %get3A_2329 = memref.load %arg4[%get3A_2327, %get3A_2328] : memref<16x16xf32, #tpu.memory_space<smem>>
    %mul3A_2330 = vector.broadcast %get3A_2329 : f32 to vector<512x256xf32>
    %mul3A_2331 = arith.mulf %max3A_494, %mul3A_2330 : vector<512x256xf32>
    %add3A_2332 = arith.addf %add3A_2326, %mul3A_2331 : vector<512x256xf32>
    %get3A_2333 = arith.constant 7 : index
    %get3A_2334 = arith.constant 12 : index
    %get3A_2335 = memref.load %arg4[%get3A_2333, %get3A_2334] : memref<16x16xf32, #tpu.memory_space<smem>>
    %mul3A_2336 = vector.broadcast %get3A_2335 : f32 to vector<512x256xf32>
    %mul3A_2337 = arith.mulf %max3A_552, %mul3A_2336 : vector<512x256xf32>
    %add3A_2338 = arith.addf %add3A_2332, %mul3A_2337 : vector<512x256xf32>
    %get3A_2339 = arith.constant 8 : index
    %get3A_2340 = arith.constant 12 : index
    %get3A_2341 = memref.load %arg4[%get3A_2339, %get3A_2340] : memref<16x16xf32, #tpu.memory_space<smem>>
    %mul3A_2342 = vector.broadcast %get3A_2341 : f32 to vector<512x256xf32>
    %mul3A_2343 = arith.mulf %max3A_610, %mul3A_2342 : vector<512x256xf32>
    %add3A_2344 = arith.addf %add3A_2338, %mul3A_2343 : vector<512x256xf32>
    %get3A_2345 = arith.constant 9 : index
    %get3A_2346 = arith.constant 12 : index
    %get3A_2347 = memref.load %arg4[%get3A_2345, %get3A_2346] : memref<16x16xf32, #tpu.memory_space<smem>>
    %mul3A_2348 = vector.broadcast %get3A_2347 : f32 to vector<512x256xf32>
    %mul3A_2349 = arith.mulf %max3A_668, %mul3A_2348 : vector<512x256xf32>
    %add3A_2350 = arith.addf %add3A_2344, %mul3A_2349 : vector<512x256xf32>
    %get3A_2351 = arith.constant 10 : index
    %get3A_2352 = arith.constant 12 : index
    %get3A_2353 = memref.load %arg4[%get3A_2351, %get3A_2352] : memref<16x16xf32, #tpu.memory_space<smem>>
    %mul3A_2354 = vector.broadcast %get3A_2353 : f32 to vector<512x256xf32>
    %mul3A_2355 = arith.mulf %max3A_726, %mul3A_2354 : vector<512x256xf32>
    %add3A_2356 = arith.addf %add3A_2350, %mul3A_2355 : vector<512x256xf32>
    %get3A_2357 = arith.constant 11 : index
    %get3A_2358 = arith.constant 12 : index
    %get3A_2359 = memref.load %arg4[%get3A_2357, %get3A_2358] : memref<16x16xf32, #tpu.memory_space<smem>>
    %mul3A_2360 = vector.broadcast %get3A_2359 : f32 to vector<512x256xf32>
    %mul3A_2361 = arith.mulf %max3A_784, %mul3A_2360 : vector<512x256xf32>
    %add3A_2362 = arith.addf %add3A_2356, %mul3A_2361 : vector<512x256xf32>
    %get3A_2363 = arith.constant 12 : index
    %get3A_2364 = arith.constant 12 : index
    %get3A_2365 = memref.load %arg4[%get3A_2363, %get3A_2364] : memref<16x16xf32, #tpu.memory_space<smem>>
    %mul3A_2366 = vector.broadcast %get3A_2365 : f32 to vector<512x256xf32>
    %mul3A_2367 = arith.mulf %max3A_842, %mul3A_2366 : vector<512x256xf32>
    %add3A_2368 = arith.addf %add3A_2362, %mul3A_2367 : vector<512x256xf32>
    %get3A_2369 = arith.constant 13 : index
    %get3A_2370 = arith.constant 12 : index
    %get3A_2371 = memref.load %arg4[%get3A_2369, %get3A_2370] : memref<16x16xf32, #tpu.memory_space<smem>>
    %mul3A_2372 = vector.broadcast %get3A_2371 : f32 to vector<512x256xf32>
    %mul3A_2373 = arith.mulf %max3A_900, %mul3A_2372 : vector<512x256xf32>
    %add3A_2374 = arith.addf %add3A_2368, %mul3A_2373 : vector<512x256xf32>
    %get3A_2375 = arith.constant 14 : index
    %get3A_2376 = arith.constant 12 : index
    %get3A_2377 = memref.load %arg4[%get3A_2375, %get3A_2376] : memref<16x16xf32, #tpu.memory_space<smem>>
    %mul3A_2378 = vector.broadcast %get3A_2377 : f32 to vector<512x256xf32>
    %mul3A_2379 = arith.mulf %max3A_958, %mul3A_2378 : vector<512x256xf32>
    %add3A_2380 = arith.addf %add3A_2374, %mul3A_2379 : vector<512x256xf32>
    %get3A_2381 = arith.constant 15 : index
    %get3A_2382 = arith.constant 12 : index
    %get3A_2383 = memref.load %arg4[%get3A_2381, %get3A_2382] : memref<16x16xf32, #tpu.memory_space<smem>>
    %mul3A_2384 = vector.broadcast %get3A_2383 : f32 to vector<512x256xf32>
    %mul3A_2385 = arith.mulf %max3A_1016, %mul3A_2384 : vector<512x256xf32>
    %add3A_2386 = arith.addf %add3A_2380, %mul3A_2385 : vector<512x256xf32>
    %get3A_2387 = arith.constant 0 : index
    %get3A_2388 = arith.constant 12 : index
    %get3A_2389 = memref.load %arg7[%get3A_2387, %get3A_2388] : memref<1x16xf32, #tpu.memory_space<smem>>
    %add3A_2390 = vector.broadcast %get3A_2389 : f32 to vector<512x256xf32>
    %add3A_2391 = arith.addf %add3A_2386, %add3A_2390 : vector<512x256xf32>
    %max3A_2392 = arith.constant 0.000000e+00 : f32
    %max3A_2393 = vector.broadcast %max3A_2392 : f32 to vector<512x256xf32>
    %max3A_2394 = arith.maximumf %add3A_2391, %max3A_2393 : vector<512x256xf32>
    %get3A_2395 = arith.constant 0 : index
    %get3A_2396 = arith.constant 13 : index
    %get3A_2397 = memref.load %arg4[%get3A_2395, %get3A_2396] : memref<16x16xf32, #tpu.memory_space<smem>>
    %mul3A_2398 = vector.broadcast %get3A_2397 : f32 to vector<512x256xf32>
    %mul3A_2399 = arith.mulf %max3A_146, %mul3A_2398 : vector<512x256xf32>
    %add3A_2400 = arith.constant 0.000000e+00 : f32
    %add3A_2401 = vector.broadcast %add3A_2400 : f32 to vector<512x256xf32>
    %add3A_2402 = arith.addf %add3A_2401, %mul3A_2399 : vector<512x256xf32>
    %get3A_2403 = arith.constant 1 : index
    %get3A_2404 = arith.constant 13 : index
    %get3A_2405 = memref.load %arg4[%get3A_2403, %get3A_2404] : memref<16x16xf32, #tpu.memory_space<smem>>
    %mul3A_2406 = vector.broadcast %get3A_2405 : f32 to vector<512x256xf32>
    %mul3A_2407 = arith.mulf %max3A_204, %mul3A_2406 : vector<512x256xf32>
    %add3A_2408 = arith.addf %add3A_2402, %mul3A_2407 : vector<512x256xf32>
    %get3A_2409 = arith.constant 2 : index
    %get3A_2410 = arith.constant 13 : index
    %get3A_2411 = memref.load %arg4[%get3A_2409, %get3A_2410] : memref<16x16xf32, #tpu.memory_space<smem>>
    %mul3A_2412 = vector.broadcast %get3A_2411 : f32 to vector<512x256xf32>
    %mul3A_2413 = arith.mulf %max3A_262, %mul3A_2412 : vector<512x256xf32>
    %add3A_2414 = arith.addf %add3A_2408, %mul3A_2413 : vector<512x256xf32>
    %get3A_2415 = arith.constant 3 : index
    %get3A_2416 = arith.constant 13 : index
    %get3A_2417 = memref.load %arg4[%get3A_2415, %get3A_2416] : memref<16x16xf32, #tpu.memory_space<smem>>
    %mul3A_2418 = vector.broadcast %get3A_2417 : f32 to vector<512x256xf32>
    %mul3A_2419 = arith.mulf %max3A_320, %mul3A_2418 : vector<512x256xf32>
    %add3A_2420 = arith.addf %add3A_2414, %mul3A_2419 : vector<512x256xf32>
    %get3A_2421 = arith.constant 4 : index
    %get3A_2422 = arith.constant 13 : index
    %get3A_2423 = memref.load %arg4[%get3A_2421, %get3A_2422] : memref<16x16xf32, #tpu.memory_space<smem>>
    %mul3A_2424 = vector.broadcast %get3A_2423 : f32 to vector<512x256xf32>
    %mul3A_2425 = arith.mulf %max3A_378, %mul3A_2424 : vector<512x256xf32>
    %add3A_2426 = arith.addf %add3A_2420, %mul3A_2425 : vector<512x256xf32>
    %get3A_2427 = arith.constant 5 : index
    %get3A_2428 = arith.constant 13 : index
    %get3A_2429 = memref.load %arg4[%get3A_2427, %get3A_2428] : memref<16x16xf32, #tpu.memory_space<smem>>
    %mul3A_2430 = vector.broadcast %get3A_2429 : f32 to vector<512x256xf32>
    %mul3A_2431 = arith.mulf %max3A_436, %mul3A_2430 : vector<512x256xf32>
    %add3A_2432 = arith.addf %add3A_2426, %mul3A_2431 : vector<512x256xf32>
    %get3A_2433 = arith.constant 6 : index
    %get3A_2434 = arith.constant 13 : index
    %get3A_2435 = memref.load %arg4[%get3A_2433, %get3A_2434] : memref<16x16xf32, #tpu.memory_space<smem>>
    %mul3A_2436 = vector.broadcast %get3A_2435 : f32 to vector<512x256xf32>
    %mul3A_2437 = arith.mulf %max3A_494, %mul3A_2436 : vector<512x256xf32>
    %add3A_2438 = arith.addf %add3A_2432, %mul3A_2437 : vector<512x256xf32>
    %get3A_2439 = arith.constant 7 : index
    %get3A_2440 = arith.constant 13 : index
    %get3A_2441 = memref.load %arg4[%get3A_2439, %get3A_2440] : memref<16x16xf32, #tpu.memory_space<smem>>
    %mul3A_2442 = vector.broadcast %get3A_2441 : f32 to vector<512x256xf32>
    %mul3A_2443 = arith.mulf %max3A_552, %mul3A_2442 : vector<512x256xf32>
    %add3A_2444 = arith.addf %add3A_2438, %mul3A_2443 : vector<512x256xf32>
    %get3A_2445 = arith.constant 8 : index
    %get3A_2446 = arith.constant 13 : index
    %get3A_2447 = memref.load %arg4[%get3A_2445, %get3A_2446] : memref<16x16xf32, #tpu.memory_space<smem>>
    %mul3A_2448 = vector.broadcast %get3A_2447 : f32 to vector<512x256xf32>
    %mul3A_2449 = arith.mulf %max3A_610, %mul3A_2448 : vector<512x256xf32>
    %add3A_2450 = arith.addf %add3A_2444, %mul3A_2449 : vector<512x256xf32>
    %get3A_2451 = arith.constant 9 : index
    %get3A_2452 = arith.constant 13 : index
    %get3A_2453 = memref.load %arg4[%get3A_2451, %get3A_2452] : memref<16x16xf32, #tpu.memory_space<smem>>
    %mul3A_2454 = vector.broadcast %get3A_2453 : f32 to vector<512x256xf32>
    %mul3A_2455 = arith.mulf %max3A_668, %mul3A_2454 : vector<512x256xf32>
    %add3A_2456 = arith.addf %add3A_2450, %mul3A_2455 : vector<512x256xf32>
    %get3A_2457 = arith.constant 10 : index
    %get3A_2458 = arith.constant 13 : index
    %get3A_2459 = memref.load %arg4[%get3A_2457, %get3A_2458] : memref<16x16xf32, #tpu.memory_space<smem>>
    %mul3A_2460 = vector.broadcast %get3A_2459 : f32 to vector<512x256xf32>
    %mul3A_2461 = arith.mulf %max3A_726, %mul3A_2460 : vector<512x256xf32>
    %add3A_2462 = arith.addf %add3A_2456, %mul3A_2461 : vector<512x256xf32>
    %get3A_2463 = arith.constant 11 : index
    %get3A_2464 = arith.constant 13 : index
    %get3A_2465 = memref.load %arg4[%get3A_2463, %get3A_2464] : memref<16x16xf32, #tpu.memory_space<smem>>
    %mul3A_2466 = vector.broadcast %get3A_2465 : f32 to vector<512x256xf32>
    %mul3A_2467 = arith.mulf %max3A_784, %mul3A_2466 : vector<512x256xf32>
    %add3A_2468 = arith.addf %add3A_2462, %mul3A_2467 : vector<512x256xf32>
    %get3A_2469 = arith.constant 12 : index
    %get3A_2470 = arith.constant 13 : index
    %get3A_2471 = memref.load %arg4[%get3A_2469, %get3A_2470] : memref<16x16xf32, #tpu.memory_space<smem>>
    %mul3A_2472 = vector.broadcast %get3A_2471 : f32 to vector<512x256xf32>
    %mul3A_2473 = arith.mulf %max3A_842, %mul3A_2472 : vector<512x256xf32>
    %add3A_2474 = arith.addf %add3A_2468, %mul3A_2473 : vector<512x256xf32>
    %get3A_2475 = arith.constant 13 : index
    %get3A_2476 = arith.constant 13 : index
    %get3A_2477 = memref.load %arg4[%get3A_2475, %get3A_2476] : memref<16x16xf32, #tpu.memory_space<smem>>
    %mul3A_2478 = vector.broadcast %get3A_2477 : f32 to vector<512x256xf32>
    %mul3A_2479 = arith.mulf %max3A_900, %mul3A_2478 : vector<512x256xf32>
    %add3A_2480 = arith.addf %add3A_2474, %mul3A_2479 : vector<512x256xf32>
    %get3A_2481 = arith.constant 14 : index
    %get3A_2482 = arith.constant 13 : index
    %get3A_2483 = memref.load %arg4[%get3A_2481, %get3A_2482] : memref<16x16xf32, #tpu.memory_space<smem>>
    %mul3A_2484 = vector.broadcast %get3A_2483 : f32 to vector<512x256xf32>
    %mul3A_2485 = arith.mulf %max3A_958, %mul3A_2484 : vector<512x256xf32>
    %add3A_2486 = arith.addf %add3A_2480, %mul3A_2485 : vector<512x256xf32>
    %get3A_2487 = arith.constant 15 : index
    %get3A_2488 = arith.constant 13 : index
    %get3A_2489 = memref.load %arg4[%get3A_2487, %get3A_2488] : memref<16x16xf32, #tpu.memory_space<smem>>
    %mul3A_2490 = vector.broadcast %get3A_2489 : f32 to vector<512x256xf32>
    %mul3A_2491 = arith.mulf %max3A_1016, %mul3A_2490 : vector<512x256xf32>
    %add3A_2492 = arith.addf %add3A_2486, %mul3A_2491 : vector<512x256xf32>
    %get3A_2493 = arith.constant 0 : index
    %get3A_2494 = arith.constant 13 : index
    %get3A_2495 = memref.load %arg7[%get3A_2493, %get3A_2494] : memref<1x16xf32, #tpu.memory_space<smem>>
    %add3A_2496 = vector.broadcast %get3A_2495 : f32 to vector<512x256xf32>
    %add3A_2497 = arith.addf %add3A_2492, %add3A_2496 : vector<512x256xf32>
    %max3A_2498 = arith.constant 0.000000e+00 : f32
    %max3A_2499 = vector.broadcast %max3A_2498 : f32 to vector<512x256xf32>
    %max3A_2500 = arith.maximumf %add3A_2497, %max3A_2499 : vector<512x256xf32>
    %get3A_2501 = arith.constant 0 : index
    %get3A_2502 = arith.constant 14 : index
    %get3A_2503 = memref.load %arg4[%get3A_2501, %get3A_2502] : memref<16x16xf32, #tpu.memory_space<smem>>
    %mul3A_2504 = vector.broadcast %get3A_2503 : f32 to vector<512x256xf32>
    %mul3A_2505 = arith.mulf %max3A_146, %mul3A_2504 : vector<512x256xf32>
    %add3A_2506 = arith.constant 0.000000e+00 : f32
    %add3A_2507 = vector.broadcast %add3A_2506 : f32 to vector<512x256xf32>
    %add3A_2508 = arith.addf %add3A_2507, %mul3A_2505 : vector<512x256xf32>
    %get3A_2509 = arith.constant 1 : index
    %get3A_2510 = arith.constant 14 : index
    %get3A_2511 = memref.load %arg4[%get3A_2509, %get3A_2510] : memref<16x16xf32, #tpu.memory_space<smem>>
    %mul3A_2512 = vector.broadcast %get3A_2511 : f32 to vector<512x256xf32>
    %mul3A_2513 = arith.mulf %max3A_204, %mul3A_2512 : vector<512x256xf32>
    %add3A_2514 = arith.addf %add3A_2508, %mul3A_2513 : vector<512x256xf32>
    %get3A_2515 = arith.constant 2 : index
    %get3A_2516 = arith.constant 14 : index
    %get3A_2517 = memref.load %arg4[%get3A_2515, %get3A_2516] : memref<16x16xf32, #tpu.memory_space<smem>>
    %mul3A_2518 = vector.broadcast %get3A_2517 : f32 to vector<512x256xf32>
    %mul3A_2519 = arith.mulf %max3A_262, %mul3A_2518 : vector<512x256xf32>
    %add3A_2520 = arith.addf %add3A_2514, %mul3A_2519 : vector<512x256xf32>
    %get3A_2521 = arith.constant 3 : index
    %get3A_2522 = arith.constant 14 : index
    %get3A_2523 = memref.load %arg4[%get3A_2521, %get3A_2522] : memref<16x16xf32, #tpu.memory_space<smem>>
    %mul3A_2524 = vector.broadcast %get3A_2523 : f32 to vector<512x256xf32>
    %mul3A_2525 = arith.mulf %max3A_320, %mul3A_2524 : vector<512x256xf32>
    %add3A_2526 = arith.addf %add3A_2520, %mul3A_2525 : vector<512x256xf32>
    %get3A_2527 = arith.constant 4 : index
    %get3A_2528 = arith.constant 14 : index
    %get3A_2529 = memref.load %arg4[%get3A_2527, %get3A_2528] : memref<16x16xf32, #tpu.memory_space<smem>>
    %mul3A_2530 = vector.broadcast %get3A_2529 : f32 to vector<512x256xf32>
    %mul3A_2531 = arith.mulf %max3A_378, %mul3A_2530 : vector<512x256xf32>
    %add3A_2532 = arith.addf %add3A_2526, %mul3A_2531 : vector<512x256xf32>
    %get3A_2533 = arith.constant 5 : index
    %get3A_2534 = arith.constant 14 : index
    %get3A_2535 = memref.load %arg4[%get3A_2533, %get3A_2534] : memref<16x16xf32, #tpu.memory_space<smem>>
    %mul3A_2536 = vector.broadcast %get3A_2535 : f32 to vector<512x256xf32>
    %mul3A_2537 = arith.mulf %max3A_436, %mul3A_2536 : vector<512x256xf32>
    %add3A_2538 = arith.addf %add3A_2532, %mul3A_2537 : vector<512x256xf32>
    %get3A_2539 = arith.constant 6 : index
    %get3A_2540 = arith.constant 14 : index
    %get3A_2541 = memref.load %arg4[%get3A_2539, %get3A_2540] : memref<16x16xf32, #tpu.memory_space<smem>>
    %mul3A_2542 = vector.broadcast %get3A_2541 : f32 to vector<512x256xf32>
    %mul3A_2543 = arith.mulf %max3A_494, %mul3A_2542 : vector<512x256xf32>
    %add3A_2544 = arith.addf %add3A_2538, %mul3A_2543 : vector<512x256xf32>
    %get3A_2545 = arith.constant 7 : index
    %get3A_2546 = arith.constant 14 : index
    %get3A_2547 = memref.load %arg4[%get3A_2545, %get3A_2546] : memref<16x16xf32, #tpu.memory_space<smem>>
    %mul3A_2548 = vector.broadcast %get3A_2547 : f32 to vector<512x256xf32>
    %mul3A_2549 = arith.mulf %max3A_552, %mul3A_2548 : vector<512x256xf32>
    %add3A_2550 = arith.addf %add3A_2544, %mul3A_2549 : vector<512x256xf32>
    %get3A_2551 = arith.constant 8 : index
    %get3A_2552 = arith.constant 14 : index
    %get3A_2553 = memref.load %arg4[%get3A_2551, %get3A_2552] : memref<16x16xf32, #tpu.memory_space<smem>>
    %mul3A_2554 = vector.broadcast %get3A_2553 : f32 to vector<512x256xf32>
    %mul3A_2555 = arith.mulf %max3A_610, %mul3A_2554 : vector<512x256xf32>
    %add3A_2556 = arith.addf %add3A_2550, %mul3A_2555 : vector<512x256xf32>
    %get3A_2557 = arith.constant 9 : index
    %get3A_2558 = arith.constant 14 : index
    %get3A_2559 = memref.load %arg4[%get3A_2557, %get3A_2558] : memref<16x16xf32, #tpu.memory_space<smem>>
    %mul3A_2560 = vector.broadcast %get3A_2559 : f32 to vector<512x256xf32>
    %mul3A_2561 = arith.mulf %max3A_668, %mul3A_2560 : vector<512x256xf32>
    %add3A_2562 = arith.addf %add3A_2556, %mul3A_2561 : vector<512x256xf32>
    %get3A_2563 = arith.constant 10 : index
    %get3A_2564 = arith.constant 14 : index
    %get3A_2565 = memref.load %arg4[%get3A_2563, %get3A_2564] : memref<16x16xf32, #tpu.memory_space<smem>>
    %mul3A_2566 = vector.broadcast %get3A_2565 : f32 to vector<512x256xf32>
    %mul3A_2567 = arith.mulf %max3A_726, %mul3A_2566 : vector<512x256xf32>
    %add3A_2568 = arith.addf %add3A_2562, %mul3A_2567 : vector<512x256xf32>
    %get3A_2569 = arith.constant 11 : index
    %get3A_2570 = arith.constant 14 : index
    %get3A_2571 = memref.load %arg4[%get3A_2569, %get3A_2570] : memref<16x16xf32, #tpu.memory_space<smem>>
    %mul3A_2572 = vector.broadcast %get3A_2571 : f32 to vector<512x256xf32>
    %mul3A_2573 = arith.mulf %max3A_784, %mul3A_2572 : vector<512x256xf32>
    %add3A_2574 = arith.addf %add3A_2568, %mul3A_2573 : vector<512x256xf32>
    %get3A_2575 = arith.constant 12 : index
    %get3A_2576 = arith.constant 14 : index
    %get3A_2577 = memref.load %arg4[%get3A_2575, %get3A_2576] : memref<16x16xf32, #tpu.memory_space<smem>>
    %mul3A_2578 = vector.broadcast %get3A_2577 : f32 to vector<512x256xf32>
    %mul3A_2579 = arith.mulf %max3A_842, %mul3A_2578 : vector<512x256xf32>
    %add3A_2580 = arith.addf %add3A_2574, %mul3A_2579 : vector<512x256xf32>
    %get3A_2581 = arith.constant 13 : index
    %get3A_2582 = arith.constant 14 : index
    %get3A_2583 = memref.load %arg4[%get3A_2581, %get3A_2582] : memref<16x16xf32, #tpu.memory_space<smem>>
    %mul3A_2584 = vector.broadcast %get3A_2583 : f32 to vector<512x256xf32>
    %mul3A_2585 = arith.mulf %max3A_900, %mul3A_2584 : vector<512x256xf32>
    %add3A_2586 = arith.addf %add3A_2580, %mul3A_2585 : vector<512x256xf32>
    %get3A_2587 = arith.constant 14 : index
    %get3A_2588 = arith.constant 14 : index
    %get3A_2589 = memref.load %arg4[%get3A_2587, %get3A_2588] : memref<16x16xf32, #tpu.memory_space<smem>>
    %mul3A_2590 = vector.broadcast %get3A_2589 : f32 to vector<512x256xf32>
    %mul3A_2591 = arith.mulf %max3A_958, %mul3A_2590 : vector<512x256xf32>
    %add3A_2592 = arith.addf %add3A_2586, %mul3A_2591 : vector<512x256xf32>
    %get3A_2593 = arith.constant 15 : index
    %get3A_2594 = arith.constant 14 : index
    %get3A_2595 = memref.load %arg4[%get3A_2593, %get3A_2594] : memref<16x16xf32, #tpu.memory_space<smem>>
    %mul3A_2596 = vector.broadcast %get3A_2595 : f32 to vector<512x256xf32>
    %mul3A_2597 = arith.mulf %max3A_1016, %mul3A_2596 : vector<512x256xf32>
    %add3A_2598 = arith.addf %add3A_2592, %mul3A_2597 : vector<512x256xf32>
    %get3A_2599 = arith.constant 0 : index
    %get3A_2600 = arith.constant 14 : index
    %get3A_2601 = memref.load %arg7[%get3A_2599, %get3A_2600] : memref<1x16xf32, #tpu.memory_space<smem>>
    %add3A_2602 = vector.broadcast %get3A_2601 : f32 to vector<512x256xf32>
    %add3A_2603 = arith.addf %add3A_2598, %add3A_2602 : vector<512x256xf32>
    %max3A_2604 = arith.constant 0.000000e+00 : f32
    %max3A_2605 = vector.broadcast %max3A_2604 : f32 to vector<512x256xf32>
    %max3A_2606 = arith.maximumf %add3A_2603, %max3A_2605 : vector<512x256xf32>
    %get3A_2607 = arith.constant 0 : index
    %get3A_2608 = arith.constant 15 : index
    %get3A_2609 = memref.load %arg4[%get3A_2607, %get3A_2608] : memref<16x16xf32, #tpu.memory_space<smem>>
    %mul3A_2610 = vector.broadcast %get3A_2609 : f32 to vector<512x256xf32>
    %mul3A_2611 = arith.mulf %max3A_146, %mul3A_2610 : vector<512x256xf32>
    %add3A_2612 = arith.constant 0.000000e+00 : f32
    %add3A_2613 = vector.broadcast %add3A_2612 : f32 to vector<512x256xf32>
    %add3A_2614 = arith.addf %add3A_2613, %mul3A_2611 : vector<512x256xf32>
    %get3A_2615 = arith.constant 1 : index
    %get3A_2616 = arith.constant 15 : index
    %get3A_2617 = memref.load %arg4[%get3A_2615, %get3A_2616] : memref<16x16xf32, #tpu.memory_space<smem>>
    %mul3A_2618 = vector.broadcast %get3A_2617 : f32 to vector<512x256xf32>
    %mul3A_2619 = arith.mulf %max3A_204, %mul3A_2618 : vector<512x256xf32>
    %add3A_2620 = arith.addf %add3A_2614, %mul3A_2619 : vector<512x256xf32>
    %get3A_2621 = arith.constant 2 : index
    %get3A_2622 = arith.constant 15 : index
    %get3A_2623 = memref.load %arg4[%get3A_2621, %get3A_2622] : memref<16x16xf32, #tpu.memory_space<smem>>
    %mul3A_2624 = vector.broadcast %get3A_2623 : f32 to vector<512x256xf32>
    %mul3A_2625 = arith.mulf %max3A_262, %mul3A_2624 : vector<512x256xf32>
    %add3A_2626 = arith.addf %add3A_2620, %mul3A_2625 : vector<512x256xf32>
    %get3A_2627 = arith.constant 3 : index
    %get3A_2628 = arith.constant 15 : index
    %get3A_2629 = memref.load %arg4[%get3A_2627, %get3A_2628] : memref<16x16xf32, #tpu.memory_space<smem>>
    %mul3A_2630 = vector.broadcast %get3A_2629 : f32 to vector<512x256xf32>
    %mul3A_2631 = arith.mulf %max3A_320, %mul3A_2630 : vector<512x256xf32>
    %add3A_2632 = arith.addf %add3A_2626, %mul3A_2631 : vector<512x256xf32>
    %get3A_2633 = arith.constant 4 : index
    %get3A_2634 = arith.constant 15 : index
    %get3A_2635 = memref.load %arg4[%get3A_2633, %get3A_2634] : memref<16x16xf32, #tpu.memory_space<smem>>
    %mul3A_2636 = vector.broadcast %get3A_2635 : f32 to vector<512x256xf32>
    %mul3A_2637 = arith.mulf %max3A_378, %mul3A_2636 : vector<512x256xf32>
    %add3A_2638 = arith.addf %add3A_2632, %mul3A_2637 : vector<512x256xf32>
    %get3A_2639 = arith.constant 5 : index
    %get3A_2640 = arith.constant 15 : index
    %get3A_2641 = memref.load %arg4[%get3A_2639, %get3A_2640] : memref<16x16xf32, #tpu.memory_space<smem>>
    %mul3A_2642 = vector.broadcast %get3A_2641 : f32 to vector<512x256xf32>
    %mul3A_2643 = arith.mulf %max3A_436, %mul3A_2642 : vector<512x256xf32>
    %add3A_2644 = arith.addf %add3A_2638, %mul3A_2643 : vector<512x256xf32>
    %get3A_2645 = arith.constant 6 : index
    %get3A_2646 = arith.constant 15 : index
    %get3A_2647 = memref.load %arg4[%get3A_2645, %get3A_2646] : memref<16x16xf32, #tpu.memory_space<smem>>
    %mul3A_2648 = vector.broadcast %get3A_2647 : f32 to vector<512x256xf32>
    %mul3A_2649 = arith.mulf %max3A_494, %mul3A_2648 : vector<512x256xf32>
    %add3A_2650 = arith.addf %add3A_2644, %mul3A_2649 : vector<512x256xf32>
    %get3A_2651 = arith.constant 7 : index
    %get3A_2652 = arith.constant 15 : index
    %get3A_2653 = memref.load %arg4[%get3A_2651, %get3A_2652] : memref<16x16xf32, #tpu.memory_space<smem>>
    %mul3A_2654 = vector.broadcast %get3A_2653 : f32 to vector<512x256xf32>
    %mul3A_2655 = arith.mulf %max3A_552, %mul3A_2654 : vector<512x256xf32>
    %add3A_2656 = arith.addf %add3A_2650, %mul3A_2655 : vector<512x256xf32>
    %get3A_2657 = arith.constant 8 : index
    %get3A_2658 = arith.constant 15 : index
    %get3A_2659 = memref.load %arg4[%get3A_2657, %get3A_2658] : memref<16x16xf32, #tpu.memory_space<smem>>
    %mul3A_2660 = vector.broadcast %get3A_2659 : f32 to vector<512x256xf32>
    %mul3A_2661 = arith.mulf %max3A_610, %mul3A_2660 : vector<512x256xf32>
    %add3A_2662 = arith.addf %add3A_2656, %mul3A_2661 : vector<512x256xf32>
    %get3A_2663 = arith.constant 9 : index
    %get3A_2664 = arith.constant 15 : index
    %get3A_2665 = memref.load %arg4[%get3A_2663, %get3A_2664] : memref<16x16xf32, #tpu.memory_space<smem>>
    %mul3A_2666 = vector.broadcast %get3A_2665 : f32 to vector<512x256xf32>
    %mul3A_2667 = arith.mulf %max3A_668, %mul3A_2666 : vector<512x256xf32>
    %add3A_2668 = arith.addf %add3A_2662, %mul3A_2667 : vector<512x256xf32>
    %get3A_2669 = arith.constant 10 : index
    %get3A_2670 = arith.constant 15 : index
    %get3A_2671 = memref.load %arg4[%get3A_2669, %get3A_2670] : memref<16x16xf32, #tpu.memory_space<smem>>
    %mul3A_2672 = vector.broadcast %get3A_2671 : f32 to vector<512x256xf32>
    %mul3A_2673 = arith.mulf %max3A_726, %mul3A_2672 : vector<512x256xf32>
    %add3A_2674 = arith.addf %add3A_2668, %mul3A_2673 : vector<512x256xf32>
    %get3A_2675 = arith.constant 11 : index
    %get3A_2676 = arith.constant 15 : index
    %get3A_2677 = memref.load %arg4[%get3A_2675, %get3A_2676] : memref<16x16xf32, #tpu.memory_space<smem>>
    %mul3A_2678 = vector.broadcast %get3A_2677 : f32 to vector<512x256xf32>
    %mul3A_2679 = arith.mulf %max3A_784, %mul3A_2678 : vector<512x256xf32>
    %add3A_2680 = arith.addf %add3A_2674, %mul3A_2679 : vector<512x256xf32>
    %get3A_2681 = arith.constant 12 : index
    %get3A_2682 = arith.constant 15 : index
    %get3A_2683 = memref.load %arg4[%get3A_2681, %get3A_2682] : memref<16x16xf32, #tpu.memory_space<smem>>
    %mul3A_2684 = vector.broadcast %get3A_2683 : f32 to vector<512x256xf32>
    %mul3A_2685 = arith.mulf %max3A_842, %mul3A_2684 : vector<512x256xf32>
    %add3A_2686 = arith.addf %add3A_2680, %mul3A_2685 : vector<512x256xf32>
    %get3A_2687 = arith.constant 13 : index
    %get3A_2688 = arith.constant 15 : index
    %get3A_2689 = memref.load %arg4[%get3A_2687, %get3A_2688] : memref<16x16xf32, #tpu.memory_space<smem>>
    %mul3A_2690 = vector.broadcast %get3A_2689 : f32 to vector<512x256xf32>
    %mul3A_2691 = arith.mulf %max3A_900, %mul3A_2690 : vector<512x256xf32>
    %add3A_2692 = arith.addf %add3A_2686, %mul3A_2691 : vector<512x256xf32>
    %get3A_2693 = arith.constant 14 : index
    %get3A_2694 = arith.constant 15 : index
    %get3A_2695 = memref.load %arg4[%get3A_2693, %get3A_2694] : memref<16x16xf32, #tpu.memory_space<smem>>
    %mul3A_2696 = vector.broadcast %get3A_2695 : f32 to vector<512x256xf32>
    %mul3A_2697 = arith.mulf %max3A_958, %mul3A_2696 : vector<512x256xf32>
    %add3A_2698 = arith.addf %add3A_2692, %mul3A_2697 : vector<512x256xf32>
    %get3A_2699 = arith.constant 15 : index
    %get3A_2700 = arith.constant 15 : index
    %get3A_2701 = memref.load %arg4[%get3A_2699, %get3A_2700] : memref<16x16xf32, #tpu.memory_space<smem>>
    %mul3A_2702 = vector.broadcast %get3A_2701 : f32 to vector<512x256xf32>
    %mul3A_2703 = arith.mulf %max3A_1016, %mul3A_2702 : vector<512x256xf32>
    %add3A_2704 = arith.addf %add3A_2698, %mul3A_2703 : vector<512x256xf32>
    %get3A_2705 = arith.constant 0 : index
    %get3A_2706 = arith.constant 15 : index
    %get3A_2707 = memref.load %arg7[%get3A_2705, %get3A_2706] : memref<1x16xf32, #tpu.memory_space<smem>>
    %add3A_2708 = vector.broadcast %get3A_2707 : f32 to vector<512x256xf32>
    %add3A_2709 = arith.addf %add3A_2704, %add3A_2708 : vector<512x256xf32>
    %max3A_2710 = arith.constant 0.000000e+00 : f32
    %max3A_2711 = vector.broadcast %max3A_2710 : f32 to vector<512x256xf32>
    %max3A_2712 = arith.maximumf %add3A_2709, %max3A_2711 : vector<512x256xf32>
    %concatenate3A_2713 = tpu.concatenate %max3A_1122, %max3A_1228, %max3A_1334, %max3A_1440, %max3A_1546, %max3A_1652, %max3A_1758, %max3A_1864, %max3A_1970, %max3A_2076, %max3A_2182, %max3A_2288, %max3A_2394, %max3A_2500, %max3A_2606, %max3A_2712 in 1 : vector<512x256xf32>, vector<512x256xf32>, vector<512x256xf32>, vector<512x256xf32>, vector<512x256xf32>, vector<512x256xf32>, vector<512x256xf32>, vector<512x256xf32>, vector<512x256xf32>, vector<512x256xf32>, vector<512x256xf32>, vector<512x256xf32>, vector<512x256xf32>, vector<512x256xf32>, vector<512x256xf32>, vector<512x256xf32> -> vector<512x4096xf32>
    %convert_element_type3A_2714 = arith.truncf %concatenate3A_2713 : vector<512x4096xf32> to vector<512x4096xbf16>
    %dot_general3A_2715 = arith.constant dense<0.000000e+00> : vector<512x4096xf32>
    %dot_general3A_2716 = tpu.matmul %convert_element_type3A, %convert_element_type3A_2714, %dot_general3A_2715 {dimension_numbers = #tpu.dot_dimension_numbers<[1], [0], [0], [1], [0, 0, 1, 1], [], []>, transpose_lhs_hint = false} : vector<512x512xbf16>, vector<512x4096xbf16>, vector<512x4096xf32> -> vector<512x4096xf32>
    %slice3A_2717 = vector.extract_strided_slice %dot_general3A_2716 {offsets = [0, 0], sizes = [512, 256], strides = [1, 1]} : vector<512x4096xf32> to vector<512x256xf32>
    %mul3A_2718 = vector.broadcast %add3A_10 : f32 to vector<512x256xf32>
    %mul3A_2719 = arith.mulf %mul3A_2718, %max3A_1122 : vector<512x256xf32>
    %add3A_2720 = arith.addf %slice3A_2717, %mul3A_2719 : vector<512x256xf32>
    %slice3A_2721 = vector.extract_strided_slice %dot_general3A_2716 {offsets = [0, 256], sizes = [512, 256], strides = [1, 1]} : vector<512x4096xf32> to vector<512x256xf32>
    %mul3A_2722 = vector.broadcast %add3A_10 : f32 to vector<512x256xf32>
    %mul3A_2723 = arith.mulf %mul3A_2722, %max3A_1228 : vector<512x256xf32>
    %add3A_2724 = arith.addf %slice3A_2721, %mul3A_2723 : vector<512x256xf32>
    %slice3A_2725 = vector.extract_strided_slice %dot_general3A_2716 {offsets = [0, 512], sizes = [512, 256], strides = [1, 1]} : vector<512x4096xf32> to vector<512x256xf32>
    %mul3A_2726 = vector.broadcast %add3A_10 : f32 to vector<512x256xf32>
    %mul3A_2727 = arith.mulf %mul3A_2726, %max3A_1334 : vector<512x256xf32>
    %add3A_2728 = arith.addf %slice3A_2725, %mul3A_2727 : vector<512x256xf32>
    %slice3A_2729 = vector.extract_strided_slice %dot_general3A_2716 {offsets = [0, 768], sizes = [512, 256], strides = [1, 1]} : vector<512x4096xf32> to vector<512x256xf32>
    %mul3A_2730 = vector.broadcast %add3A_10 : f32 to vector<512x256xf32>
    %mul3A_2731 = arith.mulf %mul3A_2730, %max3A_1440 : vector<512x256xf32>
    %add3A_2732 = arith.addf %slice3A_2729, %mul3A_2731 : vector<512x256xf32>
    %slice3A_2733 = vector.extract_strided_slice %dot_general3A_2716 {offsets = [0, 1024], sizes = [512, 256], strides = [1, 1]} : vector<512x4096xf32> to vector<512x256xf32>
    %mul3A_2734 = vector.broadcast %add3A_10 : f32 to vector<512x256xf32>
    %mul3A_2735 = arith.mulf %mul3A_2734, %max3A_1546 : vector<512x256xf32>
    %add3A_2736 = arith.addf %slice3A_2733, %mul3A_2735 : vector<512x256xf32>
    %slice3A_2737 = vector.extract_strided_slice %dot_general3A_2716 {offsets = [0, 1280], sizes = [512, 256], strides = [1, 1]} : vector<512x4096xf32> to vector<512x256xf32>
    %mul3A_2738 = vector.broadcast %add3A_10 : f32 to vector<512x256xf32>
    %mul3A_2739 = arith.mulf %mul3A_2738, %max3A_1652 : vector<512x256xf32>
    %add3A_2740 = arith.addf %slice3A_2737, %mul3A_2739 : vector<512x256xf32>
    %slice3A_2741 = vector.extract_strided_slice %dot_general3A_2716 {offsets = [0, 1536], sizes = [512, 256], strides = [1, 1]} : vector<512x4096xf32> to vector<512x256xf32>
    %mul3A_2742 = vector.broadcast %add3A_10 : f32 to vector<512x256xf32>
    %mul3A_2743 = arith.mulf %mul3A_2742, %max3A_1758 : vector<512x256xf32>
    %add3A_2744 = arith.addf %slice3A_2741, %mul3A_2743 : vector<512x256xf32>
    %slice3A_2745 = vector.extract_strided_slice %dot_general3A_2716 {offsets = [0, 1792], sizes = [512, 256], strides = [1, 1]} : vector<512x4096xf32> to vector<512x256xf32>
    %mul3A_2746 = vector.broadcast %add3A_10 : f32 to vector<512x256xf32>
    %mul3A_2747 = arith.mulf %mul3A_2746, %max3A_1864 : vector<512x256xf32>
    %add3A_2748 = arith.addf %slice3A_2745, %mul3A_2747 : vector<512x256xf32>
    %slice3A_2749 = vector.extract_strided_slice %dot_general3A_2716 {offsets = [0, 2048], sizes = [512, 256], strides = [1, 1]} : vector<512x4096xf32> to vector<512x256xf32>
    %mul3A_2750 = vector.broadcast %add3A_10 : f32 to vector<512x256xf32>
    %mul3A_2751 = arith.mulf %mul3A_2750, %max3A_1970 : vector<512x256xf32>
    %add3A_2752 = arith.addf %slice3A_2749, %mul3A_2751 : vector<512x256xf32>
    %slice3A_2753 = vector.extract_strided_slice %dot_general3A_2716 {offsets = [0, 2304], sizes = [512, 256], strides = [1, 1]} : vector<512x4096xf32> to vector<512x256xf32>
    %mul3A_2754 = vector.broadcast %add3A_10 : f32 to vector<512x256xf32>
    %mul3A_2755 = arith.mulf %mul3A_2754, %max3A_2076 : vector<512x256xf32>
    %add3A_2756 = arith.addf %slice3A_2753, %mul3A_2755 : vector<512x256xf32>
    %slice3A_2757 = vector.extract_strided_slice %dot_general3A_2716 {offsets = [0, 2560], sizes = [512, 256], strides = [1, 1]} : vector<512x4096xf32> to vector<512x256xf32>
    %mul3A_2758 = vector.broadcast %add3A_10 : f32 to vector<512x256xf32>
    %mul3A_2759 = arith.mulf %mul3A_2758, %max3A_2182 : vector<512x256xf32>
    %add3A_2760 = arith.addf %slice3A_2757, %mul3A_2759 : vector<512x256xf32>
    %slice3A_2761 = vector.extract_strided_slice %dot_general3A_2716 {offsets = [0, 2816], sizes = [512, 256], strides = [1, 1]} : vector<512x4096xf32> to vector<512x256xf32>
    %mul3A_2762 = vector.broadcast %add3A_10 : f32 to vector<512x256xf32>
    %mul3A_2763 = arith.mulf %mul3A_2762, %max3A_2288 : vector<512x256xf32>
    %add3A_2764 = arith.addf %slice3A_2761, %mul3A_2763 : vector<512x256xf32>
    %slice3A_2765 = vector.extract_strided_slice %dot_general3A_2716 {offsets = [0, 3072], sizes = [512, 256], strides = [1, 1]} : vector<512x4096xf32> to vector<512x256xf32>
    %mul3A_2766 = vector.broadcast %add3A_10 : f32 to vector<512x256xf32>
    %mul3A_2767 = arith.mulf %mul3A_2766, %max3A_2394 : vector<512x256xf32>
    %add3A_2768 = arith.addf %slice3A_2765, %mul3A_2767 : vector<512x256xf32>
    %slice3A_2769 = vector.extract_strided_slice %dot_general3A_2716 {offsets = [0, 3328], sizes = [512, 256], strides = [1, 1]} : vector<512x4096xf32> to vector<512x256xf32>
    %mul3A_2770 = vector.broadcast %add3A_10 : f32 to vector<512x256xf32>
    %mul3A_2771 = arith.mulf %mul3A_2770, %max3A_2500 : vector<512x256xf32>
    %add3A_2772 = arith.addf %slice3A_2769, %mul3A_2771 : vector<512x256xf32>
    %slice3A_2773 = vector.extract_strided_slice %dot_general3A_2716 {offsets = [0, 3584], sizes = [512, 256], strides = [1, 1]} : vector<512x4096xf32> to vector<512x256xf32>
    %mul3A_2774 = vector.broadcast %add3A_10 : f32 to vector<512x256xf32>
    %mul3A_2775 = arith.mulf %mul3A_2774, %max3A_2606 : vector<512x256xf32>
    %add3A_2776 = arith.addf %slice3A_2773, %mul3A_2775 : vector<512x256xf32>
    %slice3A_2777 = vector.extract_strided_slice %dot_general3A_2716 {offsets = [0, 3840], sizes = [512, 256], strides = [1, 1]} : vector<512x4096xf32> to vector<512x256xf32>
    %mul3A_2778 = vector.broadcast %add3A_10 : f32 to vector<512x256xf32>
    %mul3A_2779 = arith.mulf %mul3A_2778, %max3A_2712 : vector<512x256xf32>
    %add3A_2780 = arith.addf %slice3A_2777, %mul3A_2779 : vector<512x256xf32>
    %get3A_2781 = arith.constant 0 : index
    %get3A_2782 = arith.constant 0 : index
    %get3A_2783 = memref.load %arg5[%get3A_2781, %get3A_2782] : memref<16x16xf32, #tpu.memory_space<smem>>
    %mul3A_2784 = vector.broadcast %get3A_2783 : f32 to vector<512x256xf32>
    %mul3A_2785 = arith.mulf %add3A_2720, %mul3A_2784 : vector<512x256xf32>
    %add3A_2786 = arith.constant 0.000000e+00 : f32
    %add3A_2787 = vector.broadcast %add3A_2786 : f32 to vector<512x256xf32>
    %add3A_2788 = arith.addf %add3A_2787, %mul3A_2785 : vector<512x256xf32>
    %get3A_2789 = arith.constant 1 : index
    %get3A_2790 = arith.constant 0 : index
    %get3A_2791 = memref.load %arg5[%get3A_2789, %get3A_2790] : memref<16x16xf32, #tpu.memory_space<smem>>
    %mul3A_2792 = vector.broadcast %get3A_2791 : f32 to vector<512x256xf32>
    %mul3A_2793 = arith.mulf %add3A_2724, %mul3A_2792 : vector<512x256xf32>
    %add3A_2794 = arith.addf %add3A_2788, %mul3A_2793 : vector<512x256xf32>
    %get3A_2795 = arith.constant 2 : index
    %get3A_2796 = arith.constant 0 : index
    %get3A_2797 = memref.load %arg5[%get3A_2795, %get3A_2796] : memref<16x16xf32, #tpu.memory_space<smem>>
    %mul3A_2798 = vector.broadcast %get3A_2797 : f32 to vector<512x256xf32>
    %mul3A_2799 = arith.mulf %add3A_2728, %mul3A_2798 : vector<512x256xf32>
    %add3A_2800 = arith.addf %add3A_2794, %mul3A_2799 : vector<512x256xf32>
    %get3A_2801 = arith.constant 3 : index
    %get3A_2802 = arith.constant 0 : index
    %get3A_2803 = memref.load %arg5[%get3A_2801, %get3A_2802] : memref<16x16xf32, #tpu.memory_space<smem>>
    %mul3A_2804 = vector.broadcast %get3A_2803 : f32 to vector<512x256xf32>
    %mul3A_2805 = arith.mulf %add3A_2732, %mul3A_2804 : vector<512x256xf32>
    %add3A_2806 = arith.addf %add3A_2800, %mul3A_2805 : vector<512x256xf32>
    %get3A_2807 = arith.constant 4 : index
    %get3A_2808 = arith.constant 0 : index
    %get3A_2809 = memref.load %arg5[%get3A_2807, %get3A_2808] : memref<16x16xf32, #tpu.memory_space<smem>>
    %mul3A_2810 = vector.broadcast %get3A_2809 : f32 to vector<512x256xf32>
    %mul3A_2811 = arith.mulf %add3A_2736, %mul3A_2810 : vector<512x256xf32>
    %add3A_2812 = arith.addf %add3A_2806, %mul3A_2811 : vector<512x256xf32>
    %get3A_2813 = arith.constant 5 : index
    %get3A_2814 = arith.constant 0 : index
    %get3A_2815 = memref.load %arg5[%get3A_2813, %get3A_2814] : memref<16x16xf32, #tpu.memory_space<smem>>
    %mul3A_2816 = vector.broadcast %get3A_2815 : f32 to vector<512x256xf32>
    %mul3A_2817 = arith.mulf %add3A_2740, %mul3A_2816 : vector<512x256xf32>
    %add3A_2818 = arith.addf %add3A_2812, %mul3A_2817 : vector<512x256xf32>
    %get3A_2819 = arith.constant 6 : index
    %get3A_2820 = arith.constant 0 : index
    %get3A_2821 = memref.load %arg5[%get3A_2819, %get3A_2820] : memref<16x16xf32, #tpu.memory_space<smem>>
    %mul3A_2822 = vector.broadcast %get3A_2821 : f32 to vector<512x256xf32>
    %mul3A_2823 = arith.mulf %add3A_2744, %mul3A_2822 : vector<512x256xf32>
    %add3A_2824 = arith.addf %add3A_2818, %mul3A_2823 : vector<512x256xf32>
    %get3A_2825 = arith.constant 7 : index
    %get3A_2826 = arith.constant 0 : index
    %get3A_2827 = memref.load %arg5[%get3A_2825, %get3A_2826] : memref<16x16xf32, #tpu.memory_space<smem>>
    %mul3A_2828 = vector.broadcast %get3A_2827 : f32 to vector<512x256xf32>
    %mul3A_2829 = arith.mulf %add3A_2748, %mul3A_2828 : vector<512x256xf32>
    %add3A_2830 = arith.addf %add3A_2824, %mul3A_2829 : vector<512x256xf32>
    %get3A_2831 = arith.constant 8 : index
    %get3A_2832 = arith.constant 0 : index
    %get3A_2833 = memref.load %arg5[%get3A_2831, %get3A_2832] : memref<16x16xf32, #tpu.memory_space<smem>>
    %mul3A_2834 = vector.broadcast %get3A_2833 : f32 to vector<512x256xf32>
    %mul3A_2835 = arith.mulf %add3A_2752, %mul3A_2834 : vector<512x256xf32>
    %add3A_2836 = arith.addf %add3A_2830, %mul3A_2835 : vector<512x256xf32>
    %get3A_2837 = arith.constant 9 : index
    %get3A_2838 = arith.constant 0 : index
    %get3A_2839 = memref.load %arg5[%get3A_2837, %get3A_2838] : memref<16x16xf32, #tpu.memory_space<smem>>
    %mul3A_2840 = vector.broadcast %get3A_2839 : f32 to vector<512x256xf32>
    %mul3A_2841 = arith.mulf %add3A_2756, %mul3A_2840 : vector<512x256xf32>
    %add3A_2842 = arith.addf %add3A_2836, %mul3A_2841 : vector<512x256xf32>
    %get3A_2843 = arith.constant 10 : index
    %get3A_2844 = arith.constant 0 : index
    %get3A_2845 = memref.load %arg5[%get3A_2843, %get3A_2844] : memref<16x16xf32, #tpu.memory_space<smem>>
    %mul3A_2846 = vector.broadcast %get3A_2845 : f32 to vector<512x256xf32>
    %mul3A_2847 = arith.mulf %add3A_2760, %mul3A_2846 : vector<512x256xf32>
    %add3A_2848 = arith.addf %add3A_2842, %mul3A_2847 : vector<512x256xf32>
    %get3A_2849 = arith.constant 11 : index
    %get3A_2850 = arith.constant 0 : index
    %get3A_2851 = memref.load %arg5[%get3A_2849, %get3A_2850] : memref<16x16xf32, #tpu.memory_space<smem>>
    %mul3A_2852 = vector.broadcast %get3A_2851 : f32 to vector<512x256xf32>
    %mul3A_2853 = arith.mulf %add3A_2764, %mul3A_2852 : vector<512x256xf32>
    %add3A_2854 = arith.addf %add3A_2848, %mul3A_2853 : vector<512x256xf32>
    %get3A_2855 = arith.constant 12 : index
    %get3A_2856 = arith.constant 0 : index
    %get3A_2857 = memref.load %arg5[%get3A_2855, %get3A_2856] : memref<16x16xf32, #tpu.memory_space<smem>>
    %mul3A_2858 = vector.broadcast %get3A_2857 : f32 to vector<512x256xf32>
    %mul3A_2859 = arith.mulf %add3A_2768, %mul3A_2858 : vector<512x256xf32>
    %add3A_2860 = arith.addf %add3A_2854, %mul3A_2859 : vector<512x256xf32>
    %get3A_2861 = arith.constant 13 : index
    %get3A_2862 = arith.constant 0 : index
    %get3A_2863 = memref.load %arg5[%get3A_2861, %get3A_2862] : memref<16x16xf32, #tpu.memory_space<smem>>
    %mul3A_2864 = vector.broadcast %get3A_2863 : f32 to vector<512x256xf32>
    %mul3A_2865 = arith.mulf %add3A_2772, %mul3A_2864 : vector<512x256xf32>
    %add3A_2866 = arith.addf %add3A_2860, %mul3A_2865 : vector<512x256xf32>
    %get3A_2867 = arith.constant 14 : index
    %get3A_2868 = arith.constant 0 : index
    %get3A_2869 = memref.load %arg5[%get3A_2867, %get3A_2868] : memref<16x16xf32, #tpu.memory_space<smem>>
    %mul3A_2870 = vector.broadcast %get3A_2869 : f32 to vector<512x256xf32>
    %mul3A_2871 = arith.mulf %add3A_2776, %mul3A_2870 : vector<512x256xf32>
    %add3A_2872 = arith.addf %add3A_2866, %mul3A_2871 : vector<512x256xf32>
    %get3A_2873 = arith.constant 15 : index
    %get3A_2874 = arith.constant 0 : index
    %get3A_2875 = memref.load %arg5[%get3A_2873, %get3A_2874] : memref<16x16xf32, #tpu.memory_space<smem>>
    %mul3A_2876 = vector.broadcast %get3A_2875 : f32 to vector<512x256xf32>
    %mul3A_2877 = arith.mulf %add3A_2780, %mul3A_2876 : vector<512x256xf32>
    %add3A_2878 = arith.addf %add3A_2872, %mul3A_2877 : vector<512x256xf32>
    %get3A_2879 = arith.constant 0 : index
    %get3A_2880 = arith.constant 0 : index
    %get3A_2881 = memref.load %arg8[%get3A_2879, %get3A_2880] : memref<1x16xf32, #tpu.memory_space<smem>>
    %add3A_2882 = vector.broadcast %get3A_2881 : f32 to vector<512x256xf32>
    %add3A_2883 = arith.addf %add3A_2878, %add3A_2882 : vector<512x256xf32>
    %max3A_2884 = arith.constant 0.000000e+00 : f32
    %max3A_2885 = vector.broadcast %max3A_2884 : f32 to vector<512x256xf32>
    %max3A_2886 = arith.maximumf %add3A_2883, %max3A_2885 : vector<512x256xf32>
    %get3A_2887 = arith.constant 0 : index
    %get3A_2888 = arith.constant 1 : index
    %get3A_2889 = memref.load %arg5[%get3A_2887, %get3A_2888] : memref<16x16xf32, #tpu.memory_space<smem>>
    %mul3A_2890 = vector.broadcast %get3A_2889 : f32 to vector<512x256xf32>
    %mul3A_2891 = arith.mulf %add3A_2720, %mul3A_2890 : vector<512x256xf32>
    %add3A_2892 = arith.constant 0.000000e+00 : f32
    %add3A_2893 = vector.broadcast %add3A_2892 : f32 to vector<512x256xf32>
    %add3A_2894 = arith.addf %add3A_2893, %mul3A_2891 : vector<512x256xf32>
    %get3A_2895 = arith.constant 1 : index
    %get3A_2896 = arith.constant 1 : index
    %get3A_2897 = memref.load %arg5[%get3A_2895, %get3A_2896] : memref<16x16xf32, #tpu.memory_space<smem>>
    %mul3A_2898 = vector.broadcast %get3A_2897 : f32 to vector<512x256xf32>
    %mul3A_2899 = arith.mulf %add3A_2724, %mul3A_2898 : vector<512x256xf32>
    %add3A_2900 = arith.addf %add3A_2894, %mul3A_2899 : vector<512x256xf32>
    %get3A_2901 = arith.constant 2 : index
    %get3A_2902 = arith.constant 1 : index
    %get3A_2903 = memref.load %arg5[%get3A_2901, %get3A_2902] : memref<16x16xf32, #tpu.memory_space<smem>>
    %mul3A_2904 = vector.broadcast %get3A_2903 : f32 to vector<512x256xf32>
    %mul3A_2905 = arith.mulf %add3A_2728, %mul3A_2904 : vector<512x256xf32>
    %add3A_2906 = arith.addf %add3A_2900, %mul3A_2905 : vector<512x256xf32>
    %get3A_2907 = arith.constant 3 : index
    %get3A_2908 = arith.constant 1 : index
    %get3A_2909 = memref.load %arg5[%get3A_2907, %get3A_2908] : memref<16x16xf32, #tpu.memory_space<smem>>
    %mul3A_2910 = vector.broadcast %get3A_2909 : f32 to vector<512x256xf32>
    %mul3A_2911 = arith.mulf %add3A_2732, %mul3A_2910 : vector<512x256xf32>
    %add3A_2912 = arith.addf %add3A_2906, %mul3A_2911 : vector<512x256xf32>
    %get3A_2913 = arith.constant 4 : index
    %get3A_2914 = arith.constant 1 : index
    %get3A_2915 = memref.load %arg5[%get3A_2913, %get3A_2914] : memref<16x16xf32, #tpu.memory_space<smem>>
    %mul3A_2916 = vector.broadcast %get3A_2915 : f32 to vector<512x256xf32>
    %mul3A_2917 = arith.mulf %add3A_2736, %mul3A_2916 : vector<512x256xf32>
    %add3A_2918 = arith.addf %add3A_2912, %mul3A_2917 : vector<512x256xf32>
    %get3A_2919 = arith.constant 5 : index
    %get3A_2920 = arith.constant 1 : index
    %get3A_2921 = memref.load %arg5[%get3A_2919, %get3A_2920] : memref<16x16xf32, #tpu.memory_space<smem>>
    %mul3A_2922 = vector.broadcast %get3A_2921 : f32 to vector<512x256xf32>
    %mul3A_2923 = arith.mulf %add3A_2740, %mul3A_2922 : vector<512x256xf32>
    %add3A_2924 = arith.addf %add3A_2918, %mul3A_2923 : vector<512x256xf32>
    %get3A_2925 = arith.constant 6 : index
    %get3A_2926 = arith.constant 1 : index
    %get3A_2927 = memref.load %arg5[%get3A_2925, %get3A_2926] : memref<16x16xf32, #tpu.memory_space<smem>>
    %mul3A_2928 = vector.broadcast %get3A_2927 : f32 to vector<512x256xf32>
    %mul3A_2929 = arith.mulf %add3A_2744, %mul3A_2928 : vector<512x256xf32>
    %add3A_2930 = arith.addf %add3A_2924, %mul3A_2929 : vector<512x256xf32>
    %get3A_2931 = arith.constant 7 : index
    %get3A_2932 = arith.constant 1 : index
    %get3A_2933 = memref.load %arg5[%get3A_2931, %get3A_2932] : memref<16x16xf32, #tpu.memory_space<smem>>
    %mul3A_2934 = vector.broadcast %get3A_2933 : f32 to vector<512x256xf32>
    %mul3A_2935 = arith.mulf %add3A_2748, %mul3A_2934 : vector<512x256xf32>
    %add3A_2936 = arith.addf %add3A_2930, %mul3A_2935 : vector<512x256xf32>
    %get3A_2937 = arith.constant 8 : index
    %get3A_2938 = arith.constant 1 : index
    %get3A_2939 = memref.load %arg5[%get3A_2937, %get3A_2938] : memref<16x16xf32, #tpu.memory_space<smem>>
    %mul3A_2940 = vector.broadcast %get3A_2939 : f32 to vector<512x256xf32>
    %mul3A_2941 = arith.mulf %add3A_2752, %mul3A_2940 : vector<512x256xf32>
    %add3A_2942 = arith.addf %add3A_2936, %mul3A_2941 : vector<512x256xf32>
    %get3A_2943 = arith.constant 9 : index
    %get3A_2944 = arith.constant 1 : index
    %get3A_2945 = memref.load %arg5[%get3A_2943, %get3A_2944] : memref<16x16xf32, #tpu.memory_space<smem>>
    %mul3A_2946 = vector.broadcast %get3A_2945 : f32 to vector<512x256xf32>
    %mul3A_2947 = arith.mulf %add3A_2756, %mul3A_2946 : vector<512x256xf32>
    %add3A_2948 = arith.addf %add3A_2942, %mul3A_2947 : vector<512x256xf32>
    %get3A_2949 = arith.constant 10 : index
    %get3A_2950 = arith.constant 1 : index
    %get3A_2951 = memref.load %arg5[%get3A_2949, %get3A_2950] : memref<16x16xf32, #tpu.memory_space<smem>>
    %mul3A_2952 = vector.broadcast %get3A_2951 : f32 to vector<512x256xf32>
    %mul3A_2953 = arith.mulf %add3A_2760, %mul3A_2952 : vector<512x256xf32>
    %add3A_2954 = arith.addf %add3A_2948, %mul3A_2953 : vector<512x256xf32>
    %get3A_2955 = arith.constant 11 : index
    %get3A_2956 = arith.constant 1 : index
    %get3A_2957 = memref.load %arg5[%get3A_2955, %get3A_2956] : memref<16x16xf32, #tpu.memory_space<smem>>
    %mul3A_2958 = vector.broadcast %get3A_2957 : f32 to vector<512x256xf32>
    %mul3A_2959 = arith.mulf %add3A_2764, %mul3A_2958 : vector<512x256xf32>
    %add3A_2960 = arith.addf %add3A_2954, %mul3A_2959 : vector<512x256xf32>
    %get3A_2961 = arith.constant 12 : index
    %get3A_2962 = arith.constant 1 : index
    %get3A_2963 = memref.load %arg5[%get3A_2961, %get3A_2962] : memref<16x16xf32, #tpu.memory_space<smem>>
    %mul3A_2964 = vector.broadcast %get3A_2963 : f32 to vector<512x256xf32>
    %mul3A_2965 = arith.mulf %add3A_2768, %mul3A_2964 : vector<512x256xf32>
    %add3A_2966 = arith.addf %add3A_2960, %mul3A_2965 : vector<512x256xf32>
    %get3A_2967 = arith.constant 13 : index
    %get3A_2968 = arith.constant 1 : index
    %get3A_2969 = memref.load %arg5[%get3A_2967, %get3A_2968] : memref<16x16xf32, #tpu.memory_space<smem>>
    %mul3A_2970 = vector.broadcast %get3A_2969 : f32 to vector<512x256xf32>
    %mul3A_2971 = arith.mulf %add3A_2772, %mul3A_2970 : vector<512x256xf32>
    %add3A_2972 = arith.addf %add3A_2966, %mul3A_2971 : vector<512x256xf32>
    %get3A_2973 = arith.constant 14 : index
    %get3A_2974 = arith.constant 1 : index
    %get3A_2975 = memref.load %arg5[%get3A_2973, %get3A_2974] : memref<16x16xf32, #tpu.memory_space<smem>>
    %mul3A_2976 = vector.broadcast %get3A_2975 : f32 to vector<512x256xf32>
    %mul3A_2977 = arith.mulf %add3A_2776, %mul3A_2976 : vector<512x256xf32>
    %add3A_2978 = arith.addf %add3A_2972, %mul3A_2977 : vector<512x256xf32>
    %get3A_2979 = arith.constant 15 : index
    %get3A_2980 = arith.constant 1 : index
    %get3A_2981 = memref.load %arg5[%get3A_2979, %get3A_2980] : memref<16x16xf32, #tpu.memory_space<smem>>
    %mul3A_2982 = vector.broadcast %get3A_2981 : f32 to vector<512x256xf32>
    %mul3A_2983 = arith.mulf %add3A_2780, %mul3A_2982 : vector<512x256xf32>
    %add3A_2984 = arith.addf %add3A_2978, %mul3A_2983 : vector<512x256xf32>
    %get3A_2985 = arith.constant 0 : index
    %get3A_2986 = arith.constant 1 : index
    %get3A_2987 = memref.load %arg8[%get3A_2985, %get3A_2986] : memref<1x16xf32, #tpu.memory_space<smem>>
    %add3A_2988 = vector.broadcast %get3A_2987 : f32 to vector<512x256xf32>
    %add3A_2989 = arith.addf %add3A_2984, %add3A_2988 : vector<512x256xf32>
    %max3A_2990 = arith.constant 0.000000e+00 : f32
    %max3A_2991 = vector.broadcast %max3A_2990 : f32 to vector<512x256xf32>
    %max3A_2992 = arith.maximumf %add3A_2989, %max3A_2991 : vector<512x256xf32>
    %get3A_2993 = arith.constant 0 : index
    %get3A_2994 = arith.constant 2 : index
    %get3A_2995 = memref.load %arg5[%get3A_2993, %get3A_2994] : memref<16x16xf32, #tpu.memory_space<smem>>
    %mul3A_2996 = vector.broadcast %get3A_2995 : f32 to vector<512x256xf32>
    %mul3A_2997 = arith.mulf %add3A_2720, %mul3A_2996 : vector<512x256xf32>
    %add3A_2998 = arith.constant 0.000000e+00 : f32
    %add3A_2999 = vector.broadcast %add3A_2998 : f32 to vector<512x256xf32>
    %add3A_3000 = arith.addf %add3A_2999, %mul3A_2997 : vector<512x256xf32>
    %get3A_3001 = arith.constant 1 : index
    %get3A_3002 = arith.constant 2 : index
    %get3A_3003 = memref.load %arg5[%get3A_3001, %get3A_3002] : memref<16x16xf32, #tpu.memory_space<smem>>
    %mul3A_3004 = vector.broadcast %get3A_3003 : f32 to vector<512x256xf32>
    %mul3A_3005 = arith.mulf %add3A_2724, %mul3A_3004 : vector<512x256xf32>
    %add3A_3006 = arith.addf %add3A_3000, %mul3A_3005 : vector<512x256xf32>
    %get3A_3007 = arith.constant 2 : index
    %get3A_3008 = arith.constant 2 : index
    %get3A_3009 = memref.load %arg5[%get3A_3007, %get3A_3008] : memref<16x16xf32, #tpu.memory_space<smem>>
    %mul3A_3010 = vector.broadcast %get3A_3009 : f32 to vector<512x256xf32>
    %mul3A_3011 = arith.mulf %add3A_2728, %mul3A_3010 : vector<512x256xf32>
    %add3A_3012 = arith.addf %add3A_3006, %mul3A_3011 : vector<512x256xf32>
    %get3A_3013 = arith.constant 3 : index
    %get3A_3014 = arith.constant 2 : index
    %get3A_3015 = memref.load %arg5[%get3A_3013, %get3A_3014] : memref<16x16xf32, #tpu.memory_space<smem>>
    %mul3A_3016 = vector.broadcast %get3A_3015 : f32 to vector<512x256xf32>
    %mul3A_3017 = arith.mulf %add3A_2732, %mul3A_3016 : vector<512x256xf32>
    %add3A_3018 = arith.addf %add3A_3012, %mul3A_3017 : vector<512x256xf32>
    %get3A_3019 = arith.constant 4 : index
    %get3A_3020 = arith.constant 2 : index
    %get3A_3021 = memref.load %arg5[%get3A_3019, %get3A_3020] : memref<16x16xf32, #tpu.memory_space<smem>>
    %mul3A_3022 = vector.broadcast %get3A_3021 : f32 to vector<512x256xf32>
    %mul3A_3023 = arith.mulf %add3A_2736, %mul3A_3022 : vector<512x256xf32>
    %add3A_3024 = arith.addf %add3A_3018, %mul3A_3023 : vector<512x256xf32>
    %get3A_3025 = arith.constant 5 : index
    %get3A_3026 = arith.constant 2 : index
    %get3A_3027 = memref.load %arg5[%get3A_3025, %get3A_3026] : memref<16x16xf32, #tpu.memory_space<smem>>
    %mul3A_3028 = vector.broadcast %get3A_3027 : f32 to vector<512x256xf32>
    %mul3A_3029 = arith.mulf %add3A_2740, %mul3A_3028 : vector<512x256xf32>
    %add3A_3030 = arith.addf %add3A_3024, %mul3A_3029 : vector<512x256xf32>
    %get3A_3031 = arith.constant 6 : index
    %get3A_3032 = arith.constant 2 : index
    %get3A_3033 = memref.load %arg5[%get3A_3031, %get3A_3032] : memref<16x16xf32, #tpu.memory_space<smem>>
    %mul3A_3034 = vector.broadcast %get3A_3033 : f32 to vector<512x256xf32>
    %mul3A_3035 = arith.mulf %add3A_2744, %mul3A_3034 : vector<512x256xf32>
    %add3A_3036 = arith.addf %add3A_3030, %mul3A_3035 : vector<512x256xf32>
    %get3A_3037 = arith.constant 7 : index
    %get3A_3038 = arith.constant 2 : index
    %get3A_3039 = memref.load %arg5[%get3A_3037, %get3A_3038] : memref<16x16xf32, #tpu.memory_space<smem>>
    %mul3A_3040 = vector.broadcast %get3A_3039 : f32 to vector<512x256xf32>
    %mul3A_3041 = arith.mulf %add3A_2748, %mul3A_3040 : vector<512x256xf32>
    %add3A_3042 = arith.addf %add3A_3036, %mul3A_3041 : vector<512x256xf32>
    %get3A_3043 = arith.constant 8 : index
    %get3A_3044 = arith.constant 2 : index
    %get3A_3045 = memref.load %arg5[%get3A_3043, %get3A_3044] : memref<16x16xf32, #tpu.memory_space<smem>>
    %mul3A_3046 = vector.broadcast %get3A_3045 : f32 to vector<512x256xf32>
    %mul3A_3047 = arith.mulf %add3A_2752, %mul3A_3046 : vector<512x256xf32>
    %add3A_3048 = arith.addf %add3A_3042, %mul3A_3047 : vector<512x256xf32>
    %get3A_3049 = arith.constant 9 : index
    %get3A_3050 = arith.constant 2 : index
    %get3A_3051 = memref.load %arg5[%get3A_3049, %get3A_3050] : memref<16x16xf32, #tpu.memory_space<smem>>
    %mul3A_3052 = vector.broadcast %get3A_3051 : f32 to vector<512x256xf32>
    %mul3A_3053 = arith.mulf %add3A_2756, %mul3A_3052 : vector<512x256xf32>
    %add3A_3054 = arith.addf %add3A_3048, %mul3A_3053 : vector<512x256xf32>
    %get3A_3055 = arith.constant 10 : index
    %get3A_3056 = arith.constant 2 : index
    %get3A_3057 = memref.load %arg5[%get3A_3055, %get3A_3056] : memref<16x16xf32, #tpu.memory_space<smem>>
    %mul3A_3058 = vector.broadcast %get3A_3057 : f32 to vector<512x256xf32>
    %mul3A_3059 = arith.mulf %add3A_2760, %mul3A_3058 : vector<512x256xf32>
    %add3A_3060 = arith.addf %add3A_3054, %mul3A_3059 : vector<512x256xf32>
    %get3A_3061 = arith.constant 11 : index
    %get3A_3062 = arith.constant 2 : index
    %get3A_3063 = memref.load %arg5[%get3A_3061, %get3A_3062] : memref<16x16xf32, #tpu.memory_space<smem>>
    %mul3A_3064 = vector.broadcast %get3A_3063 : f32 to vector<512x256xf32>
    %mul3A_3065 = arith.mulf %add3A_2764, %mul3A_3064 : vector<512x256xf32>
    %add3A_3066 = arith.addf %add3A_3060, %mul3A_3065 : vector<512x256xf32>
    %get3A_3067 = arith.constant 12 : index
    %get3A_3068 = arith.constant 2 : index
    %get3A_3069 = memref.load %arg5[%get3A_3067, %get3A_3068] : memref<16x16xf32, #tpu.memory_space<smem>>
    %mul3A_3070 = vector.broadcast %get3A_3069 : f32 to vector<512x256xf32>
    %mul3A_3071 = arith.mulf %add3A_2768, %mul3A_3070 : vector<512x256xf32>
    %add3A_3072 = arith.addf %add3A_3066, %mul3A_3071 : vector<512x256xf32>
    %get3A_3073 = arith.constant 13 : index
    %get3A_3074 = arith.constant 2 : index
    %get3A_3075 = memref.load %arg5[%get3A_3073, %get3A_3074] : memref<16x16xf32, #tpu.memory_space<smem>>
    %mul3A_3076 = vector.broadcast %get3A_3075 : f32 to vector<512x256xf32>
    %mul3A_3077 = arith.mulf %add3A_2772, %mul3A_3076 : vector<512x256xf32>
    %add3A_3078 = arith.addf %add3A_3072, %mul3A_3077 : vector<512x256xf32>
    %get3A_3079 = arith.constant 14 : index
    %get3A_3080 = arith.constant 2 : index
    %get3A_3081 = memref.load %arg5[%get3A_3079, %get3A_3080] : memref<16x16xf32, #tpu.memory_space<smem>>
    %mul3A_3082 = vector.broadcast %get3A_3081 : f32 to vector<512x256xf32>
    %mul3A_3083 = arith.mulf %add3A_2776, %mul3A_3082 : vector<512x256xf32>
    %add3A_3084 = arith.addf %add3A_3078, %mul3A_3083 : vector<512x256xf32>
    %get3A_3085 = arith.constant 15 : index
    %get3A_3086 = arith.constant 2 : index
    %get3A_3087 = memref.load %arg5[%get3A_3085, %get3A_3086] : memref<16x16xf32, #tpu.memory_space<smem>>
    %mul3A_3088 = vector.broadcast %get3A_3087 : f32 to vector<512x256xf32>
    %mul3A_3089 = arith.mulf %add3A_2780, %mul3A_3088 : vector<512x256xf32>
    %add3A_3090 = arith.addf %add3A_3084, %mul3A_3089 : vector<512x256xf32>
    %get3A_3091 = arith.constant 0 : index
    %get3A_3092 = arith.constant 2 : index
    %get3A_3093 = memref.load %arg8[%get3A_3091, %get3A_3092] : memref<1x16xf32, #tpu.memory_space<smem>>
    %add3A_3094 = vector.broadcast %get3A_3093 : f32 to vector<512x256xf32>
    %add3A_3095 = arith.addf %add3A_3090, %add3A_3094 : vector<512x256xf32>
    %max3A_3096 = arith.constant 0.000000e+00 : f32
    %max3A_3097 = vector.broadcast %max3A_3096 : f32 to vector<512x256xf32>
    %max3A_3098 = arith.maximumf %add3A_3095, %max3A_3097 : vector<512x256xf32>
    %get3A_3099 = arith.constant 0 : index
    %get3A_3100 = arith.constant 3 : index
    %get3A_3101 = memref.load %arg5[%get3A_3099, %get3A_3100] : memref<16x16xf32, #tpu.memory_space<smem>>
    %mul3A_3102 = vector.broadcast %get3A_3101 : f32 to vector<512x256xf32>
    %mul3A_3103 = arith.mulf %add3A_2720, %mul3A_3102 : vector<512x256xf32>
    %add3A_3104 = arith.constant 0.000000e+00 : f32
    %add3A_3105 = vector.broadcast %add3A_3104 : f32 to vector<512x256xf32>
    %add3A_3106 = arith.addf %add3A_3105, %mul3A_3103 : vector<512x256xf32>
    %get3A_3107 = arith.constant 1 : index
    %get3A_3108 = arith.constant 3 : index
    %get3A_3109 = memref.load %arg5[%get3A_3107, %get3A_3108] : memref<16x16xf32, #tpu.memory_space<smem>>
    %mul3A_3110 = vector.broadcast %get3A_3109 : f32 to vector<512x256xf32>
    %mul3A_3111 = arith.mulf %add3A_2724, %mul3A_3110 : vector<512x256xf32>
    %add3A_3112 = arith.addf %add3A_3106, %mul3A_3111 : vector<512x256xf32>
    %get3A_3113 = arith.constant 2 : index
    %get3A_3114 = arith.constant 3 : index
    %get3A_3115 = memref.load %arg5[%get3A_3113, %get3A_3114] : memref<16x16xf32, #tpu.memory_space<smem>>
    %mul3A_3116 = vector.broadcast %get3A_3115 : f32 to vector<512x256xf32>
    %mul3A_3117 = arith.mulf %add3A_2728, %mul3A_3116 : vector<512x256xf32>
    %add3A_3118 = arith.addf %add3A_3112, %mul3A_3117 : vector<512x256xf32>
    %get3A_3119 = arith.constant 3 : index
    %get3A_3120 = arith.constant 3 : index
    %get3A_3121 = memref.load %arg5[%get3A_3119, %get3A_3120] : memref<16x16xf32, #tpu.memory_space<smem>>
    %mul3A_3122 = vector.broadcast %get3A_3121 : f32 to vector<512x256xf32>
    %mul3A_3123 = arith.mulf %add3A_2732, %mul3A_3122 : vector<512x256xf32>
    %add3A_3124 = arith.addf %add3A_3118, %mul3A_3123 : vector<512x256xf32>
    %get3A_3125 = arith.constant 4 : index
    %get3A_3126 = arith.constant 3 : index
    %get3A_3127 = memref.load %arg5[%get3A_3125, %get3A_3126] : memref<16x16xf32, #tpu.memory_space<smem>>
    %mul3A_3128 = vector.broadcast %get3A_3127 : f32 to vector<512x256xf32>
    %mul3A_3129 = arith.mulf %add3A_2736, %mul3A_3128 : vector<512x256xf32>
    %add3A_3130 = arith.addf %add3A_3124, %mul3A_3129 : vector<512x256xf32>
    %get3A_3131 = arith.constant 5 : index
    %get3A_3132 = arith.constant 3 : index
    %get3A_3133 = memref.load %arg5[%get3A_3131, %get3A_3132] : memref<16x16xf32, #tpu.memory_space<smem>>
    %mul3A_3134 = vector.broadcast %get3A_3133 : f32 to vector<512x256xf32>
    %mul3A_3135 = arith.mulf %add3A_2740, %mul3A_3134 : vector<512x256xf32>
    %add3A_3136 = arith.addf %add3A_3130, %mul3A_3135 : vector<512x256xf32>
    %get3A_3137 = arith.constant 6 : index
    %get3A_3138 = arith.constant 3 : index
    %get3A_3139 = memref.load %arg5[%get3A_3137, %get3A_3138] : memref<16x16xf32, #tpu.memory_space<smem>>
    %mul3A_3140 = vector.broadcast %get3A_3139 : f32 to vector<512x256xf32>
    %mul3A_3141 = arith.mulf %add3A_2744, %mul3A_3140 : vector<512x256xf32>
    %add3A_3142 = arith.addf %add3A_3136, %mul3A_3141 : vector<512x256xf32>
    %get3A_3143 = arith.constant 7 : index
    %get3A_3144 = arith.constant 3 : index
    %get3A_3145 = memref.load %arg5[%get3A_3143, %get3A_3144] : memref<16x16xf32, #tpu.memory_space<smem>>
    %mul3A_3146 = vector.broadcast %get3A_3145 : f32 to vector<512x256xf32>
    %mul3A_3147 = arith.mulf %add3A_2748, %mul3A_3146 : vector<512x256xf32>
    %add3A_3148 = arith.addf %add3A_3142, %mul3A_3147 : vector<512x256xf32>
    %get3A_3149 = arith.constant 8 : index
    %get3A_3150 = arith.constant 3 : index
    %get3A_3151 = memref.load %arg5[%get3A_3149, %get3A_3150] : memref<16x16xf32, #tpu.memory_space<smem>>
    %mul3A_3152 = vector.broadcast %get3A_3151 : f32 to vector<512x256xf32>
    %mul3A_3153 = arith.mulf %add3A_2752, %mul3A_3152 : vector<512x256xf32>
    %add3A_3154 = arith.addf %add3A_3148, %mul3A_3153 : vector<512x256xf32>
    %get3A_3155 = arith.constant 9 : index
    %get3A_3156 = arith.constant 3 : index
    %get3A_3157 = memref.load %arg5[%get3A_3155, %get3A_3156] : memref<16x16xf32, #tpu.memory_space<smem>>
    %mul3A_3158 = vector.broadcast %get3A_3157 : f32 to vector<512x256xf32>
    %mul3A_3159 = arith.mulf %add3A_2756, %mul3A_3158 : vector<512x256xf32>
    %add3A_3160 = arith.addf %add3A_3154, %mul3A_3159 : vector<512x256xf32>
    %get3A_3161 = arith.constant 10 : index
    %get3A_3162 = arith.constant 3 : index
    %get3A_3163 = memref.load %arg5[%get3A_3161, %get3A_3162] : memref<16x16xf32, #tpu.memory_space<smem>>
    %mul3A_3164 = vector.broadcast %get3A_3163 : f32 to vector<512x256xf32>
    %mul3A_3165 = arith.mulf %add3A_2760, %mul3A_3164 : vector<512x256xf32>
    %add3A_3166 = arith.addf %add3A_3160, %mul3A_3165 : vector<512x256xf32>
    %get3A_3167 = arith.constant 11 : index
    %get3A_3168 = arith.constant 3 : index
    %get3A_3169 = memref.load %arg5[%get3A_3167, %get3A_3168] : memref<16x16xf32, #tpu.memory_space<smem>>
    %mul3A_3170 = vector.broadcast %get3A_3169 : f32 to vector<512x256xf32>
    %mul3A_3171 = arith.mulf %add3A_2764, %mul3A_3170 : vector<512x256xf32>
    %add3A_3172 = arith.addf %add3A_3166, %mul3A_3171 : vector<512x256xf32>
    %get3A_3173 = arith.constant 12 : index
    %get3A_3174 = arith.constant 3 : index
    %get3A_3175 = memref.load %arg5[%get3A_3173, %get3A_3174] : memref<16x16xf32, #tpu.memory_space<smem>>
    %mul3A_3176 = vector.broadcast %get3A_3175 : f32 to vector<512x256xf32>
    %mul3A_3177 = arith.mulf %add3A_2768, %mul3A_3176 : vector<512x256xf32>
    %add3A_3178 = arith.addf %add3A_3172, %mul3A_3177 : vector<512x256xf32>
    %get3A_3179 = arith.constant 13 : index
    %get3A_3180 = arith.constant 3 : index
    %get3A_3181 = memref.load %arg5[%get3A_3179, %get3A_3180] : memref<16x16xf32, #tpu.memory_space<smem>>
    %mul3A_3182 = vector.broadcast %get3A_3181 : f32 to vector<512x256xf32>
    %mul3A_3183 = arith.mulf %add3A_2772, %mul3A_3182 : vector<512x256xf32>
    %add3A_3184 = arith.addf %add3A_3178, %mul3A_3183 : vector<512x256xf32>
    %get3A_3185 = arith.constant 14 : index
    %get3A_3186 = arith.constant 3 : index
    %get3A_3187 = memref.load %arg5[%get3A_3185, %get3A_3186] : memref<16x16xf32, #tpu.memory_space<smem>>
    %mul3A_3188 = vector.broadcast %get3A_3187 : f32 to vector<512x256xf32>
    %mul3A_3189 = arith.mulf %add3A_2776, %mul3A_3188 : vector<512x256xf32>
    %add3A_3190 = arith.addf %add3A_3184, %mul3A_3189 : vector<512x256xf32>
    %get3A_3191 = arith.constant 15 : index
    %get3A_3192 = arith.constant 3 : index
    %get3A_3193 = memref.load %arg5[%get3A_3191, %get3A_3192] : memref<16x16xf32, #tpu.memory_space<smem>>
    %mul3A_3194 = vector.broadcast %get3A_3193 : f32 to vector<512x256xf32>
    %mul3A_3195 = arith.mulf %add3A_2780, %mul3A_3194 : vector<512x256xf32>
    %add3A_3196 = arith.addf %add3A_3190, %mul3A_3195 : vector<512x256xf32>
    %get3A_3197 = arith.constant 0 : index
    %get3A_3198 = arith.constant 3 : index
    %get3A_3199 = memref.load %arg8[%get3A_3197, %get3A_3198] : memref<1x16xf32, #tpu.memory_space<smem>>
    %add3A_3200 = vector.broadcast %get3A_3199 : f32 to vector<512x256xf32>
    %add3A_3201 = arith.addf %add3A_3196, %add3A_3200 : vector<512x256xf32>
    %max3A_3202 = arith.constant 0.000000e+00 : f32
    %max3A_3203 = vector.broadcast %max3A_3202 : f32 to vector<512x256xf32>
    %max3A_3204 = arith.maximumf %add3A_3201, %max3A_3203 : vector<512x256xf32>
    %get3A_3205 = arith.constant 0 : index
    %get3A_3206 = arith.constant 4 : index
    %get3A_3207 = memref.load %arg5[%get3A_3205, %get3A_3206] : memref<16x16xf32, #tpu.memory_space<smem>>
    %mul3A_3208 = vector.broadcast %get3A_3207 : f32 to vector<512x256xf32>
    %mul3A_3209 = arith.mulf %add3A_2720, %mul3A_3208 : vector<512x256xf32>
    %add3A_3210 = arith.constant 0.000000e+00 : f32
    %add3A_3211 = vector.broadcast %add3A_3210 : f32 to vector<512x256xf32>
    %add3A_3212 = arith.addf %add3A_3211, %mul3A_3209 : vector<512x256xf32>
    %get3A_3213 = arith.constant 1 : index
    %get3A_3214 = arith.constant 4 : index
    %get3A_3215 = memref.load %arg5[%get3A_3213, %get3A_3214] : memref<16x16xf32, #tpu.memory_space<smem>>
    %mul3A_3216 = vector.broadcast %get3A_3215 : f32 to vector<512x256xf32>
    %mul3A_3217 = arith.mulf %add3A_2724, %mul3A_3216 : vector<512x256xf32>
    %add3A_3218 = arith.addf %add3A_3212, %mul3A_3217 : vector<512x256xf32>
    %get3A_3219 = arith.constant 2 : index
    %get3A_3220 = arith.constant 4 : index
    %get3A_3221 = memref.load %arg5[%get3A_3219, %get3A_3220] : memref<16x16xf32, #tpu.memory_space<smem>>
    %mul3A_3222 = vector.broadcast %get3A_3221 : f32 to vector<512x256xf32>
    %mul3A_3223 = arith.mulf %add3A_2728, %mul3A_3222 : vector<512x256xf32>
    %add3A_3224 = arith.addf %add3A_3218, %mul3A_3223 : vector<512x256xf32>
    %get3A_3225 = arith.constant 3 : index
    %get3A_3226 = arith.constant 4 : index
    %get3A_3227 = memref.load %arg5[%get3A_3225, %get3A_3226] : memref<16x16xf32, #tpu.memory_space<smem>>
    %mul3A_3228 = vector.broadcast %get3A_3227 : f32 to vector<512x256xf32>
    %mul3A_3229 = arith.mulf %add3A_2732, %mul3A_3228 : vector<512x256xf32>
    %add3A_3230 = arith.addf %add3A_3224, %mul3A_3229 : vector<512x256xf32>
    %get3A_3231 = arith.constant 4 : index
    %get3A_3232 = arith.constant 4 : index
    %get3A_3233 = memref.load %arg5[%get3A_3231, %get3A_3232] : memref<16x16xf32, #tpu.memory_space<smem>>
    %mul3A_3234 = vector.broadcast %get3A_3233 : f32 to vector<512x256xf32>
    %mul3A_3235 = arith.mulf %add3A_2736, %mul3A_3234 : vector<512x256xf32>
    %add3A_3236 = arith.addf %add3A_3230, %mul3A_3235 : vector<512x256xf32>
    %get3A_3237 = arith.constant 5 : index
    %get3A_3238 = arith.constant 4 : index
    %get3A_3239 = memref.load %arg5[%get3A_3237, %get3A_3238] : memref<16x16xf32, #tpu.memory_space<smem>>
    %mul3A_3240 = vector.broadcast %get3A_3239 : f32 to vector<512x256xf32>
    %mul3A_3241 = arith.mulf %add3A_2740, %mul3A_3240 : vector<512x256xf32>
    %add3A_3242 = arith.addf %add3A_3236, %mul3A_3241 : vector<512x256xf32>
    %get3A_3243 = arith.constant 6 : index
    %get3A_3244 = arith.constant 4 : index
    %get3A_3245 = memref.load %arg5[%get3A_3243, %get3A_3244] : memref<16x16xf32, #tpu.memory_space<smem>>
    %mul3A_3246 = vector.broadcast %get3A_3245 : f32 to vector<512x256xf32>
    %mul3A_3247 = arith.mulf %add3A_2744, %mul3A_3246 : vector<512x256xf32>
    %add3A_3248 = arith.addf %add3A_3242, %mul3A_3247 : vector<512x256xf32>
    %get3A_3249 = arith.constant 7 : index
    %get3A_3250 = arith.constant 4 : index
    %get3A_3251 = memref.load %arg5[%get3A_3249, %get3A_3250] : memref<16x16xf32, #tpu.memory_space<smem>>
    %mul3A_3252 = vector.broadcast %get3A_3251 : f32 to vector<512x256xf32>
    %mul3A_3253 = arith.mulf %add3A_2748, %mul3A_3252 : vector<512x256xf32>
    %add3A_3254 = arith.addf %add3A_3248, %mul3A_3253 : vector<512x256xf32>
    %get3A_3255 = arith.constant 8 : index
    %get3A_3256 = arith.constant 4 : index
    %get3A_3257 = memref.load %arg5[%get3A_3255, %get3A_3256] : memref<16x16xf32, #tpu.memory_space<smem>>
    %mul3A_3258 = vector.broadcast %get3A_3257 : f32 to vector<512x256xf32>
    %mul3A_3259 = arith.mulf %add3A_2752, %mul3A_3258 : vector<512x256xf32>
    %add3A_3260 = arith.addf %add3A_3254, %mul3A_3259 : vector<512x256xf32>
    %get3A_3261 = arith.constant 9 : index
    %get3A_3262 = arith.constant 4 : index
    %get3A_3263 = memref.load %arg5[%get3A_3261, %get3A_3262] : memref<16x16xf32, #tpu.memory_space<smem>>
    %mul3A_3264 = vector.broadcast %get3A_3263 : f32 to vector<512x256xf32>
    %mul3A_3265 = arith.mulf %add3A_2756, %mul3A_3264 : vector<512x256xf32>
    %add3A_3266 = arith.addf %add3A_3260, %mul3A_3265 : vector<512x256xf32>
    %get3A_3267 = arith.constant 10 : index
    %get3A_3268 = arith.constant 4 : index
    %get3A_3269 = memref.load %arg5[%get3A_3267, %get3A_3268] : memref<16x16xf32, #tpu.memory_space<smem>>
    %mul3A_3270 = vector.broadcast %get3A_3269 : f32 to vector<512x256xf32>
    %mul3A_3271 = arith.mulf %add3A_2760, %mul3A_3270 : vector<512x256xf32>
    %add3A_3272 = arith.addf %add3A_3266, %mul3A_3271 : vector<512x256xf32>
    %get3A_3273 = arith.constant 11 : index
    %get3A_3274 = arith.constant 4 : index
    %get3A_3275 = memref.load %arg5[%get3A_3273, %get3A_3274] : memref<16x16xf32, #tpu.memory_space<smem>>
    %mul3A_3276 = vector.broadcast %get3A_3275 : f32 to vector<512x256xf32>
    %mul3A_3277 = arith.mulf %add3A_2764, %mul3A_3276 : vector<512x256xf32>
    %add3A_3278 = arith.addf %add3A_3272, %mul3A_3277 : vector<512x256xf32>
    %get3A_3279 = arith.constant 12 : index
    %get3A_3280 = arith.constant 4 : index
    %get3A_3281 = memref.load %arg5[%get3A_3279, %get3A_3280] : memref<16x16xf32, #tpu.memory_space<smem>>
    %mul3A_3282 = vector.broadcast %get3A_3281 : f32 to vector<512x256xf32>
    %mul3A_3283 = arith.mulf %add3A_2768, %mul3A_3282 : vector<512x256xf32>
    %add3A_3284 = arith.addf %add3A_3278, %mul3A_3283 : vector<512x256xf32>
    %get3A_3285 = arith.constant 13 : index
    %get3A_3286 = arith.constant 4 : index
    %get3A_3287 = memref.load %arg5[%get3A_3285, %get3A_3286] : memref<16x16xf32, #tpu.memory_space<smem>>
    %mul3A_3288 = vector.broadcast %get3A_3287 : f32 to vector<512x256xf32>
    %mul3A_3289 = arith.mulf %add3A_2772, %mul3A_3288 : vector<512x256xf32>
    %add3A_3290 = arith.addf %add3A_3284, %mul3A_3289 : vector<512x256xf32>
    %get3A_3291 = arith.constant 14 : index
    %get3A_3292 = arith.constant 4 : index
    %get3A_3293 = memref.load %arg5[%get3A_3291, %get3A_3292] : memref<16x16xf32, #tpu.memory_space<smem>>
    %mul3A_3294 = vector.broadcast %get3A_3293 : f32 to vector<512x256xf32>
    %mul3A_3295 = arith.mulf %add3A_2776, %mul3A_3294 : vector<512x256xf32>
    %add3A_3296 = arith.addf %add3A_3290, %mul3A_3295 : vector<512x256xf32>
    %get3A_3297 = arith.constant 15 : index
    %get3A_3298 = arith.constant 4 : index
    %get3A_3299 = memref.load %arg5[%get3A_3297, %get3A_3298] : memref<16x16xf32, #tpu.memory_space<smem>>
    %mul3A_3300 = vector.broadcast %get3A_3299 : f32 to vector<512x256xf32>
    %mul3A_3301 = arith.mulf %add3A_2780, %mul3A_3300 : vector<512x256xf32>
    %add3A_3302 = arith.addf %add3A_3296, %mul3A_3301 : vector<512x256xf32>
    %get3A_3303 = arith.constant 0 : index
    %get3A_3304 = arith.constant 4 : index
    %get3A_3305 = memref.load %arg8[%get3A_3303, %get3A_3304] : memref<1x16xf32, #tpu.memory_space<smem>>
    %add3A_3306 = vector.broadcast %get3A_3305 : f32 to vector<512x256xf32>
    %add3A_3307 = arith.addf %add3A_3302, %add3A_3306 : vector<512x256xf32>
    %max3A_3308 = arith.constant 0.000000e+00 : f32
    %max3A_3309 = vector.broadcast %max3A_3308 : f32 to vector<512x256xf32>
    %max3A_3310 = arith.maximumf %add3A_3307, %max3A_3309 : vector<512x256xf32>
    %get3A_3311 = arith.constant 0 : index
    %get3A_3312 = arith.constant 5 : index
    %get3A_3313 = memref.load %arg5[%get3A_3311, %get3A_3312] : memref<16x16xf32, #tpu.memory_space<smem>>
    %mul3A_3314 = vector.broadcast %get3A_3313 : f32 to vector<512x256xf32>
    %mul3A_3315 = arith.mulf %add3A_2720, %mul3A_3314 : vector<512x256xf32>
    %add3A_3316 = arith.constant 0.000000e+00 : f32
    %add3A_3317 = vector.broadcast %add3A_3316 : f32 to vector<512x256xf32>
    %add3A_3318 = arith.addf %add3A_3317, %mul3A_3315 : vector<512x256xf32>
    %get3A_3319 = arith.constant 1 : index
    %get3A_3320 = arith.constant 5 : index
    %get3A_3321 = memref.load %arg5[%get3A_3319, %get3A_3320] : memref<16x16xf32, #tpu.memory_space<smem>>
    %mul3A_3322 = vector.broadcast %get3A_3321 : f32 to vector<512x256xf32>
    %mul3A_3323 = arith.mulf %add3A_2724, %mul3A_3322 : vector<512x256xf32>
    %add3A_3324 = arith.addf %add3A_3318, %mul3A_3323 : vector<512x256xf32>
    %get3A_3325 = arith.constant 2 : index
    %get3A_3326 = arith.constant 5 : index
    %get3A_3327 = memref.load %arg5[%get3A_3325, %get3A_3326] : memref<16x16xf32, #tpu.memory_space<smem>>
    %mul3A_3328 = vector.broadcast %get3A_3327 : f32 to vector<512x256xf32>
    %mul3A_3329 = arith.mulf %add3A_2728, %mul3A_3328 : vector<512x256xf32>
    %add3A_3330 = arith.addf %add3A_3324, %mul3A_3329 : vector<512x256xf32>
    %get3A_3331 = arith.constant 3 : index
    %get3A_3332 = arith.constant 5 : index
    %get3A_3333 = memref.load %arg5[%get3A_3331, %get3A_3332] : memref<16x16xf32, #tpu.memory_space<smem>>
    %mul3A_3334 = vector.broadcast %get3A_3333 : f32 to vector<512x256xf32>
    %mul3A_3335 = arith.mulf %add3A_2732, %mul3A_3334 : vector<512x256xf32>
    %add3A_3336 = arith.addf %add3A_3330, %mul3A_3335 : vector<512x256xf32>
    %get3A_3337 = arith.constant 4 : index
    %get3A_3338 = arith.constant 5 : index
    %get3A_3339 = memref.load %arg5[%get3A_3337, %get3A_3338] : memref<16x16xf32, #tpu.memory_space<smem>>
    %mul3A_3340 = vector.broadcast %get3A_3339 : f32 to vector<512x256xf32>
    %mul3A_3341 = arith.mulf %add3A_2736, %mul3A_3340 : vector<512x256xf32>
    %add3A_3342 = arith.addf %add3A_3336, %mul3A_3341 : vector<512x256xf32>
    %get3A_3343 = arith.constant 5 : index
    %get3A_3344 = arith.constant 5 : index
    %get3A_3345 = memref.load %arg5[%get3A_3343, %get3A_3344] : memref<16x16xf32, #tpu.memory_space<smem>>
    %mul3A_3346 = vector.broadcast %get3A_3345 : f32 to vector<512x256xf32>
    %mul3A_3347 = arith.mulf %add3A_2740, %mul3A_3346 : vector<512x256xf32>
    %add3A_3348 = arith.addf %add3A_3342, %mul3A_3347 : vector<512x256xf32>
    %get3A_3349 = arith.constant 6 : index
    %get3A_3350 = arith.constant 5 : index
    %get3A_3351 = memref.load %arg5[%get3A_3349, %get3A_3350] : memref<16x16xf32, #tpu.memory_space<smem>>
    %mul3A_3352 = vector.broadcast %get3A_3351 : f32 to vector<512x256xf32>
    %mul3A_3353 = arith.mulf %add3A_2744, %mul3A_3352 : vector<512x256xf32>
    %add3A_3354 = arith.addf %add3A_3348, %mul3A_3353 : vector<512x256xf32>
    %get3A_3355 = arith.constant 7 : index
    %get3A_3356 = arith.constant 5 : index
    %get3A_3357 = memref.load %arg5[%get3A_3355, %get3A_3356] : memref<16x16xf32, #tpu.memory_space<smem>>
    %mul3A_3358 = vector.broadcast %get3A_3357 : f32 to vector<512x256xf32>
    %mul3A_3359 = arith.mulf %add3A_2748, %mul3A_3358 : vector<512x256xf32>
    %add3A_3360 = arith.addf %add3A_3354, %mul3A_3359 : vector<512x256xf32>
    %get3A_3361 = arith.constant 8 : index
    %get3A_3362 = arith.constant 5 : index
    %get3A_3363 = memref.load %arg5[%get3A_3361, %get3A_3362] : memref<16x16xf32, #tpu.memory_space<smem>>
    %mul3A_3364 = vector.broadcast %get3A_3363 : f32 to vector<512x256xf32>
    %mul3A_3365 = arith.mulf %add3A_2752, %mul3A_3364 : vector<512x256xf32>
    %add3A_3366 = arith.addf %add3A_3360, %mul3A_3365 : vector<512x256xf32>
    %get3A_3367 = arith.constant 9 : index
    %get3A_3368 = arith.constant 5 : index
    %get3A_3369 = memref.load %arg5[%get3A_3367, %get3A_3368] : memref<16x16xf32, #tpu.memory_space<smem>>
    %mul3A_3370 = vector.broadcast %get3A_3369 : f32 to vector<512x256xf32>
    %mul3A_3371 = arith.mulf %add3A_2756, %mul3A_3370 : vector<512x256xf32>
    %add3A_3372 = arith.addf %add3A_3366, %mul3A_3371 : vector<512x256xf32>
    %get3A_3373 = arith.constant 10 : index
    %get3A_3374 = arith.constant 5 : index
    %get3A_3375 = memref.load %arg5[%get3A_3373, %get3A_3374] : memref<16x16xf32, #tpu.memory_space<smem>>
    %mul3A_3376 = vector.broadcast %get3A_3375 : f32 to vector<512x256xf32>
    %mul3A_3377 = arith.mulf %add3A_2760, %mul3A_3376 : vector<512x256xf32>
    %add3A_3378 = arith.addf %add3A_3372, %mul3A_3377 : vector<512x256xf32>
    %get3A_3379 = arith.constant 11 : index
    %get3A_3380 = arith.constant 5 : index
    %get3A_3381 = memref.load %arg5[%get3A_3379, %get3A_3380] : memref<16x16xf32, #tpu.memory_space<smem>>
    %mul3A_3382 = vector.broadcast %get3A_3381 : f32 to vector<512x256xf32>
    %mul3A_3383 = arith.mulf %add3A_2764, %mul3A_3382 : vector<512x256xf32>
    %add3A_3384 = arith.addf %add3A_3378, %mul3A_3383 : vector<512x256xf32>
    %get3A_3385 = arith.constant 12 : index
    %get3A_3386 = arith.constant 5 : index
    %get3A_3387 = memref.load %arg5[%get3A_3385, %get3A_3386] : memref<16x16xf32, #tpu.memory_space<smem>>
    %mul3A_3388 = vector.broadcast %get3A_3387 : f32 to vector<512x256xf32>
    %mul3A_3389 = arith.mulf %add3A_2768, %mul3A_3388 : vector<512x256xf32>
    %add3A_3390 = arith.addf %add3A_3384, %mul3A_3389 : vector<512x256xf32>
    %get3A_3391 = arith.constant 13 : index
    %get3A_3392 = arith.constant 5 : index
    %get3A_3393 = memref.load %arg5[%get3A_3391, %get3A_3392] : memref<16x16xf32, #tpu.memory_space<smem>>
    %mul3A_3394 = vector.broadcast %get3A_3393 : f32 to vector<512x256xf32>
    %mul3A_3395 = arith.mulf %add3A_2772, %mul3A_3394 : vector<512x256xf32>
    %add3A_3396 = arith.addf %add3A_3390, %mul3A_3395 : vector<512x256xf32>
    %get3A_3397 = arith.constant 14 : index
    %get3A_3398 = arith.constant 5 : index
    %get3A_3399 = memref.load %arg5[%get3A_3397, %get3A_3398] : memref<16x16xf32, #tpu.memory_space<smem>>
    %mul3A_3400 = vector.broadcast %get3A_3399 : f32 to vector<512x256xf32>
    %mul3A_3401 = arith.mulf %add3A_2776, %mul3A_3400 : vector<512x256xf32>
    %add3A_3402 = arith.addf %add3A_3396, %mul3A_3401 : vector<512x256xf32>
    %get3A_3403 = arith.constant 15 : index
    %get3A_3404 = arith.constant 5 : index
    %get3A_3405 = memref.load %arg5[%get3A_3403, %get3A_3404] : memref<16x16xf32, #tpu.memory_space<smem>>
    %mul3A_3406 = vector.broadcast %get3A_3405 : f32 to vector<512x256xf32>
    %mul3A_3407 = arith.mulf %add3A_2780, %mul3A_3406 : vector<512x256xf32>
    %add3A_3408 = arith.addf %add3A_3402, %mul3A_3407 : vector<512x256xf32>
    %get3A_3409 = arith.constant 0 : index
    %get3A_3410 = arith.constant 5 : index
    %get3A_3411 = memref.load %arg8[%get3A_3409, %get3A_3410] : memref<1x16xf32, #tpu.memory_space<smem>>
    %add3A_3412 = vector.broadcast %get3A_3411 : f32 to vector<512x256xf32>
    %add3A_3413 = arith.addf %add3A_3408, %add3A_3412 : vector<512x256xf32>
    %max3A_3414 = arith.constant 0.000000e+00 : f32
    %max3A_3415 = vector.broadcast %max3A_3414 : f32 to vector<512x256xf32>
    %max3A_3416 = arith.maximumf %add3A_3413, %max3A_3415 : vector<512x256xf32>
    %get3A_3417 = arith.constant 0 : index
    %get3A_3418 = arith.constant 6 : index
    %get3A_3419 = memref.load %arg5[%get3A_3417, %get3A_3418] : memref<16x16xf32, #tpu.memory_space<smem>>
    %mul3A_3420 = vector.broadcast %get3A_3419 : f32 to vector<512x256xf32>
    %mul3A_3421 = arith.mulf %add3A_2720, %mul3A_3420 : vector<512x256xf32>
    %add3A_3422 = arith.constant 0.000000e+00 : f32
    %add3A_3423 = vector.broadcast %add3A_3422 : f32 to vector<512x256xf32>
    %add3A_3424 = arith.addf %add3A_3423, %mul3A_3421 : vector<512x256xf32>
    %get3A_3425 = arith.constant 1 : index
    %get3A_3426 = arith.constant 6 : index
    %get3A_3427 = memref.load %arg5[%get3A_3425, %get3A_3426] : memref<16x16xf32, #tpu.memory_space<smem>>
    %mul3A_3428 = vector.broadcast %get3A_3427 : f32 to vector<512x256xf32>
    %mul3A_3429 = arith.mulf %add3A_2724, %mul3A_3428 : vector<512x256xf32>
    %add3A_3430 = arith.addf %add3A_3424, %mul3A_3429 : vector<512x256xf32>
    %get3A_3431 = arith.constant 2 : index
    %get3A_3432 = arith.constant 6 : index
    %get3A_3433 = memref.load %arg5[%get3A_3431, %get3A_3432] : memref<16x16xf32, #tpu.memory_space<smem>>
    %mul3A_3434 = vector.broadcast %get3A_3433 : f32 to vector<512x256xf32>
    %mul3A_3435 = arith.mulf %add3A_2728, %mul3A_3434 : vector<512x256xf32>
    %add3A_3436 = arith.addf %add3A_3430, %mul3A_3435 : vector<512x256xf32>
    %get3A_3437 = arith.constant 3 : index
    %get3A_3438 = arith.constant 6 : index
    %get3A_3439 = memref.load %arg5[%get3A_3437, %get3A_3438] : memref<16x16xf32, #tpu.memory_space<smem>>
    %mul3A_3440 = vector.broadcast %get3A_3439 : f32 to vector<512x256xf32>
    %mul3A_3441 = arith.mulf %add3A_2732, %mul3A_3440 : vector<512x256xf32>
    %add3A_3442 = arith.addf %add3A_3436, %mul3A_3441 : vector<512x256xf32>
    %get3A_3443 = arith.constant 4 : index
    %get3A_3444 = arith.constant 6 : index
    %get3A_3445 = memref.load %arg5[%get3A_3443, %get3A_3444] : memref<16x16xf32, #tpu.memory_space<smem>>
    %mul3A_3446 = vector.broadcast %get3A_3445 : f32 to vector<512x256xf32>
    %mul3A_3447 = arith.mulf %add3A_2736, %mul3A_3446 : vector<512x256xf32>
    %add3A_3448 = arith.addf %add3A_3442, %mul3A_3447 : vector<512x256xf32>
    %get3A_3449 = arith.constant 5 : index
    %get3A_3450 = arith.constant 6 : index
    %get3A_3451 = memref.load %arg5[%get3A_3449, %get3A_3450] : memref<16x16xf32, #tpu.memory_space<smem>>
    %mul3A_3452 = vector.broadcast %get3A_3451 : f32 to vector<512x256xf32>
    %mul3A_3453 = arith.mulf %add3A_2740, %mul3A_3452 : vector<512x256xf32>
    %add3A_3454 = arith.addf %add3A_3448, %mul3A_3453 : vector<512x256xf32>
    %get3A_3455 = arith.constant 6 : index
    %get3A_3456 = arith.constant 6 : index
    %get3A_3457 = memref.load %arg5[%get3A_3455, %get3A_3456] : memref<16x16xf32, #tpu.memory_space<smem>>
    %mul3A_3458 = vector.broadcast %get3A_3457 : f32 to vector<512x256xf32>
    %mul3A_3459 = arith.mulf %add3A_2744, %mul3A_3458 : vector<512x256xf32>
    %add3A_3460 = arith.addf %add3A_3454, %mul3A_3459 : vector<512x256xf32>
    %get3A_3461 = arith.constant 7 : index
    %get3A_3462 = arith.constant 6 : index
    %get3A_3463 = memref.load %arg5[%get3A_3461, %get3A_3462] : memref<16x16xf32, #tpu.memory_space<smem>>
    %mul3A_3464 = vector.broadcast %get3A_3463 : f32 to vector<512x256xf32>
    %mul3A_3465 = arith.mulf %add3A_2748, %mul3A_3464 : vector<512x256xf32>
    %add3A_3466 = arith.addf %add3A_3460, %mul3A_3465 : vector<512x256xf32>
    %get3A_3467 = arith.constant 8 : index
    %get3A_3468 = arith.constant 6 : index
    %get3A_3469 = memref.load %arg5[%get3A_3467, %get3A_3468] : memref<16x16xf32, #tpu.memory_space<smem>>
    %mul3A_3470 = vector.broadcast %get3A_3469 : f32 to vector<512x256xf32>
    %mul3A_3471 = arith.mulf %add3A_2752, %mul3A_3470 : vector<512x256xf32>
    %add3A_3472 = arith.addf %add3A_3466, %mul3A_3471 : vector<512x256xf32>
    %get3A_3473 = arith.constant 9 : index
    %get3A_3474 = arith.constant 6 : index
    %get3A_3475 = memref.load %arg5[%get3A_3473, %get3A_3474] : memref<16x16xf32, #tpu.memory_space<smem>>
    %mul3A_3476 = vector.broadcast %get3A_3475 : f32 to vector<512x256xf32>
    %mul3A_3477 = arith.mulf %add3A_2756, %mul3A_3476 : vector<512x256xf32>
    %add3A_3478 = arith.addf %add3A_3472, %mul3A_3477 : vector<512x256xf32>
    %get3A_3479 = arith.constant 10 : index
    %get3A_3480 = arith.constant 6 : index
    %get3A_3481 = memref.load %arg5[%get3A_3479, %get3A_3480] : memref<16x16xf32, #tpu.memory_space<smem>>
    %mul3A_3482 = vector.broadcast %get3A_3481 : f32 to vector<512x256xf32>
    %mul3A_3483 = arith.mulf %add3A_2760, %mul3A_3482 : vector<512x256xf32>
    %add3A_3484 = arith.addf %add3A_3478, %mul3A_3483 : vector<512x256xf32>
    %get3A_3485 = arith.constant 11 : index
    %get3A_3486 = arith.constant 6 : index
    %get3A_3487 = memref.load %arg5[%get3A_3485, %get3A_3486] : memref<16x16xf32, #tpu.memory_space<smem>>
    %mul3A_3488 = vector.broadcast %get3A_3487 : f32 to vector<512x256xf32>
    %mul3A_3489 = arith.mulf %add3A_2764, %mul3A_3488 : vector<512x256xf32>
    %add3A_3490 = arith.addf %add3A_3484, %mul3A_3489 : vector<512x256xf32>
    %get3A_3491 = arith.constant 12 : index
    %get3A_3492 = arith.constant 6 : index
    %get3A_3493 = memref.load %arg5[%get3A_3491, %get3A_3492] : memref<16x16xf32, #tpu.memory_space<smem>>
    %mul3A_3494 = vector.broadcast %get3A_3493 : f32 to vector<512x256xf32>
    %mul3A_3495 = arith.mulf %add3A_2768, %mul3A_3494 : vector<512x256xf32>
    %add3A_3496 = arith.addf %add3A_3490, %mul3A_3495 : vector<512x256xf32>
    %get3A_3497 = arith.constant 13 : index
    %get3A_3498 = arith.constant 6 : index
    %get3A_3499 = memref.load %arg5[%get3A_3497, %get3A_3498] : memref<16x16xf32, #tpu.memory_space<smem>>
    %mul3A_3500 = vector.broadcast %get3A_3499 : f32 to vector<512x256xf32>
    %mul3A_3501 = arith.mulf %add3A_2772, %mul3A_3500 : vector<512x256xf32>
    %add3A_3502 = arith.addf %add3A_3496, %mul3A_3501 : vector<512x256xf32>
    %get3A_3503 = arith.constant 14 : index
    %get3A_3504 = arith.constant 6 : index
    %get3A_3505 = memref.load %arg5[%get3A_3503, %get3A_3504] : memref<16x16xf32, #tpu.memory_space<smem>>
    %mul3A_3506 = vector.broadcast %get3A_3505 : f32 to vector<512x256xf32>
    %mul3A_3507 = arith.mulf %add3A_2776, %mul3A_3506 : vector<512x256xf32>
    %add3A_3508 = arith.addf %add3A_3502, %mul3A_3507 : vector<512x256xf32>
    %get3A_3509 = arith.constant 15 : index
    %get3A_3510 = arith.constant 6 : index
    %get3A_3511 = memref.load %arg5[%get3A_3509, %get3A_3510] : memref<16x16xf32, #tpu.memory_space<smem>>
    %mul3A_3512 = vector.broadcast %get3A_3511 : f32 to vector<512x256xf32>
    %mul3A_3513 = arith.mulf %add3A_2780, %mul3A_3512 : vector<512x256xf32>
    %add3A_3514 = arith.addf %add3A_3508, %mul3A_3513 : vector<512x256xf32>
    %get3A_3515 = arith.constant 0 : index
    %get3A_3516 = arith.constant 6 : index
    %get3A_3517 = memref.load %arg8[%get3A_3515, %get3A_3516] : memref<1x16xf32, #tpu.memory_space<smem>>
    %add3A_3518 = vector.broadcast %get3A_3517 : f32 to vector<512x256xf32>
    %add3A_3519 = arith.addf %add3A_3514, %add3A_3518 : vector<512x256xf32>
    %max3A_3520 = arith.constant 0.000000e+00 : f32
    %max3A_3521 = vector.broadcast %max3A_3520 : f32 to vector<512x256xf32>
    %max3A_3522 = arith.maximumf %add3A_3519, %max3A_3521 : vector<512x256xf32>
    %get3A_3523 = arith.constant 0 : index
    %get3A_3524 = arith.constant 7 : index
    %get3A_3525 = memref.load %arg5[%get3A_3523, %get3A_3524] : memref<16x16xf32, #tpu.memory_space<smem>>
    %mul3A_3526 = vector.broadcast %get3A_3525 : f32 to vector<512x256xf32>
    %mul3A_3527 = arith.mulf %add3A_2720, %mul3A_3526 : vector<512x256xf32>
    %add3A_3528 = arith.constant 0.000000e+00 : f32
    %add3A_3529 = vector.broadcast %add3A_3528 : f32 to vector<512x256xf32>
    %add3A_3530 = arith.addf %add3A_3529, %mul3A_3527 : vector<512x256xf32>
    %get3A_3531 = arith.constant 1 : index
    %get3A_3532 = arith.constant 7 : index
    %get3A_3533 = memref.load %arg5[%get3A_3531, %get3A_3532] : memref<16x16xf32, #tpu.memory_space<smem>>
    %mul3A_3534 = vector.broadcast %get3A_3533 : f32 to vector<512x256xf32>
    %mul3A_3535 = arith.mulf %add3A_2724, %mul3A_3534 : vector<512x256xf32>
    %add3A_3536 = arith.addf %add3A_3530, %mul3A_3535 : vector<512x256xf32>
    %get3A_3537 = arith.constant 2 : index
    %get3A_3538 = arith.constant 7 : index
    %get3A_3539 = memref.load %arg5[%get3A_3537, %get3A_3538] : memref<16x16xf32, #tpu.memory_space<smem>>
    %mul3A_3540 = vector.broadcast %get3A_3539 : f32 to vector<512x256xf32>
    %mul3A_3541 = arith.mulf %add3A_2728, %mul3A_3540 : vector<512x256xf32>
    %add3A_3542 = arith.addf %add3A_3536, %mul3A_3541 : vector<512x256xf32>
    %get3A_3543 = arith.constant 3 : index
    %get3A_3544 = arith.constant 7 : index
    %get3A_3545 = memref.load %arg5[%get3A_3543, %get3A_3544] : memref<16x16xf32, #tpu.memory_space<smem>>
    %mul3A_3546 = vector.broadcast %get3A_3545 : f32 to vector<512x256xf32>
    %mul3A_3547 = arith.mulf %add3A_2732, %mul3A_3546 : vector<512x256xf32>
    %add3A_3548 = arith.addf %add3A_3542, %mul3A_3547 : vector<512x256xf32>
    %get3A_3549 = arith.constant 4 : index
    %get3A_3550 = arith.constant 7 : index
    %get3A_3551 = memref.load %arg5[%get3A_3549, %get3A_3550] : memref<16x16xf32, #tpu.memory_space<smem>>
    %mul3A_3552 = vector.broadcast %get3A_3551 : f32 to vector<512x256xf32>
    %mul3A_3553 = arith.mulf %add3A_2736, %mul3A_3552 : vector<512x256xf32>
    %add3A_3554 = arith.addf %add3A_3548, %mul3A_3553 : vector<512x256xf32>
    %get3A_3555 = arith.constant 5 : index
    %get3A_3556 = arith.constant 7 : index
    %get3A_3557 = memref.load %arg5[%get3A_3555, %get3A_3556] : memref<16x16xf32, #tpu.memory_space<smem>>
    %mul3A_3558 = vector.broadcast %get3A_3557 : f32 to vector<512x256xf32>
    %mul3A_3559 = arith.mulf %add3A_2740, %mul3A_3558 : vector<512x256xf32>
    %add3A_3560 = arith.addf %add3A_3554, %mul3A_3559 : vector<512x256xf32>
    %get3A_3561 = arith.constant 6 : index
    %get3A_3562 = arith.constant 7 : index
    %get3A_3563 = memref.load %arg5[%get3A_3561, %get3A_3562] : memref<16x16xf32, #tpu.memory_space<smem>>
    %mul3A_3564 = vector.broadcast %get3A_3563 : f32 to vector<512x256xf32>
    %mul3A_3565 = arith.mulf %add3A_2744, %mul3A_3564 : vector<512x256xf32>
    %add3A_3566 = arith.addf %add3A_3560, %mul3A_3565 : vector<512x256xf32>
    %get3A_3567 = arith.constant 7 : index
    %get3A_3568 = arith.constant 7 : index
    %get3A_3569 = memref.load %arg5[%get3A_3567, %get3A_3568] : memref<16x16xf32, #tpu.memory_space<smem>>
    %mul3A_3570 = vector.broadcast %get3A_3569 : f32 to vector<512x256xf32>
    %mul3A_3571 = arith.mulf %add3A_2748, %mul3A_3570 : vector<512x256xf32>
    %add3A_3572 = arith.addf %add3A_3566, %mul3A_3571 : vector<512x256xf32>
    %get3A_3573 = arith.constant 8 : index
    %get3A_3574 = arith.constant 7 : index
    %get3A_3575 = memref.load %arg5[%get3A_3573, %get3A_3574] : memref<16x16xf32, #tpu.memory_space<smem>>
    %mul3A_3576 = vector.broadcast %get3A_3575 : f32 to vector<512x256xf32>
    %mul3A_3577 = arith.mulf %add3A_2752, %mul3A_3576 : vector<512x256xf32>
    %add3A_3578 = arith.addf %add3A_3572, %mul3A_3577 : vector<512x256xf32>
    %get3A_3579 = arith.constant 9 : index
    %get3A_3580 = arith.constant 7 : index
    %get3A_3581 = memref.load %arg5[%get3A_3579, %get3A_3580] : memref<16x16xf32, #tpu.memory_space<smem>>
    %mul3A_3582 = vector.broadcast %get3A_3581 : f32 to vector<512x256xf32>
    %mul3A_3583 = arith.mulf %add3A_2756, %mul3A_3582 : vector<512x256xf32>
    %add3A_3584 = arith.addf %add3A_3578, %mul3A_3583 : vector<512x256xf32>
    %get3A_3585 = arith.constant 10 : index
    %get3A_3586 = arith.constant 7 : index
    %get3A_3587 = memref.load %arg5[%get3A_3585, %get3A_3586] : memref<16x16xf32, #tpu.memory_space<smem>>
    %mul3A_3588 = vector.broadcast %get3A_3587 : f32 to vector<512x256xf32>
    %mul3A_3589 = arith.mulf %add3A_2760, %mul3A_3588 : vector<512x256xf32>
    %add3A_3590 = arith.addf %add3A_3584, %mul3A_3589 : vector<512x256xf32>
    %get3A_3591 = arith.constant 11 : index
    %get3A_3592 = arith.constant 7 : index
    %get3A_3593 = memref.load %arg5[%get3A_3591, %get3A_3592] : memref<16x16xf32, #tpu.memory_space<smem>>
    %mul3A_3594 = vector.broadcast %get3A_3593 : f32 to vector<512x256xf32>
    %mul3A_3595 = arith.mulf %add3A_2764, %mul3A_3594 : vector<512x256xf32>
    %add3A_3596 = arith.addf %add3A_3590, %mul3A_3595 : vector<512x256xf32>
    %get3A_3597 = arith.constant 12 : index
    %get3A_3598 = arith.constant 7 : index
    %get3A_3599 = memref.load %arg5[%get3A_3597, %get3A_3598] : memref<16x16xf32, #tpu.memory_space<smem>>
    %mul3A_3600 = vector.broadcast %get3A_3599 : f32 to vector<512x256xf32>
    %mul3A_3601 = arith.mulf %add3A_2768, %mul3A_3600 : vector<512x256xf32>
    %add3A_3602 = arith.addf %add3A_3596, %mul3A_3601 : vector<512x256xf32>
    %get3A_3603 = arith.constant 13 : index
    %get3A_3604 = arith.constant 7 : index
    %get3A_3605 = memref.load %arg5[%get3A_3603, %get3A_3604] : memref<16x16xf32, #tpu.memory_space<smem>>
    %mul3A_3606 = vector.broadcast %get3A_3605 : f32 to vector<512x256xf32>
    %mul3A_3607 = arith.mulf %add3A_2772, %mul3A_3606 : vector<512x256xf32>
    %add3A_3608 = arith.addf %add3A_3602, %mul3A_3607 : vector<512x256xf32>
    %get3A_3609 = arith.constant 14 : index
    %get3A_3610 = arith.constant 7 : index
    %get3A_3611 = memref.load %arg5[%get3A_3609, %get3A_3610] : memref<16x16xf32, #tpu.memory_space<smem>>
    %mul3A_3612 = vector.broadcast %get3A_3611 : f32 to vector<512x256xf32>
    %mul3A_3613 = arith.mulf %add3A_2776, %mul3A_3612 : vector<512x256xf32>
    %add3A_3614 = arith.addf %add3A_3608, %mul3A_3613 : vector<512x256xf32>
    %get3A_3615 = arith.constant 15 : index
    %get3A_3616 = arith.constant 7 : index
    %get3A_3617 = memref.load %arg5[%get3A_3615, %get3A_3616] : memref<16x16xf32, #tpu.memory_space<smem>>
    %mul3A_3618 = vector.broadcast %get3A_3617 : f32 to vector<512x256xf32>
    %mul3A_3619 = arith.mulf %add3A_2780, %mul3A_3618 : vector<512x256xf32>
    %add3A_3620 = arith.addf %add3A_3614, %mul3A_3619 : vector<512x256xf32>
    %get3A_3621 = arith.constant 0 : index
    %get3A_3622 = arith.constant 7 : index
    %get3A_3623 = memref.load %arg8[%get3A_3621, %get3A_3622] : memref<1x16xf32, #tpu.memory_space<smem>>
    %add3A_3624 = vector.broadcast %get3A_3623 : f32 to vector<512x256xf32>
    %add3A_3625 = arith.addf %add3A_3620, %add3A_3624 : vector<512x256xf32>
    %max3A_3626 = arith.constant 0.000000e+00 : f32
    %max3A_3627 = vector.broadcast %max3A_3626 : f32 to vector<512x256xf32>
    %max3A_3628 = arith.maximumf %add3A_3625, %max3A_3627 : vector<512x256xf32>
    %get3A_3629 = arith.constant 0 : index
    %get3A_3630 = arith.constant 8 : index
    %get3A_3631 = memref.load %arg5[%get3A_3629, %get3A_3630] : memref<16x16xf32, #tpu.memory_space<smem>>
    %mul3A_3632 = vector.broadcast %get3A_3631 : f32 to vector<512x256xf32>
    %mul3A_3633 = arith.mulf %add3A_2720, %mul3A_3632 : vector<512x256xf32>
    %add3A_3634 = arith.constant 0.000000e+00 : f32
    %add3A_3635 = vector.broadcast %add3A_3634 : f32 to vector<512x256xf32>
    %add3A_3636 = arith.addf %add3A_3635, %mul3A_3633 : vector<512x256xf32>
    %get3A_3637 = arith.constant 1 : index
    %get3A_3638 = arith.constant 8 : index
    %get3A_3639 = memref.load %arg5[%get3A_3637, %get3A_3638] : memref<16x16xf32, #tpu.memory_space<smem>>
    %mul3A_3640 = vector.broadcast %get3A_3639 : f32 to vector<512x256xf32>
    %mul3A_3641 = arith.mulf %add3A_2724, %mul3A_3640 : vector<512x256xf32>
    %add3A_3642 = arith.addf %add3A_3636, %mul3A_3641 : vector<512x256xf32>
    %get3A_3643 = arith.constant 2 : index
    %get3A_3644 = arith.constant 8 : index
    %get3A_3645 = memref.load %arg5[%get3A_3643, %get3A_3644] : memref<16x16xf32, #tpu.memory_space<smem>>
    %mul3A_3646 = vector.broadcast %get3A_3645 : f32 to vector<512x256xf32>
    %mul3A_3647 = arith.mulf %add3A_2728, %mul3A_3646 : vector<512x256xf32>
    %add3A_3648 = arith.addf %add3A_3642, %mul3A_3647 : vector<512x256xf32>
    %get3A_3649 = arith.constant 3 : index
    %get3A_3650 = arith.constant 8 : index
    %get3A_3651 = memref.load %arg5[%get3A_3649, %get3A_3650] : memref<16x16xf32, #tpu.memory_space<smem>>
    %mul3A_3652 = vector.broadcast %get3A_3651 : f32 to vector<512x256xf32>
    %mul3A_3653 = arith.mulf %add3A_2732, %mul3A_3652 : vector<512x256xf32>
    %add3A_3654 = arith.addf %add3A_3648, %mul3A_3653 : vector<512x256xf32>
    %get3A_3655 = arith.constant 4 : index
    %get3A_3656 = arith.constant 8 : index
    %get3A_3657 = memref.load %arg5[%get3A_3655, %get3A_3656] : memref<16x16xf32, #tpu.memory_space<smem>>
    %mul3A_3658 = vector.broadcast %get3A_3657 : f32 to vector<512x256xf32>
    %mul3A_3659 = arith.mulf %add3A_2736, %mul3A_3658 : vector<512x256xf32>
    %add3A_3660 = arith.addf %add3A_3654, %mul3A_3659 : vector<512x256xf32>
    %get3A_3661 = arith.constant 5 : index
    %get3A_3662 = arith.constant 8 : index
    %get3A_3663 = memref.load %arg5[%get3A_3661, %get3A_3662] : memref<16x16xf32, #tpu.memory_space<smem>>
    %mul3A_3664 = vector.broadcast %get3A_3663 : f32 to vector<512x256xf32>
    %mul3A_3665 = arith.mulf %add3A_2740, %mul3A_3664 : vector<512x256xf32>
    %add3A_3666 = arith.addf %add3A_3660, %mul3A_3665 : vector<512x256xf32>
    %get3A_3667 = arith.constant 6 : index
    %get3A_3668 = arith.constant 8 : index
    %get3A_3669 = memref.load %arg5[%get3A_3667, %get3A_3668] : memref<16x16xf32, #tpu.memory_space<smem>>
    %mul3A_3670 = vector.broadcast %get3A_3669 : f32 to vector<512x256xf32>
    %mul3A_3671 = arith.mulf %add3A_2744, %mul3A_3670 : vector<512x256xf32>
    %add3A_3672 = arith.addf %add3A_3666, %mul3A_3671 : vector<512x256xf32>
    %get3A_3673 = arith.constant 7 : index
    %get3A_3674 = arith.constant 8 : index
    %get3A_3675 = memref.load %arg5[%get3A_3673, %get3A_3674] : memref<16x16xf32, #tpu.memory_space<smem>>
    %mul3A_3676 = vector.broadcast %get3A_3675 : f32 to vector<512x256xf32>
    %mul3A_3677 = arith.mulf %add3A_2748, %mul3A_3676 : vector<512x256xf32>
    %add3A_3678 = arith.addf %add3A_3672, %mul3A_3677 : vector<512x256xf32>
    %get3A_3679 = arith.constant 8 : index
    %get3A_3680 = arith.constant 8 : index
    %get3A_3681 = memref.load %arg5[%get3A_3679, %get3A_3680] : memref<16x16xf32, #tpu.memory_space<smem>>
    %mul3A_3682 = vector.broadcast %get3A_3681 : f32 to vector<512x256xf32>
    %mul3A_3683 = arith.mulf %add3A_2752, %mul3A_3682 : vector<512x256xf32>
    %add3A_3684 = arith.addf %add3A_3678, %mul3A_3683 : vector<512x256xf32>
    %get3A_3685 = arith.constant 9 : index
    %get3A_3686 = arith.constant 8 : index
    %get3A_3687 = memref.load %arg5[%get3A_3685, %get3A_3686] : memref<16x16xf32, #tpu.memory_space<smem>>
    %mul3A_3688 = vector.broadcast %get3A_3687 : f32 to vector<512x256xf32>
    %mul3A_3689 = arith.mulf %add3A_2756, %mul3A_3688 : vector<512x256xf32>
    %add3A_3690 = arith.addf %add3A_3684, %mul3A_3689 : vector<512x256xf32>
    %get3A_3691 = arith.constant 10 : index
    %get3A_3692 = arith.constant 8 : index
    %get3A_3693 = memref.load %arg5[%get3A_3691, %get3A_3692] : memref<16x16xf32, #tpu.memory_space<smem>>
    %mul3A_3694 = vector.broadcast %get3A_3693 : f32 to vector<512x256xf32>
    %mul3A_3695 = arith.mulf %add3A_2760, %mul3A_3694 : vector<512x256xf32>
    %add3A_3696 = arith.addf %add3A_3690, %mul3A_3695 : vector<512x256xf32>
    %get3A_3697 = arith.constant 11 : index
    %get3A_3698 = arith.constant 8 : index
    %get3A_3699 = memref.load %arg5[%get3A_3697, %get3A_3698] : memref<16x16xf32, #tpu.memory_space<smem>>
    %mul3A_3700 = vector.broadcast %get3A_3699 : f32 to vector<512x256xf32>
    %mul3A_3701 = arith.mulf %add3A_2764, %mul3A_3700 : vector<512x256xf32>
    %add3A_3702 = arith.addf %add3A_3696, %mul3A_3701 : vector<512x256xf32>
    %get3A_3703 = arith.constant 12 : index
    %get3A_3704 = arith.constant 8 : index
    %get3A_3705 = memref.load %arg5[%get3A_3703, %get3A_3704] : memref<16x16xf32, #tpu.memory_space<smem>>
    %mul3A_3706 = vector.broadcast %get3A_3705 : f32 to vector<512x256xf32>
    %mul3A_3707 = arith.mulf %add3A_2768, %mul3A_3706 : vector<512x256xf32>
    %add3A_3708 = arith.addf %add3A_3702, %mul3A_3707 : vector<512x256xf32>
    %get3A_3709 = arith.constant 13 : index
    %get3A_3710 = arith.constant 8 : index
    %get3A_3711 = memref.load %arg5[%get3A_3709, %get3A_3710] : memref<16x16xf32, #tpu.memory_space<smem>>
    %mul3A_3712 = vector.broadcast %get3A_3711 : f32 to vector<512x256xf32>
    %mul3A_3713 = arith.mulf %add3A_2772, %mul3A_3712 : vector<512x256xf32>
    %add3A_3714 = arith.addf %add3A_3708, %mul3A_3713 : vector<512x256xf32>
    %get3A_3715 = arith.constant 14 : index
    %get3A_3716 = arith.constant 8 : index
    %get3A_3717 = memref.load %arg5[%get3A_3715, %get3A_3716] : memref<16x16xf32, #tpu.memory_space<smem>>
    %mul3A_3718 = vector.broadcast %get3A_3717 : f32 to vector<512x256xf32>
    %mul3A_3719 = arith.mulf %add3A_2776, %mul3A_3718 : vector<512x256xf32>
    %add3A_3720 = arith.addf %add3A_3714, %mul3A_3719 : vector<512x256xf32>
    %get3A_3721 = arith.constant 15 : index
    %get3A_3722 = arith.constant 8 : index
    %get3A_3723 = memref.load %arg5[%get3A_3721, %get3A_3722] : memref<16x16xf32, #tpu.memory_space<smem>>
    %mul3A_3724 = vector.broadcast %get3A_3723 : f32 to vector<512x256xf32>
    %mul3A_3725 = arith.mulf %add3A_2780, %mul3A_3724 : vector<512x256xf32>
    %add3A_3726 = arith.addf %add3A_3720, %mul3A_3725 : vector<512x256xf32>
    %get3A_3727 = arith.constant 0 : index
    %get3A_3728 = arith.constant 8 : index
    %get3A_3729 = memref.load %arg8[%get3A_3727, %get3A_3728] : memref<1x16xf32, #tpu.memory_space<smem>>
    %add3A_3730 = vector.broadcast %get3A_3729 : f32 to vector<512x256xf32>
    %add3A_3731 = arith.addf %add3A_3726, %add3A_3730 : vector<512x256xf32>
    %max3A_3732 = arith.constant 0.000000e+00 : f32
    %max3A_3733 = vector.broadcast %max3A_3732 : f32 to vector<512x256xf32>
    %max3A_3734 = arith.maximumf %add3A_3731, %max3A_3733 : vector<512x256xf32>
    %get3A_3735 = arith.constant 0 : index
    %get3A_3736 = arith.constant 9 : index
    %get3A_3737 = memref.load %arg5[%get3A_3735, %get3A_3736] : memref<16x16xf32, #tpu.memory_space<smem>>
    %mul3A_3738 = vector.broadcast %get3A_3737 : f32 to vector<512x256xf32>
    %mul3A_3739 = arith.mulf %add3A_2720, %mul3A_3738 : vector<512x256xf32>
    %add3A_3740 = arith.constant 0.000000e+00 : f32
    %add3A_3741 = vector.broadcast %add3A_3740 : f32 to vector<512x256xf32>
    %add3A_3742 = arith.addf %add3A_3741, %mul3A_3739 : vector<512x256xf32>
    %get3A_3743 = arith.constant 1 : index
    %get3A_3744 = arith.constant 9 : index
    %get3A_3745 = memref.load %arg5[%get3A_3743, %get3A_3744] : memref<16x16xf32, #tpu.memory_space<smem>>
    %mul3A_3746 = vector.broadcast %get3A_3745 : f32 to vector<512x256xf32>
    %mul3A_3747 = arith.mulf %add3A_2724, %mul3A_3746 : vector<512x256xf32>
    %add3A_3748 = arith.addf %add3A_3742, %mul3A_3747 : vector<512x256xf32>
    %get3A_3749 = arith.constant 2 : index
    %get3A_3750 = arith.constant 9 : index
    %get3A_3751 = memref.load %arg5[%get3A_3749, %get3A_3750] : memref<16x16xf32, #tpu.memory_space<smem>>
    %mul3A_3752 = vector.broadcast %get3A_3751 : f32 to vector<512x256xf32>
    %mul3A_3753 = arith.mulf %add3A_2728, %mul3A_3752 : vector<512x256xf32>
    %add3A_3754 = arith.addf %add3A_3748, %mul3A_3753 : vector<512x256xf32>
    %get3A_3755 = arith.constant 3 : index
    %get3A_3756 = arith.constant 9 : index
    %get3A_3757 = memref.load %arg5[%get3A_3755, %get3A_3756] : memref<16x16xf32, #tpu.memory_space<smem>>
    %mul3A_3758 = vector.broadcast %get3A_3757 : f32 to vector<512x256xf32>
    %mul3A_3759 = arith.mulf %add3A_2732, %mul3A_3758 : vector<512x256xf32>
    %add3A_3760 = arith.addf %add3A_3754, %mul3A_3759 : vector<512x256xf32>
    %get3A_3761 = arith.constant 4 : index
    %get3A_3762 = arith.constant 9 : index
    %get3A_3763 = memref.load %arg5[%get3A_3761, %get3A_3762] : memref<16x16xf32, #tpu.memory_space<smem>>
    %mul3A_3764 = vector.broadcast %get3A_3763 : f32 to vector<512x256xf32>
    %mul3A_3765 = arith.mulf %add3A_2736, %mul3A_3764 : vector<512x256xf32>
    %add3A_3766 = arith.addf %add3A_3760, %mul3A_3765 : vector<512x256xf32>
    %get3A_3767 = arith.constant 5 : index
    %get3A_3768 = arith.constant 9 : index
    %get3A_3769 = memref.load %arg5[%get3A_3767, %get3A_3768] : memref<16x16xf32, #tpu.memory_space<smem>>
    %mul3A_3770 = vector.broadcast %get3A_3769 : f32 to vector<512x256xf32>
    %mul3A_3771 = arith.mulf %add3A_2740, %mul3A_3770 : vector<512x256xf32>
    %add3A_3772 = arith.addf %add3A_3766, %mul3A_3771 : vector<512x256xf32>
    %get3A_3773 = arith.constant 6 : index
    %get3A_3774 = arith.constant 9 : index
    %get3A_3775 = memref.load %arg5[%get3A_3773, %get3A_3774] : memref<16x16xf32, #tpu.memory_space<smem>>
    %mul3A_3776 = vector.broadcast %get3A_3775 : f32 to vector<512x256xf32>
    %mul3A_3777 = arith.mulf %add3A_2744, %mul3A_3776 : vector<512x256xf32>
    %add3A_3778 = arith.addf %add3A_3772, %mul3A_3777 : vector<512x256xf32>
    %get3A_3779 = arith.constant 7 : index
    %get3A_3780 = arith.constant 9 : index
    %get3A_3781 = memref.load %arg5[%get3A_3779, %get3A_3780] : memref<16x16xf32, #tpu.memory_space<smem>>
    %mul3A_3782 = vector.broadcast %get3A_3781 : f32 to vector<512x256xf32>
    %mul3A_3783 = arith.mulf %add3A_2748, %mul3A_3782 : vector<512x256xf32>
    %add3A_3784 = arith.addf %add3A_3778, %mul3A_3783 : vector<512x256xf32>
    %get3A_3785 = arith.constant 8 : index
    %get3A_3786 = arith.constant 9 : index
    %get3A_3787 = memref.load %arg5[%get3A_3785, %get3A_3786] : memref<16x16xf32, #tpu.memory_space<smem>>
    %mul3A_3788 = vector.broadcast %get3A_3787 : f32 to vector<512x256xf32>
    %mul3A_3789 = arith.mulf %add3A_2752, %mul3A_3788 : vector<512x256xf32>
    %add3A_3790 = arith.addf %add3A_3784, %mul3A_3789 : vector<512x256xf32>
    %get3A_3791 = arith.constant 9 : index
    %get3A_3792 = arith.constant 9 : index
    %get3A_3793 = memref.load %arg5[%get3A_3791, %get3A_3792] : memref<16x16xf32, #tpu.memory_space<smem>>
    %mul3A_3794 = vector.broadcast %get3A_3793 : f32 to vector<512x256xf32>
    %mul3A_3795 = arith.mulf %add3A_2756, %mul3A_3794 : vector<512x256xf32>
    %add3A_3796 = arith.addf %add3A_3790, %mul3A_3795 : vector<512x256xf32>
    %get3A_3797 = arith.constant 10 : index
    %get3A_3798 = arith.constant 9 : index
    %get3A_3799 = memref.load %arg5[%get3A_3797, %get3A_3798] : memref<16x16xf32, #tpu.memory_space<smem>>
    %mul3A_3800 = vector.broadcast %get3A_3799 : f32 to vector<512x256xf32>
    %mul3A_3801 = arith.mulf %add3A_2760, %mul3A_3800 : vector<512x256xf32>
    %add3A_3802 = arith.addf %add3A_3796, %mul3A_3801 : vector<512x256xf32>
    %get3A_3803 = arith.constant 11 : index
    %get3A_3804 = arith.constant 9 : index
    %get3A_3805 = memref.load %arg5[%get3A_3803, %get3A_3804] : memref<16x16xf32, #tpu.memory_space<smem>>
    %mul3A_3806 = vector.broadcast %get3A_3805 : f32 to vector<512x256xf32>
    %mul3A_3807 = arith.mulf %add3A_2764, %mul3A_3806 : vector<512x256xf32>
    %add3A_3808 = arith.addf %add3A_3802, %mul3A_3807 : vector<512x256xf32>
    %get3A_3809 = arith.constant 12 : index
    %get3A_3810 = arith.constant 9 : index
    %get3A_3811 = memref.load %arg5[%get3A_3809, %get3A_3810] : memref<16x16xf32, #tpu.memory_space<smem>>
    %mul3A_3812 = vector.broadcast %get3A_3811 : f32 to vector<512x256xf32>
    %mul3A_3813 = arith.mulf %add3A_2768, %mul3A_3812 : vector<512x256xf32>
    %add3A_3814 = arith.addf %add3A_3808, %mul3A_3813 : vector<512x256xf32>
    %get3A_3815 = arith.constant 13 : index
    %get3A_3816 = arith.constant 9 : index
    %get3A_3817 = memref.load %arg5[%get3A_3815, %get3A_3816] : memref<16x16xf32, #tpu.memory_space<smem>>
    %mul3A_3818 = vector.broadcast %get3A_3817 : f32 to vector<512x256xf32>
    %mul3A_3819 = arith.mulf %add3A_2772, %mul3A_3818 : vector<512x256xf32>
    %add3A_3820 = arith.addf %add3A_3814, %mul3A_3819 : vector<512x256xf32>
    %get3A_3821 = arith.constant 14 : index
    %get3A_3822 = arith.constant 9 : index
    %get3A_3823 = memref.load %arg5[%get3A_3821, %get3A_3822] : memref<16x16xf32, #tpu.memory_space<smem>>
    %mul3A_3824 = vector.broadcast %get3A_3823 : f32 to vector<512x256xf32>
    %mul3A_3825 = arith.mulf %add3A_2776, %mul3A_3824 : vector<512x256xf32>
    %add3A_3826 = arith.addf %add3A_3820, %mul3A_3825 : vector<512x256xf32>
    %get3A_3827 = arith.constant 15 : index
    %get3A_3828 = arith.constant 9 : index
    %get3A_3829 = memref.load %arg5[%get3A_3827, %get3A_3828] : memref<16x16xf32, #tpu.memory_space<smem>>
    %mul3A_3830 = vector.broadcast %get3A_3829 : f32 to vector<512x256xf32>
    %mul3A_3831 = arith.mulf %add3A_2780, %mul3A_3830 : vector<512x256xf32>
    %add3A_3832 = arith.addf %add3A_3826, %mul3A_3831 : vector<512x256xf32>
    %get3A_3833 = arith.constant 0 : index
    %get3A_3834 = arith.constant 9 : index
    %get3A_3835 = memref.load %arg8[%get3A_3833, %get3A_3834] : memref<1x16xf32, #tpu.memory_space<smem>>
    %add3A_3836 = vector.broadcast %get3A_3835 : f32 to vector<512x256xf32>
    %add3A_3837 = arith.addf %add3A_3832, %add3A_3836 : vector<512x256xf32>
    %max3A_3838 = arith.constant 0.000000e+00 : f32
    %max3A_3839 = vector.broadcast %max3A_3838 : f32 to vector<512x256xf32>
    %max3A_3840 = arith.maximumf %add3A_3837, %max3A_3839 : vector<512x256xf32>
    %get3A_3841 = arith.constant 0 : index
    %get3A_3842 = arith.constant 10 : index
    %get3A_3843 = memref.load %arg5[%get3A_3841, %get3A_3842] : memref<16x16xf32, #tpu.memory_space<smem>>
    %mul3A_3844 = vector.broadcast %get3A_3843 : f32 to vector<512x256xf32>
    %mul3A_3845 = arith.mulf %add3A_2720, %mul3A_3844 : vector<512x256xf32>
    %add3A_3846 = arith.constant 0.000000e+00 : f32
    %add3A_3847 = vector.broadcast %add3A_3846 : f32 to vector<512x256xf32>
    %add3A_3848 = arith.addf %add3A_3847, %mul3A_3845 : vector<512x256xf32>
    %get3A_3849 = arith.constant 1 : index
    %get3A_3850 = arith.constant 10 : index
    %get3A_3851 = memref.load %arg5[%get3A_3849, %get3A_3850] : memref<16x16xf32, #tpu.memory_space<smem>>
    %mul3A_3852 = vector.broadcast %get3A_3851 : f32 to vector<512x256xf32>
    %mul3A_3853 = arith.mulf %add3A_2724, %mul3A_3852 : vector<512x256xf32>
    %add3A_3854 = arith.addf %add3A_3848, %mul3A_3853 : vector<512x256xf32>
    %get3A_3855 = arith.constant 2 : index
    %get3A_3856 = arith.constant 10 : index
    %get3A_3857 = memref.load %arg5[%get3A_3855, %get3A_3856] : memref<16x16xf32, #tpu.memory_space<smem>>
    %mul3A_3858 = vector.broadcast %get3A_3857 : f32 to vector<512x256xf32>
    %mul3A_3859 = arith.mulf %add3A_2728, %mul3A_3858 : vector<512x256xf32>
    %add3A_3860 = arith.addf %add3A_3854, %mul3A_3859 : vector<512x256xf32>
    %get3A_3861 = arith.constant 3 : index
    %get3A_3862 = arith.constant 10 : index
    %get3A_3863 = memref.load %arg5[%get3A_3861, %get3A_3862] : memref<16x16xf32, #tpu.memory_space<smem>>
    %mul3A_3864 = vector.broadcast %get3A_3863 : f32 to vector<512x256xf32>
    %mul3A_3865 = arith.mulf %add3A_2732, %mul3A_3864 : vector<512x256xf32>
    %add3A_3866 = arith.addf %add3A_3860, %mul3A_3865 : vector<512x256xf32>
    %get3A_3867 = arith.constant 4 : index
    %get3A_3868 = arith.constant 10 : index
    %get3A_3869 = memref.load %arg5[%get3A_3867, %get3A_3868] : memref<16x16xf32, #tpu.memory_space<smem>>
    %mul3A_3870 = vector.broadcast %get3A_3869 : f32 to vector<512x256xf32>
    %mul3A_3871 = arith.mulf %add3A_2736, %mul3A_3870 : vector<512x256xf32>
    %add3A_3872 = arith.addf %add3A_3866, %mul3A_3871 : vector<512x256xf32>
    %get3A_3873 = arith.constant 5 : index
    %get3A_3874 = arith.constant 10 : index
    %get3A_3875 = memref.load %arg5[%get3A_3873, %get3A_3874] : memref<16x16xf32, #tpu.memory_space<smem>>
    %mul3A_3876 = vector.broadcast %get3A_3875 : f32 to vector<512x256xf32>
    %mul3A_3877 = arith.mulf %add3A_2740, %mul3A_3876 : vector<512x256xf32>
    %add3A_3878 = arith.addf %add3A_3872, %mul3A_3877 : vector<512x256xf32>
    %get3A_3879 = arith.constant 6 : index
    %get3A_3880 = arith.constant 10 : index
    %get3A_3881 = memref.load %arg5[%get3A_3879, %get3A_3880] : memref<16x16xf32, #tpu.memory_space<smem>>
    %mul3A_3882 = vector.broadcast %get3A_3881 : f32 to vector<512x256xf32>
    %mul3A_3883 = arith.mulf %add3A_2744, %mul3A_3882 : vector<512x256xf32>
    %add3A_3884 = arith.addf %add3A_3878, %mul3A_3883 : vector<512x256xf32>
    %get3A_3885 = arith.constant 7 : index
    %get3A_3886 = arith.constant 10 : index
    %get3A_3887 = memref.load %arg5[%get3A_3885, %get3A_3886] : memref<16x16xf32, #tpu.memory_space<smem>>
    %mul3A_3888 = vector.broadcast %get3A_3887 : f32 to vector<512x256xf32>
    %mul3A_3889 = arith.mulf %add3A_2748, %mul3A_3888 : vector<512x256xf32>
    %add3A_3890 = arith.addf %add3A_3884, %mul3A_3889 : vector<512x256xf32>
    %get3A_3891 = arith.constant 8 : index
    %get3A_3892 = arith.constant 10 : index
    %get3A_3893 = memref.load %arg5[%get3A_3891, %get3A_3892] : memref<16x16xf32, #tpu.memory_space<smem>>
    %mul3A_3894 = vector.broadcast %get3A_3893 : f32 to vector<512x256xf32>
    %mul3A_3895 = arith.mulf %add3A_2752, %mul3A_3894 : vector<512x256xf32>
    %add3A_3896 = arith.addf %add3A_3890, %mul3A_3895 : vector<512x256xf32>
    %get3A_3897 = arith.constant 9 : index
    %get3A_3898 = arith.constant 10 : index
    %get3A_3899 = memref.load %arg5[%get3A_3897, %get3A_3898] : memref<16x16xf32, #tpu.memory_space<smem>>
    %mul3A_3900 = vector.broadcast %get3A_3899 : f32 to vector<512x256xf32>
    %mul3A_3901 = arith.mulf %add3A_2756, %mul3A_3900 : vector<512x256xf32>
    %add3A_3902 = arith.addf %add3A_3896, %mul3A_3901 : vector<512x256xf32>
    %get3A_3903 = arith.constant 10 : index
    %get3A_3904 = arith.constant 10 : index
    %get3A_3905 = memref.load %arg5[%get3A_3903, %get3A_3904] : memref<16x16xf32, #tpu.memory_space<smem>>
    %mul3A_3906 = vector.broadcast %get3A_3905 : f32 to vector<512x256xf32>
    %mul3A_3907 = arith.mulf %add3A_2760, %mul3A_3906 : vector<512x256xf32>
    %add3A_3908 = arith.addf %add3A_3902, %mul3A_3907 : vector<512x256xf32>
    %get3A_3909 = arith.constant 11 : index
    %get3A_3910 = arith.constant 10 : index
    %get3A_3911 = memref.load %arg5[%get3A_3909, %get3A_3910] : memref<16x16xf32, #tpu.memory_space<smem>>
    %mul3A_3912 = vector.broadcast %get3A_3911 : f32 to vector<512x256xf32>
    %mul3A_3913 = arith.mulf %add3A_2764, %mul3A_3912 : vector<512x256xf32>
    %add3A_3914 = arith.addf %add3A_3908, %mul3A_3913 : vector<512x256xf32>
    %get3A_3915 = arith.constant 12 : index
    %get3A_3916 = arith.constant 10 : index
    %get3A_3917 = memref.load %arg5[%get3A_3915, %get3A_3916] : memref<16x16xf32, #tpu.memory_space<smem>>
    %mul3A_3918 = vector.broadcast %get3A_3917 : f32 to vector<512x256xf32>
    %mul3A_3919 = arith.mulf %add3A_2768, %mul3A_3918 : vector<512x256xf32>
    %add3A_3920 = arith.addf %add3A_3914, %mul3A_3919 : vector<512x256xf32>
    %get3A_3921 = arith.constant 13 : index
    %get3A_3922 = arith.constant 10 : index
    %get3A_3923 = memref.load %arg5[%get3A_3921, %get3A_3922] : memref<16x16xf32, #tpu.memory_space<smem>>
    %mul3A_3924 = vector.broadcast %get3A_3923 : f32 to vector<512x256xf32>
    %mul3A_3925 = arith.mulf %add3A_2772, %mul3A_3924 : vector<512x256xf32>
    %add3A_3926 = arith.addf %add3A_3920, %mul3A_3925 : vector<512x256xf32>
    %get3A_3927 = arith.constant 14 : index
    %get3A_3928 = arith.constant 10 : index
    %get3A_3929 = memref.load %arg5[%get3A_3927, %get3A_3928] : memref<16x16xf32, #tpu.memory_space<smem>>
    %mul3A_3930 = vector.broadcast %get3A_3929 : f32 to vector<512x256xf32>
    %mul3A_3931 = arith.mulf %add3A_2776, %mul3A_3930 : vector<512x256xf32>
    %add3A_3932 = arith.addf %add3A_3926, %mul3A_3931 : vector<512x256xf32>
    %get3A_3933 = arith.constant 15 : index
    %get3A_3934 = arith.constant 10 : index
    %get3A_3935 = memref.load %arg5[%get3A_3933, %get3A_3934] : memref<16x16xf32, #tpu.memory_space<smem>>
    %mul3A_3936 = vector.broadcast %get3A_3935 : f32 to vector<512x256xf32>
    %mul3A_3937 = arith.mulf %add3A_2780, %mul3A_3936 : vector<512x256xf32>
    %add3A_3938 = arith.addf %add3A_3932, %mul3A_3937 : vector<512x256xf32>
    %get3A_3939 = arith.constant 0 : index
    %get3A_3940 = arith.constant 10 : index
    %get3A_3941 = memref.load %arg8[%get3A_3939, %get3A_3940] : memref<1x16xf32, #tpu.memory_space<smem>>
    %add3A_3942 = vector.broadcast %get3A_3941 : f32 to vector<512x256xf32>
    %add3A_3943 = arith.addf %add3A_3938, %add3A_3942 : vector<512x256xf32>
    %max3A_3944 = arith.constant 0.000000e+00 : f32
    %max3A_3945 = vector.broadcast %max3A_3944 : f32 to vector<512x256xf32>
    %max3A_3946 = arith.maximumf %add3A_3943, %max3A_3945 : vector<512x256xf32>
    %get3A_3947 = arith.constant 0 : index
    %get3A_3948 = arith.constant 11 : index
    %get3A_3949 = memref.load %arg5[%get3A_3947, %get3A_3948] : memref<16x16xf32, #tpu.memory_space<smem>>
    %mul3A_3950 = vector.broadcast %get3A_3949 : f32 to vector<512x256xf32>
    %mul3A_3951 = arith.mulf %add3A_2720, %mul3A_3950 : vector<512x256xf32>
    %add3A_3952 = arith.constant 0.000000e+00 : f32
    %add3A_3953 = vector.broadcast %add3A_3952 : f32 to vector<512x256xf32>
    %add3A_3954 = arith.addf %add3A_3953, %mul3A_3951 : vector<512x256xf32>
    %get3A_3955 = arith.constant 1 : index
    %get3A_3956 = arith.constant 11 : index
    %get3A_3957 = memref.load %arg5[%get3A_3955, %get3A_3956] : memref<16x16xf32, #tpu.memory_space<smem>>
    %mul3A_3958 = vector.broadcast %get3A_3957 : f32 to vector<512x256xf32>
    %mul3A_3959 = arith.mulf %add3A_2724, %mul3A_3958 : vector<512x256xf32>
    %add3A_3960 = arith.addf %add3A_3954, %mul3A_3959 : vector<512x256xf32>
    %get3A_3961 = arith.constant 2 : index
    %get3A_3962 = arith.constant 11 : index
    %get3A_3963 = memref.load %arg5[%get3A_3961, %get3A_3962] : memref<16x16xf32, #tpu.memory_space<smem>>
    %mul3A_3964 = vector.broadcast %get3A_3963 : f32 to vector<512x256xf32>
    %mul3A_3965 = arith.mulf %add3A_2728, %mul3A_3964 : vector<512x256xf32>
    %add3A_3966 = arith.addf %add3A_3960, %mul3A_3965 : vector<512x256xf32>
    %get3A_3967 = arith.constant 3 : index
    %get3A_3968 = arith.constant 11 : index
    %get3A_3969 = memref.load %arg5[%get3A_3967, %get3A_3968] : memref<16x16xf32, #tpu.memory_space<smem>>
    %mul3A_3970 = vector.broadcast %get3A_3969 : f32 to vector<512x256xf32>
    %mul3A_3971 = arith.mulf %add3A_2732, %mul3A_3970 : vector<512x256xf32>
    %add3A_3972 = arith.addf %add3A_3966, %mul3A_3971 : vector<512x256xf32>
    %get3A_3973 = arith.constant 4 : index
    %get3A_3974 = arith.constant 11 : index
    %get3A_3975 = memref.load %arg5[%get3A_3973, %get3A_3974] : memref<16x16xf32, #tpu.memory_space<smem>>
    %mul3A_3976 = vector.broadcast %get3A_3975 : f32 to vector<512x256xf32>
    %mul3A_3977 = arith.mulf %add3A_2736, %mul3A_3976 : vector<512x256xf32>
    %add3A_3978 = arith.addf %add3A_3972, %mul3A_3977 : vector<512x256xf32>
    %get3A_3979 = arith.constant 5 : index
    %get3A_3980 = arith.constant 11 : index
    %get3A_3981 = memref.load %arg5[%get3A_3979, %get3A_3980] : memref<16x16xf32, #tpu.memory_space<smem>>
    %mul3A_3982 = vector.broadcast %get3A_3981 : f32 to vector<512x256xf32>
    %mul3A_3983 = arith.mulf %add3A_2740, %mul3A_3982 : vector<512x256xf32>
    %add3A_3984 = arith.addf %add3A_3978, %mul3A_3983 : vector<512x256xf32>
    %get3A_3985 = arith.constant 6 : index
    %get3A_3986 = arith.constant 11 : index
    %get3A_3987 = memref.load %arg5[%get3A_3985, %get3A_3986] : memref<16x16xf32, #tpu.memory_space<smem>>
    %mul3A_3988 = vector.broadcast %get3A_3987 : f32 to vector<512x256xf32>
    %mul3A_3989 = arith.mulf %add3A_2744, %mul3A_3988 : vector<512x256xf32>
    %add3A_3990 = arith.addf %add3A_3984, %mul3A_3989 : vector<512x256xf32>
    %get3A_3991 = arith.constant 7 : index
    %get3A_3992 = arith.constant 11 : index
    %get3A_3993 = memref.load %arg5[%get3A_3991, %get3A_3992] : memref<16x16xf32, #tpu.memory_space<smem>>
    %mul3A_3994 = vector.broadcast %get3A_3993 : f32 to vector<512x256xf32>
    %mul3A_3995 = arith.mulf %add3A_2748, %mul3A_3994 : vector<512x256xf32>
    %add3A_3996 = arith.addf %add3A_3990, %mul3A_3995 : vector<512x256xf32>
    %get3A_3997 = arith.constant 8 : index
    %get3A_3998 = arith.constant 11 : index
    %get3A_3999 = memref.load %arg5[%get3A_3997, %get3A_3998] : memref<16x16xf32, #tpu.memory_space<smem>>
    %mul3A_4000 = vector.broadcast %get3A_3999 : f32 to vector<512x256xf32>
    %mul3A_4001 = arith.mulf %add3A_2752, %mul3A_4000 : vector<512x256xf32>
    %add3A_4002 = arith.addf %add3A_3996, %mul3A_4001 : vector<512x256xf32>
    %get3A_4003 = arith.constant 9 : index
    %get3A_4004 = arith.constant 11 : index
    %get3A_4005 = memref.load %arg5[%get3A_4003, %get3A_4004] : memref<16x16xf32, #tpu.memory_space<smem>>
    %mul3A_4006 = vector.broadcast %get3A_4005 : f32 to vector<512x256xf32>
    %mul3A_4007 = arith.mulf %add3A_2756, %mul3A_4006 : vector<512x256xf32>
    %add3A_4008 = arith.addf %add3A_4002, %mul3A_4007 : vector<512x256xf32>
    %get3A_4009 = arith.constant 10 : index
    %get3A_4010 = arith.constant 11 : index
    %get3A_4011 = memref.load %arg5[%get3A_4009, %get3A_4010] : memref<16x16xf32, #tpu.memory_space<smem>>
    %mul3A_4012 = vector.broadcast %get3A_4011 : f32 to vector<512x256xf32>
    %mul3A_4013 = arith.mulf %add3A_2760, %mul3A_4012 : vector<512x256xf32>
    %add3A_4014 = arith.addf %add3A_4008, %mul3A_4013 : vector<512x256xf32>
    %get3A_4015 = arith.constant 11 : index
    %get3A_4016 = arith.constant 11 : index
    %get3A_4017 = memref.load %arg5[%get3A_4015, %get3A_4016] : memref<16x16xf32, #tpu.memory_space<smem>>
    %mul3A_4018 = vector.broadcast %get3A_4017 : f32 to vector<512x256xf32>
    %mul3A_4019 = arith.mulf %add3A_2764, %mul3A_4018 : vector<512x256xf32>
    %add3A_4020 = arith.addf %add3A_4014, %mul3A_4019 : vector<512x256xf32>
    %get3A_4021 = arith.constant 12 : index
    %get3A_4022 = arith.constant 11 : index
    %get3A_4023 = memref.load %arg5[%get3A_4021, %get3A_4022] : memref<16x16xf32, #tpu.memory_space<smem>>
    %mul3A_4024 = vector.broadcast %get3A_4023 : f32 to vector<512x256xf32>
    %mul3A_4025 = arith.mulf %add3A_2768, %mul3A_4024 : vector<512x256xf32>
    %add3A_4026 = arith.addf %add3A_4020, %mul3A_4025 : vector<512x256xf32>
    %get3A_4027 = arith.constant 13 : index
    %get3A_4028 = arith.constant 11 : index
    %get3A_4029 = memref.load %arg5[%get3A_4027, %get3A_4028] : memref<16x16xf32, #tpu.memory_space<smem>>
    %mul3A_4030 = vector.broadcast %get3A_4029 : f32 to vector<512x256xf32>
    %mul3A_4031 = arith.mulf %add3A_2772, %mul3A_4030 : vector<512x256xf32>
    %add3A_4032 = arith.addf %add3A_4026, %mul3A_4031 : vector<512x256xf32>
    %get3A_4033 = arith.constant 14 : index
    %get3A_4034 = arith.constant 11 : index
    %get3A_4035 = memref.load %arg5[%get3A_4033, %get3A_4034] : memref<16x16xf32, #tpu.memory_space<smem>>
    %mul3A_4036 = vector.broadcast %get3A_4035 : f32 to vector<512x256xf32>
    %mul3A_4037 = arith.mulf %add3A_2776, %mul3A_4036 : vector<512x256xf32>
    %add3A_4038 = arith.addf %add3A_4032, %mul3A_4037 : vector<512x256xf32>
    %get3A_4039 = arith.constant 15 : index
    %get3A_4040 = arith.constant 11 : index
    %get3A_4041 = memref.load %arg5[%get3A_4039, %get3A_4040] : memref<16x16xf32, #tpu.memory_space<smem>>
    %mul3A_4042 = vector.broadcast %get3A_4041 : f32 to vector<512x256xf32>
    %mul3A_4043 = arith.mulf %add3A_2780, %mul3A_4042 : vector<512x256xf32>
    %add3A_4044 = arith.addf %add3A_4038, %mul3A_4043 : vector<512x256xf32>
    %get3A_4045 = arith.constant 0 : index
    %get3A_4046 = arith.constant 11 : index
    %get3A_4047 = memref.load %arg8[%get3A_4045, %get3A_4046] : memref<1x16xf32, #tpu.memory_space<smem>>
    %add3A_4048 = vector.broadcast %get3A_4047 : f32 to vector<512x256xf32>
    %add3A_4049 = arith.addf %add3A_4044, %add3A_4048 : vector<512x256xf32>
    %max3A_4050 = arith.constant 0.000000e+00 : f32
    %max3A_4051 = vector.broadcast %max3A_4050 : f32 to vector<512x256xf32>
    %max3A_4052 = arith.maximumf %add3A_4049, %max3A_4051 : vector<512x256xf32>
    %get3A_4053 = arith.constant 0 : index
    %get3A_4054 = arith.constant 12 : index
    %get3A_4055 = memref.load %arg5[%get3A_4053, %get3A_4054] : memref<16x16xf32, #tpu.memory_space<smem>>
    %mul3A_4056 = vector.broadcast %get3A_4055 : f32 to vector<512x256xf32>
    %mul3A_4057 = arith.mulf %add3A_2720, %mul3A_4056 : vector<512x256xf32>
    %add3A_4058 = arith.constant 0.000000e+00 : f32
    %add3A_4059 = vector.broadcast %add3A_4058 : f32 to vector<512x256xf32>
    %add3A_4060 = arith.addf %add3A_4059, %mul3A_4057 : vector<512x256xf32>
    %get3A_4061 = arith.constant 1 : index
    %get3A_4062 = arith.constant 12 : index
    %get3A_4063 = memref.load %arg5[%get3A_4061, %get3A_4062] : memref<16x16xf32, #tpu.memory_space<smem>>
    %mul3A_4064 = vector.broadcast %get3A_4063 : f32 to vector<512x256xf32>
    %mul3A_4065 = arith.mulf %add3A_2724, %mul3A_4064 : vector<512x256xf32>
    %add3A_4066 = arith.addf %add3A_4060, %mul3A_4065 : vector<512x256xf32>
    %get3A_4067 = arith.constant 2 : index
    %get3A_4068 = arith.constant 12 : index
    %get3A_4069 = memref.load %arg5[%get3A_4067, %get3A_4068] : memref<16x16xf32, #tpu.memory_space<smem>>
    %mul3A_4070 = vector.broadcast %get3A_4069 : f32 to vector<512x256xf32>
    %mul3A_4071 = arith.mulf %add3A_2728, %mul3A_4070 : vector<512x256xf32>
    %add3A_4072 = arith.addf %add3A_4066, %mul3A_4071 : vector<512x256xf32>
    %get3A_4073 = arith.constant 3 : index
    %get3A_4074 = arith.constant 12 : index
    %get3A_4075 = memref.load %arg5[%get3A_4073, %get3A_4074] : memref<16x16xf32, #tpu.memory_space<smem>>
    %mul3A_4076 = vector.broadcast %get3A_4075 : f32 to vector<512x256xf32>
    %mul3A_4077 = arith.mulf %add3A_2732, %mul3A_4076 : vector<512x256xf32>
    %add3A_4078 = arith.addf %add3A_4072, %mul3A_4077 : vector<512x256xf32>
    %get3A_4079 = arith.constant 4 : index
    %get3A_4080 = arith.constant 12 : index
    %get3A_4081 = memref.load %arg5[%get3A_4079, %get3A_4080] : memref<16x16xf32, #tpu.memory_space<smem>>
    %mul3A_4082 = vector.broadcast %get3A_4081 : f32 to vector<512x256xf32>
    %mul3A_4083 = arith.mulf %add3A_2736, %mul3A_4082 : vector<512x256xf32>
    %add3A_4084 = arith.addf %add3A_4078, %mul3A_4083 : vector<512x256xf32>
    %get3A_4085 = arith.constant 5 : index
    %get3A_4086 = arith.constant 12 : index
    %get3A_4087 = memref.load %arg5[%get3A_4085, %get3A_4086] : memref<16x16xf32, #tpu.memory_space<smem>>
    %mul3A_4088 = vector.broadcast %get3A_4087 : f32 to vector<512x256xf32>
    %mul3A_4089 = arith.mulf %add3A_2740, %mul3A_4088 : vector<512x256xf32>
    %add3A_4090 = arith.addf %add3A_4084, %mul3A_4089 : vector<512x256xf32>
    %get3A_4091 = arith.constant 6 : index
    %get3A_4092 = arith.constant 12 : index
    %get3A_4093 = memref.load %arg5[%get3A_4091, %get3A_4092] : memref<16x16xf32, #tpu.memory_space<smem>>
    %mul3A_4094 = vector.broadcast %get3A_4093 : f32 to vector<512x256xf32>
    %mul3A_4095 = arith.mulf %add3A_2744, %mul3A_4094 : vector<512x256xf32>
    %add3A_4096 = arith.addf %add3A_4090, %mul3A_4095 : vector<512x256xf32>
    %get3A_4097 = arith.constant 7 : index
    %get3A_4098 = arith.constant 12 : index
    %get3A_4099 = memref.load %arg5[%get3A_4097, %get3A_4098] : memref<16x16xf32, #tpu.memory_space<smem>>
    %mul3A_4100 = vector.broadcast %get3A_4099 : f32 to vector<512x256xf32>
    %mul3A_4101 = arith.mulf %add3A_2748, %mul3A_4100 : vector<512x256xf32>
    %add3A_4102 = arith.addf %add3A_4096, %mul3A_4101 : vector<512x256xf32>
    %get3A_4103 = arith.constant 8 : index
    %get3A_4104 = arith.constant 12 : index
    %get3A_4105 = memref.load %arg5[%get3A_4103, %get3A_4104] : memref<16x16xf32, #tpu.memory_space<smem>>
    %mul3A_4106 = vector.broadcast %get3A_4105 : f32 to vector<512x256xf32>
    %mul3A_4107 = arith.mulf %add3A_2752, %mul3A_4106 : vector<512x256xf32>
    %add3A_4108 = arith.addf %add3A_4102, %mul3A_4107 : vector<512x256xf32>
    %get3A_4109 = arith.constant 9 : index
    %get3A_4110 = arith.constant 12 : index
    %get3A_4111 = memref.load %arg5[%get3A_4109, %get3A_4110] : memref<16x16xf32, #tpu.memory_space<smem>>
    %mul3A_4112 = vector.broadcast %get3A_4111 : f32 to vector<512x256xf32>
    %mul3A_4113 = arith.mulf %add3A_2756, %mul3A_4112 : vector<512x256xf32>
    %add3A_4114 = arith.addf %add3A_4108, %mul3A_4113 : vector<512x256xf32>
    %get3A_4115 = arith.constant 10 : index
    %get3A_4116 = arith.constant 12 : index
    %get3A_4117 = memref.load %arg5[%get3A_4115, %get3A_4116] : memref<16x16xf32, #tpu.memory_space<smem>>
    %mul3A_4118 = vector.broadcast %get3A_4117 : f32 to vector<512x256xf32>
    %mul3A_4119 = arith.mulf %add3A_2760, %mul3A_4118 : vector<512x256xf32>
    %add3A_4120 = arith.addf %add3A_4114, %mul3A_4119 : vector<512x256xf32>
    %get3A_4121 = arith.constant 11 : index
    %get3A_4122 = arith.constant 12 : index
    %get3A_4123 = memref.load %arg5[%get3A_4121, %get3A_4122] : memref<16x16xf32, #tpu.memory_space<smem>>
    %mul3A_4124 = vector.broadcast %get3A_4123 : f32 to vector<512x256xf32>
    %mul3A_4125 = arith.mulf %add3A_2764, %mul3A_4124 : vector<512x256xf32>
    %add3A_4126 = arith.addf %add3A_4120, %mul3A_4125 : vector<512x256xf32>
    %get3A_4127 = arith.constant 12 : index
    %get3A_4128 = arith.constant 12 : index
    %get3A_4129 = memref.load %arg5[%get3A_4127, %get3A_4128] : memref<16x16xf32, #tpu.memory_space<smem>>
    %mul3A_4130 = vector.broadcast %get3A_4129 : f32 to vector<512x256xf32>
    %mul3A_4131 = arith.mulf %add3A_2768, %mul3A_4130 : vector<512x256xf32>
    %add3A_4132 = arith.addf %add3A_4126, %mul3A_4131 : vector<512x256xf32>
    %get3A_4133 = arith.constant 13 : index
    %get3A_4134 = arith.constant 12 : index
    %get3A_4135 = memref.load %arg5[%get3A_4133, %get3A_4134] : memref<16x16xf32, #tpu.memory_space<smem>>
    %mul3A_4136 = vector.broadcast %get3A_4135 : f32 to vector<512x256xf32>
    %mul3A_4137 = arith.mulf %add3A_2772, %mul3A_4136 : vector<512x256xf32>
    %add3A_4138 = arith.addf %add3A_4132, %mul3A_4137 : vector<512x256xf32>
    %get3A_4139 = arith.constant 14 : index
    %get3A_4140 = arith.constant 12 : index
    %get3A_4141 = memref.load %arg5[%get3A_4139, %get3A_4140] : memref<16x16xf32, #tpu.memory_space<smem>>
    %mul3A_4142 = vector.broadcast %get3A_4141 : f32 to vector<512x256xf32>
    %mul3A_4143 = arith.mulf %add3A_2776, %mul3A_4142 : vector<512x256xf32>
    %add3A_4144 = arith.addf %add3A_4138, %mul3A_4143 : vector<512x256xf32>
    %get3A_4145 = arith.constant 15 : index
    %get3A_4146 = arith.constant 12 : index
    %get3A_4147 = memref.load %arg5[%get3A_4145, %get3A_4146] : memref<16x16xf32, #tpu.memory_space<smem>>
    %mul3A_4148 = vector.broadcast %get3A_4147 : f32 to vector<512x256xf32>
    %mul3A_4149 = arith.mulf %add3A_2780, %mul3A_4148 : vector<512x256xf32>
    %add3A_4150 = arith.addf %add3A_4144, %mul3A_4149 : vector<512x256xf32>
    %get3A_4151 = arith.constant 0 : index
    %get3A_4152 = arith.constant 12 : index
    %get3A_4153 = memref.load %arg8[%get3A_4151, %get3A_4152] : memref<1x16xf32, #tpu.memory_space<smem>>
    %add3A_4154 = vector.broadcast %get3A_4153 : f32 to vector<512x256xf32>
    %add3A_4155 = arith.addf %add3A_4150, %add3A_4154 : vector<512x256xf32>
    %max3A_4156 = arith.constant 0.000000e+00 : f32
    %max3A_4157 = vector.broadcast %max3A_4156 : f32 to vector<512x256xf32>
    %max3A_4158 = arith.maximumf %add3A_4155, %max3A_4157 : vector<512x256xf32>
    %get3A_4159 = arith.constant 0 : index
    %get3A_4160 = arith.constant 13 : index
    %get3A_4161 = memref.load %arg5[%get3A_4159, %get3A_4160] : memref<16x16xf32, #tpu.memory_space<smem>>
    %mul3A_4162 = vector.broadcast %get3A_4161 : f32 to vector<512x256xf32>
    %mul3A_4163 = arith.mulf %add3A_2720, %mul3A_4162 : vector<512x256xf32>
    %add3A_4164 = arith.constant 0.000000e+00 : f32
    %add3A_4165 = vector.broadcast %add3A_4164 : f32 to vector<512x256xf32>
    %add3A_4166 = arith.addf %add3A_4165, %mul3A_4163 : vector<512x256xf32>
    %get3A_4167 = arith.constant 1 : index
    %get3A_4168 = arith.constant 13 : index
    %get3A_4169 = memref.load %arg5[%get3A_4167, %get3A_4168] : memref<16x16xf32, #tpu.memory_space<smem>>
    %mul3A_4170 = vector.broadcast %get3A_4169 : f32 to vector<512x256xf32>
    %mul3A_4171 = arith.mulf %add3A_2724, %mul3A_4170 : vector<512x256xf32>
    %add3A_4172 = arith.addf %add3A_4166, %mul3A_4171 : vector<512x256xf32>
    %get3A_4173 = arith.constant 2 : index
    %get3A_4174 = arith.constant 13 : index
    %get3A_4175 = memref.load %arg5[%get3A_4173, %get3A_4174] : memref<16x16xf32, #tpu.memory_space<smem>>
    %mul3A_4176 = vector.broadcast %get3A_4175 : f32 to vector<512x256xf32>
    %mul3A_4177 = arith.mulf %add3A_2728, %mul3A_4176 : vector<512x256xf32>
    %add3A_4178 = arith.addf %add3A_4172, %mul3A_4177 : vector<512x256xf32>
    %get3A_4179 = arith.constant 3 : index
    %get3A_4180 = arith.constant 13 : index
    %get3A_4181 = memref.load %arg5[%get3A_4179, %get3A_4180] : memref<16x16xf32, #tpu.memory_space<smem>>
    %mul3A_4182 = vector.broadcast %get3A_4181 : f32 to vector<512x256xf32>
    %mul3A_4183 = arith.mulf %add3A_2732, %mul3A_4182 : vector<512x256xf32>
    %add3A_4184 = arith.addf %add3A_4178, %mul3A_4183 : vector<512x256xf32>
    %get3A_4185 = arith.constant 4 : index
    %get3A_4186 = arith.constant 13 : index
    %get3A_4187 = memref.load %arg5[%get3A_4185, %get3A_4186] : memref<16x16xf32, #tpu.memory_space<smem>>
    %mul3A_4188 = vector.broadcast %get3A_4187 : f32 to vector<512x256xf32>
    %mul3A_4189 = arith.mulf %add3A_2736, %mul3A_4188 : vector<512x256xf32>
    %add3A_4190 = arith.addf %add3A_4184, %mul3A_4189 : vector<512x256xf32>
    %get3A_4191 = arith.constant 5 : index
    %get3A_4192 = arith.constant 13 : index
    %get3A_4193 = memref.load %arg5[%get3A_4191, %get3A_4192] : memref<16x16xf32, #tpu.memory_space<smem>>
    %mul3A_4194 = vector.broadcast %get3A_4193 : f32 to vector<512x256xf32>
    %mul3A_4195 = arith.mulf %add3A_2740, %mul3A_4194 : vector<512x256xf32>
    %add3A_4196 = arith.addf %add3A_4190, %mul3A_4195 : vector<512x256xf32>
    %get3A_4197 = arith.constant 6 : index
    %get3A_4198 = arith.constant 13 : index
    %get3A_4199 = memref.load %arg5[%get3A_4197, %get3A_4198] : memref<16x16xf32, #tpu.memory_space<smem>>
    %mul3A_4200 = vector.broadcast %get3A_4199 : f32 to vector<512x256xf32>
    %mul3A_4201 = arith.mulf %add3A_2744, %mul3A_4200 : vector<512x256xf32>
    %add3A_4202 = arith.addf %add3A_4196, %mul3A_4201 : vector<512x256xf32>
    %get3A_4203 = arith.constant 7 : index
    %get3A_4204 = arith.constant 13 : index
    %get3A_4205 = memref.load %arg5[%get3A_4203, %get3A_4204] : memref<16x16xf32, #tpu.memory_space<smem>>
    %mul3A_4206 = vector.broadcast %get3A_4205 : f32 to vector<512x256xf32>
    %mul3A_4207 = arith.mulf %add3A_2748, %mul3A_4206 : vector<512x256xf32>
    %add3A_4208 = arith.addf %add3A_4202, %mul3A_4207 : vector<512x256xf32>
    %get3A_4209 = arith.constant 8 : index
    %get3A_4210 = arith.constant 13 : index
    %get3A_4211 = memref.load %arg5[%get3A_4209, %get3A_4210] : memref<16x16xf32, #tpu.memory_space<smem>>
    %mul3A_4212 = vector.broadcast %get3A_4211 : f32 to vector<512x256xf32>
    %mul3A_4213 = arith.mulf %add3A_2752, %mul3A_4212 : vector<512x256xf32>
    %add3A_4214 = arith.addf %add3A_4208, %mul3A_4213 : vector<512x256xf32>
    %get3A_4215 = arith.constant 9 : index
    %get3A_4216 = arith.constant 13 : index
    %get3A_4217 = memref.load %arg5[%get3A_4215, %get3A_4216] : memref<16x16xf32, #tpu.memory_space<smem>>
    %mul3A_4218 = vector.broadcast %get3A_4217 : f32 to vector<512x256xf32>
    %mul3A_4219 = arith.mulf %add3A_2756, %mul3A_4218 : vector<512x256xf32>
    %add3A_4220 = arith.addf %add3A_4214, %mul3A_4219 : vector<512x256xf32>
    %get3A_4221 = arith.constant 10 : index
    %get3A_4222 = arith.constant 13 : index
    %get3A_4223 = memref.load %arg5[%get3A_4221, %get3A_4222] : memref<16x16xf32, #tpu.memory_space<smem>>
    %mul3A_4224 = vector.broadcast %get3A_4223 : f32 to vector<512x256xf32>
    %mul3A_4225 = arith.mulf %add3A_2760, %mul3A_4224 : vector<512x256xf32>
    %add3A_4226 = arith.addf %add3A_4220, %mul3A_4225 : vector<512x256xf32>
    %get3A_4227 = arith.constant 11 : index
    %get3A_4228 = arith.constant 13 : index
    %get3A_4229 = memref.load %arg5[%get3A_4227, %get3A_4228] : memref<16x16xf32, #tpu.memory_space<smem>>
    %mul3A_4230 = vector.broadcast %get3A_4229 : f32 to vector<512x256xf32>
    %mul3A_4231 = arith.mulf %add3A_2764, %mul3A_4230 : vector<512x256xf32>
    %add3A_4232 = arith.addf %add3A_4226, %mul3A_4231 : vector<512x256xf32>
    %get3A_4233 = arith.constant 12 : index
    %get3A_4234 = arith.constant 13 : index
    %get3A_4235 = memref.load %arg5[%get3A_4233, %get3A_4234] : memref<16x16xf32, #tpu.memory_space<smem>>
    %mul3A_4236 = vector.broadcast %get3A_4235 : f32 to vector<512x256xf32>
    %mul3A_4237 = arith.mulf %add3A_2768, %mul3A_4236 : vector<512x256xf32>
    %add3A_4238 = arith.addf %add3A_4232, %mul3A_4237 : vector<512x256xf32>
    %get3A_4239 = arith.constant 13 : index
    %get3A_4240 = arith.constant 13 : index
    %get3A_4241 = memref.load %arg5[%get3A_4239, %get3A_4240] : memref<16x16xf32, #tpu.memory_space<smem>>
    %mul3A_4242 = vector.broadcast %get3A_4241 : f32 to vector<512x256xf32>
    %mul3A_4243 = arith.mulf %add3A_2772, %mul3A_4242 : vector<512x256xf32>
    %add3A_4244 = arith.addf %add3A_4238, %mul3A_4243 : vector<512x256xf32>
    %get3A_4245 = arith.constant 14 : index
    %get3A_4246 = arith.constant 13 : index
    %get3A_4247 = memref.load %arg5[%get3A_4245, %get3A_4246] : memref<16x16xf32, #tpu.memory_space<smem>>
    %mul3A_4248 = vector.broadcast %get3A_4247 : f32 to vector<512x256xf32>
    %mul3A_4249 = arith.mulf %add3A_2776, %mul3A_4248 : vector<512x256xf32>
    %add3A_4250 = arith.addf %add3A_4244, %mul3A_4249 : vector<512x256xf32>
    %get3A_4251 = arith.constant 15 : index
    %get3A_4252 = arith.constant 13 : index
    %get3A_4253 = memref.load %arg5[%get3A_4251, %get3A_4252] : memref<16x16xf32, #tpu.memory_space<smem>>
    %mul3A_4254 = vector.broadcast %get3A_4253 : f32 to vector<512x256xf32>
    %mul3A_4255 = arith.mulf %add3A_2780, %mul3A_4254 : vector<512x256xf32>
    %add3A_4256 = arith.addf %add3A_4250, %mul3A_4255 : vector<512x256xf32>
    %get3A_4257 = arith.constant 0 : index
    %get3A_4258 = arith.constant 13 : index
    %get3A_4259 = memref.load %arg8[%get3A_4257, %get3A_4258] : memref<1x16xf32, #tpu.memory_space<smem>>
    %add3A_4260 = vector.broadcast %get3A_4259 : f32 to vector<512x256xf32>
    %add3A_4261 = arith.addf %add3A_4256, %add3A_4260 : vector<512x256xf32>
    %max3A_4262 = arith.constant 0.000000e+00 : f32
    %max3A_4263 = vector.broadcast %max3A_4262 : f32 to vector<512x256xf32>
    %max3A_4264 = arith.maximumf %add3A_4261, %max3A_4263 : vector<512x256xf32>
    %get3A_4265 = arith.constant 0 : index
    %get3A_4266 = arith.constant 14 : index
    %get3A_4267 = memref.load %arg5[%get3A_4265, %get3A_4266] : memref<16x16xf32, #tpu.memory_space<smem>>
    %mul3A_4268 = vector.broadcast %get3A_4267 : f32 to vector<512x256xf32>
    %mul3A_4269 = arith.mulf %add3A_2720, %mul3A_4268 : vector<512x256xf32>
    %add3A_4270 = arith.constant 0.000000e+00 : f32
    %add3A_4271 = vector.broadcast %add3A_4270 : f32 to vector<512x256xf32>
    %add3A_4272 = arith.addf %add3A_4271, %mul3A_4269 : vector<512x256xf32>
    %get3A_4273 = arith.constant 1 : index
    %get3A_4274 = arith.constant 14 : index
    %get3A_4275 = memref.load %arg5[%get3A_4273, %get3A_4274] : memref<16x16xf32, #tpu.memory_space<smem>>
    %mul3A_4276 = vector.broadcast %get3A_4275 : f32 to vector<512x256xf32>
    %mul3A_4277 = arith.mulf %add3A_2724, %mul3A_4276 : vector<512x256xf32>
    %add3A_4278 = arith.addf %add3A_4272, %mul3A_4277 : vector<512x256xf32>
    %get3A_4279 = arith.constant 2 : index
    %get3A_4280 = arith.constant 14 : index
    %get3A_4281 = memref.load %arg5[%get3A_4279, %get3A_4280] : memref<16x16xf32, #tpu.memory_space<smem>>
    %mul3A_4282 = vector.broadcast %get3A_4281 : f32 to vector<512x256xf32>
    %mul3A_4283 = arith.mulf %add3A_2728, %mul3A_4282 : vector<512x256xf32>
    %add3A_4284 = arith.addf %add3A_4278, %mul3A_4283 : vector<512x256xf32>
    %get3A_4285 = arith.constant 3 : index
    %get3A_4286 = arith.constant 14 : index
    %get3A_4287 = memref.load %arg5[%get3A_4285, %get3A_4286] : memref<16x16xf32, #tpu.memory_space<smem>>
    %mul3A_4288 = vector.broadcast %get3A_4287 : f32 to vector<512x256xf32>
    %mul3A_4289 = arith.mulf %add3A_2732, %mul3A_4288 : vector<512x256xf32>
    %add3A_4290 = arith.addf %add3A_4284, %mul3A_4289 : vector<512x256xf32>
    %get3A_4291 = arith.constant 4 : index
    %get3A_4292 = arith.constant 14 : index
    %get3A_4293 = memref.load %arg5[%get3A_4291, %get3A_4292] : memref<16x16xf32, #tpu.memory_space<smem>>
    %mul3A_4294 = vector.broadcast %get3A_4293 : f32 to vector<512x256xf32>
    %mul3A_4295 = arith.mulf %add3A_2736, %mul3A_4294 : vector<512x256xf32>
    %add3A_4296 = arith.addf %add3A_4290, %mul3A_4295 : vector<512x256xf32>
    %get3A_4297 = arith.constant 5 : index
    %get3A_4298 = arith.constant 14 : index
    %get3A_4299 = memref.load %arg5[%get3A_4297, %get3A_4298] : memref<16x16xf32, #tpu.memory_space<smem>>
    %mul3A_4300 = vector.broadcast %get3A_4299 : f32 to vector<512x256xf32>
    %mul3A_4301 = arith.mulf %add3A_2740, %mul3A_4300 : vector<512x256xf32>
    %add3A_4302 = arith.addf %add3A_4296, %mul3A_4301 : vector<512x256xf32>
    %get3A_4303 = arith.constant 6 : index
    %get3A_4304 = arith.constant 14 : index
    %get3A_4305 = memref.load %arg5[%get3A_4303, %get3A_4304] : memref<16x16xf32, #tpu.memory_space<smem>>
    %mul3A_4306 = vector.broadcast %get3A_4305 : f32 to vector<512x256xf32>
    %mul3A_4307 = arith.mulf %add3A_2744, %mul3A_4306 : vector<512x256xf32>
    %add3A_4308 = arith.addf %add3A_4302, %mul3A_4307 : vector<512x256xf32>
    %get3A_4309 = arith.constant 7 : index
    %get3A_4310 = arith.constant 14 : index
    %get3A_4311 = memref.load %arg5[%get3A_4309, %get3A_4310] : memref<16x16xf32, #tpu.memory_space<smem>>
    %mul3A_4312 = vector.broadcast %get3A_4311 : f32 to vector<512x256xf32>
    %mul3A_4313 = arith.mulf %add3A_2748, %mul3A_4312 : vector<512x256xf32>
    %add3A_4314 = arith.addf %add3A_4308, %mul3A_4313 : vector<512x256xf32>
    %get3A_4315 = arith.constant 8 : index
    %get3A_4316 = arith.constant 14 : index
    %get3A_4317 = memref.load %arg5[%get3A_4315, %get3A_4316] : memref<16x16xf32, #tpu.memory_space<smem>>
    %mul3A_4318 = vector.broadcast %get3A_4317 : f32 to vector<512x256xf32>
    %mul3A_4319 = arith.mulf %add3A_2752, %mul3A_4318 : vector<512x256xf32>
    %add3A_4320 = arith.addf %add3A_4314, %mul3A_4319 : vector<512x256xf32>
    %get3A_4321 = arith.constant 9 : index
    %get3A_4322 = arith.constant 14 : index
    %get3A_4323 = memref.load %arg5[%get3A_4321, %get3A_4322] : memref<16x16xf32, #tpu.memory_space<smem>>
    %mul3A_4324 = vector.broadcast %get3A_4323 : f32 to vector<512x256xf32>
    %mul3A_4325 = arith.mulf %add3A_2756, %mul3A_4324 : vector<512x256xf32>
    %add3A_4326 = arith.addf %add3A_4320, %mul3A_4325 : vector<512x256xf32>
    %get3A_4327 = arith.constant 10 : index
    %get3A_4328 = arith.constant 14 : index
    %get3A_4329 = memref.load %arg5[%get3A_4327, %get3A_4328] : memref<16x16xf32, #tpu.memory_space<smem>>
    %mul3A_4330 = vector.broadcast %get3A_4329 : f32 to vector<512x256xf32>
    %mul3A_4331 = arith.mulf %add3A_2760, %mul3A_4330 : vector<512x256xf32>
    %add3A_4332 = arith.addf %add3A_4326, %mul3A_4331 : vector<512x256xf32>
    %get3A_4333 = arith.constant 11 : index
    %get3A_4334 = arith.constant 14 : index
    %get3A_4335 = memref.load %arg5[%get3A_4333, %get3A_4334] : memref<16x16xf32, #tpu.memory_space<smem>>
    %mul3A_4336 = vector.broadcast %get3A_4335 : f32 to vector<512x256xf32>
    %mul3A_4337 = arith.mulf %add3A_2764, %mul3A_4336 : vector<512x256xf32>
    %add3A_4338 = arith.addf %add3A_4332, %mul3A_4337 : vector<512x256xf32>
    %get3A_4339 = arith.constant 12 : index
    %get3A_4340 = arith.constant 14 : index
    %get3A_4341 = memref.load %arg5[%get3A_4339, %get3A_4340] : memref<16x16xf32, #tpu.memory_space<smem>>
    %mul3A_4342 = vector.broadcast %get3A_4341 : f32 to vector<512x256xf32>
    %mul3A_4343 = arith.mulf %add3A_2768, %mul3A_4342 : vector<512x256xf32>
    %add3A_4344 = arith.addf %add3A_4338, %mul3A_4343 : vector<512x256xf32>
    %get3A_4345 = arith.constant 13 : index
    %get3A_4346 = arith.constant 14 : index
    %get3A_4347 = memref.load %arg5[%get3A_4345, %get3A_4346] : memref<16x16xf32, #tpu.memory_space<smem>>
    %mul3A_4348 = vector.broadcast %get3A_4347 : f32 to vector<512x256xf32>
    %mul3A_4349 = arith.mulf %add3A_2772, %mul3A_4348 : vector<512x256xf32>
    %add3A_4350 = arith.addf %add3A_4344, %mul3A_4349 : vector<512x256xf32>
    %get3A_4351 = arith.constant 14 : index
    %get3A_4352 = arith.constant 14 : index
    %get3A_4353 = memref.load %arg5[%get3A_4351, %get3A_4352] : memref<16x16xf32, #tpu.memory_space<smem>>
    %mul3A_4354 = vector.broadcast %get3A_4353 : f32 to vector<512x256xf32>
    %mul3A_4355 = arith.mulf %add3A_2776, %mul3A_4354 : vector<512x256xf32>
    %add3A_4356 = arith.addf %add3A_4350, %mul3A_4355 : vector<512x256xf32>
    %get3A_4357 = arith.constant 15 : index
    %get3A_4358 = arith.constant 14 : index
    %get3A_4359 = memref.load %arg5[%get3A_4357, %get3A_4358] : memref<16x16xf32, #tpu.memory_space<smem>>
    %mul3A_4360 = vector.broadcast %get3A_4359 : f32 to vector<512x256xf32>
    %mul3A_4361 = arith.mulf %add3A_2780, %mul3A_4360 : vector<512x256xf32>
    %add3A_4362 = arith.addf %add3A_4356, %mul3A_4361 : vector<512x256xf32>
    %get3A_4363 = arith.constant 0 : index
    %get3A_4364 = arith.constant 14 : index
    %get3A_4365 = memref.load %arg8[%get3A_4363, %get3A_4364] : memref<1x16xf32, #tpu.memory_space<smem>>
    %add3A_4366 = vector.broadcast %get3A_4365 : f32 to vector<512x256xf32>
    %add3A_4367 = arith.addf %add3A_4362, %add3A_4366 : vector<512x256xf32>
    %max3A_4368 = arith.constant 0.000000e+00 : f32
    %max3A_4369 = vector.broadcast %max3A_4368 : f32 to vector<512x256xf32>
    %max3A_4370 = arith.maximumf %add3A_4367, %max3A_4369 : vector<512x256xf32>
    %get3A_4371 = arith.constant 0 : index
    %get3A_4372 = arith.constant 15 : index
    %get3A_4373 = memref.load %arg5[%get3A_4371, %get3A_4372] : memref<16x16xf32, #tpu.memory_space<smem>>
    %mul3A_4374 = vector.broadcast %get3A_4373 : f32 to vector<512x256xf32>
    %mul3A_4375 = arith.mulf %add3A_2720, %mul3A_4374 : vector<512x256xf32>
    %add3A_4376 = arith.constant 0.000000e+00 : f32
    %add3A_4377 = vector.broadcast %add3A_4376 : f32 to vector<512x256xf32>
    %add3A_4378 = arith.addf %add3A_4377, %mul3A_4375 : vector<512x256xf32>
    %get3A_4379 = arith.constant 1 : index
    %get3A_4380 = arith.constant 15 : index
    %get3A_4381 = memref.load %arg5[%get3A_4379, %get3A_4380] : memref<16x16xf32, #tpu.memory_space<smem>>
    %mul3A_4382 = vector.broadcast %get3A_4381 : f32 to vector<512x256xf32>
    %mul3A_4383 = arith.mulf %add3A_2724, %mul3A_4382 : vector<512x256xf32>
    %add3A_4384 = arith.addf %add3A_4378, %mul3A_4383 : vector<512x256xf32>
    %get3A_4385 = arith.constant 2 : index
    %get3A_4386 = arith.constant 15 : index
    %get3A_4387 = memref.load %arg5[%get3A_4385, %get3A_4386] : memref<16x16xf32, #tpu.memory_space<smem>>
    %mul3A_4388 = vector.broadcast %get3A_4387 : f32 to vector<512x256xf32>
    %mul3A_4389 = arith.mulf %add3A_2728, %mul3A_4388 : vector<512x256xf32>
    %add3A_4390 = arith.addf %add3A_4384, %mul3A_4389 : vector<512x256xf32>
    %get3A_4391 = arith.constant 3 : index
    %get3A_4392 = arith.constant 15 : index
    %get3A_4393 = memref.load %arg5[%get3A_4391, %get3A_4392] : memref<16x16xf32, #tpu.memory_space<smem>>
    %mul3A_4394 = vector.broadcast %get3A_4393 : f32 to vector<512x256xf32>
    %mul3A_4395 = arith.mulf %add3A_2732, %mul3A_4394 : vector<512x256xf32>
    %add3A_4396 = arith.addf %add3A_4390, %mul3A_4395 : vector<512x256xf32>
    %get3A_4397 = arith.constant 4 : index
    %get3A_4398 = arith.constant 15 : index
    %get3A_4399 = memref.load %arg5[%get3A_4397, %get3A_4398] : memref<16x16xf32, #tpu.memory_space<smem>>
    %mul3A_4400 = vector.broadcast %get3A_4399 : f32 to vector<512x256xf32>
    %mul3A_4401 = arith.mulf %add3A_2736, %mul3A_4400 : vector<512x256xf32>
    %add3A_4402 = arith.addf %add3A_4396, %mul3A_4401 : vector<512x256xf32>
    %get3A_4403 = arith.constant 5 : index
    %get3A_4404 = arith.constant 15 : index
    %get3A_4405 = memref.load %arg5[%get3A_4403, %get3A_4404] : memref<16x16xf32, #tpu.memory_space<smem>>
    %mul3A_4406 = vector.broadcast %get3A_4405 : f32 to vector<512x256xf32>
    %mul3A_4407 = arith.mulf %add3A_2740, %mul3A_4406 : vector<512x256xf32>
    %add3A_4408 = arith.addf %add3A_4402, %mul3A_4407 : vector<512x256xf32>
    %get3A_4409 = arith.constant 6 : index
    %get3A_4410 = arith.constant 15 : index
    %get3A_4411 = memref.load %arg5[%get3A_4409, %get3A_4410] : memref<16x16xf32, #tpu.memory_space<smem>>
    %mul3A_4412 = vector.broadcast %get3A_4411 : f32 to vector<512x256xf32>
    %mul3A_4413 = arith.mulf %add3A_2744, %mul3A_4412 : vector<512x256xf32>
    %add3A_4414 = arith.addf %add3A_4408, %mul3A_4413 : vector<512x256xf32>
    %get3A_4415 = arith.constant 7 : index
    %get3A_4416 = arith.constant 15 : index
    %get3A_4417 = memref.load %arg5[%get3A_4415, %get3A_4416] : memref<16x16xf32, #tpu.memory_space<smem>>
    %mul3A_4418 = vector.broadcast %get3A_4417 : f32 to vector<512x256xf32>
    %mul3A_4419 = arith.mulf %add3A_2748, %mul3A_4418 : vector<512x256xf32>
    %add3A_4420 = arith.addf %add3A_4414, %mul3A_4419 : vector<512x256xf32>
    %get3A_4421 = arith.constant 8 : index
    %get3A_4422 = arith.constant 15 : index
    %get3A_4423 = memref.load %arg5[%get3A_4421, %get3A_4422] : memref<16x16xf32, #tpu.memory_space<smem>>
    %mul3A_4424 = vector.broadcast %get3A_4423 : f32 to vector<512x256xf32>
    %mul3A_4425 = arith.mulf %add3A_2752, %mul3A_4424 : vector<512x256xf32>
    %add3A_4426 = arith.addf %add3A_4420, %mul3A_4425 : vector<512x256xf32>
    %get3A_4427 = arith.constant 9 : index
    %get3A_4428 = arith.constant 15 : index
    %get3A_4429 = memref.load %arg5[%get3A_4427, %get3A_4428] : memref<16x16xf32, #tpu.memory_space<smem>>
    %mul3A_4430 = vector.broadcast %get3A_4429 : f32 to vector<512x256xf32>
    %mul3A_4431 = arith.mulf %add3A_2756, %mul3A_4430 : vector<512x256xf32>
    %add3A_4432 = arith.addf %add3A_4426, %mul3A_4431 : vector<512x256xf32>
    %get3A_4433 = arith.constant 10 : index
    %get3A_4434 = arith.constant 15 : index
    %get3A_4435 = memref.load %arg5[%get3A_4433, %get3A_4434] : memref<16x16xf32, #tpu.memory_space<smem>>
    %mul3A_4436 = vector.broadcast %get3A_4435 : f32 to vector<512x256xf32>
    %mul3A_4437 = arith.mulf %add3A_2760, %mul3A_4436 : vector<512x256xf32>
    %add3A_4438 = arith.addf %add3A_4432, %mul3A_4437 : vector<512x256xf32>
    %get3A_4439 = arith.constant 11 : index
    %get3A_4440 = arith.constant 15 : index
    %get3A_4441 = memref.load %arg5[%get3A_4439, %get3A_4440] : memref<16x16xf32, #tpu.memory_space<smem>>
    %mul3A_4442 = vector.broadcast %get3A_4441 : f32 to vector<512x256xf32>
    %mul3A_4443 = arith.mulf %add3A_2764, %mul3A_4442 : vector<512x256xf32>
    %add3A_4444 = arith.addf %add3A_4438, %mul3A_4443 : vector<512x256xf32>
    %get3A_4445 = arith.constant 12 : index
    %get3A_4446 = arith.constant 15 : index
    %get3A_4447 = memref.load %arg5[%get3A_4445, %get3A_4446] : memref<16x16xf32, #tpu.memory_space<smem>>
    %mul3A_4448 = vector.broadcast %get3A_4447 : f32 to vector<512x256xf32>
    %mul3A_4449 = arith.mulf %add3A_2768, %mul3A_4448 : vector<512x256xf32>
    %add3A_4450 = arith.addf %add3A_4444, %mul3A_4449 : vector<512x256xf32>
    %get3A_4451 = arith.constant 13 : index
    %get3A_4452 = arith.constant 15 : index
    %get3A_4453 = memref.load %arg5[%get3A_4451, %get3A_4452] : memref<16x16xf32, #tpu.memory_space<smem>>
    %mul3A_4454 = vector.broadcast %get3A_4453 : f32 to vector<512x256xf32>
    %mul3A_4455 = arith.mulf %add3A_2772, %mul3A_4454 : vector<512x256xf32>
    %add3A_4456 = arith.addf %add3A_4450, %mul3A_4455 : vector<512x256xf32>
    %get3A_4457 = arith.constant 14 : index
    %get3A_4458 = arith.constant 15 : index
    %get3A_4459 = memref.load %arg5[%get3A_4457, %get3A_4458] : memref<16x16xf32, #tpu.memory_space<smem>>
    %mul3A_4460 = vector.broadcast %get3A_4459 : f32 to vector<512x256xf32>
    %mul3A_4461 = arith.mulf %add3A_2776, %mul3A_4460 : vector<512x256xf32>
    %add3A_4462 = arith.addf %add3A_4456, %mul3A_4461 : vector<512x256xf32>
    %get3A_4463 = arith.constant 15 : index
    %get3A_4464 = arith.constant 15 : index
    %get3A_4465 = memref.load %arg5[%get3A_4463, %get3A_4464] : memref<16x16xf32, #tpu.memory_space<smem>>
    %mul3A_4466 = vector.broadcast %get3A_4465 : f32 to vector<512x256xf32>
    %mul3A_4467 = arith.mulf %add3A_2780, %mul3A_4466 : vector<512x256xf32>
    %add3A_4468 = arith.addf %add3A_4462, %mul3A_4467 : vector<512x256xf32>
    %get3A_4469 = arith.constant 0 : index
    %get3A_4470 = arith.constant 15 : index
    %get3A_4471 = memref.load %arg8[%get3A_4469, %get3A_4470] : memref<1x16xf32, #tpu.memory_space<smem>>
    %add3A_4472 = vector.broadcast %get3A_4471 : f32 to vector<512x256xf32>
    %add3A_4473 = arith.addf %add3A_4468, %add3A_4472 : vector<512x256xf32>
    %max3A_4474 = arith.constant 0.000000e+00 : f32
    %max3A_4475 = vector.broadcast %max3A_4474 : f32 to vector<512x256xf32>
    %max3A_4476 = arith.maximumf %add3A_4473, %max3A_4475 : vector<512x256xf32>
    %reduce_sum3A = arith.constant dense<0.000000e+00> : vector<512xf32>
    %reduce_sum3A_4477 = vector.multi_reduction <add>, %max3A_2886, %reduce_sum3A [1] : vector<512x256xf32> to vector<512xf32>
    %broadcast_in_dim3A = vector.shape_cast %reduce_sum3A_4477 : vector<512xf32> to vector<512x1xf32>
    %reduce_sum3A_4478 = arith.constant dense<0.000000e+00> : vector<512xf32>
    %reduce_sum3A_4479 = vector.multi_reduction <add>, %max3A_2992, %reduce_sum3A_4478 [1] : vector<512x256xf32> to vector<512xf32>
    %broadcast_in_dim3A_4480 = vector.shape_cast %reduce_sum3A_4479 : vector<512xf32> to vector<512x1xf32>
    %reduce_sum3A_4481 = arith.constant dense<0.000000e+00> : vector<512xf32>
    %reduce_sum3A_4482 = vector.multi_reduction <add>, %max3A_3098, %reduce_sum3A_4481 [1] : vector<512x256xf32> to vector<512xf32>
    %broadcast_in_dim3A_4483 = vector.shape_cast %reduce_sum3A_4482 : vector<512xf32> to vector<512x1xf32>
    %reduce_sum3A_4484 = arith.constant dense<0.000000e+00> : vector<512xf32>
    %reduce_sum3A_4485 = vector.multi_reduction <add>, %max3A_3204, %reduce_sum3A_4484 [1] : vector<512x256xf32> to vector<512xf32>
    %broadcast_in_dim3A_4486 = vector.shape_cast %reduce_sum3A_4485 : vector<512xf32> to vector<512x1xf32>
    %reduce_sum3A_4487 = arith.constant dense<0.000000e+00> : vector<512xf32>
    %reduce_sum3A_4488 = vector.multi_reduction <add>, %max3A_3310, %reduce_sum3A_4487 [1] : vector<512x256xf32> to vector<512xf32>
    %broadcast_in_dim3A_4489 = vector.shape_cast %reduce_sum3A_4488 : vector<512xf32> to vector<512x1xf32>
    %reduce_sum3A_4490 = arith.constant dense<0.000000e+00> : vector<512xf32>
    %reduce_sum3A_4491 = vector.multi_reduction <add>, %max3A_3416, %reduce_sum3A_4490 [1] : vector<512x256xf32> to vector<512xf32>
    %broadcast_in_dim3A_4492 = vector.shape_cast %reduce_sum3A_4491 : vector<512xf32> to vector<512x1xf32>
    %reduce_sum3A_4493 = arith.constant dense<0.000000e+00> : vector<512xf32>
    %reduce_sum3A_4494 = vector.multi_reduction <add>, %max3A_3522, %reduce_sum3A_4493 [1] : vector<512x256xf32> to vector<512xf32>
    %broadcast_in_dim3A_4495 = vector.shape_cast %reduce_sum3A_4494 : vector<512xf32> to vector<512x1xf32>
    %reduce_sum3A_4496 = arith.constant dense<0.000000e+00> : vector<512xf32>
    %reduce_sum3A_4497 = vector.multi_reduction <add>, %max3A_3628, %reduce_sum3A_4496 [1] : vector<512x256xf32> to vector<512xf32>
    %broadcast_in_dim3A_4498 = vector.shape_cast %reduce_sum3A_4497 : vector<512xf32> to vector<512x1xf32>
    %reduce_sum3A_4499 = arith.constant dense<0.000000e+00> : vector<512xf32>
    %reduce_sum3A_4500 = vector.multi_reduction <add>, %max3A_3734, %reduce_sum3A_4499 [1] : vector<512x256xf32> to vector<512xf32>
    %broadcast_in_dim3A_4501 = vector.shape_cast %reduce_sum3A_4500 : vector<512xf32> to vector<512x1xf32>
    %reduce_sum3A_4502 = arith.constant dense<0.000000e+00> : vector<512xf32>
    %reduce_sum3A_4503 = vector.multi_reduction <add>, %max3A_3840, %reduce_sum3A_4502 [1] : vector<512x256xf32> to vector<512xf32>
    %broadcast_in_dim3A_4504 = vector.shape_cast %reduce_sum3A_4503 : vector<512xf32> to vector<512x1xf32>
    %reduce_sum3A_4505 = arith.constant dense<0.000000e+00> : vector<512xf32>
    %reduce_sum3A_4506 = vector.multi_reduction <add>, %max3A_3946, %reduce_sum3A_4505 [1] : vector<512x256xf32> to vector<512xf32>
    %broadcast_in_dim3A_4507 = vector.shape_cast %reduce_sum3A_4506 : vector<512xf32> to vector<512x1xf32>
    %reduce_sum3A_4508 = arith.constant dense<0.000000e+00> : vector<512xf32>
    %reduce_sum3A_4509 = vector.multi_reduction <add>, %max3A_4052, %reduce_sum3A_4508 [1] : vector<512x256xf32> to vector<512xf32>
    %broadcast_in_dim3A_4510 = vector.shape_cast %reduce_sum3A_4509 : vector<512xf32> to vector<512x1xf32>
    %reduce_sum3A_4511 = arith.constant dense<0.000000e+00> : vector<512xf32>
    %reduce_sum3A_4512 = vector.multi_reduction <add>, %max3A_4158, %reduce_sum3A_4511 [1] : vector<512x256xf32> to vector<512xf32>
    %broadcast_in_dim3A_4513 = vector.shape_cast %reduce_sum3A_4512 : vector<512xf32> to vector<512x1xf32>
    %reduce_sum3A_4514 = arith.constant dense<0.000000e+00> : vector<512xf32>
    %reduce_sum3A_4515 = vector.multi_reduction <add>, %max3A_4264, %reduce_sum3A_4514 [1] : vector<512x256xf32> to vector<512xf32>
    %broadcast_in_dim3A_4516 = vector.shape_cast %reduce_sum3A_4515 : vector<512xf32> to vector<512x1xf32>
    %reduce_sum3A_4517 = arith.constant dense<0.000000e+00> : vector<512xf32>
    %reduce_sum3A_4518 = vector.multi_reduction <add>, %max3A_4370, %reduce_sum3A_4517 [1] : vector<512x256xf32> to vector<512xf32>
    %broadcast_in_dim3A_4519 = vector.shape_cast %reduce_sum3A_4518 : vector<512xf32> to vector<512x1xf32>
    %reduce_sum3A_4520 = arith.constant dense<0.000000e+00> : vector<512xf32>
    %reduce_sum3A_4521 = vector.multi_reduction <add>, %max3A_4476, %reduce_sum3A_4520 [1] : vector<512x256xf32> to vector<512xf32>
    %broadcast_in_dim3A_4522 = vector.shape_cast %reduce_sum3A_4521 : vector<512xf32> to vector<512x1xf32>
    %get3A_4523 = arith.constant 0 : index
    %get3A_4524 = arith.constant 0 : index
    %get3A_4525 = vector.load %arg11[%get3A_4523, %get3A_4524] : memref<16x16xf32, #tpu.memory_space<vmem>>, vector<1x16xf32>
    %mul3A_4526 = vector.broadcast %broadcast_in_dim3A : vector<512x1xf32> to vector<512x16xf32>
    %mul3A_4527 = vector.broadcast %get3A_4525 : vector<1x16xf32> to vector<512x16xf32>
    %mul3A_4528 = arith.mulf %mul3A_4526, %mul3A_4527 : vector<512x16xf32>
    %add3A_4529 = arith.constant 0.000000e+00 : f32
    %add3A_4530 = vector.broadcast %add3A_4529 : f32 to vector<512x16xf32>
    %add3A_4531 = arith.addf %add3A_4530, %mul3A_4528 : vector<512x16xf32>
    %get3A_4532 = arith.constant 1 : index
    %get3A_4533 = arith.constant 0 : index
    %get3A_4534 = vector.load %arg11[%get3A_4532, %get3A_4533] : memref<16x16xf32, #tpu.memory_space<vmem>>, vector<1x16xf32>
    %mul3A_4535 = vector.broadcast %broadcast_in_dim3A_4480 : vector<512x1xf32> to vector<512x16xf32>
    %mul3A_4536 = vector.broadcast %get3A_4534 : vector<1x16xf32> to vector<512x16xf32>
    %mul3A_4537 = arith.mulf %mul3A_4535, %mul3A_4536 : vector<512x16xf32>
    %add3A_4538 = arith.addf %add3A_4531, %mul3A_4537 : vector<512x16xf32>
    %get3A_4539 = arith.constant 2 : index
    %get3A_4540 = arith.constant 0 : index
    %get3A_4541 = vector.load %arg11[%get3A_4539, %get3A_4540] : memref<16x16xf32, #tpu.memory_space<vmem>>, vector<1x16xf32>
    %mul3A_4542 = vector.broadcast %broadcast_in_dim3A_4483 : vector<512x1xf32> to vector<512x16xf32>
    %mul3A_4543 = vector.broadcast %get3A_4541 : vector<1x16xf32> to vector<512x16xf32>
    %mul3A_4544 = arith.mulf %mul3A_4542, %mul3A_4543 : vector<512x16xf32>
    %add3A_4545 = arith.addf %add3A_4538, %mul3A_4544 : vector<512x16xf32>
    %get3A_4546 = arith.constant 3 : index
    %get3A_4547 = arith.constant 0 : index
    %get3A_4548 = vector.load %arg11[%get3A_4546, %get3A_4547] : memref<16x16xf32, #tpu.memory_space<vmem>>, vector<1x16xf32>
    %mul3A_4549 = vector.broadcast %broadcast_in_dim3A_4486 : vector<512x1xf32> to vector<512x16xf32>
    %mul3A_4550 = vector.broadcast %get3A_4548 : vector<1x16xf32> to vector<512x16xf32>
    %mul3A_4551 = arith.mulf %mul3A_4549, %mul3A_4550 : vector<512x16xf32>
    %add3A_4552 = arith.addf %add3A_4545, %mul3A_4551 : vector<512x16xf32>
    %get3A_4553 = arith.constant 4 : index
    %get3A_4554 = arith.constant 0 : index
    %get3A_4555 = vector.load %arg11[%get3A_4553, %get3A_4554] : memref<16x16xf32, #tpu.memory_space<vmem>>, vector<1x16xf32>
    %mul3A_4556 = vector.broadcast %broadcast_in_dim3A_4489 : vector<512x1xf32> to vector<512x16xf32>
    %mul3A_4557 = vector.broadcast %get3A_4555 : vector<1x16xf32> to vector<512x16xf32>
    %mul3A_4558 = arith.mulf %mul3A_4556, %mul3A_4557 : vector<512x16xf32>
    %add3A_4559 = arith.addf %add3A_4552, %mul3A_4558 : vector<512x16xf32>
    %get3A_4560 = arith.constant 5 : index
    %get3A_4561 = arith.constant 0 : index
    %get3A_4562 = vector.load %arg11[%get3A_4560, %get3A_4561] : memref<16x16xf32, #tpu.memory_space<vmem>>, vector<1x16xf32>
    %mul3A_4563 = vector.broadcast %broadcast_in_dim3A_4492 : vector<512x1xf32> to vector<512x16xf32>
    %mul3A_4564 = vector.broadcast %get3A_4562 : vector<1x16xf32> to vector<512x16xf32>
    %mul3A_4565 = arith.mulf %mul3A_4563, %mul3A_4564 : vector<512x16xf32>
    %add3A_4566 = arith.addf %add3A_4559, %mul3A_4565 : vector<512x16xf32>
    %get3A_4567 = arith.constant 6 : index
    %get3A_4568 = arith.constant 0 : index
    %get3A_4569 = vector.load %arg11[%get3A_4567, %get3A_4568] : memref<16x16xf32, #tpu.memory_space<vmem>>, vector<1x16xf32>
    %mul3A_4570 = vector.broadcast %broadcast_in_dim3A_4495 : vector<512x1xf32> to vector<512x16xf32>
    %mul3A_4571 = vector.broadcast %get3A_4569 : vector<1x16xf32> to vector<512x16xf32>
    %mul3A_4572 = arith.mulf %mul3A_4570, %mul3A_4571 : vector<512x16xf32>
    %add3A_4573 = arith.addf %add3A_4566, %mul3A_4572 : vector<512x16xf32>
    %get3A_4574 = arith.constant 7 : index
    %get3A_4575 = arith.constant 0 : index
    %get3A_4576 = vector.load %arg11[%get3A_4574, %get3A_4575] : memref<16x16xf32, #tpu.memory_space<vmem>>, vector<1x16xf32>
    %mul3A_4577 = vector.broadcast %broadcast_in_dim3A_4498 : vector<512x1xf32> to vector<512x16xf32>
    %mul3A_4578 = vector.broadcast %get3A_4576 : vector<1x16xf32> to vector<512x16xf32>
    %mul3A_4579 = arith.mulf %mul3A_4577, %mul3A_4578 : vector<512x16xf32>
    %add3A_4580 = arith.addf %add3A_4573, %mul3A_4579 : vector<512x16xf32>
    %get3A_4581 = arith.constant 8 : index
    %get3A_4582 = arith.constant 0 : index
    %get3A_4583 = vector.load %arg11[%get3A_4581, %get3A_4582] : memref<16x16xf32, #tpu.memory_space<vmem>>, vector<1x16xf32>
    %mul3A_4584 = vector.broadcast %broadcast_in_dim3A_4501 : vector<512x1xf32> to vector<512x16xf32>
    %mul3A_4585 = vector.broadcast %get3A_4583 : vector<1x16xf32> to vector<512x16xf32>
    %mul3A_4586 = arith.mulf %mul3A_4584, %mul3A_4585 : vector<512x16xf32>
    %add3A_4587 = arith.addf %add3A_4580, %mul3A_4586 : vector<512x16xf32>
    %get3A_4588 = arith.constant 9 : index
    %get3A_4589 = arith.constant 0 : index
    %get3A_4590 = vector.load %arg11[%get3A_4588, %get3A_4589] : memref<16x16xf32, #tpu.memory_space<vmem>>, vector<1x16xf32>
    %mul3A_4591 = vector.broadcast %broadcast_in_dim3A_4504 : vector<512x1xf32> to vector<512x16xf32>
    %mul3A_4592 = vector.broadcast %get3A_4590 : vector<1x16xf32> to vector<512x16xf32>
    %mul3A_4593 = arith.mulf %mul3A_4591, %mul3A_4592 : vector<512x16xf32>
    %add3A_4594 = arith.addf %add3A_4587, %mul3A_4593 : vector<512x16xf32>
    %get3A_4595 = arith.constant 10 : index
    %get3A_4596 = arith.constant 0 : index
    %get3A_4597 = vector.load %arg11[%get3A_4595, %get3A_4596] : memref<16x16xf32, #tpu.memory_space<vmem>>, vector<1x16xf32>
    %mul3A_4598 = vector.broadcast %broadcast_in_dim3A_4507 : vector<512x1xf32> to vector<512x16xf32>
    %mul3A_4599 = vector.broadcast %get3A_4597 : vector<1x16xf32> to vector<512x16xf32>
    %mul3A_4600 = arith.mulf %mul3A_4598, %mul3A_4599 : vector<512x16xf32>
    %add3A_4601 = arith.addf %add3A_4594, %mul3A_4600 : vector<512x16xf32>
    %get3A_4602 = arith.constant 11 : index
    %get3A_4603 = arith.constant 0 : index
    %get3A_4604 = vector.load %arg11[%get3A_4602, %get3A_4603] : memref<16x16xf32, #tpu.memory_space<vmem>>, vector<1x16xf32>
    %mul3A_4605 = vector.broadcast %broadcast_in_dim3A_4510 : vector<512x1xf32> to vector<512x16xf32>
    %mul3A_4606 = vector.broadcast %get3A_4604 : vector<1x16xf32> to vector<512x16xf32>
    %mul3A_4607 = arith.mulf %mul3A_4605, %mul3A_4606 : vector<512x16xf32>
    %add3A_4608 = arith.addf %add3A_4601, %mul3A_4607 : vector<512x16xf32>
    %get3A_4609 = arith.constant 12 : index
    %get3A_4610 = arith.constant 0 : index
    %get3A_4611 = vector.load %arg11[%get3A_4609, %get3A_4610] : memref<16x16xf32, #tpu.memory_space<vmem>>, vector<1x16xf32>
    %mul3A_4612 = vector.broadcast %broadcast_in_dim3A_4513 : vector<512x1xf32> to vector<512x16xf32>
    %mul3A_4613 = vector.broadcast %get3A_4611 : vector<1x16xf32> to vector<512x16xf32>
    %mul3A_4614 = arith.mulf %mul3A_4612, %mul3A_4613 : vector<512x16xf32>
    %add3A_4615 = arith.addf %add3A_4608, %mul3A_4614 : vector<512x16xf32>
    %get3A_4616 = arith.constant 13 : index
    %get3A_4617 = arith.constant 0 : index
    %get3A_4618 = vector.load %arg11[%get3A_4616, %get3A_4617] : memref<16x16xf32, #tpu.memory_space<vmem>>, vector<1x16xf32>
    %mul3A_4619 = vector.broadcast %broadcast_in_dim3A_4516 : vector<512x1xf32> to vector<512x16xf32>
    %mul3A_4620 = vector.broadcast %get3A_4618 : vector<1x16xf32> to vector<512x16xf32>
    %mul3A_4621 = arith.mulf %mul3A_4619, %mul3A_4620 : vector<512x16xf32>
    %add3A_4622 = arith.addf %add3A_4615, %mul3A_4621 : vector<512x16xf32>
    %get3A_4623 = arith.constant 14 : index
    %get3A_4624 = arith.constant 0 : index
    %get3A_4625 = vector.load %arg11[%get3A_4623, %get3A_4624] : memref<16x16xf32, #tpu.memory_space<vmem>>, vector<1x16xf32>
    %mul3A_4626 = vector.broadcast %broadcast_in_dim3A_4519 : vector<512x1xf32> to vector<512x16xf32>
    %mul3A_4627 = vector.broadcast %get3A_4625 : vector<1x16xf32> to vector<512x16xf32>
    %mul3A_4628 = arith.mulf %mul3A_4626, %mul3A_4627 : vector<512x16xf32>
    %add3A_4629 = arith.addf %add3A_4622, %mul3A_4628 : vector<512x16xf32>
    %get3A_4630 = arith.constant 15 : index
    %get3A_4631 = arith.constant 0 : index
    %get3A_4632 = vector.load %arg11[%get3A_4630, %get3A_4631] : memref<16x16xf32, #tpu.memory_space<vmem>>, vector<1x16xf32>
    %mul3A_4633 = vector.broadcast %broadcast_in_dim3A_4522 : vector<512x1xf32> to vector<512x16xf32>
    %mul3A_4634 = vector.broadcast %get3A_4632 : vector<1x16xf32> to vector<512x16xf32>
    %mul3A_4635 = arith.mulf %mul3A_4633, %mul3A_4634 : vector<512x16xf32>
    %add3A_4636 = arith.addf %add3A_4629, %mul3A_4635 : vector<512x16xf32>
    %eq3A = arith.constant 0 : i32
    %eq3A_4637 = arith.cmpi eq, %arg0, %eq3A : i32
    %convert_element_type3A_4638 = arith.extui %eq3A_4637 : i1 to i32
    %cond3A = arith.constant 0 : i32
    %cond3A_4639 = arith.cmpi ne, %convert_element_type3A_4638, %cond3A : i32
    scf.if %cond3A_4639 {
      %get3A_4646 = arith.constant 0 : index
      %get3A_4647 = arith.constant 0 : index
      %get3A_4648 = vector.load %arg12[%get3A_4646, %get3A_4647] : memref<1x16xf32, #tpu.memory_space<vmem>>, vector<1x16xf32>
      %broadcast_in_dim3A_4649 = vector.shape_cast %get3A_4648 : vector<1x16xf32> to vector<1x16xf32>
      %broadcast_in_dim3A_4650 = vector.broadcast %broadcast_in_dim3A_4649 : vector<1x16xf32> to vector<512x16xf32>
      %mul3A_4651 = arith.constant 5.120000e+02 : f32
      %mul3A_4652 = vector.broadcast %mul3A_4651 : f32 to vector<512x16xf32>
      %mul3A_4653 = arith.mulf %mul3A_4652, %broadcast_in_dim3A_4650 : vector<512x16xf32>
      %swap3A_4654 = arith.constant 0 : index
      %swap3A_4655 = arith.constant 0 : index
      %swap3A_4656 = vector.load %arg13[%swap3A_4654, %swap3A_4655] : memref<512x16xf32, #tpu.memory_space<vmem>>, vector<512x16xf32>
      tpu.vector_store %arg13[%swap3A_4654, %swap3A_4655], %mul3A_4653 {strides = array<i32>} : memref<512x16xf32, #tpu.memory_space<vmem>>, vector<512x16xf32>,
    } else {
    }
    %get3A_4640 = arith.constant 0 : index
    %get3A_4641 = arith.constant 0 : index
    %get3A_4642 = vector.load %arg13[%get3A_4640, %get3A_4641] : memref<512x16xf32, #tpu.memory_space<vmem>>, vector<512x16xf32>
    %add3A_4643 = arith.addf %get3A_4642, %add3A_4636 : vector<512x16xf32>
    %swap3A = arith.constant 0 : index
    %swap3A_4644 = arith.constant 0 : index
    %swap3A_4645 = vector.load %arg13[%swap3A, %swap3A_4644] : memref<512x16xf32, #tpu.memory_space<vmem>>, vector<512x16xf32>
    tpu.vector_store %arg13[%swap3A, %swap3A_4644], %add3A_4643 {strides = array<i32>} : memref<512x16xf32, #tpu.memory_space<vmem>>, vector<512x16xf32>,
    return
  }
  func.func @transform_0(%arg0: i32) -> (i32, i32) {
    %c0_i32 = arith.constant 0 : i32
    %c0_i32_0 = arith.constant 0 : i32
    %c0_i32_1 = arith.constant 0 : i32
    return %c0_i32, %c0_i32_0 : i32, i32
  }
  func.func @transform_1(%arg0: i32) -> (i32, i32) {
    %c0_i32 = arith.constant 0 : i32
    %c0_i32_0 = arith.constant 0 : i32
    %c0_i32_1 = arith.constant 0 : i32
    return %c0_i32, %c0_i32_0 : i32, i32
  }
  func.func @transform_2(%arg0: i32) -> (i32, i32) {
    %c0_i32 = arith.constant 0 : i32
    %c0_i32_0 = arith.constant 0 : i32
    %c0_i32_1 = arith.constant 0 : i32
    return %c0_i32, %c0_i32_0 : i32, i32
  }
  func.func @transform_3(%arg0: i32) -> (i32, i32) {
    %c0_i32 = arith.constant 0 : i32
    %c0_i32_0 = arith.constant 0 : i32
    %c0_i32_1 = arith.constant 0 : i32
    return %c0_i32, %c0_i32_0 : i32, i32
  }
  func.func @transform_4(%arg0: i32) -> (i32, i32) {
    %c0_i32 = arith.constant 0 : i32
    %c0_i32_0 = arith.constant 0 : i32
    %c0_i32_1 = arith.constant 0 : i32
    return %c0_i32, %c0_i32_0 : i32, i32
  }
  func.func @transform_5(%arg0: i32) -> (i32, i32) {
    %c0_i32 = arith.constant 0 : i32
    %c0_i32_0 = arith.constant 0 : i32
    %c0_i32_1 = arith.constant 0 : i32
    return %c0_i32, %c0_i32_0 : i32, i32
  }
  func.func @transform_6(%arg0: i32) -> (i32, i32) {
    %c0_i32 = arith.constant 0 : i32
    %c0_i32_0 = arith.constant 0 : i32
    %c0_i32_1 = arith.constant 0 : i32
    return %c0_i32, %c0_i32_0 : i32, i32
  }
  func.func @transform_7(%arg0: i32) -> (i32, i32) {
    %c0_i32 = arith.constant 0 : i32
    %c0_i32_0 = arith.constant 0 : i32
    %c0_i32_1 = arith.constant 0 : i32
    return %c0_i32, %c0_i32_0 : i32, i32
  }
  func.func @transform_8(%arg0: i32) -> (i32, i32) {
    %c0_i32 = arith.constant 0 : i32
    %c0_i32_0 = arith.constant 0 : i32
    %c0_i32_1 = arith.constant 0 : i32
    return %c0_i32, %c0_i32_0 : i32, i32
  }
  func.func @transform_9(%arg0: i32) -> (i32, i32, i32) {
    %c0_i32 = arith.constant 0 : i32
    %c0_i32_0 = arith.constant 0 : i32
    %c0_i32_1 = arith.constant 0 : i32
    return %c0_i32, %c0_i32_0, %arg0 : i32, i32, i32
  }
  func.func @transform_10(%arg0: i32) -> (i32, i32) {
    %c0_i32 = arith.constant 0 : i32
    %c0_i32_0 = arith.constant 0 : i32
    %c0_i32_1 = arith.constant 0 : i32
    return %c0_i32, %c0_i32_0 : i32, i32
  }
  func.func @transform_11(%arg0: i32) -> (i32, i32) {
    %c0_i32 = arith.constant 0 : i32
    %c0_i32_0 = arith.constant 0 : i32
    %c0_i32_1 = arith.constant 0 : i32
    return %c0_i32, %c0_i32_0 : i32, i32
  }
  func.func @transform_12(%arg0: i32) -> (i32, i32) {
    %c0_i32 = arith.constant 0 : i32
    %c0_i32_0 = arith.constant 0 : i32
    %c0_i32_1 = arith.constant 0 : i32
    return %c0_i32, %c0_i32_0 : i32, i32
  }
}

</mosaic_0001>

<sc_bundles>
// kernel: kernel.4.cloned.1.call-start
scs
__scs_entry_jumppad:
0x0: {  	(pc) =	sbr.rel $0x88, $3  }
0x1: {  	(tag) =	ssettag $0x0;
	lr =	simm.s32 $0x1  }
0x2: {  	[smem:$0x3F95] =	sst lr;
	_ =	strace $0xD0000000  }
0x3: {  	_ = 	snop  }
0x4: {  	_ = 	snop  }
0x5: {  	_ = 	snop  }
0x6: {  	_ = 	snop  }
0x7: {  	_ = 	snop  }
__scs_overlays_trampoline_lowered:
0x8: {  	[smem:$0x3FA4] =	sst s0  }
0x9: {  	[smem:$0x3FA5] =	sst s1  }
0xa: {  	[smem:$0x3FA6] =	sst s2  }
0xb: {  	[smem:$0x3FA7] =	sst s3  }
0xc: {  	[smem:$0x3FA8] =	sst s4  }
0xd: {  	[smem:$0x3FA9] =	sst s5  }
0xe: {  	[smem:$0x3FAA] =	sst s6  }
0xf: {  	[smem:$0x3FAB] =	sst s7  }
0x10: {  	[smem:$0x3FAC] =	sst s8  }
0x11: {  	[smem:$0x3FAD] =	sst s9;
	s0 =	simm.s32 @!p0 $0x0  }
0x12: {  	s1 =	sld [smem:$0x3F93];
	s0 =	simm.s32 @p0 $0x1  }
0x13: {  	[smem:$0x3FAE] =	sst s0;
	s0 =	simm.s32 @!p1 $0x0  }
0x14: {  	s2 =	sld [smem:$0x3F92];
	s0 =	simm.s32 @p1 $0x1  }
0x15: {  	[smem:$0x3FAF] =	sst s0;
	s0 =	simm.s32 @!p2 $0x0  }
0x16: {  	s3 =	sld [smem:$0x3FDB];
	s0 =	simm.s32 @p2 $0x1  }
0x17: {  	s4 =	simm.s32 $0x1BF5;
	[smem:$0x3FB1] =	sst s0  }
0x18: {  	s0 =	sld [smem:$0x3F94];
	_ =	swait.ge [sflag:s4], $0x0  }
0x19: {  	s7 =	sld [smem:$0x3F95]  }
0x1a: {  	s8 =	sadd.s32 $0xFFFFE003, lr  }
0x1b: {  	s9 =	sadd.s32 $0xFFFFFEF7, lr;
	s5 =	simm.s32 $0xFFFFFFFF;
	p2 =	slt.u32 s8, $0xFFFFF086  }
0x1c: {  	p1 =	slt.u32 s9, $0xF7A;
	s5 =	simm.s32 @!p2 $0x0  }
0x1d: {  	s5 =	simm.s32 @p1 $0x1;
	p0 =	seq.s32 s7, s2  }
0x1e: {  	s7 =	smul.u32 @!p0 $0xF7A, s2;
	p2 =	seq.s32 @!p0 s5, $0x0  }
0x1f: {  	s9 =	smul.u32 $0xF7A, s1;
	s8 =	simm.s32 @!p0 $0x1BF5;
	p2 =	por !p2, p0  }
0x20: {  	[sflag:s8] =	ssyncset.s32 @!p0 $0xFFFFF086;
	s6 =	sadd.s32 @!p0 s3, s7;
	s7 =	simm.s32 @!p0 $0x108  }
0x21: {  	s3 =	sadd.s32 s3, s9;
	s6 =	sadd.s32 @!p0 $0x88, s6;
	s7 =	simm.s32 @p2 $0x1082  }
0x22: {  	[simem:s7], [sflag:s8] =	dma.local @!p0 [hbm:s6], $0xF7A  }
0x23: {  	s9 =	sor.u32 $0xD0000000, s2;
	s6 =	simm.s32 $0x108;
	_ =	swait.ge @!p0 [sflag:s8], $0x0  }
0x24: {  	s3 =	sadd.s32 $0x88, s3;
	s6 =	simm.s32 @!p1 $0x1082;
	[sflag:s4] =	ssyncset.s32 $0xFFFFF086  }
0x25: {  	[simem:s6], [sflag:s4] =	dma.local [hbm:s3], $0xF7A  }
0x26: {  	[smem:$0x3F95] =	sst s1;
	(tag) =	ssettag s2;
	_ =	strace s9  }
0x27: {  	s1 =	sld [smem:$0x3FA5]  }
0x28: {  	s2 =	sld [smem:$0x3FA6]  }
0x29: {  	s4 =	sld [smem:$0x3FA8]  }
0x2a: {  	p0 =	seq.s32 s5, $0x0;
	s5 =	sld [smem:$0x3FA9]  }
0x2b: {  	s6 =	sld [smem:$0x3FAA]  }
0x2c: {  	s7 =	sld [smem:$0x3FAB]  }
0x2d: {  	s3 =	simm.s32 $0x108;
	s8 =	sld [smem:$0x3FAC]  }
0x2e: {  	s3 =	simm.s32 @!p0 $0x1082;
	s9 =	sld [smem:$0x3FAD]  }
0x2f: {  	lr =	sadd.s32 s0, s3;
	s0 =	sld [smem:$0x3FA4]  }
0x30: {  	s3 =	sld [smem:$0x3FA7]  }
0x31: {  	[smem:$0x3FB0] =	sst s10  }
0x32: {  	s10 =	sld [smem:$0x3FAE];
	_ =	sdelay $0x3  }
0x33: {  	p0 =	seq.s32 s10, $0x1;
	s10 =	sld [smem:$0x3FB0];
	_ =	sdelay $0x3  }
0x34: {  	[smem:$0x3FB0] =	sst s10  }
0x35: {  	s10 =	sld [smem:$0x3FAF];
	_ =	sdelay $0x3  }
0x36: {  	p1 =	seq.s32 s10, $0x1;
	s10 =	sld [smem:$0x3FB0];
	_ =	sdelay $0x3  }
0x37: {  	[smem:$0x3FB0] =	sst s10  }
0x38: {  	s10 =	sld [smem:$0x3FB1]  }
0x39: {  	_ = 	snop;
	(pc) =	sbr.ind lr, $3  }
0x3a: {  	_ = 	snop  }
0x3b: {  	_ = 	snop  }
0x3c: {  	p2 =	seq.s32 s10, $0x1;
	s10 =	sld [smem:$0x3FB0]  }
0x3d: {  	_ =	shalt  }
0x3e: {  	_ =	shalt  }
0x3f: {  	_ =	shalt  }
0x40: {  	_ =	shalt  }
0x41: {  	_ =	shalt  }
0x42: {  	_ =	shalt  }
0x43: {  	_ =	shalt  }
0x44: {  	_ =	shalt  }
0x45: {  	_ =	shalt  }
0x46: {  	_ =	shalt  }
0x47: {  	_ =	shalt  }
0x48: {  	_ =	shalt  }
0x49: {  	_ =	shalt  }
0x4a: {  	_ =	shalt  }
0x4b: {  	_ =	shalt  }
0x4c: {  	_ =	shalt  }
0x4d: {  	_ =	shalt  }
0x4e: {  	_ =	shalt  }
0x4f: {  	_ =	shalt  }
0x50: {  	_ =	shalt  }
0x51: {  	_ =	shalt  }
0x52: {  	_ =	shalt  }
0x53: {  	_ =	shalt  }
0x54: {  	_ =	shalt  }
0x55: {  	_ =	shalt  }
0x56: {  	_ =	shalt  }
0x57: {  	_ =	shalt  }
0x58: {  	_ =	shalt  }
0x59: {  	_ =	shalt  }
0x5a: {  	_ =	shalt  }
0x5b: {  	_ =	shalt  }
0x5c: {  	_ =	shalt  }
0x5d: {  	_ =	shalt  }
0x5e: {  	_ =	shalt  }
0x5f: {  	_ =	shalt  }
0x60: {  	_ =	shalt  }
0x61: {  	_ =	shalt  }
0x62: {  	_ =	shalt  }
0x63: {  	_ =	shalt  }
0x64: {  	_ =	shalt  }
0x65: {  	_ =	shalt  }
0x66: {  	_ =	shalt  }
0x67: {  	_ =	shalt  }
0x68: {  	_ =	shalt  }
0x69: {  	_ =	shalt  }
0x6a: {  	_ =	shalt  }
0x6b: {  	_ =	shalt  }
0x6c: {  	_ =	shalt  }
0x6d: {  	_ =	shalt  }
0x6e: {  	_ =	shalt  }
0x6f: {  	_ =	shalt  }
0x70: {  	_ =	shalt  }
0x71: {  	_ =	shalt  }
0x72: {  	_ =	shalt  }
0x73: {  	_ =	shalt  }
0x74: {  	_ =	shalt  }
0x75: {  	_ =	shalt  }
0x76: {  	_ =	shalt  }
0x77: {  	_ =	shalt  }
0x78: {  	_ =	shalt  }
0x79: {  	_ =	shalt  }
0x7a: {  	_ =	shalt  }
0x7b: {  	_ =	shalt  }
0x7c: {  	_ =	shalt  }
0x7d: {  	_ =	shalt  }
0x7e: {  	_ =	shalt  }
0x7f: {  	_ =	shalt  }
0x80: {  	_ =	shalt  }
0x81: {  	_ =	shalt  }
0x82: {  	_ =	shalt  }
0x83: {  	_ =	shalt  }
0x84: {  	_ =	shalt  }
0x85: {  	_ =	shalt  }
0x86: {  	_ =	shalt  }
0x87: {  	_ =	shalt  }
.Lfunc_end0:
.L_simem_size_0:
called_computation_lowered:
.L_overlay_start_0:
0x88: {  	s2 =	sld [smem:$0x3FD9]  }
0x89: {  	s3 =	sld [smem:$0x3FFE];
	_ =	sdelay $0x1  }
0x8a: {  	s1 =	srdreg.scid  }
0x8b: {  	s0 =	sand.u32 $0x1, s1  }
0x8c: {  	s17 =	sshll.u32 s0, $0xA;
	s2 =	sadd.s32 s3, s2  }
0x8d: {  	s2 =	sadd.s32 s2, s17  }
0x8e: {  	[smem:$0x3FBC] =	sst s2  }
0x8f: {  	_ = 	snop  }
0x90: {  	s2 =	sld [smem:$0x3FC8];
	(tm) =	ssettm $0x1  }
0x91: {  	s18 =	sld [smem:$0x3FFB];
	_ =	sdelay $0x3  }
0x92: {  	_ =	strace s18  }
0x93: {  	s3 =	sld [smem:$0x3FFC];
	_ =	sdelay $0x3  }
0x94: {  	_ =	strace s3  }
0x95: {  	s3 =	sld [smem:$0x3FFD];
	_ =	sdelay $0x3  }
0x96: {  	_ =	strace s3  }
0x97: {  	_ =	strace $0x8FFFFFFF  }
0x98: {  	s19 =	sld [smem:$0x3FDB];
	_ =	sdelay $0x1  }
0x99: {  	s4 =	simm.s32 $_scs_section_size  }
0x9a: {  	s5 =	simm.s32 $_size__tile_overlayer_lowered;
	s6 =	simm.s32 $_tile_overlayer_lowered  }
0x9b: {  	s22 =	simm.s32 $0x1BFF;
	s21 =	sshll.u32 s6, $0x1;
	s3 =	sadd.s32 s4, s19  }
0x9c: {  	s7 =	simm.s32 $0x0;
	s20 =	sshll.u32 s5, $0x1;
	s5 =	sadd.s32 s21, s3  }
0x9d: {  	[timem:s7], [sflag:s22] =	dma.local [hbm:s5], s20  }
0x9e: {  	_ =	swait.ge [sflag:s22], s20  }
0x9f: {  	s4 =	ssub.s32 $0x0, s20;
	[sflag:s22] =	ssyncset.done $0x0  }
0xa0: {  	[sflag:s22] =	ssyncadd.s32 s4;
	_ =	sdelay $0x1  }
0xa1: {  	s23 =	simm.s32 $0x1B8B  }
0xa2: {  	_ =	swait.ge [sflag:s23], $0x1  }
0xa3: {  	[sflag:s23] =	ssyncset.done $0x0  }
0xa4: {  	s25 =	simm.s32 $0x1B8E;
	s24 =	sld [smem:$0x3FFE];
	[sflag:s23] =	ssyncadd.s32 $0xFFFFFFFF  }
0xa5: {  	s26 =	simm.s32 $execute0_lowered;
	[smem:$0x3FD2] =	sst s25  }
0xa6: {  	s5 =	sshll.u32 s26, $0x1;
	_ =	strace $0x80000046;
	[dreg:$0x1] =	wrdreg $0xFFFFFFFF  }
0xa7: {  	s28 =	simm.s32 $_size_execute0_lowered;
	s3 =	sadd.s32 s3, s5;
	[dreg:$0x0] =	wrdreg $0x0  }
0xa8: {  	s5 =	sshll.u32 s28, $0x1;
	[dreg:$0x2] =	wrdreg s3  }
0xa9: {  	[dreg:$0x3] =	wrdreg s5  }
0xaa: {  	[dreg:$0x4] =	wrdreg $0xC0  }
0xab: {  	_ =	task [dreg:s7], $0x5FFFF  }
0xac: {  	[dreg:$0x1] =	wrdreg $0xFFFFFFFF  }
0xad: {  	[dreg:$0x0] =	wrdreg $0x60  }
0xae: {  	[dreg:$0x2] =	wrdreg s2  }
0xaf: {  	[dreg:$0x3] =	wrdreg s24  }
0xb0: {  	[dreg:$0x4] =	wrdreg $0x9  }
0xb1: {  	_ =	task.clear_ibuf [dreg:s7], $0x5FFFF;
	_ =	strace $0x90000046  }
0xb2: {  	s29 =	simm.s32 $0x9;
	_ =	strace $0x80000048  }
0xb3: {  	_ =	swait.ge [sflag:s29], $0x1  }
0xb4: {  	[sflag:s29] =	ssyncadd.s32 $0xFFFFFFFF  }
0xb5: {  	_ =	strace $0x90000048  }
0xb6: {  	_ =	sfence  }
0xb7: {  	s30 =	sld [smem:$0x0];
	_ =	sdelay $0x2  }
0xb8: {  	s31 =	sshll.u32 s1, $0xD;
	s1 =	sshrl.u32 s1, $0x2  }
0xb9: {  	s3 =	sand.u32 $0x4000, s31;
	s1 =	sadd.s32 s1, s30  }
0xba: {  	s0 =	sor.u32 s3, s0;
	s1 =	sshll.u32 s1, $0x11  }
0xbb: {  	s0 =	sor.u32 s1, s0  }
0xbc: {  	s0 =	sadd.s32 $0x8F2B, s0  }
0xbd: {  	[sflag:s0] =	ssyncadd.remote.s32 $0x1  }
0xbe: {  	_ =	sfence.sel $0xFFFF  }
0xbf: {  	[dreg:$0x0] =	wrdreg $0xFFFFFFFF;
	(pc) =	sbr.abs _section_cstart, $3  }
0xc0: {  	[dreg:$0x1] =	wrdreg $0xFFFFFFFF  }
0xc1: {  	_ =	task.clear_ibuf [dreg:s7], $0x2FFFF;
	_ =	strace $0x9FFFFFFF  }
0xc2: {  	(tm) =	ssettm $0x7FFFFFFF  }
0xc3: {  	_ =	shalt  }
tec
execute0_lowered:
.L_overlay_start_1:
0x0: {  	(tag) =	ssettag $0x1  }
0x1: {  	s2 =	rddreg [dreg:$0x0]  }
0x2: {  	s0 =	srdreg.scid;
	s5 =	rddreg [dreg:$0x1]  }
0x3: {  	s1 =	stileid.u32;
	s3 =	simm.s32 $0x0;
	s9 =	simm.s32 $0x1  }
0x4: {  	s11 =	simm.s32 $0x4000;
	s4 =	sand.u32 $0x1, s0;
	s0 =	rddreg [dreg:$0x2]  }
0x5: {  	s12 =	simm.s32 $0x0;
	[smem:$0x7FF] =	sst s3;
	s6 =	sshll.u32 s4, $0x4  }
0x6: {  	s4 =	ssub.s32 $0x2, s4;
	_ =	strace $0x80000047;
	s6 =	sor.u32 s1, s6  }
0x7: {  	s31 =	sshrl.u32 s4, $0x1;
	s7 =	sshll.u32 s6, $0xA;
	s8 =	sshll.u32 s6, $0x4  }
0x8: {  	s5 =	sadd.s32 s7, s5;
	s7 =	ssub.s32 s4, s31;
	s4 =	sadd.s32 $0x10, s2  }
0x9: {  	s10 =	sadd.s32 $0x10, s8;
	v0 =	vmov s8;
	s8 =	simm.s32 $0x100;
	s5 =	sadd.s32 $0x1400, s5  }
0xa: {  	v2 =	vimm.f32 $0.0e+00;
	v3 =	vimm.f32 $1.000000000e+00;
	s6 =	smax.u32 s7, $0x1;
	s7 =	simm.s32 $0x80;
	v1 =	vmov s10;
	s10 =	simm.s32 $0x2000  }
.LBB2_1:
0xb: {  	s13 =	simm.s32 $0x0;
	s14 =	simm.s32 $0x200  }
.LBB2_2:
0xc: {  	p0 =	sne.s32 s14, $0x7E00;
	[tilespmem:s13+$0x4070] =	vst v2  }
0xd: {  	[tilespmem:s13+$0x4000] =	vst v2  }
0xe: {  	[tilespmem:s13+$0x4010] =	vst v2  }
.Ltmp0:
0xf: {  	[tilespmem:s13+$0x4020] =	vst v2;
	(pc) =	sbr.rel @p0 .LBB2_2-.Ltmp0, $4  }
0x10: {  	[tilespmem:s13+$0x4030] =	vst v2  }
0x11: {  	[tilespmem:s13+$0x4040] =	vst v2  }
0x12: {  	[tilespmem:s13+$0x4050] =	vst v2  }
0x13: {  	[tilespmem:s13+$0x4060] =	vst v2;
	s13 =	sshra.s32 s14, $0x2;
	s14 =	sadd.s32 $0x200, s14  }
0x14: {  	[tilespmem:s13+$0x4070] =	vst v2  }
0x15: {  	[tilespmem:s13+$0x4000] =	vst v2  }
0x16: {  	[tilespmem:s13+$0x4010] =	vst v2  }
0x17: {  	[tilespmem:s13+$0x4020] =	vst v2  }
0x18: {  	[tilespmem:s13+$0x4030] =	vst v2  }
0x19: {  	[tilespmem:s13+$0x4040] =	vst v2  }
0x1a: {  	[tilespmem:s13+$0x4050] =	vst v2  }
0x1b: {  	[tilespmem:s13+$0x4060] =	vst v2;
	s13 =	simm.s32 $0x0  }
0x1c: {  	[tilespmem:s13], [sflag:$0x1] =	stream.strided.gather [hbm4b:s2+s7], $0x2000, s8, s7, $0x38;
	[tilespmem:$0x6080] =	vst v63  }
0x1d: {  	_ =	swait.ge [sflag:s9], $0x2000  }
0x1e: {  	[sflag:s9] =	ssyncset.done $0x0  }
0x1f: {  	[sflag:s9] =	ssyncadd.s32 $0xFFFFE000  }
0x20: {  	[tilespmem:s10], [sflag:$0x1] =	stream.strided.gather [hbm4b:s4+s7], $0x2000, s8, s7, $0x38;
	[tilespmem:$0x6080] =	vst v63  }
0x21: {  	_ =	swait.ge [sflag:s9], $0x2000  }
0x22: {  	[sflag:s9] =	ssyncset.done $0x0  }
0x23: {  	[sflag:s9] =	ssyncadd.s32 $0xFFFFE000  }
.LBB2_4:
0x24: {  	s14 =	sshra.s32 s13, $0x2  }
0x25: {  	v4 =	vld [tilespmem:s14+$0x2000];
	_ =	sdelay $0x1  }
0x26: {  	v5 =	vld [tilespmem:s14+$0x0];
	_ =	sdelay $0x2  }
0x27: {  	v6 =	vsub.s32 v4, v0  }
0x28: {  	vm0 =	vge.s32 v4, v0;
	vm1 =	vlt.s32 v4, v1;
	v4 =	vshll.u32 v6, $0x9  }
0x29: {  	vm0 =	vmand vm0, vm1;
	v4 =	vadd.s32 v5, v4  }
0x2a: {  	v4 =	vnsel vm0, $0x2000, v4;
	_ =	sdelay $0x4  }
0x2b: {  	[tilespmem:v4+s11+$0x0] =	vst.idx.add.f32.msk $0xffff, v3  }
0x2c: {  	v4 =	vld [tilespmem:s14+$0x2010];
	_ =	sdelay $0x1  }
0x2d: {  	v5 =	vld [tilespmem:s14+$0x10];
	_ =	sdelay $0x2  }
0x2e: {  	v57 =	vsub.s32 v4, v0  }
0x2f: {  	vm14 =	vge.s32 v4, v0;
	vm15 =	vlt.s32 v4, v1;
	v4 =	vshll.u32 v57, $0x9  }
0x30: {  	vm0 =	vmand vm14, vm15;
	v4 =	vadd.s32 v5, v4  }
0x31: {  	v4 =	vnsel vm0, $0x2000, v4;
	_ =	sdelay $0x4  }
0x32: {  	[tilespmem:v4+s11+$0x0] =	vst.idx.add.f32.msk $0xffff, v3  }
0x33: {  	v4 =	vld [tilespmem:s14+$0x2020];
	_ =	sdelay $0x1  }
0x34: {  	v5 =	vld [tilespmem:s14+$0x20];
	_ =	sdelay $0x2  }
0x35: {  	v58 =	vsub.s32 v4, v0  }
0x36: {  	vm4 =	vge.s32 v4, v0;
	vm5 =	vlt.s32 v4, v1;
	v4 =	vshll.u32 v58, $0x9  }
0x37: {  	vm0 =	vmand vm4, vm5;
	v4 =	vadd.s32 v5, v4  }
0x38: {  	v4 =	vnsel vm0, $0x2000, v4;
	_ =	sdelay $0x4  }
0x39: {  	[tilespmem:v4+s11+$0x0] =	vst.idx.add.f32.msk $0xffff, v3  }
0x3a: {  	v4 =	vld [tilespmem:s14+$0x2030];
	_ =	sdelay $0x1  }
0x3b: {  	v5 =	vld [tilespmem:s14+$0x30];
	_ =	sdelay $0x2  }
0x3c: {  	v59 =	vsub.s32 v4, v0  }
0x3d: {  	vm6 =	vge.s32 v4, v0;
	vm7 =	vlt.s32 v4, v1;
	v4 =	vshll.u32 v59, $0x9  }
0x3e: {  	vm0 =	vmand vm6, vm7;
	v4 =	vadd.s32 v5, v4  }
0x3f: {  	v4 =	vnsel vm0, $0x2000, v4;
	_ =	sdelay $0x4  }
0x40: {  	[tilespmem:v4+s11+$0x0] =	vst.idx.add.f32.msk $0xffff, v3  }
0x41: {  	v4 =	vld [tilespmem:s14+$0x2040];
	_ =	sdelay $0x1  }
0x42: {  	v5 =	vld [tilespmem:s14+$0x40];
	_ =	sdelay $0x2  }
0x43: {  	v60 =	vsub.s32 v4, v0  }
0x44: {  	vm8 =	vge.s32 v4, v0;
	vm9 =	vlt.s32 v4, v1;
	v4 =	vshll.u32 v60, $0x9  }
0x45: {  	vm0 =	vmand vm8, vm9;
	v4 =	vadd.s32 v5, v4  }
0x46: {  	v4 =	vnsel vm0, $0x2000, v4;
	_ =	sdelay $0x4  }
0x47: {  	[tilespmem:v4+s11+$0x0] =	vst.idx.add.f32.msk $0xffff, v3  }
0x48: {  	v4 =	vld [tilespmem:s14+$0x2050];
	_ =	sdelay $0x1  }
0x49: {  	v5 =	vld [tilespmem:s14+$0x50];
	_ =	sdelay $0x2  }
0x4a: {  	v61 =	vsub.s32 v4, v0  }
0x4b: {  	vm10 =	vge.s32 v4, v0;
	vm11 =	vlt.s32 v4, v1;
	v4 =	vshll.u32 v61, $0x9  }
0x4c: {  	vm0 =	vmand vm10, vm11;
	v4 =	vadd.s32 v5, v4  }
0x4d: {  	v4 =	vnsel vm0, $0x2000, v4;
	_ =	sdelay $0x4  }
0x4e: {  	[tilespmem:v4+s11+$0x0] =	vst.idx.add.f32.msk $0xffff, v3  }
0x4f: {  	v4 =	vld [tilespmem:s14+$0x2060];
	_ =	sdelay $0x1  }
0x50: {  	v5 =	vld [tilespmem:s14+$0x60];
	_ =	sdelay $0x2  }
0x51: {  	v62 =	vsub.s32 v4, v0  }
0x52: {  	vm12 =	vge.s32 v4, v0;
	vm13 =	vlt.s32 v4, v1;
	v4 =	vshll.u32 v62, $0x9  }
0x53: {  	vm0 =	vmand vm12, vm13;
	v4 =	vadd.s32 v5, v4  }
0x54: {  	v4 =	vnsel vm0, $0x2000, v4;
	_ =	sdelay $0x4  }
0x55: {  	[tilespmem:v4+s11+$0x0] =	vst.idx.add.f32.msk $0xffff, v3  }
0x56: {  	v4 =	vld [tilespmem:s14+$0x2070];
	_ =	sdelay $0x1  }
0x57: {  	v5 =	vld [tilespmem:s14+$0x70];
	_ =	sdelay $0x2  }
0x58: {  	v63 =	vsub.s32 v4, v0  }
0x59: {  	vm14 =	vge.s32 v4, v0;
	vm15 =	vlt.s32 v4, v1;
	v4 =	vshll.u32 v63, $0x9  }
0x5a: {  	vm0 =	vmand vm14, vm15;
	v4 =	vadd.s32 v5, v4  }
0x5b: {  	p0 =	sne.s32 s13, $0x7E00;
	v4 =	vnsel vm0, $0x2000, v4  }
.Ltmp1:
0x5c: {  	_ = 	snop;
	(pc) =	sbr.rel @p0 .LBB2_4-.Ltmp1, $2  }
0x5d: {  	_ =	sdelay $0x2  }
0x5e: {  	s13 =	sadd.s32 $0x200, s13;
	[tilespmem:v4+s11+$0x0] =	vst.idx.add.f32.msk $0xffff, v3  }
0x5f: {  	s12 =	sadd.s32 $0x1, s12  }
0x60: {  	p0 =	sne.s32 s12, s6  }
.Ltmp2:
0x61: {  	_ = 	snop;
	(pc) =	sbr.rel @p0 .LBB2_1-.Ltmp2, $4  }
0x62: {  	[hbm4b:s5+s3] =	stream.linear.scatter [tilespmem:s11], [sflag:$0x1], $0x2000, $0x38;
	[tilespmem:$0x6080] =	vst v63  }
0x63: {  	_ =	swait.ge [sflag:s9], $0x2000  }
0x64: {  	[sflag:s9] =	ssyncset.done $0x0  }
0x65: {  	[sflag:s9] =	ssyncadd.s32 $0xFFFFE000  }
0x66: {  	_ =	sfence.sel $0x180000  }
0x67: {  	[bflag:$0x0] =	sbarrier.arrive $0xFFFF  }
0x68: {  	p0 =	sne.s32 s1, $0x0;
	_ =	strace $0x90000047  }
0x69: {  	s0 =	sadd.s32 @!p0 $0x100000, s0;
	[bflag:$0x2] =	sbarrier.arrive $0xFFFF  }
0x6a: {  	[sflag:s0] =	ssyncadd.tile.s32 @!p0 $0x1;
	_ =	shalt  }
.Lfunc_end2:
_tile_overlayer_lowered:
.L_overlay_start_2:
0x6b: {  	(tag) =	ssettag $0x2  }
0x6c: {  	s0 =	rddreg [dreg:$0x0];
	s2 =	stileid.u32  }
0x6d: {  	s1 =	rddreg [dreg:$0x1];
	p0 =	sne.s32 s2, $0x0  }
0x6e: {  	s3 =	rddreg [dreg:$0x2];
	[bflag:$0x3] =	sbarrier.arrive $0xFFFF;
	s2 =	simm.s32 @!p0 $0x1C01  }
0x6f: {  	[timem:s3], [sflag:s2] =	dma.local @!p0 [hbm:s0], s1  }
0x70: {  	s0 =	simm.s32 @!p0 $0x1  }
0x71: {  	_ =	swait.ge @!p0 [sflag:s0], s1  }
0x72: {  	s1 =	ssub.s32 @!p0 $0x0, s1;
	[sflag:s0] =	ssyncset.done @!p0 $0x0  }
0x73: {  	[sflag:s0] =	ssyncadd.s32 @!p0 s1  }
0x74: {  	[bflag:$0x3] =	sbarrier.arrive $0xFFFF  }
0x75: {  	_ =	shalt  }

</sc_bundles>
